<compile_context>
chip_gen: v7x
topology: tpu7x:2x2x1
jax: 0.10.2.dev20260603
libtpu: 0.0.44.dev20260713+nightly
codegen_flags: <defaults>
</compile_context>

<pallas_src>
import jax
import jax.numpy as jnp
from jax import lax
from jax.experimental import pallas as pl
from jax.experimental.pallas import tpu as pltpu
from jax.experimental.pallas import tpu_sc as plsc

N = 10000
NP = 10240
E = 320000
D = 128
DH = 64
NC = 2
NS = 16
G = 128
GW = 160
NB = 5
NSUP = GW // NB
HGW = GW // 2
E_PAD = NS * GW * G
NROW = NS * GW

BN = 2048


def _mm_body(x_ref, w_ref, asv_ref, adv_ref, xw_ref, asr_ref, adr_ref):
    xw = jnp.dot(x_ref[...], w_ref[...], preferred_element_type=jnp.float32)
    xw_ref[0] = xw[:, :DH]
    xw_ref[1] = xw[:, DH:]
    asr_ref[...] = jnp.sum(xw * asv_ref[...][None, :], axis=1)
    adr_ref[...] = jnp.sum(xw * adv_ref[...][None, :], axis=1)


def _matmul(x, W, att_src, att_dst):
    grid = (N + BN - 1) // BN
    return pl.pallas_call(
        _mm_body,
        grid=(grid,),
        in_specs=[
            pl.BlockSpec((BN, D), lambda i: (i, 0)),
            pl.BlockSpec((D, D), lambda i: (0, 0)),
            pl.BlockSpec((D,), lambda i: (0,)),
            pl.BlockSpec((D,), lambda i: (0,)),
        ],
        out_specs=[
            pl.BlockSpec((NC, BN, DH), lambda i: (0, i, 0)),
            pl.BlockSpec((BN,), lambda i: (i,)),
            pl.BlockSpec((BN,), lambda i: (i,)),
        ],
        out_shape=[
            jax.ShapeDtypeStruct((NC, N, DH), jnp.float32),
            jax.ShapeDtypeStruct((N,), jnp.float32),
            jax.ShapeDtypeStruct((N,), jnp.float32),
        ],
    )(x, W, att_src, att_dst)


def _sc_body(asrc_h, adst_h, srcg_h, dstg_h, xw2_h, accp_h, s0_h, s1_h,
             asrc_v, adst_v, src_v, dst_v, sidx, didx,
             exg0, exg1, exg2, exg3, exg4,
             rows0, rows1, rows2, rows3, rows4, zs_v,
             acc_sh, s_sh,
             gsem0, gsem1, gsem2, gsem3, gsem4,
             ssem0, ssem1, ssem2, ssem3, ssem4,
             tsem0, tsem1, tsem2, tsem3, tsem4):
    cid = lax.axis_index("c")
    sid = lax.axis_index("s")
    exg = [exg0, exg1, exg2, exg3, exg4]
    rows = [rows0, rows1, rows2, rows3, rows4]
    gsem = [gsem0, gsem1, gsem2, gsem3, gsem4]
    ssem = [ssem0, ssem1, ssem2, ssem3, ssem4]
    tsem = [tsem0, tsem1, tsem2, tsem3, tsem4]

    def stage_sidx(r, b):
        for k in range(8):
            sidx[b, pl.ds(k * 16, 16)] = src_v[r, pl.ds(k * 16, 16)]

    def stage_didx(r, b):
        for k in range(8):
            didx[b, pl.ds(k * 16, 16)] = dst_v[r, pl.ds(k * 16, 16)]

    def issue_gather(b):
        pltpu.async_copy(xw2_h.at[cid].at[sidx.at[b]], rows[b], gsem[b])

    def wait_gather(b):
        pltpu.make_async_copy(xw2_h.at[cid].at[sidx.at[0]], rows[b],
                              gsem[b]).wait()

    def wait_scatter(b):
        pltpu.make_async_copy(rows[b], acc_sh.at[didx.at[0]], ssem[b]).wait()

    def wait_ssc(b):
        pltpu.make_async_copy(exg[b], s_sh.at[didx.at[0]], tsem[b]).wait()

    pltpu.sync_copy(srcg_h.at[pl.ds(sid * GW, HGW)], src_v)
    pltpu.sync_copy(dstg_h.at[pl.ds(sid * GW, HGW)], dst_v)
    stage_sidx(0, 0)
    stage_sidx(1, 1)
    stage_sidx(2, 2)
    issue_gather(0)
    issue_gather(1)
    issue_gather(2)

    pltpu.sync_copy(asrc_h, asrc_v)
    pltpu.sync_copy(adst_h, adst_v)

    z16 = jnp.zeros((16,), jnp.float32)

    def _zrow(j, c):
        for k in range(DH // 16):
            rows3[j, pl.ds(k * 16, 16)] = z16
        return c
    lax.fori_loop(0, G, _zrow, 0)

    def _zs(j, c):
        zs_v[pl.ds(j * 16, 16)] = z16
        return c
    lax.fori_loop(0, 40, _zs, 0)

    rbase = sid * 640
    for i in range(5):
        pltpu.sync_copy(rows3, acc_sh.at[pl.ds(rbase + i * G, G)])
    pltpu.sync_copy(zs_v, s_sh.at[pl.ds(sid * 640, 640)])
    plsc.subcore_barrier()

    def _super(it, c):
        @pl.when(it == NSUP // 2)
        def _():
            wait_scatter(0)
            wait_scatter(1)
            wait_scatter(2)
            pltpu.sync_copy(srcg_h.at[pl.ds(sid * GW + HGW, HGW)], src_v)
            pltpu.sync_copy(dstg_h.at[pl.ds(sid * GW + HGW, HGW)], dst_v)
            stage_sidx(0, 0)
            stage_sidx(1, 1)
            stage_sidx(2, 2)
            issue_gather(0)
            issue_gather(1)
            issue_gather(2)

        for b in range(NB):
            q = it * NB + b
            bb = (b + 3) % NB
            r = jnp.where(q >= HGW, q - HGW, q)
            if b < 2:
                @pl.when(it > 0)
                def _():
                    wait_scatter(bb)
                stage_sidx(r + 3, bb)
                issue_gather(bb)
            else:
                @pl.when(jnp.logical_and(it < NSUP - 1,
                                         it != NSUP // 2 - 1))
                def _():
                    wait_scatter(bb)
                    stage_sidx(r + 3, bb)
                    issue_gather(bb)

            @pl.when(jnp.logical_and(cid == (it + b + 1) % 2, it > 0))
            def _():
                wait_ssc(b)
            ebw = exg[b]
            gbase = (sid * GW + q) * G

            @plsc.parallel_loop(0, G, step=16, unroll=2)
            def _exl(i):
                si = src_v[r, pl.ds(i, 16)]
                di = dst_v[r, pl.ds(i, 16)]
                e = (plsc.load_gather(asrc_v, [si])
                     + plsc.load_gather(adst_v, [di]))
                e = jnp.where(e > 0, e, e * jnp.float32(0.2))
                ex = jnp.exp(e)
                gid = gbase + i + lax.iota(jnp.int32, 16)
                ex = jnp.where(gid < E, ex, jnp.float32(0.0))
                ebw[pl.ds(i, 16)] = ex

            wait_gather(b)
            rb = rows[b]
            eb = exg[b]

            @plsc.parallel_loop(0, G, unroll=4)
            def _scl(j):
                exj = plsc.load_gather(
                    eb, [jnp.full((16,), j, jnp.int32)])
                for k in range(DH // 16):
                    rb[j, pl.ds(k * 16, 16)] = (
                        rb[j, pl.ds(k * 16, 16)] * exj)

            stage_didx(r, b)
            pltpu.async_copy(rb, acc_sh.at[didx.at[b]], ssem[b], add=True)

            @pl.when(cid == (it + b) % 2)
            def _():
                pltpu.async_copy(eb, s_sh.at[didx.at[b]], tsem[b], add=True)
        return c
    lax.fori_loop(0, NSUP, _super, 0)

    for b in range(NB):
        wait_scatter(b)

        @pl.when(cid == (NSUP - 1 + b) % 2)
        def _():
            wait_ssc(b)

    plsc.subcore_barrier()
    pltpu.sync_copy(acc_sh.at[pl.ds(rbase, 640)],
                    accp_h.at[cid, pl.ds(rbase, 640)])

    @pl.when(jnp.logical_and(sid == 0, cid == 0))
    def _():
        pltpu.sync_copy(s_sh, s0_h)

    @pl.when(jnp.logical_and(sid == 0, cid == 1))
    def _():
        pltpu.sync_copy(s_sh, s1_h)


def _sc_edge(asrc, adst, src_g, dst_g, xw2):
    mesh = plsc.VectorSubcoreMesh(core_axis_name="c", subcore_axis_name="s",
                                  num_cores=NC, num_subcores=NS)
    f = pl.kernel(
        _sc_body,
        out_type=[
            jax.ShapeDtypeStruct((NC, NP, DH), jnp.float32),
            jax.ShapeDtypeStruct((NP,), jnp.float32),
            jax.ShapeDtypeStruct((NP,), jnp.float32),
        ],
        mesh=mesh,
        compiler_params=pltpu.CompilerParams(use_tc_tiling_on_sc=False,
                                             needs_layout_passes=False),
        scratch_types=(
            [pltpu.VMEM((N,), jnp.float32)] * 2
            + [pltpu.VMEM((HGW, G), jnp.int32)] * 2
            + [pltpu.VMEM((NB, G), jnp.int32)] * 2
            + [pltpu.VMEM((G,), jnp.float32)] * 5
            + [pltpu.VMEM((G, DH), jnp.float32)] * 5
            + [pltpu.VMEM((640,), jnp.float32)]
            + [pltpu.VMEM_SHARED((NP, DH), jnp.float32),
               pltpu.VMEM_SHARED((NP,), jnp.float32)]
            + [pltpu.SemaphoreType.DMA] * 15
        ),
    )
    return f(asrc, adst, src_g, dst_g, xw2)


def _ep_body(accp_ref, s0_ref, s1_ref, b_ref, o_ref):
    a = jnp.concatenate([accp_ref[0], accp_ref[1]], axis=1)
    s = s0_ref[...] + s1_ref[...]
    safe = jnp.where(s == 0, jnp.float32(1.0), s)
    o_ref[...] = a / safe[:, None] + b_ref[...][None, :]


def _epilogue(accp, s0, s1, bias):
    grid = (N + BN - 1) // BN
    return pl.pallas_call(
        _ep_body,
        grid=(grid,),
        in_specs=[
            pl.BlockSpec((NC, BN, DH), lambda i: (0, i, 0)),
            pl.BlockSpec((BN,), lambda i: (i,)),
            pl.BlockSpec((BN,), lambda i: (i,)),
            pl.BlockSpec((D,), lambda i: (0,)),
        ],
        out_specs=pl.BlockSpec((BN, D), lambda i: (i, 0)),
        out_shape=jax.ShapeDtypeStruct((N, D), jnp.float32),
    )(accp, s0, s1, bias)


def kernel(x, edge_index, edge_attr, h, batch, W, att_src, att_dst, bias):
    src = edge_index[0].astype(jnp.int32)
    dst = edge_index[1].astype(jnp.int32)
    src_g = jnp.pad(src, (0, E_PAD - E)).reshape(NROW, G)
    dst_g = jnp.pad(dst, (0, E_PAD - E)).reshape(NROW, G)

    xw2, asrc, adst = _matmul(x, W, att_src, att_dst)
    accp, s0, s1 = _sc_edge(asrc, adst, src_g, dst_g, xw2)
    return _epilogue(accp, s0, s1, bias)

# --- scband reference (transcript-rebuilt; emitter-appended) ---
"""Pipeline reference for scband-gatlayer-21131239096356 (READ-ONLY COPY).

The authoritative reference and input builder live on the scoring server;
editing this copy changes nothing except your own understanding.
"""

import jax, jax.numpy as jnp
import numpy as np

N = 10000
E = 320000
D_IN = 128
D_OUT = 128
D_EDGE = 4


def setup_inputs(seed: int = 0) -> dict:
    key = jax.random.key(seed)
    ks = jax.random.split(key, 8)
    x = jax.random.normal(ks[0], (N, D_IN), dtype=jnp.float32)
    edge_index = jax.random.randint(ks[1], (2, E), 0, N)
    edge_attr = jax.random.normal(ks[2], (E, D_EDGE), dtype=jnp.float32)
    h = jax.random.normal(ks[3], (N, D_IN), dtype=jnp.float32)
    batch = jnp.zeros((N,), dtype=jnp.int32)
    # learned parameters of the GAT conv (single head)
    W = jax.random.normal(ks[4], (D_IN, D_OUT), dtype=jnp.float32) * (1.0 / np.sqrt(D_IN))
    att_src = jax.random.normal(ks[5], (D_OUT,), dtype=jnp.float32) * 0.1
    att_dst = jax.random.normal(ks[6], (D_OUT,), dtype=jnp.float32) * 0.1
    bias = jnp.zeros((D_OUT,), dtype=jnp.float32)
    return {"x": x, "edge_index": edge_index, "edge_attr": edge_attr, "h": h,
            "batch": batch, "W": W, "att_src": att_src, "att_dst": att_dst, "bias": bias}


def reference(x, edge_index, edge_attr, h, batch, W, att_src, att_dst, bias):
    # GATLayer.forward only uses (x, edge_index); edge_attr, h, batch are ignored.
    src = edge_index[0]
    dst = edge_index[1]
    # linear transform
    xw = x @ W  # [N, D_OUT]
    # per-node attention logits
    a_src = xw @ att_src  # [N]
    a_dst = xw @ att_dst  # [N]
    # per-edge raw attention
    e = a_src[src] + a_dst[dst]
    e = jnp.where(e > 0, e, 0.2 * e)  # LeakyReLU(0.2)
    # segment softmax over incoming edges of each dst node
    m = jax.ops.segment_max(e, dst, num_segments=N)
    m = jnp.where(jnp.isfinite(m), m, 0.0)
    ex = jnp.exp(e - m[dst])
    s = jax.ops.segment_sum(ex, dst, num_segments=N)
    alpha = ex / s[dst]
    # weighted message aggregation at dst
    out = jax.ops.segment_sum(xw[src] * alpha[:, None], dst, num_segments=N)
    return out + bias

if __name__ == "__main__":
    import jax
    _d = setup_inputs()
    print(jax.jit(kernel)(*tuple(_d.values())))

</pallas_src>

<mosaic_0001>
#map = affine_map<(d0, d1) -> (0)>
#map1 = affine_map<(d0, d1) -> (0, 0)>
#map2 = affine_map<(d0, d1) -> (0, 0, 0)>
module attributes {stable_mosaic.version = 14 : i64} {
  func.func @_sc_body(%arg0: i32, %arg1: i32, %arg2: memref<10000xf32, #tpu.memory_space<hbm>>, %arg3: memref<10000xf32, #tpu.memory_space<hbm>>, %arg4: memref<2560x128xi32, #tpu.memory_space<hbm>>, %arg5: memref<2560x128xi32, #tpu.memory_space<hbm>>, %arg6: memref<2x10000x64xf32, #tpu.memory_space<hbm>>, %arg7: memref<2x10240x64xf32, #tpu.memory_space<hbm>>, %arg8: memref<10240xf32, #tpu.memory_space<hbm>>, %arg9: memref<10240xf32, #tpu.memory_space<hbm>>, %arg10: memref<10000xf32, #tpu.memory_space<vmem>>, %arg11: memref<10000xf32, #tpu.memory_space<vmem>>, %arg12: memref<80x128xi32, #tpu.memory_space<vmem>>, %arg13: memref<80x128xi32, #tpu.memory_space<vmem>>, %arg14: memref<5x128xi32, #tpu.memory_space<vmem>>, %arg15: memref<5x128xi32, #tpu.memory_space<vmem>>, %arg16: memref<128xf32, #tpu.memory_space<vmem>>, %arg17: memref<128xf32, #tpu.memory_space<vmem>>, %arg18: memref<128xf32, #tpu.memory_space<vmem>>, %arg19: memref<128xf32, #tpu.memory_space<vmem>>, %arg20: memref<128xf32, #tpu.memory_space<vmem>>, %arg21: memref<128x64xf32, #tpu.memory_space<vmem>>, %arg22: memref<128x64xf32, #tpu.memory_space<vmem>>, %arg23: memref<128x64xf32, #tpu.memory_space<vmem>>, %arg24: memref<128x64xf32, #tpu.memory_space<vmem>>, %arg25: memref<128x64xf32, #tpu.memory_space<vmem>>, %arg26: memref<640xf32, #tpu.memory_space<vmem>>, %arg27: memref<10240x64xf32, #tpu.memory_space<vmem_shared>>, %arg28: memref<10240xf32, #tpu.memory_space<vmem_shared>>, %arg29: memref<!tpu.dma_semaphore, #tpu.memory_space<semaphore_mem>>, %arg30: memref<!tpu.dma_semaphore, #tpu.memory_space<semaphore_mem>>, %arg31: memref<!tpu.dma_semaphore, #tpu.memory_space<semaphore_mem>>, %arg32: memref<!tpu.dma_semaphore, #tpu.memory_space<semaphore_mem>>, %arg33: memref<!tpu.dma_semaphore, #tpu.memory_space<semaphore_mem>>, %arg34: memref<!tpu.dma_semaphore, #tpu.memory_space<semaphore_mem>>, %arg35: memref<!tpu.dma_semaphore, #tpu.memory_space<semaphore_mem>>, %arg36: memref<!tpu.dma_semaphore, #tpu.memory_space<semaphore_mem>>, %arg37: memref<!tpu.dma_semaphore, #tpu.memory_space<semaphore_mem>>, %arg38: memref<!tpu.dma_semaphore, #tpu.memory_space<semaphore_mem>>, %arg39: memref<!tpu.dma_semaphore, #tpu.memory_space<semaphore_mem>>, %arg40: memref<!tpu.dma_semaphore, #tpu.memory_space<semaphore_mem>>, %arg41: memref<!tpu.dma_semaphore, #tpu.memory_space<semaphore_mem>>, %arg42: memref<!tpu.dma_semaphore, #tpu.memory_space<semaphore_mem>>, %arg43: memref<!tpu.dma_semaphore, #tpu.memory_space<semaphore_mem>>) attributes {dimension_semantics = [#tpu.dimension_semantics<core_parallel>, #tpu.dimension_semantics<subcore_parallel>], iteration_bounds = array<i64: 2, 16>, scalar_prefetch = 0 : i64, scratch_operands = 34 : i64, tpu.core_type = #tpu.core_type<sc_vector_subcore>, window_params = [{transform_indices = #map}, {transform_indices = #map}, {transform_indices = #map1}, {transform_indices = #map1}, {transform_indices = #map2}, {transform_indices = #map2}, {transform_indices = #map}, {transform_indices = #map}]} {
    %mul3A = arith.constant 160 : i32
    %mul3A_0 = arith.muli %arg1, %mul3A : i32
    "tpu.region"() ({
      %run_scoped3A = tpu.sem_alloc : memref<!tpu.dma_semaphore, #tpu.memory_space<semaphore_mem>>
      %dma_start3A_328 = arith.constant 0 : i32
      %dma_start3A_329 = tpu.memref_slice %arg4[%mul3A_0, %dma_start3A_328] : memref<2560x128xi32, #tpu.memory_space<hbm>> -> memref<80x128xi32, #tpu.memory_space<hbm>>
      %dma_start3A_330 = arith.constant 0 : i32
      %dma_start3A_331 = tpu.memref_slice %arg4[%mul3A_0, %dma_start3A_330] : memref<2560x128xi32, #tpu.memory_space<hbm>> -> memref<80x128xi32, #tpu.memory_space<hbm>>
      tpu.enqueue_dma source(%dma_start3A_331 : memref<80x128xi32, #tpu.memory_space<hbm>>) target(%arg12 : memref<80x128xi32, #tpu.memory_space<vmem>>) target_semaphore(%run_scoped3A : memref<!tpu.dma_semaphore, #tpu.memory_space<semaphore_mem>>)
      %dma_wait3A_332 = arith.constant 0 : i32
      %dma_wait3A_333 = tpu.memref_slice %arg4[%mul3A_0, %dma_wait3A_332] : memref<2560x128xi32, #tpu.memory_space<hbm>> -> memref<80x128xi32, #tpu.memory_space<hbm>>
      %dma_wait3A_334 = arith.constant 0 : i32
      %dma_wait3A_335 = tpu.memref_slice %arg4[%mul3A_0, %dma_wait3A_334] : memref<2560x128xi32, #tpu.memory_space<hbm>> -> memref<80x128xi32, #tpu.memory_space<hbm>>
      tpu.wait_dma2 semaphore(%run_scoped3A : memref<!tpu.dma_semaphore, #tpu.memory_space<semaphore_mem>>) src(%dma_wait3A_335 : memref<80x128xi32, #tpu.memory_space<hbm>>) dst(%arg12 : memref<80x128xi32, #tpu.memory_space<vmem>>)
      tpu.yield
    }) : () -> ()
    %mul3A_1 = arith.constant 160 : i32
    %mul3A_2 = arith.muli %arg1, %mul3A_1 : i32
    "tpu.region"() ({
      %run_scoped3A = tpu.sem_alloc : memref<!tpu.dma_semaphore, #tpu.memory_space<semaphore_mem>>
      %dma_start3A_328 = arith.constant 0 : i32
      %dma_start3A_329 = tpu.memref_slice %arg5[%mul3A_2, %dma_start3A_328] : memref<2560x128xi32, #tpu.memory_space<hbm>> -> memref<80x128xi32, #tpu.memory_space<hbm>>
      %dma_start3A_330 = arith.constant 0 : i32
      %dma_start3A_331 = tpu.memref_slice %arg5[%mul3A_2, %dma_start3A_330] : memref<2560x128xi32, #tpu.memory_space<hbm>> -> memref<80x128xi32, #tpu.memory_space<hbm>>
      tpu.enqueue_dma source(%dma_start3A_331 : memref<80x128xi32, #tpu.memory_space<hbm>>) target(%arg13 : memref<80x128xi32, #tpu.memory_space<vmem>>) target_semaphore(%run_scoped3A : memref<!tpu.dma_semaphore, #tpu.memory_space<semaphore_mem>>)
      %dma_wait3A_332 = arith.constant 0 : i32
      %dma_wait3A_333 = tpu.memref_slice %arg5[%mul3A_2, %dma_wait3A_332] : memref<2560x128xi32, #tpu.memory_space<hbm>> -> memref<80x128xi32, #tpu.memory_space<hbm>>
      %dma_wait3A_334 = arith.constant 0 : i32
      %dma_wait3A_335 = tpu.memref_slice %arg5[%mul3A_2, %dma_wait3A_334] : memref<2560x128xi32, #tpu.memory_space<hbm>> -> memref<80x128xi32, #tpu.memory_space<hbm>>
      tpu.wait_dma2 semaphore(%run_scoped3A : memref<!tpu.dma_semaphore, #tpu.memory_space<semaphore_mem>>) src(%dma_wait3A_335 : memref<80x128xi32, #tpu.memory_space<hbm>>) dst(%arg13 : memref<80x128xi32, #tpu.memory_space<vmem>>)
      tpu.yield
    }) : () -> ()
    %get3A = arith.constant 0 : i32
    %get3A_3 = arith.index_cast %get3A : i32 to index
    %get3A_4 = arith.constant 0 : index
    %get3A_5 = tpu.vector_load %arg12[%get3A_3, %get3A_4] {strides = array<i32>} : memref<80x128xi32, #tpu.memory_space<vmem>>, vector<16xi32>,
    %swap3A = arith.constant 0 : i32
    %swap3A_6 = arith.index_cast %swap3A : i32 to index
    %swap3A_7 = arith.constant 0 : index
    %swap3A_8 = tpu.vector_load %arg14[%swap3A_6, %swap3A_7] {strides = array<i32>} : memref<5x128xi32, #tpu.memory_space<vmem>>, vector<16xi32>,
    tpu.vector_store %arg14[%swap3A_6, %swap3A_7], %get3A_5 {strides = array<i32>} : memref<5x128xi32, #tpu.memory_space<vmem>>, vector<16xi32>,
    %get3A_9 = arith.constant 0 : i32
    %get3A_10 = arith.index_cast %get3A_9 : i32 to index
    %get3A_11 = arith.constant 16 : index
    %get3A_12 = tpu.vector_load %arg12[%get3A_10, %get3A_11] {strides = array<i32>} : memref<80x128xi32, #tpu.memory_space<vmem>>, vector<16xi32>,
    %swap3A_13 = arith.constant 0 : i32
    %swap3A_14 = arith.index_cast %swap3A_13 : i32 to index
    %swap3A_15 = arith.constant 16 : index
    %swap3A_16 = tpu.vector_load %arg14[%swap3A_14, %swap3A_15] {strides = array<i32>} : memref<5x128xi32, #tpu.memory_space<vmem>>, vector<16xi32>,
    tpu.vector_store %arg14[%swap3A_14, %swap3A_15], %get3A_12 {strides = array<i32>} : memref<5x128xi32, #tpu.memory_space<vmem>>, vector<16xi32>,
    %get3A_17 = arith.constant 0 : i32
    %get3A_18 = arith.index_cast %get3A_17 : i32 to index
    %get3A_19 = arith.constant 32 : index
    %get3A_20 = tpu.vector_load %arg12[%get3A_18, %get3A_19] {strides = array<i32>} : memref<80x128xi32, #tpu.memory_space<vmem>>, vector<16xi32>,
    %swap3A_21 = arith.constant 0 : i32
    %swap3A_22 = arith.index_cast %swap3A_21 : i32 to index
    %swap3A_23 = arith.constant 32 : index
    %swap3A_24 = tpu.vector_load %arg14[%swap3A_22, %swap3A_23] {strides = array<i32>} : memref<5x128xi32, #tpu.memory_space<vmem>>, vector<16xi32>,
    tpu.vector_store %arg14[%swap3A_22, %swap3A_23], %get3A_20 {strides = array<i32>} : memref<5x128xi32, #tpu.memory_space<vmem>>, vector<16xi32>,
    %get3A_25 = arith.constant 0 : i32
    %get3A_26 = arith.index_cast %get3A_25 : i32 to index
    %get3A_27 = arith.constant 48 : index
    %get3A_28 = tpu.vector_load %arg12[%get3A_26, %get3A_27] {strides = array<i32>} : memref<80x128xi32, #tpu.memory_space<vmem>>, vector<16xi32>,
    %swap3A_29 = arith.constant 0 : i32
    %swap3A_30 = arith.index_cast %swap3A_29 : i32 to index
    %swap3A_31 = arith.constant 48 : index
    %swap3A_32 = tpu.vector_load %arg14[%swap3A_30, %swap3A_31] {strides = array<i32>} : memref<5x128xi32, #tpu.memory_space<vmem>>, vector<16xi32>,
    tpu.vector_store %arg14[%swap3A_30, %swap3A_31], %get3A_28 {strides = array<i32>} : memref<5x128xi32, #tpu.memory_space<vmem>>, vector<16xi32>,
    %get3A_33 = arith.constant 0 : i32
    %get3A_34 = arith.index_cast %get3A_33 : i32 to index
    %get3A_35 = arith.constant 64 : index
    %get3A_36 = tpu.vector_load %arg12[%get3A_34, %get3A_35] {strides = array<i32>} : memref<80x128xi32, #tpu.memory_space<vmem>>, vector<16xi32>,
    %swap3A_37 = arith.constant 0 : i32
    %swap3A_38 = arith.index_cast %swap3A_37 : i32 to index
    %swap3A_39 = arith.constant 64 : index
    %swap3A_40 = tpu.vector_load %arg14[%swap3A_38, %swap3A_39] {strides = array<i32>} : memref<5x128xi32, #tpu.memory_space<vmem>>, vector<16xi32>,
    tpu.vector_store %arg14[%swap3A_38, %swap3A_39], %get3A_36 {strides = array<i32>} : memref<5x128xi32, #tpu.memory_space<vmem>>, vector<16xi32>,
    %get3A_41 = arith.constant 0 : i32
    %get3A_42 = arith.index_cast %get3A_41 : i32 to index
    %get3A_43 = arith.constant 80 : index
    %get3A_44 = tpu.vector_load %arg12[%get3A_42, %get3A_43] {strides = array<i32>} : memref<80x128xi32, #tpu.memory_space<vmem>>, vector<16xi32>,
    %swap3A_45 = arith.constant 0 : i32
    %swap3A_46 = arith.index_cast %swap3A_45 : i32 to index
    %swap3A_47 = arith.constant 80 : index
    %swap3A_48 = tpu.vector_load %arg14[%swap3A_46, %swap3A_47] {strides = array<i32>} : memref<5x128xi32, #tpu.memory_space<vmem>>, vector<16xi32>,
    tpu.vector_store %arg14[%swap3A_46, %swap3A_47], %get3A_44 {strides = array<i32>} : memref<5x128xi32, #tpu.memory_space<vmem>>, vector<16xi32>,
    %get3A_49 = arith.constant 0 : i32
    %get3A_50 = arith.index_cast %get3A_49 : i32 to index
    %get3A_51 = arith.constant 96 : index
    %get3A_52 = tpu.vector_load %arg12[%get3A_50, %get3A_51] {strides = array<i32>} : memref<80x128xi32, #tpu.memory_space<vmem>>, vector<16xi32>,
    %swap3A_53 = arith.constant 0 : i32
    %swap3A_54 = arith.index_cast %swap3A_53 : i32 to index
    %swap3A_55 = arith.constant 96 : index
    %swap3A_56 = tpu.vector_load %arg14[%swap3A_54, %swap3A_55] {strides = array<i32>} : memref<5x128xi32, #tpu.memory_space<vmem>>, vector<16xi32>,
    tpu.vector_store %arg14[%swap3A_54, %swap3A_55], %get3A_52 {strides = array<i32>} : memref<5x128xi32, #tpu.memory_space<vmem>>, vector<16xi32>,
    %get3A_57 = arith.constant 0 : i32
    %get3A_58 = arith.index_cast %get3A_57 : i32 to index
    %get3A_59 = arith.constant 112 : index
    %get3A_60 = tpu.vector_load %arg12[%get3A_58, %get3A_59] {strides = array<i32>} : memref<80x128xi32, #tpu.memory_space<vmem>>, vector<16xi32>,
    %swap3A_61 = arith.constant 0 : i32
    %swap3A_62 = arith.index_cast %swap3A_61 : i32 to index
    %swap3A_63 = arith.constant 112 : index
    %swap3A_64 = tpu.vector_load %arg14[%swap3A_62, %swap3A_63] {strides = array<i32>} : memref<5x128xi32, #tpu.memory_space<vmem>>, vector<16xi32>,
    tpu.vector_store %arg14[%swap3A_62, %swap3A_63], %get3A_60 {strides = array<i32>} : memref<5x128xi32, #tpu.memory_space<vmem>>, vector<16xi32>,
    %get3A_65 = arith.constant 1 : i32
    %get3A_66 = arith.index_cast %get3A_65 : i32 to index
    %get3A_67 = arith.constant 0 : index
    %get3A_68 = tpu.vector_load %arg12[%get3A_66, %get3A_67] {strides = array<i32>} : memref<80x128xi32, #tpu.memory_space<vmem>>, vector<16xi32>,
    %swap3A_69 = arith.constant 1 : i32
    %swap3A_70 = arith.index_cast %swap3A_69 : i32 to index
    %swap3A_71 = arith.constant 0 : index
    %swap3A_72 = tpu.vector_load %arg14[%swap3A_70, %swap3A_71] {strides = array<i32>} : memref<5x128xi32, #tpu.memory_space<vmem>>, vector<16xi32>,
    tpu.vector_store %arg14[%swap3A_70, %swap3A_71], %get3A_68 {strides = array<i32>} : memref<5x128xi32, #tpu.memory_space<vmem>>, vector<16xi32>,
    %get3A_73 = arith.constant 1 : i32
    %get3A_74 = arith.index_cast %get3A_73 : i32 to index
    %get3A_75 = arith.constant 16 : index
    %get3A_76 = tpu.vector_load %arg12[%get3A_74, %get3A_75] {strides = array<i32>} : memref<80x128xi32, #tpu.memory_space<vmem>>, vector<16xi32>,
    %swap3A_77 = arith.constant 1 : i32
    %swap3A_78 = arith.index_cast %swap3A_77 : i32 to index
    %swap3A_79 = arith.constant 16 : index
    %swap3A_80 = tpu.vector_load %arg14[%swap3A_78, %swap3A_79] {strides = array<i32>} : memref<5x128xi32, #tpu.memory_space<vmem>>, vector<16xi32>,
    tpu.vector_store %arg14[%swap3A_78, %swap3A_79], %get3A_76 {strides = array<i32>} : memref<5x128xi32, #tpu.memory_space<vmem>>, vector<16xi32>,
    %get3A_81 = arith.constant 1 : i32
    %get3A_82 = arith.index_cast %get3A_81 : i32 to index
    %get3A_83 = arith.constant 32 : index
    %get3A_84 = tpu.vector_load %arg12[%get3A_82, %get3A_83] {strides = array<i32>} : memref<80x128xi32, #tpu.memory_space<vmem>>, vector<16xi32>,
    %swap3A_85 = arith.constant 1 : i32
    %swap3A_86 = arith.index_cast %swap3A_85 : i32 to index
    %swap3A_87 = arith.constant 32 : index
    %swap3A_88 = tpu.vector_load %arg14[%swap3A_86, %swap3A_87] {strides = array<i32>} : memref<5x128xi32, #tpu.memory_space<vmem>>, vector<16xi32>,
    tpu.vector_store %arg14[%swap3A_86, %swap3A_87], %get3A_84 {strides = array<i32>} : memref<5x128xi32, #tpu.memory_space<vmem>>, vector<16xi32>,
    %get3A_89 = arith.constant 1 : i32
    %get3A_90 = arith.index_cast %get3A_89 : i32 to index
    %get3A_91 = arith.constant 48 : index
    %get3A_92 = tpu.vector_load %arg12[%get3A_90, %get3A_91] {strides = array<i32>} : memref<80x128xi32, #tpu.memory_space<vmem>>, vector<16xi32>,
    %swap3A_93 = arith.constant 1 : i32
    %swap3A_94 = arith.index_cast %swap3A_93 : i32 to index
    %swap3A_95 = arith.constant 48 : index
    %swap3A_96 = tpu.vector_load %arg14[%swap3A_94, %swap3A_95] {strides = array<i32>} : memref<5x128xi32, #tpu.memory_space<vmem>>, vector<16xi32>,
    tpu.vector_store %arg14[%swap3A_94, %swap3A_95], %get3A_92 {strides = array<i32>} : memref<5x128xi32, #tpu.memory_space<vmem>>, vector<16xi32>,
    %get3A_97 = arith.constant 1 : i32
    %get3A_98 = arith.index_cast %get3A_97 : i32 to index
    %get3A_99 = arith.constant 64 : index
    %get3A_100 = tpu.vector_load %arg12[%get3A_98, %get3A_99] {strides = array<i32>} : memref<80x128xi32, #tpu.memory_space<vmem>>, vector<16xi32>,
    %swap3A_101 = arith.constant 1 : i32
    %swap3A_102 = arith.index_cast %swap3A_101 : i32 to index
    %swap3A_103 = arith.constant 64 : index
    %swap3A_104 = tpu.vector_load %arg14[%swap3A_102, %swap3A_103] {strides = array<i32>} : memref<5x128xi32, #tpu.memory_space<vmem>>, vector<16xi32>,
    tpu.vector_store %arg14[%swap3A_102, %swap3A_103], %get3A_100 {strides = array<i32>} : memref<5x128xi32, #tpu.memory_space<vmem>>, vector<16xi32>,
    %get3A_105 = arith.constant 1 : i32
    %get3A_106 = arith.index_cast %get3A_105 : i32 to index
    %get3A_107 = arith.constant 80 : index
    %get3A_108 = tpu.vector_load %arg12[%get3A_106, %get3A_107] {strides = array<i32>} : memref<80x128xi32, #tpu.memory_space<vmem>>, vector<16xi32>,
    %swap3A_109 = arith.constant 1 : i32
    %swap3A_110 = arith.index_cast %swap3A_109 : i32 to index
    %swap3A_111 = arith.constant 80 : index
    %swap3A_112 = tpu.vector_load %arg14[%swap3A_110, %swap3A_111] {strides = array<i32>} : memref<5x128xi32, #tpu.memory_space<vmem>>, vector<16xi32>,
    tpu.vector_store %arg14[%swap3A_110, %swap3A_111], %get3A_108 {strides = array<i32>} : memref<5x128xi32, #tpu.memory_space<vmem>>, vector<16xi32>,
    %get3A_113 = arith.constant 1 : i32
    %get3A_114 = arith.index_cast %get3A_113 : i32 to index
    %get3A_115 = arith.constant 96 : index
    %get3A_116 = tpu.vector_load %arg12[%get3A_114, %get3A_115] {strides = array<i32>} : memref<80x128xi32, #tpu.memory_space<vmem>>, vector<16xi32>,
    %swap3A_117 = arith.constant 1 : i32
    %swap3A_118 = arith.index_cast %swap3A_117 : i32 to index
    %swap3A_119 = arith.constant 96 : index
    %swap3A_120 = tpu.vector_load %arg14[%swap3A_118, %swap3A_119] {strides = array<i32>} : memref<5x128xi32, #tpu.memory_space<vmem>>, vector<16xi32>,
    tpu.vector_store %arg14[%swap3A_118, %swap3A_119], %get3A_116 {strides = array<i32>} : memref<5x128xi32, #tpu.memory_space<vmem>>, vector<16xi32>,
    %get3A_121 = arith.constant 1 : i32
    %get3A_122 = arith.index_cast %get3A_121 : i32 to index
    %get3A_123 = arith.constant 112 : index
    %get3A_124 = tpu.vector_load %arg12[%get3A_122, %get3A_123] {strides = array<i32>} : memref<80x128xi32, #tpu.memory_space<vmem>>, vector<16xi32>,
    %swap3A_125 = arith.constant 1 : i32
    %swap3A_126 = arith.index_cast %swap3A_125 : i32 to index
    %swap3A_127 = arith.constant 112 : index
    %swap3A_128 = tpu.vector_load %arg14[%swap3A_126, %swap3A_127] {strides = array<i32>} : memref<5x128xi32, #tpu.memory_space<vmem>>, vector<16xi32>,
    tpu.vector_store %arg14[%swap3A_126, %swap3A_127], %get3A_124 {strides = array<i32>} : memref<5x128xi32, #tpu.memory_space<vmem>>, vector<16xi32>,
    %get3A_129 = arith.constant 2 : i32
    %get3A_130 = arith.index_cast %get3A_129 : i32 to index
    %get3A_131 = arith.constant 0 : index
    %get3A_132 = tpu.vector_load %arg12[%get3A_130, %get3A_131] {strides = array<i32>} : memref<80x128xi32, #tpu.memory_space<vmem>>, vector<16xi32>,
    %swap3A_133 = arith.constant 2 : i32
    %swap3A_134 = arith.index_cast %swap3A_133 : i32 to index
    %swap3A_135 = arith.constant 0 : index
    %swap3A_136 = tpu.vector_load %arg14[%swap3A_134, %swap3A_135] {strides = array<i32>} : memref<5x128xi32, #tpu.memory_space<vmem>>, vector<16xi32>,
    tpu.vector_store %arg14[%swap3A_134, %swap3A_135], %get3A_132 {strides = array<i32>} : memref<5x128xi32, #tpu.memory_space<vmem>>, vector<16xi32>,
    %get3A_137 = arith.constant 2 : i32
    %get3A_138 = arith.index_cast %get3A_137 : i32 to index
    %get3A_139 = arith.constant 16 : index
    %get3A_140 = tpu.vector_load %arg12[%get3A_138, %get3A_139] {strides = array<i32>} : memref<80x128xi32, #tpu.memory_space<vmem>>, vector<16xi32>,
    %swap3A_141 = arith.constant 2 : i32
    %swap3A_142 = arith.index_cast %swap3A_141 : i32 to index
    %swap3A_143 = arith.constant 16 : index
    %swap3A_144 = tpu.vector_load %arg14[%swap3A_142, %swap3A_143] {strides = array<i32>} : memref<5x128xi32, #tpu.memory_space<vmem>>, vector<16xi32>,
    tpu.vector_store %arg14[%swap3A_142, %swap3A_143], %get3A_140 {strides = array<i32>} : memref<5x128xi32, #tpu.memory_space<vmem>>, vector<16xi32>,
    %get3A_145 = arith.constant 2 : i32
    %get3A_146 = arith.index_cast %get3A_145 : i32 to index
    %get3A_147 = arith.constant 32 : index
    %get3A_148 = tpu.vector_load %arg12[%get3A_146, %get3A_147] {strides = array<i32>} : memref<80x128xi32, #tpu.memory_space<vmem>>, vector<16xi32>,
    %swap3A_149 = arith.constant 2 : i32
    %swap3A_150 = arith.index_cast %swap3A_149 : i32 to index
    %swap3A_151 = arith.constant 32 : index
    %swap3A_152 = tpu.vector_load %arg14[%swap3A_150, %swap3A_151] {strides = array<i32>} : memref<5x128xi32, #tpu.memory_space<vmem>>, vector<16xi32>,
    tpu.vector_store %arg14[%swap3A_150, %swap3A_151], %get3A_148 {strides = array<i32>} : memref<5x128xi32, #tpu.memory_space<vmem>>, vector<16xi32>,
    %get3A_153 = arith.constant 2 : i32
    %get3A_154 = arith.index_cast %get3A_153 : i32 to index
    %get3A_155 = arith.constant 48 : index
    %get3A_156 = tpu.vector_load %arg12[%get3A_154, %get3A_155] {strides = array<i32>} : memref<80x128xi32, #tpu.memory_space<vmem>>, vector<16xi32>,
    %swap3A_157 = arith.constant 2 : i32
    %swap3A_158 = arith.index_cast %swap3A_157 : i32 to index
    %swap3A_159 = arith.constant 48 : index
    %swap3A_160 = tpu.vector_load %arg14[%swap3A_158, %swap3A_159] {strides = array<i32>} : memref<5x128xi32, #tpu.memory_space<vmem>>, vector<16xi32>,
    tpu.vector_store %arg14[%swap3A_158, %swap3A_159], %get3A_156 {strides = array<i32>} : memref<5x128xi32, #tpu.memory_space<vmem>>, vector<16xi32>,
    %get3A_161 = arith.constant 2 : i32
    %get3A_162 = arith.index_cast %get3A_161 : i32 to index
    %get3A_163 = arith.constant 64 : index
    %get3A_164 = tpu.vector_load %arg12[%get3A_162, %get3A_163] {strides = array<i32>} : memref<80x128xi32, #tpu.memory_space<vmem>>, vector<16xi32>,
    %swap3A_165 = arith.constant 2 : i32
    %swap3A_166 = arith.index_cast %swap3A_165 : i32 to index
    %swap3A_167 = arith.constant 64 : index
    %swap3A_168 = tpu.vector_load %arg14[%swap3A_166, %swap3A_167] {strides = array<i32>} : memref<5x128xi32, #tpu.memory_space<vmem>>, vector<16xi32>,
    tpu.vector_store %arg14[%swap3A_166, %swap3A_167], %get3A_164 {strides = array<i32>} : memref<5x128xi32, #tpu.memory_space<vmem>>, vector<16xi32>,
    %get3A_169 = arith.constant 2 : i32
    %get3A_170 = arith.index_cast %get3A_169 : i32 to index
    %get3A_171 = arith.constant 80 : index
    %get3A_172 = tpu.vector_load %arg12[%get3A_170, %get3A_171] {strides = array<i32>} : memref<80x128xi32, #tpu.memory_space<vmem>>, vector<16xi32>,
    %swap3A_173 = arith.constant 2 : i32
    %swap3A_174 = arith.index_cast %swap3A_173 : i32 to index
    %swap3A_175 = arith.constant 80 : index
    %swap3A_176 = tpu.vector_load %arg14[%swap3A_174, %swap3A_175] {strides = array<i32>} : memref<5x128xi32, #tpu.memory_space<vmem>>, vector<16xi32>,
    tpu.vector_store %arg14[%swap3A_174, %swap3A_175], %get3A_172 {strides = array<i32>} : memref<5x128xi32, #tpu.memory_space<vmem>>, vector<16xi32>,
    %get3A_177 = arith.constant 2 : i32
    %get3A_178 = arith.index_cast %get3A_177 : i32 to index
    %get3A_179 = arith.constant 96 : index
    %get3A_180 = tpu.vector_load %arg12[%get3A_178, %get3A_179] {strides = array<i32>} : memref<80x128xi32, #tpu.memory_space<vmem>>, vector<16xi32>,
    %swap3A_181 = arith.constant 2 : i32
    %swap3A_182 = arith.index_cast %swap3A_181 : i32 to index
    %swap3A_183 = arith.constant 96 : index
    %swap3A_184 = tpu.vector_load %arg14[%swap3A_182, %swap3A_183] {strides = array<i32>} : memref<5x128xi32, #tpu.memory_space<vmem>>, vector<16xi32>,
    tpu.vector_store %arg14[%swap3A_182, %swap3A_183], %get3A_180 {strides = array<i32>} : memref<5x128xi32, #tpu.memory_space<vmem>>, vector<16xi32>,
    %get3A_185 = arith.constant 2 : i32
    %get3A_186 = arith.index_cast %get3A_185 : i32 to index
    %get3A_187 = arith.constant 112 : index
    %get3A_188 = tpu.vector_load %arg12[%get3A_186, %get3A_187] {strides = array<i32>} : memref<80x128xi32, #tpu.memory_space<vmem>>, vector<16xi32>,
    %swap3A_189 = arith.constant 2 : i32
    %swap3A_190 = arith.index_cast %swap3A_189 : i32 to index
    %swap3A_191 = arith.constant 112 : index
    %swap3A_192 = tpu.vector_load %arg14[%swap3A_190, %swap3A_191] {strides = array<i32>} : memref<5x128xi32, #tpu.memory_space<vmem>>, vector<16xi32>,
    tpu.vector_store %arg14[%swap3A_190, %swap3A_191], %get3A_188 {strides = array<i32>} : memref<5x128xi32, #tpu.memory_space<vmem>>, vector<16xi32>,
    %dma_start3A = arith.constant 0 : i32
    %dma_start3A_193 = arith.constant 0 : i32
    %dma_start3A_194 = tpu.memref_slice %arg14[%dma_start3A, %dma_start3A_193] : memref<5x128xi32, #tpu.memory_space<vmem>> -> memref<1x128xi32, #tpu.memory_space<vmem>>
    %dma_start3A_195 = tpu.memref_squeeze %dma_start3A_194 : memref<1x128xi32, #tpu.memory_space<vmem>> -> memref<128xi32, #tpu.memory_space<vmem>>
    %dma_start3A_196 = arith.constant 0 : i32
    %dma_start3A_197 = arith.constant 0 : i32
    %dma_start3A_198 = tpu.memref_slice %arg6[%arg0, %dma_start3A_196, %dma_start3A_197] : memref<2x10000x64xf32, #tpu.memory_space<hbm>> -> memref<1x10000x64xf32, #tpu.memory_space<hbm>>
    %dma_start3A_199 = tpu.memref_squeeze %dma_start3A_198 : memref<1x10000x64xf32, #tpu.memory_space<hbm>> -> memref<10000x64xf32, #tpu.memory_space<hbm>>
    %dma_start3A_200 = arith.constant 0 : i32
    %dma_start3A_201 = arith.constant 0 : i32
    %dma_start3A_202 = tpu.memref_slice %dma_start3A_199[%dma_start3A_200, %dma_start3A_201] : memref<10000x64xf32, #tpu.memory_space<hbm>> -> memref<10000x64xf32, #tpu.memory_space<hbm>>
    tpu.enqueue_indirect_dma source(%dma_start3A_202 : memref<10000x64xf32, #tpu.memory_space<hbm>>) target(%arg21 : memref<128x64xf32, #tpu.memory_space<vmem>>) offsets(%dma_start3A_195 : memref<128xi32, #tpu.memory_space<vmem>>) semaphore(%arg29 : memref<!tpu.dma_semaphore, #tpu.memory_space<semaphore_mem>>)
    %dma_start3A_203 = arith.constant 1 : i32
    %dma_start3A_204 = arith.constant 0 : i32
    %dma_start3A_205 = tpu.memref_slice %arg14[%dma_start3A_203, %dma_start3A_204] : memref<5x128xi32, #tpu.memory_space<vmem>> -> memref<1x128xi32, #tpu.memory_space<vmem>>
    %dma_start3A_206 = tpu.memref_squeeze %dma_start3A_205 : memref<1x128xi32, #tpu.memory_space<vmem>> -> memref<128xi32, #tpu.memory_space<vmem>>
    %dma_start3A_207 = arith.constant 0 : i32
    %dma_start3A_208 = arith.constant 0 : i32
    %dma_start3A_209 = tpu.memref_slice %arg6[%arg0, %dma_start3A_207, %dma_start3A_208] : memref<2x10000x64xf32, #tpu.memory_space<hbm>> -> memref<1x10000x64xf32, #tpu.memory_space<hbm>>
    %dma_start3A_210 = tpu.memref_squeeze %dma_start3A_209 : memref<1x10000x64xf32, #tpu.memory_space<hbm>> -> memref<10000x64xf32, #tpu.memory_space<hbm>>
    %dma_start3A_211 = arith.constant 0 : i32
    %dma_start3A_212 = arith.constant 0 : i32
    %dma_start3A_213 = tpu.memref_slice %dma_start3A_210[%dma_start3A_211, %dma_start3A_212] : memref<10000x64xf32, #tpu.memory_space<hbm>> -> memref<10000x64xf32, #tpu.memory_space<hbm>>
    tpu.enqueue_indirect_dma source(%dma_start3A_213 : memref<10000x64xf32, #tpu.memory_space<hbm>>) target(%arg22 : memref<128x64xf32, #tpu.memory_space<vmem>>) offsets(%dma_start3A_206 : memref<128xi32, #tpu.memory_space<vmem>>) semaphore(%arg30 : memref<!tpu.dma_semaphore, #tpu.memory_space<semaphore_mem>>)
    %dma_start3A_214 = arith.constant 2 : i32
    %dma_start3A_215 = arith.constant 0 : i32
    %dma_start3A_216 = tpu.memref_slice %arg14[%dma_start3A_214, %dma_start3A_215] : memref<5x128xi32, #tpu.memory_space<vmem>> -> memref<1x128xi32, #tpu.memory_space<vmem>>
    %dma_start3A_217 = tpu.memref_squeeze %dma_start3A_216 : memref<1x128xi32, #tpu.memory_space<vmem>> -> memref<128xi32, #tpu.memory_space<vmem>>
    %dma_start3A_218 = arith.constant 0 : i32
    %dma_start3A_219 = arith.constant 0 : i32
    %dma_start3A_220 = tpu.memref_slice %arg6[%arg0, %dma_start3A_218, %dma_start3A_219] : memref<2x10000x64xf32, #tpu.memory_space<hbm>> -> memref<1x10000x64xf32, #tpu.memory_space<hbm>>
    %dma_start3A_221 = tpu.memref_squeeze %dma_start3A_220 : memref<1x10000x64xf32, #tpu.memory_space<hbm>> -> memref<10000x64xf32, #tpu.memory_space<hbm>>
    %dma_start3A_222 = arith.constant 0 : i32
    %dma_start3A_223 = arith.constant 0 : i32
    %dma_start3A_224 = tpu.memref_slice %dma_start3A_221[%dma_start3A_222, %dma_start3A_223] : memref<10000x64xf32, #tpu.memory_space<hbm>> -> memref<10000x64xf32, #tpu.memory_space<hbm>>
    tpu.enqueue_indirect_dma source(%dma_start3A_224 : memref<10000x64xf32, #tpu.memory_space<hbm>>) target(%arg23 : memref<128x64xf32, #tpu.memory_space<vmem>>) offsets(%dma_start3A_217 : memref<128xi32, #tpu.memory_space<vmem>>) semaphore(%arg31 : memref<!tpu.dma_semaphore, #tpu.memory_space<semaphore_mem>>)
    "tpu.region"() ({
      %run_scoped3A = tpu.sem_alloc : memref<!tpu.dma_semaphore, #tpu.memory_space<semaphore_mem>>
      tpu.enqueue_dma source(%arg2 : memref<10000xf32, #tpu.memory_space<hbm>>) target(%arg10 : memref<10000xf32, #tpu.memory_space<vmem>>) target_semaphore(%run_scoped3A : memref<!tpu.dma_semaphore, #tpu.memory_space<semaphore_mem>>)
      tpu.wait_dma2 semaphore(%run_scoped3A : memref<!tpu.dma_semaphore, #tpu.memory_space<semaphore_mem>>) src(%arg2 : memref<10000xf32, #tpu.memory_space<hbm>>) dst(%arg10 : memref<10000xf32, #tpu.memory_space<vmem>>)
      tpu.yield
    }) : () -> ()
    "tpu.region"() ({
      %run_scoped3A = tpu.sem_alloc : memref<!tpu.dma_semaphore, #tpu.memory_space<semaphore_mem>>
      tpu.enqueue_dma source(%arg3 : memref<10000xf32, #tpu.memory_space<hbm>>) target(%arg11 : memref<10000xf32, #tpu.memory_space<vmem>>) target_semaphore(%run_scoped3A : memref<!tpu.dma_semaphore, #tpu.memory_space<semaphore_mem>>)
      tpu.wait_dma2 semaphore(%run_scoped3A : memref<!tpu.dma_semaphore, #tpu.memory_space<semaphore_mem>>) src(%arg3 : memref<10000xf32, #tpu.memory_space<hbm>>) dst(%arg11 : memref<10000xf32, #tpu.memory_space<vmem>>)
      tpu.yield
    }) : () -> ()
    %broadcast_in_dim3A = arith.constant 0.000000e+00 : f32
    %broadcast_in_dim3A_225 = vector.broadcast %broadcast_in_dim3A : f32 to vector<16xf32>
    %scan3A = arith.constant 0 : i32
    %scan3A_226 = arith.constant 0 : i32
    %scan3A_227 = arith.constant 128 : i32
    %scan3A_228 = arith.addi %scan3A_226, %scan3A_227 : i32
    %scan3A_229 = arith.constant 1 : i32
    scf.for %scan3A_328 = %scan3A_226 to %scan3A_228 step %scan3A_229  : i32 {
      %swap3A_329 = arith.index_cast %scan3A_328 : i32 to index
      %swap3A_330 = arith.constant 0 : index
      %swap3A_331 = tpu.vector_load %arg24[%swap3A_329, %swap3A_330] {strides = array<i32>} : memref<128x64xf32, #tpu.memory_space<vmem>>, vector<16xf32>,
      tpu.vector_store %arg24[%swap3A_329, %swap3A_330], %broadcast_in_dim3A_225 {strides = array<i32>} : memref<128x64xf32, #tpu.memory_space<vmem>>, vector<16xf32>,
      %swap3A_332 = arith.index_cast %scan3A_328 : i32 to index
      %swap3A_333 = arith.constant 16 : index
      %swap3A_334 = tpu.vector_load %arg24[%swap3A_332, %swap3A_333] {strides = array<i32>} : memref<128x64xf32, #tpu.memory_space<vmem>>, vector<16xf32>,
      tpu.vector_store %arg24[%swap3A_332, %swap3A_333], %broadcast_in_dim3A_225 {strides = array<i32>} : memref<128x64xf32, #tpu.memory_space<vmem>>, vector<16xf32>,
      %swap3A_335 = arith.index_cast %scan3A_328 : i32 to index
      %swap3A_336 = arith.constant 32 : index
      %swap3A_337 = tpu.vector_load %arg24[%swap3A_335, %swap3A_336] {strides = array<i32>} : memref<128x64xf32, #tpu.memory_space<vmem>>, vector<16xf32>,
      tpu.vector_store %arg24[%swap3A_335, %swap3A_336], %broadcast_in_dim3A_225 {strides = array<i32>} : memref<128x64xf32, #tpu.memory_space<vmem>>, vector<16xf32>,
      %swap3A_338 = arith.index_cast %scan3A_328 : i32 to index
      %swap3A_339 = arith.constant 48 : index
      %swap3A_340 = tpu.vector_load %arg24[%swap3A_338, %swap3A_339] {strides = array<i32>} : memref<128x64xf32, #tpu.memory_space<vmem>>, vector<16xf32>,
      tpu.vector_store %arg24[%swap3A_338, %swap3A_339], %broadcast_in_dim3A_225 {strides = array<i32>} : memref<128x64xf32, #tpu.memory_space<vmem>>, vector<16xf32>,
    }
    %scan3A_230 = arith.constant 128 : i32
    %scan3A_231 = arith.constant 0 : i32
    %scan3A_232 = arith.constant 0 : i32
    %scan3A_233 = arith.constant 40 : i32
    %scan3A_234 = arith.addi %scan3A_232, %scan3A_233 : i32
    %scan3A_235 = arith.constant 1 : i32
    scf.for %scan3A_328 = %scan3A_232 to %scan3A_234 step %scan3A_235  : i32 {
      %mul3A_329 = arith.constant 16 : i32
      %mul3A_330 = arith.muli %scan3A_328, %mul3A_329 : i32
      %swap3A_331 = arith.index_cast %mul3A_330 : i32 to index
      %swap3A_332 = tpu.vector_load %arg26[%swap3A_331] {strides = array<i32>} : memref<640xf32, #tpu.memory_space<vmem>>, vector<16xf32>,
      tpu.vector_store %arg26[%swap3A_331], %broadcast_in_dim3A_225 {strides = array<i32>} : memref<640xf32, #tpu.memory_space<vmem>>, vector<16xf32>,
    }
    %scan3A_236 = arith.constant 40 : i32
    %mul3A_237 = arith.constant 640 : i32
    %mul3A_238 = arith.muli %arg1, %mul3A_237 : i32
    %add3A = arith.constant 0 : i32
    %add3A_239 = arith.addi %mul3A_238, %add3A : i32
    "tpu.region"() ({
      %run_scoped3A = tpu.sem_alloc : memref<!tpu.dma_semaphore, #tpu.memory_space<semaphore_mem>>
      %dma_start3A_328 = arith.constant 0 : i32
      %dma_start3A_329 = tpu.memref_slice %arg27[%add3A_239, %dma_start3A_328] : memref<10240x64xf32, #tpu.memory_space<vmem_shared>> -> memref<128x64xf32, #tpu.memory_space<vmem_shared>>
      %dma_start3A_330 = arith.constant 0 : i32
      %dma_start3A_331 = tpu.memref_slice %arg27[%add3A_239, %dma_start3A_330] : memref<10240x64xf32, #tpu.memory_space<vmem_shared>> -> memref<128x64xf32, #tpu.memory_space<vmem_shared>>
      tpu.enqueue_dma source(%arg24 : memref<128x64xf32, #tpu.memory_space<vmem>>) target(%dma_start3A_331 : memref<128x64xf32, #tpu.memory_space<vmem_shared>>) target_semaphore(%run_scoped3A : memref<!tpu.dma_semaphore, #tpu.memory_space<semaphore_mem>>)
      %dma_wait3A_332 = arith.constant 0 : i32
      %dma_wait3A_333 = tpu.memref_slice %arg27[%add3A_239, %dma_wait3A_332] : memref<10240x64xf32, #tpu.memory_space<vmem_shared>> -> memref<128x64xf32, #tpu.memory_space<vmem_shared>>
      %dma_wait3A_334 = arith.constant 0 : i32
      %dma_wait3A_335 = tpu.memref_slice %arg27[%add3A_239, %dma_wait3A_334] : memref<10240x64xf32, #tpu.memory_space<vmem_shared>> -> memref<128x64xf32, #tpu.memory_space<vmem_shared>>
      tpu.wait_dma2 semaphore(%run_scoped3A : memref<!tpu.dma_semaphore, #tpu.memory_space<semaphore_mem>>) src(%arg24 : memref<128x64xf32, #tpu.memory_space<vmem>>) dst(%dma_wait3A_335 : memref<128x64xf32, #tpu.memory_space<vmem_shared>>)
      tpu.yield
    }) : () -> ()
    %add3A_240 = arith.constant 128 : i32
    %add3A_241 = arith.addi %mul3A_238, %add3A_240 : i32
    "tpu.region"() ({
      %run_scoped3A = tpu.sem_alloc : memref<!tpu.dma_semaphore, #tpu.memory_space<semaphore_mem>>
      %dma_start3A_328 = arith.constant 0 : i32
      %dma_start3A_329 = tpu.memref_slice %arg27[%add3A_241, %dma_start3A_328] : memref<10240x64xf32, #tpu.memory_space<vmem_shared>> -> memref<128x64xf32, #tpu.memory_space<vmem_shared>>
      %dma_start3A_330 = arith.constant 0 : i32
      %dma_start3A_331 = tpu.memref_slice %arg27[%add3A_241, %dma_start3A_330] : memref<10240x64xf32, #tpu.memory_space<vmem_shared>> -> memref<128x64xf32, #tpu.memory_space<vmem_shared>>
      tpu.enqueue_dma source(%arg24 : memref<128x64xf32, #tpu.memory_space<vmem>>) target(%dma_start3A_331 : memref<128x64xf32, #tpu.memory_space<vmem_shared>>) target_semaphore(%run_scoped3A : memref<!tpu.dma_semaphore, #tpu.memory_space<semaphore_mem>>)
      %dma_wait3A_332 = arith.constant 0 : i32
      %dma_wait3A_333 = tpu.memref_slice %arg27[%add3A_241, %dma_wait3A_332] : memref<10240x64xf32, #tpu.memory_space<vmem_shared>> -> memref<128x64xf32, #tpu.memory_space<vmem_shared>>
      %dma_wait3A_334 = arith.constant 0 : i32
      %dma_wait3A_335 = tpu.memref_slice %arg27[%add3A_241, %dma_wait3A_334] : memref<10240x64xf32, #tpu.memory_space<vmem_shared>> -> memref<128x64xf32, #tpu.memory_space<vmem_shared>>
      tpu.wait_dma2 semaphore(%run_scoped3A : memref<!tpu.dma_semaphore, #tpu.memory_space<semaphore_mem>>) src(%arg24 : memref<128x64xf32, #tpu.memory_space<vmem>>) dst(%dma_wait3A_335 : memref<128x64xf32, #tpu.memory_space<vmem_shared>>)
      tpu.yield
    }) : () -> ()
    %add3A_242 = arith.constant 256 : i32
    %add3A_243 = arith.addi %mul3A_238, %add3A_242 : i32
    "tpu.region"() ({
      %run_scoped3A = tpu.sem_alloc : memref<!tpu.dma_semaphore, #tpu.memory_space<semaphore_mem>>
      %dma_start3A_328 = arith.constant 0 : i32
      %dma_start3A_329 = tpu.memref_slice %arg27[%add3A_243, %dma_start3A_328] : memref<10240x64xf32, #tpu.memory_space<vmem_shared>> -> memref<128x64xf32, #tpu.memory_space<vmem_shared>>
      %dma_start3A_330 = arith.constant 0 : i32
      %dma_start3A_331 = tpu.memref_slice %arg27[%add3A_243, %dma_start3A_330] : memref<10240x64xf32, #tpu.memory_space<vmem_shared>> -> memref<128x64xf32, #tpu.memory_space<vmem_shared>>
      tpu.enqueue_dma source(%arg24 : memref<128x64xf32, #tpu.memory_space<vmem>>) target(%dma_start3A_331 : memref<128x64xf32, #tpu.memory_space<vmem_shared>>) target_semaphore(%run_scoped3A : memref<!tpu.dma_semaphore, #tpu.memory_space<semaphore_mem>>)
      %dma_wait3A_332 = arith.constant 0 : i32
      %dma_wait3A_333 = tpu.memref_slice %arg27[%add3A_243, %dma_wait3A_332] : memref<10240x64xf32, #tpu.memory_space<vmem_shared>> -> memref<128x64xf32, #tpu.memory_space<vmem_shared>>
      %dma_wait3A_334 = arith.constant 0 : i32
      %dma_wait3A_335 = tpu.memref_slice %arg27[%add3A_243, %dma_wait3A_334] : memref<10240x64xf32, #tpu.memory_space<vmem_shared>> -> memref<128x64xf32, #tpu.memory_space<vmem_shared>>
      tpu.wait_dma2 semaphore(%run_scoped3A : memref<!tpu.dma_semaphore, #tpu.memory_space<semaphore_mem>>) src(%arg24 : memref<128x64xf32, #tpu.memory_space<vmem>>) dst(%dma_wait3A_335 : memref<128x64xf32, #tpu.memory_space<vmem_shared>>)
      tpu.yield
    }) : () -> ()
    %add3A_244 = arith.constant 384 : i32
    %add3A_245 = arith.addi %mul3A_238, %add3A_244 : i32
    "tpu.region"() ({
      %run_scoped3A = tpu.sem_alloc : memref<!tpu.dma_semaphore, #tpu.memory_space<semaphore_mem>>
      %dma_start3A_328 = arith.constant 0 : i32
      %dma_start3A_329 = tpu.memref_slice %arg27[%add3A_245, %dma_start3A_328] : memref<10240x64xf32, #tpu.memory_space<vmem_shared>> -> memref<128x64xf32, #tpu.memory_space<vmem_shared>>
      %dma_start3A_330 = arith.constant 0 : i32
      %dma_start3A_331 = tpu.memref_slice %arg27[%add3A_245, %dma_start3A_330] : memref<10240x64xf32, #tpu.memory_space<vmem_shared>> -> memref<128x64xf32, #tpu.memory_space<vmem_shared>>
      tpu.enqueue_dma source(%arg24 : memref<128x64xf32, #tpu.memory_space<vmem>>) target(%dma_start3A_331 : memref<128x64xf32, #tpu.memory_space<vmem_shared>>) target_semaphore(%run_scoped3A : memref<!tpu.dma_semaphore, #tpu.memory_space<semaphore_mem>>)
      %dma_wait3A_332 = arith.constant 0 : i32
      %dma_wait3A_333 = tpu.memref_slice %arg27[%add3A_245, %dma_wait3A_332] : memref<10240x64xf32, #tpu.memory_space<vmem_shared>> -> memref<128x64xf32, #tpu.memory_space<vmem_shared>>
      %dma_wait3A_334 = arith.constant 0 : i32
      %dma_wait3A_335 = tpu.memref_slice %arg27[%add3A_245, %dma_wait3A_334] : memref<10240x64xf32, #tpu.memory_space<vmem_shared>> -> memref<128x64xf32, #tpu.memory_space<vmem_shared>>
      tpu.wait_dma2 semaphore(%run_scoped3A : memref<!tpu.dma_semaphore, #tpu.memory_space<semaphore_mem>>) src(%arg24 : memref<128x64xf32, #tpu.memory_space<vmem>>) dst(%dma_wait3A_335 : memref<128x64xf32, #tpu.memory_space<vmem_shared>>)
      tpu.yield
    }) : () -> ()
    %add3A_246 = arith.constant 512 : i32
    %add3A_247 = arith.addi %mul3A_238, %add3A_246 : i32
    "tpu.region"() ({
      %run_scoped3A = tpu.sem_alloc : memref<!tpu.dma_semaphore, #tpu.memory_space<semaphore_mem>>
      %dma_start3A_328 = arith.constant 0 : i32
      %dma_start3A_329 = tpu.memref_slice %arg27[%add3A_247, %dma_start3A_328] : memref<10240x64xf32, #tpu.memory_space<vmem_shared>> -> memref<128x64xf32, #tpu.memory_space<vmem_shared>>
      %dma_start3A_330 = arith.constant 0 : i32
      %dma_start3A_331 = tpu.memref_slice %arg27[%add3A_247, %dma_start3A_330] : memref<10240x64xf32, #tpu.memory_space<vmem_shared>> -> memref<128x64xf32, #tpu.memory_space<vmem_shared>>
      tpu.enqueue_dma source(%arg24 : memref<128x64xf32, #tpu.memory_space<vmem>>) target(%dma_start3A_331 : memref<128x64xf32, #tpu.memory_space<vmem_shared>>) target_semaphore(%run_scoped3A : memref<!tpu.dma_semaphore, #tpu.memory_space<semaphore_mem>>)
      %dma_wait3A_332 = arith.constant 0 : i32
      %dma_wait3A_333 = tpu.memref_slice %arg27[%add3A_247, %dma_wait3A_332] : memref<10240x64xf32, #tpu.memory_space<vmem_shared>> -> memref<128x64xf32, #tpu.memory_space<vmem_shared>>
      %dma_wait3A_334 = arith.constant 0 : i32
      %dma_wait3A_335 = tpu.memref_slice %arg27[%add3A_247, %dma_wait3A_334] : memref<10240x64xf32, #tpu.memory_space<vmem_shared>> -> memref<128x64xf32, #tpu.memory_space<vmem_shared>>
      tpu.wait_dma2 semaphore(%run_scoped3A : memref<!tpu.dma_semaphore, #tpu.memory_space<semaphore_mem>>) src(%arg24 : memref<128x64xf32, #tpu.memory_space<vmem>>) dst(%dma_wait3A_335 : memref<128x64xf32, #tpu.memory_space<vmem_shared>>)
      tpu.yield
    }) : () -> ()
    %mul3A_248 = arith.constant 640 : i32
    %mul3A_249 = arith.muli %arg1, %mul3A_248 : i32
    "tpu.region"() ({
      %run_scoped3A = tpu.sem_alloc : memref<!tpu.dma_semaphore, #tpu.memory_space<semaphore_mem>>
      %dma_start3A_328 = tpu.memref_slice %arg28[%mul3A_249] : memref<10240xf32, #tpu.memory_space<vmem_shared>> -> memref<640xf32, #tpu.memory_space<vmem_shared>>
      %dma_start3A_329 = tpu.memref_slice %arg28[%mul3A_249] : memref<10240xf32, #tpu.memory_space<vmem_shared>> -> memref<640xf32, #tpu.memory_space<vmem_shared>>
      tpu.enqueue_dma source(%arg26 : memref<640xf32, #tpu.memory_space<vmem>>) target(%dma_start3A_329 : memref<640xf32, #tpu.memory_space<vmem_shared>>) target_semaphore(%run_scoped3A : memref<!tpu.dma_semaphore, #tpu.memory_space<semaphore_mem>>)
      %dma_wait3A_330 = tpu.memref_slice %arg28[%mul3A_249] : memref<10240xf32, #tpu.memory_space<vmem_shared>> -> memref<640xf32, #tpu.memory_space<vmem_shared>>
      %dma_wait3A_331 = tpu.memref_slice %arg28[%mul3A_249] : memref<10240xf32, #tpu.memory_space<vmem_shared>> -> memref<640xf32, #tpu.memory_space<vmem_shared>>
      tpu.wait_dma2 semaphore(%run_scoped3A : memref<!tpu.dma_semaphore, #tpu.memory_space<semaphore_mem>>) src(%arg26 : memref<640xf32, #tpu.memory_space<vmem>>) dst(%dma_wait3A_331 : memref<640xf32, #tpu.memory_space<vmem_shared>>)
      tpu.yield
    }) : () -> ()
    %barrier3A = arith.constant 0 : index
    tpu.barrier barrier_id(%barrier3A)
    %scan3A_250 = arith.constant 0 : i32
    %scan3A_251 = arith.constant 0 : i32
    %scan3A_252 = arith.constant 32 : i32
    %scan3A_253 = arith.addi %scan3A_251, %scan3A_252 : i32
    %scan3A_254 = arith.constant 1 : i32
    scf.for %scan3A_328 = %scan3A_251 to %scan3A_253 step %scan3A_254  : i32 {
      %eq3A_329 = arith.constant 16 : i32
      %eq3A_330 = arith.cmpi eq, %scan3A_328, %eq3A_329 : i32
      %convert_element_type3A_331 = arith.extui %eq3A_330 : i1 to i32
      %cond3A_332 = arith.constant 0 : i32
      %cond3A_333 = arith.cmpi ne, %convert_element_type3A_331, %cond3A_332 : i32
      scf.if %cond3A_333 {
        %dma_wait3A_1212 = arith.constant 0 : i32
        %dma_wait3A_1213 = arith.constant 0 : i32
        %dma_wait3A_1214 = tpu.memref_slice %arg15[%dma_wait3A_1212, %dma_wait3A_1213] : memref<5x128xi32, #tpu.memory_space<vmem>> -> memref<1x128xi32, #tpu.memory_space<vmem>>
        %dma_wait3A_1215 = tpu.memref_squeeze %dma_wait3A_1214 : memref<1x128xi32, #tpu.memory_space<vmem>> -> memref<128xi32, #tpu.memory_space<vmem>>
        %dma_wait3A_1216 = arith.constant 0 : i32
        %dma_wait3A_1217 = arith.constant 0 : i32
        %dma_wait3A_1218 = tpu.memref_slice %arg27[%dma_wait3A_1216, %dma_wait3A_1217] : memref<10240x64xf32, #tpu.memory_space<vmem_shared>> -> memref<10240x64xf32, #tpu.memory_space<vmem_shared>>
        tpu.wait_indirect_dma semaphore(%arg34 : memref<!tpu.dma_semaphore, #tpu.memory_space<semaphore_mem>>) src(%arg21 : memref<128x64xf32, #tpu.memory_space<vmem>>) dst(%dma_wait3A_1218 : memref<10240x64xf32, #tpu.memory_space<vmem_shared>>)
        %dma_wait3A_1219 = arith.constant 0 : i32
        %dma_wait3A_1220 = arith.constant 0 : i32
        %dma_wait3A_1221 = tpu.memref_slice %arg15[%dma_wait3A_1219, %dma_wait3A_1220] : memref<5x128xi32, #tpu.memory_space<vmem>> -> memref<1x128xi32, #tpu.memory_space<vmem>>
        %dma_wait3A_1222 = tpu.memref_squeeze %dma_wait3A_1221 : memref<1x128xi32, #tpu.memory_space<vmem>> -> memref<128xi32, #tpu.memory_space<vmem>>
        %dma_wait3A_1223 = arith.constant 0 : i32
        %dma_wait3A_1224 = arith.constant 0 : i32
        %dma_wait3A_1225 = tpu.memref_slice %arg27[%dma_wait3A_1223, %dma_wait3A_1224] : memref<10240x64xf32, #tpu.memory_space<vmem_shared>> -> memref<10240x64xf32, #tpu.memory_space<vmem_shared>>
        tpu.wait_indirect_dma semaphore(%arg35 : memref<!tpu.dma_semaphore, #tpu.memory_space<semaphore_mem>>) src(%arg22 : memref<128x64xf32, #tpu.memory_space<vmem>>) dst(%dma_wait3A_1225 : memref<10240x64xf32, #tpu.memory_space<vmem_shared>>)
        %dma_wait3A_1226 = arith.constant 0 : i32
        %dma_wait3A_1227 = arith.constant 0 : i32
        %dma_wait3A_1228 = tpu.memref_slice %arg15[%dma_wait3A_1226, %dma_wait3A_1227] : memref<5x128xi32, #tpu.memory_space<vmem>> -> memref<1x128xi32, #tpu.memory_space<vmem>>
        %dma_wait3A_1229 = tpu.memref_squeeze %dma_wait3A_1228 : memref<1x128xi32, #tpu.memory_space<vmem>> -> memref<128xi32, #tpu.memory_space<vmem>>
        %dma_wait3A_1230 = arith.constant 0 : i32
        %dma_wait3A_1231 = arith.constant 0 : i32
        %dma_wait3A_1232 = tpu.memref_slice %arg27[%dma_wait3A_1230, %dma_wait3A_1231] : memref<10240x64xf32, #tpu.memory_space<vmem_shared>> -> memref<10240x64xf32, #tpu.memory_space<vmem_shared>>
        tpu.wait_indirect_dma semaphore(%arg36 : memref<!tpu.dma_semaphore, #tpu.memory_space<semaphore_mem>>) src(%arg23 : memref<128x64xf32, #tpu.memory_space<vmem>>) dst(%dma_wait3A_1232 : memref<10240x64xf32, #tpu.memory_space<vmem_shared>>)
        %mul3A_1233 = arith.constant 160 : i32
        %mul3A_1234 = arith.muli %arg1, %mul3A_1233 : i32
        %add3A_1235 = arith.constant 80 : i32
        %add3A_1236 = arith.addi %mul3A_1234, %add3A_1235 : i32
        "tpu.region"() ({
          %run_scoped3A = tpu.sem_alloc : memref<!tpu.dma_semaphore, #tpu.memory_space<semaphore_mem>>
          %dma_start3A_1466 = arith.constant 0 : i32
          %dma_start3A_1467 = tpu.memref_slice %arg4[%add3A_1236, %dma_start3A_1466] : memref<2560x128xi32, #tpu.memory_space<hbm>> -> memref<80x128xi32, #tpu.memory_space<hbm>>
          %dma_start3A_1468 = arith.constant 0 : i32
          %dma_start3A_1469 = tpu.memref_slice %arg4[%add3A_1236, %dma_start3A_1468] : memref<2560x128xi32, #tpu.memory_space<hbm>> -> memref<80x128xi32, #tpu.memory_space<hbm>>
          tpu.enqueue_dma source(%dma_start3A_1469 : memref<80x128xi32, #tpu.memory_space<hbm>>) target(%arg12 : memref<80x128xi32, #tpu.memory_space<vmem>>) target_semaphore(%run_scoped3A : memref<!tpu.dma_semaphore, #tpu.memory_space<semaphore_mem>>)
          %dma_wait3A_1470 = arith.constant 0 : i32
          %dma_wait3A_1471 = tpu.memref_slice %arg4[%add3A_1236, %dma_wait3A_1470] : memref<2560x128xi32, #tpu.memory_space<hbm>> -> memref<80x128xi32, #tpu.memory_space<hbm>>
          %dma_wait3A_1472 = arith.constant 0 : i32
          %dma_wait3A_1473 = tpu.memref_slice %arg4[%add3A_1236, %dma_wait3A_1472] : memref<2560x128xi32, #tpu.memory_space<hbm>> -> memref<80x128xi32, #tpu.memory_space<hbm>>
          tpu.wait_dma2 semaphore(%run_scoped3A : memref<!tpu.dma_semaphore, #tpu.memory_space<semaphore_mem>>) src(%dma_wait3A_1473 : memref<80x128xi32, #tpu.memory_space<hbm>>) dst(%arg12 : memref<80x128xi32, #tpu.memory_space<vmem>>)
          tpu.yield
        }) : () -> ()
        %mul3A_1237 = arith.constant 160 : i32
        %mul3A_1238 = arith.muli %arg1, %mul3A_1237 : i32
        %add3A_1239 = arith.constant 80 : i32
        %add3A_1240 = arith.addi %mul3A_1238, %add3A_1239 : i32
        "tpu.region"() ({
          %run_scoped3A = tpu.sem_alloc : memref<!tpu.dma_semaphore, #tpu.memory_space<semaphore_mem>>
          %dma_start3A_1466 = arith.constant 0 : i32
          %dma_start3A_1467 = tpu.memref_slice %arg5[%add3A_1240, %dma_start3A_1466] : memref<2560x128xi32, #tpu.memory_space<hbm>> -> memref<80x128xi32, #tpu.memory_space<hbm>>
          %dma_start3A_1468 = arith.constant 0 : i32
          %dma_start3A_1469 = tpu.memref_slice %arg5[%add3A_1240, %dma_start3A_1468] : memref<2560x128xi32, #tpu.memory_space<hbm>> -> memref<80x128xi32, #tpu.memory_space<hbm>>
          tpu.enqueue_dma source(%dma_start3A_1469 : memref<80x128xi32, #tpu.memory_space<hbm>>) target(%arg13 : memref<80x128xi32, #tpu.memory_space<vmem>>) target_semaphore(%run_scoped3A : memref<!tpu.dma_semaphore, #tpu.memory_space<semaphore_mem>>)
          %dma_wait3A_1470 = arith.constant 0 : i32
          %dma_wait3A_1471 = tpu.memref_slice %arg5[%add3A_1240, %dma_wait3A_1470] : memref<2560x128xi32, #tpu.memory_space<hbm>> -> memref<80x128xi32, #tpu.memory_space<hbm>>
          %dma_wait3A_1472 = arith.constant 0 : i32
          %dma_wait3A_1473 = tpu.memref_slice %arg5[%add3A_1240, %dma_wait3A_1472] : memref<2560x128xi32, #tpu.memory_space<hbm>> -> memref<80x128xi32, #tpu.memory_space<hbm>>
          tpu.wait_dma2 semaphore(%run_scoped3A : memref<!tpu.dma_semaphore, #tpu.memory_space<semaphore_mem>>) src(%dma_wait3A_1473 : memref<80x128xi32, #tpu.memory_space<hbm>>) dst(%arg13 : memref<80x128xi32, #tpu.memory_space<vmem>>)
          tpu.yield
        }) : () -> ()
        %get3A_1241 = arith.constant 0 : i32
        %get3A_1242 = arith.index_cast %get3A_1241 : i32 to index
        %get3A_1243 = arith.constant 0 : index
        %get3A_1244 = tpu.vector_load %arg12[%get3A_1242, %get3A_1243] {strides = array<i32>} : memref<80x128xi32, #tpu.memory_space<vmem>>, vector<16xi32>,
        %swap3A_1245 = arith.constant 0 : i32
        %swap3A_1246 = arith.index_cast %swap3A_1245 : i32 to index
        %swap3A_1247 = arith.constant 0 : index
        %swap3A_1248 = tpu.vector_load %arg14[%swap3A_1246, %swap3A_1247] {strides = array<i32>} : memref<5x128xi32, #tpu.memory_space<vmem>>, vector<16xi32>,
        tpu.vector_store %arg14[%swap3A_1246, %swap3A_1247], %get3A_1244 {strides = array<i32>} : memref<5x128xi32, #tpu.memory_space<vmem>>, vector<16xi32>,
        %get3A_1249 = arith.constant 0 : i32
        %get3A_1250 = arith.index_cast %get3A_1249 : i32 to index
        %get3A_1251 = arith.constant 16 : index
        %get3A_1252 = tpu.vector_load %arg12[%get3A_1250, %get3A_1251] {strides = array<i32>} : memref<80x128xi32, #tpu.memory_space<vmem>>, vector<16xi32>,
        %swap3A_1253 = arith.constant 0 : i32
        %swap3A_1254 = arith.index_cast %swap3A_1253 : i32 to index
        %swap3A_1255 = arith.constant 16 : index
        %swap3A_1256 = tpu.vector_load %arg14[%swap3A_1254, %swap3A_1255] {strides = array<i32>} : memref<5x128xi32, #tpu.memory_space<vmem>>, vector<16xi32>,
        tpu.vector_store %arg14[%swap3A_1254, %swap3A_1255], %get3A_1252 {strides = array<i32>} : memref<5x128xi32, #tpu.memory_space<vmem>>, vector<16xi32>,
        %get3A_1257 = arith.constant 0 : i32
        %get3A_1258 = arith.index_cast %get3A_1257 : i32 to index
        %get3A_1259 = arith.constant 32 : index
        %get3A_1260 = tpu.vector_load %arg12[%get3A_1258, %get3A_1259] {strides = array<i32>} : memref<80x128xi32, #tpu.memory_space<vmem>>, vector<16xi32>,
        %swap3A_1261 = arith.constant 0 : i32
        %swap3A_1262 = arith.index_cast %swap3A_1261 : i32 to index
        %swap3A_1263 = arith.constant 32 : index
        %swap3A_1264 = tpu.vector_load %arg14[%swap3A_1262, %swap3A_1263] {strides = array<i32>} : memref<5x128xi32, #tpu.memory_space<vmem>>, vector<16xi32>,
        tpu.vector_store %arg14[%swap3A_1262, %swap3A_1263], %get3A_1260 {strides = array<i32>} : memref<5x128xi32, #tpu.memory_space<vmem>>, vector<16xi32>,
        %get3A_1265 = arith.constant 0 : i32
        %get3A_1266 = arith.index_cast %get3A_1265 : i32 to index
        %get3A_1267 = arith.constant 48 : index
        %get3A_1268 = tpu.vector_load %arg12[%get3A_1266, %get3A_1267] {strides = array<i32>} : memref<80x128xi32, #tpu.memory_space<vmem>>, vector<16xi32>,
        %swap3A_1269 = arith.constant 0 : i32
        %swap3A_1270 = arith.index_cast %swap3A_1269 : i32 to index
        %swap3A_1271 = arith.constant 48 : index
        %swap3A_1272 = tpu.vector_load %arg14[%swap3A_1270, %swap3A_1271] {strides = array<i32>} : memref<5x128xi32, #tpu.memory_space<vmem>>, vector<16xi32>,
        tpu.vector_store %arg14[%swap3A_1270, %swap3A_1271], %get3A_1268 {strides = array<i32>} : memref<5x128xi32, #tpu.memory_space<vmem>>, vector<16xi32>,
        %get3A_1273 = arith.constant 0 : i32
        %get3A_1274 = arith.index_cast %get3A_1273 : i32 to index
        %get3A_1275 = arith.constant 64 : index
        %get3A_1276 = tpu.vector_load %arg12[%get3A_1274, %get3A_1275] {strides = array<i32>} : memref<80x128xi32, #tpu.memory_space<vmem>>, vector<16xi32>,
        %swap3A_1277 = arith.constant 0 : i32
        %swap3A_1278 = arith.index_cast %swap3A_1277 : i32 to index
        %swap3A_1279 = arith.constant 64 : index
        %swap3A_1280 = tpu.vector_load %arg14[%swap3A_1278, %swap3A_1279] {strides = array<i32>} : memref<5x128xi32, #tpu.memory_space<vmem>>, vector<16xi32>,
        tpu.vector_store %arg14[%swap3A_1278, %swap3A_1279], %get3A_1276 {strides = array<i32>} : memref<5x128xi32, #tpu.memory_space<vmem>>, vector<16xi32>,
        %get3A_1281 = arith.constant 0 : i32
        %get3A_1282 = arith.index_cast %get3A_1281 : i32 to index
        %get3A_1283 = arith.constant 80 : index
        %get3A_1284 = tpu.vector_load %arg12[%get3A_1282, %get3A_1283] {strides = array<i32>} : memref<80x128xi32, #tpu.memory_space<vmem>>, vector<16xi32>,
        %swap3A_1285 = arith.constant 0 : i32
        %swap3A_1286 = arith.index_cast %swap3A_1285 : i32 to index
        %swap3A_1287 = arith.constant 80 : index
        %swap3A_1288 = tpu.vector_load %arg14[%swap3A_1286, %swap3A_1287] {strides = array<i32>} : memref<5x128xi32, #tpu.memory_space<vmem>>, vector<16xi32>,
        tpu.vector_store %arg14[%swap3A_1286, %swap3A_1287], %get3A_1284 {strides = array<i32>} : memref<5x128xi32, #tpu.memory_space<vmem>>, vector<16xi32>,
        %get3A_1289 = arith.constant 0 : i32
        %get3A_1290 = arith.index_cast %get3A_1289 : i32 to index
        %get3A_1291 = arith.constant 96 : index
        %get3A_1292 = tpu.vector_load %arg12[%get3A_1290, %get3A_1291] {strides = array<i32>} : memref<80x128xi32, #tpu.memory_space<vmem>>, vector<16xi32>,
        %swap3A_1293 = arith.constant 0 : i32
        %swap3A_1294 = arith.index_cast %swap3A_1293 : i32 to index
        %swap3A_1295 = arith.constant 96 : index
        %swap3A_1296 = tpu.vector_load %arg14[%swap3A_1294, %swap3A_1295] {strides = array<i32>} : memref<5x128xi32, #tpu.memory_space<vmem>>, vector<16xi32>,
        tpu.vector_store %arg14[%swap3A_1294, %swap3A_1295], %get3A_1292 {strides = array<i32>} : memref<5x128xi32, #tpu.memory_space<vmem>>, vector<16xi32>,
        %get3A_1297 = arith.constant 0 : i32
        %get3A_1298 = arith.index_cast %get3A_1297 : i32 to index
        %get3A_1299 = arith.constant 112 : index
        %get3A_1300 = tpu.vector_load %arg12[%get3A_1298, %get3A_1299] {strides = array<i32>} : memref<80x128xi32, #tpu.memory_space<vmem>>, vector<16xi32>,
        %swap3A_1301 = arith.constant 0 : i32
        %swap3A_1302 = arith.index_cast %swap3A_1301 : i32 to index
        %swap3A_1303 = arith.constant 112 : index
        %swap3A_1304 = tpu.vector_load %arg14[%swap3A_1302, %swap3A_1303] {strides = array<i32>} : memref<5x128xi32, #tpu.memory_space<vmem>>, vector<16xi32>,
        tpu.vector_store %arg14[%swap3A_1302, %swap3A_1303], %get3A_1300 {strides = array<i32>} : memref<5x128xi32, #tpu.memory_space<vmem>>, vector<16xi32>,
        %get3A_1305 = arith.constant 1 : i32
        %get3A_1306 = arith.index_cast %get3A_1305 : i32 to index
        %get3A_1307 = arith.constant 0 : index
        %get3A_1308 = tpu.vector_load %arg12[%get3A_1306, %get3A_1307] {strides = array<i32>} : memref<80x128xi32, #tpu.memory_space<vmem>>, vector<16xi32>,
        %swap3A_1309 = arith.constant 1 : i32
        %swap3A_1310 = arith.index_cast %swap3A_1309 : i32 to index
        %swap3A_1311 = arith.constant 0 : index
        %swap3A_1312 = tpu.vector_load %arg14[%swap3A_1310, %swap3A_1311] {strides = array<i32>} : memref<5x128xi32, #tpu.memory_space<vmem>>, vector<16xi32>,
        tpu.vector_store %arg14[%swap3A_1310, %swap3A_1311], %get3A_1308 {strides = array<i32>} : memref<5x128xi32, #tpu.memory_space<vmem>>, vector<16xi32>,
        %get3A_1313 = arith.constant 1 : i32
        %get3A_1314 = arith.index_cast %get3A_1313 : i32 to index
        %get3A_1315 = arith.constant 16 : index
        %get3A_1316 = tpu.vector_load %arg12[%get3A_1314, %get3A_1315] {strides = array<i32>} : memref<80x128xi32, #tpu.memory_space<vmem>>, vector<16xi32>,
        %swap3A_1317 = arith.constant 1 : i32
        %swap3A_1318 = arith.index_cast %swap3A_1317 : i32 to index
        %swap3A_1319 = arith.constant 16 : index
        %swap3A_1320 = tpu.vector_load %arg14[%swap3A_1318, %swap3A_1319] {strides = array<i32>} : memref<5x128xi32, #tpu.memory_space<vmem>>, vector<16xi32>,
        tpu.vector_store %arg14[%swap3A_1318, %swap3A_1319], %get3A_1316 {strides = array<i32>} : memref<5x128xi32, #tpu.memory_space<vmem>>, vector<16xi32>,
        %get3A_1321 = arith.constant 1 : i32
        %get3A_1322 = arith.index_cast %get3A_1321 : i32 to index
        %get3A_1323 = arith.constant 32 : index
        %get3A_1324 = tpu.vector_load %arg12[%get3A_1322, %get3A_1323] {strides = array<i32>} : memref<80x128xi32, #tpu.memory_space<vmem>>, vector<16xi32>,
        %swap3A_1325 = arith.constant 1 : i32
        %swap3A_1326 = arith.index_cast %swap3A_1325 : i32 to index
        %swap3A_1327 = arith.constant 32 : index
        %swap3A_1328 = tpu.vector_load %arg14[%swap3A_1326, %swap3A_1327] {strides = array<i32>} : memref<5x128xi32, #tpu.memory_space<vmem>>, vector<16xi32>,
        tpu.vector_store %arg14[%swap3A_1326, %swap3A_1327], %get3A_1324 {strides = array<i32>} : memref<5x128xi32, #tpu.memory_space<vmem>>, vector<16xi32>,
        %get3A_1329 = arith.constant 1 : i32
        %get3A_1330 = arith.index_cast %get3A_1329 : i32 to index
        %get3A_1331 = arith.constant 48 : index
        %get3A_1332 = tpu.vector_load %arg12[%get3A_1330, %get3A_1331] {strides = array<i32>} : memref<80x128xi32, #tpu.memory_space<vmem>>, vector<16xi32>,
        %swap3A_1333 = arith.constant 1 : i32
        %swap3A_1334 = arith.index_cast %swap3A_1333 : i32 to index
        %swap3A_1335 = arith.constant 48 : index
        %swap3A_1336 = tpu.vector_load %arg14[%swap3A_1334, %swap3A_1335] {strides = array<i32>} : memref<5x128xi32, #tpu.memory_space<vmem>>, vector<16xi32>,
        tpu.vector_store %arg14[%swap3A_1334, %swap3A_1335], %get3A_1332 {strides = array<i32>} : memref<5x128xi32, #tpu.memory_space<vmem>>, vector<16xi32>,
        %get3A_1337 = arith.constant 1 : i32
        %get3A_1338 = arith.index_cast %get3A_1337 : i32 to index
        %get3A_1339 = arith.constant 64 : index
        %get3A_1340 = tpu.vector_load %arg12[%get3A_1338, %get3A_1339] {strides = array<i32>} : memref<80x128xi32, #tpu.memory_space<vmem>>, vector<16xi32>,
        %swap3A_1341 = arith.constant 1 : i32
        %swap3A_1342 = arith.index_cast %swap3A_1341 : i32 to index
        %swap3A_1343 = arith.constant 64 : index
        %swap3A_1344 = tpu.vector_load %arg14[%swap3A_1342, %swap3A_1343] {strides = array<i32>} : memref<5x128xi32, #tpu.memory_space<vmem>>, vector<16xi32>,
        tpu.vector_store %arg14[%swap3A_1342, %swap3A_1343], %get3A_1340 {strides = array<i32>} : memref<5x128xi32, #tpu.memory_space<vmem>>, vector<16xi32>,
        %get3A_1345 = arith.constant 1 : i32
        %get3A_1346 = arith.index_cast %get3A_1345 : i32 to index
        %get3A_1347 = arith.constant 80 : index
        %get3A_1348 = tpu.vector_load %arg12[%get3A_1346, %get3A_1347] {strides = array<i32>} : memref<80x128xi32, #tpu.memory_space<vmem>>, vector<16xi32>,
        %swap3A_1349 = arith.constant 1 : i32
        %swap3A_1350 = arith.index_cast %swap3A_1349 : i32 to index
        %swap3A_1351 = arith.constant 80 : index
        %swap3A_1352 = tpu.vector_load %arg14[%swap3A_1350, %swap3A_1351] {strides = array<i32>} : memref<5x128xi32, #tpu.memory_space<vmem>>, vector<16xi32>,
        tpu.vector_store %arg14[%swap3A_1350, %swap3A_1351], %get3A_1348 {strides = array<i32>} : memref<5x128xi32, #tpu.memory_space<vmem>>, vector<16xi32>,
        %get3A_1353 = arith.constant 1 : i32
        %get3A_1354 = arith.index_cast %get3A_1353 : i32 to index
        %get3A_1355 = arith.constant 96 : index
        %get3A_1356 = tpu.vector_load %arg12[%get3A_1354, %get3A_1355] {strides = array<i32>} : memref<80x128xi32, #tpu.memory_space<vmem>>, vector<16xi32>,
        %swap3A_1357 = arith.constant 1 : i32
        %swap3A_1358 = arith.index_cast %swap3A_1357 : i32 to index
        %swap3A_1359 = arith.constant 96 : index
        %swap3A_1360 = tpu.vector_load %arg14[%swap3A_1358, %swap3A_1359] {strides = array<i32>} : memref<5x128xi32, #tpu.memory_space<vmem>>, vector<16xi32>,
        tpu.vector_store %arg14[%swap3A_1358, %swap3A_1359], %get3A_1356 {strides = array<i32>} : memref<5x128xi32, #tpu.memory_space<vmem>>, vector<16xi32>,
        %get3A_1361 = arith.constant 1 : i32
        %get3A_1362 = arith.index_cast %get3A_1361 : i32 to index
        %get3A_1363 = arith.constant 112 : index
        %get3A_1364 = tpu.vector_load %arg12[%get3A_1362, %get3A_1363] {strides = array<i32>} : memref<80x128xi32, #tpu.memory_space<vmem>>, vector<16xi32>,
        %swap3A_1365 = arith.constant 1 : i32
        %swap3A_1366 = arith.index_cast %swap3A_1365 : i32 to index
        %swap3A_1367 = arith.constant 112 : index
        %swap3A_1368 = tpu.vector_load %arg14[%swap3A_1366, %swap3A_1367] {strides = array<i32>} : memref<5x128xi32, #tpu.memory_space<vmem>>, vector<16xi32>,
        tpu.vector_store %arg14[%swap3A_1366, %swap3A_1367], %get3A_1364 {strides = array<i32>} : memref<5x128xi32, #tpu.memory_space<vmem>>, vector<16xi32>,
        %get3A_1369 = arith.constant 2 : i32
        %get3A_1370 = arith.index_cast %get3A_1369 : i32 to index
        %get3A_1371 = arith.constant 0 : index
        %get3A_1372 = tpu.vector_load %arg12[%get3A_1370, %get3A_1371] {strides = array<i32>} : memref<80x128xi32, #tpu.memory_space<vmem>>, vector<16xi32>,
        %swap3A_1373 = arith.constant 2 : i32
        %swap3A_1374 = arith.index_cast %swap3A_1373 : i32 to index
        %swap3A_1375 = arith.constant 0 : index
        %swap3A_1376 = tpu.vector_load %arg14[%swap3A_1374, %swap3A_1375] {strides = array<i32>} : memref<5x128xi32, #tpu.memory_space<vmem>>, vector<16xi32>,
        tpu.vector_store %arg14[%swap3A_1374, %swap3A_1375], %get3A_1372 {strides = array<i32>} : memref<5x128xi32, #tpu.memory_space<vmem>>, vector<16xi32>,
        %get3A_1377 = arith.constant 2 : i32
        %get3A_1378 = arith.index_cast %get3A_1377 : i32 to index
        %get3A_1379 = arith.constant 16 : index
        %get3A_1380 = tpu.vector_load %arg12[%get3A_1378, %get3A_1379] {strides = array<i32>} : memref<80x128xi32, #tpu.memory_space<vmem>>, vector<16xi32>,
        %swap3A_1381 = arith.constant 2 : i32
        %swap3A_1382 = arith.index_cast %swap3A_1381 : i32 to index
        %swap3A_1383 = arith.constant 16 : index
        %swap3A_1384 = tpu.vector_load %arg14[%swap3A_1382, %swap3A_1383] {strides = array<i32>} : memref<5x128xi32, #tpu.memory_space<vmem>>, vector<16xi32>,
        tpu.vector_store %arg14[%swap3A_1382, %swap3A_1383], %get3A_1380 {strides = array<i32>} : memref<5x128xi32, #tpu.memory_space<vmem>>, vector<16xi32>,
        %get3A_1385 = arith.constant 2 : i32
        %get3A_1386 = arith.index_cast %get3A_1385 : i32 to index
        %get3A_1387 = arith.constant 32 : index
        %get3A_1388 = tpu.vector_load %arg12[%get3A_1386, %get3A_1387] {strides = array<i32>} : memref<80x128xi32, #tpu.memory_space<vmem>>, vector<16xi32>,
        %swap3A_1389 = arith.constant 2 : i32
        %swap3A_1390 = arith.index_cast %swap3A_1389 : i32 to index
        %swap3A_1391 = arith.constant 32 : index
        %swap3A_1392 = tpu.vector_load %arg14[%swap3A_1390, %swap3A_1391] {strides = array<i32>} : memref<5x128xi32, #tpu.memory_space<vmem>>, vector<16xi32>,
        tpu.vector_store %arg14[%swap3A_1390, %swap3A_1391], %get3A_1388 {strides = array<i32>} : memref<5x128xi32, #tpu.memory_space<vmem>>, vector<16xi32>,
        %get3A_1393 = arith.constant 2 : i32
        %get3A_1394 = arith.index_cast %get3A_1393 : i32 to index
        %get3A_1395 = arith.constant 48 : index
        %get3A_1396 = tpu.vector_load %arg12[%get3A_1394, %get3A_1395] {strides = array<i32>} : memref<80x128xi32, #tpu.memory_space<vmem>>, vector<16xi32>,
        %swap3A_1397 = arith.constant 2 : i32
        %swap3A_1398 = arith.index_cast %swap3A_1397 : i32 to index
        %swap3A_1399 = arith.constant 48 : index
        %swap3A_1400 = tpu.vector_load %arg14[%swap3A_1398, %swap3A_1399] {strides = array<i32>} : memref<5x128xi32, #tpu.memory_space<vmem>>, vector<16xi32>,
        tpu.vector_store %arg14[%swap3A_1398, %swap3A_1399], %get3A_1396 {strides = array<i32>} : memref<5x128xi32, #tpu.memory_space<vmem>>, vector<16xi32>,
        %get3A_1401 = arith.constant 2 : i32
        %get3A_1402 = arith.index_cast %get3A_1401 : i32 to index
        %get3A_1403 = arith.constant 64 : index
        %get3A_1404 = tpu.vector_load %arg12[%get3A_1402, %get3A_1403] {strides = array<i32>} : memref<80x128xi32, #tpu.memory_space<vmem>>, vector<16xi32>,
        %swap3A_1405 = arith.constant 2 : i32
        %swap3A_1406 = arith.index_cast %swap3A_1405 : i32 to index
        %swap3A_1407 = arith.constant 64 : index
        %swap3A_1408 = tpu.vector_load %arg14[%swap3A_1406, %swap3A_1407] {strides = array<i32>} : memref<5x128xi32, #tpu.memory_space<vmem>>, vector<16xi32>,
        tpu.vector_store %arg14[%swap3A_1406, %swap3A_1407], %get3A_1404 {strides = array<i32>} : memref<5x128xi32, #tpu.memory_space<vmem>>, vector<16xi32>,
        %get3A_1409 = arith.constant 2 : i32
        %get3A_1410 = arith.index_cast %get3A_1409 : i32 to index
        %get3A_1411 = arith.constant 80 : index
        %get3A_1412 = tpu.vector_load %arg12[%get3A_1410, %get3A_1411] {strides = array<i32>} : memref<80x128xi32, #tpu.memory_space<vmem>>, vector<16xi32>,
        %swap3A_1413 = arith.constant 2 : i32
        %swap3A_1414 = arith.index_cast %swap3A_1413 : i32 to index
        %swap3A_1415 = arith.constant 80 : index
        %swap3A_1416 = tpu.vector_load %arg14[%swap3A_1414, %swap3A_1415] {strides = array<i32>} : memref<5x128xi32, #tpu.memory_space<vmem>>, vector<16xi32>,
        tpu.vector_store %arg14[%swap3A_1414, %swap3A_1415], %get3A_1412 {strides = array<i32>} : memref<5x128xi32, #tpu.memory_space<vmem>>, vector<16xi32>,
        %get3A_1417 = arith.constant 2 : i32
        %get3A_1418 = arith.index_cast %get3A_1417 : i32 to index
        %get3A_1419 = arith.constant 96 : index
        %get3A_1420 = tpu.vector_load %arg12[%get3A_1418, %get3A_1419] {strides = array<i32>} : memref<80x128xi32, #tpu.memory_space<vmem>>, vector<16xi32>,
        %swap3A_1421 = arith.constant 2 : i32
        %swap3A_1422 = arith.index_cast %swap3A_1421 : i32 to index
        %swap3A_1423 = arith.constant 96 : index
        %swap3A_1424 = tpu.vector_load %arg14[%swap3A_1422, %swap3A_1423] {strides = array<i32>} : memref<5x128xi32, #tpu.memory_space<vmem>>, vector<16xi32>,
        tpu.vector_store %arg14[%swap3A_1422, %swap3A_1423], %get3A_1420 {strides = array<i32>} : memref<5x128xi32, #tpu.memory_space<vmem>>, vector<16xi32>,
        %get3A_1425 = arith.constant 2 : i32
        %get3A_1426 = arith.index_cast %get3A_1425 : i32 to index
        %get3A_1427 = arith.constant 112 : index
        %get3A_1428 = tpu.vector_load %arg12[%get3A_1426, %get3A_1427] {strides = array<i32>} : memref<80x128xi32, #tpu.memory_space<vmem>>, vector<16xi32>,
        %swap3A_1429 = arith.constant 2 : i32
        %swap3A_1430 = arith.index_cast %swap3A_1429 : i32 to index
        %swap3A_1431 = arith.constant 112 : index
        %swap3A_1432 = tpu.vector_load %arg14[%swap3A_1430, %swap3A_1431] {strides = array<i32>} : memref<5x128xi32, #tpu.memory_space<vmem>>, vector<16xi32>,
        tpu.vector_store %arg14[%swap3A_1430, %swap3A_1431], %get3A_1428 {strides = array<i32>} : memref<5x128xi32, #tpu.memory_space<vmem>>, vector<16xi32>,
        %dma_start3A_1433 = arith.constant 0 : i32
        %dma_start3A_1434 = arith.constant 0 : i32
        %dma_start3A_1435 = tpu.memref_slice %arg14[%dma_start3A_1433, %dma_start3A_1434] : memref<5x128xi32, #tpu.memory_space<vmem>> -> memref<1x128xi32, #tpu.memory_space<vmem>>
        %dma_start3A_1436 = tpu.memref_squeeze %dma_start3A_1435 : memref<1x128xi32, #tpu.memory_space<vmem>> -> memref<128xi32, #tpu.memory_space<vmem>>
        %dma_start3A_1437 = arith.constant 0 : i32
        %dma_start3A_1438 = arith.constant 0 : i32
        %dma_start3A_1439 = tpu.memref_slice %arg6[%arg0, %dma_start3A_1437, %dma_start3A_1438] : memref<2x10000x64xf32, #tpu.memory_space<hbm>> -> memref<1x10000x64xf32, #tpu.memory_space<hbm>>
        %dma_start3A_1440 = tpu.memref_squeeze %dma_start3A_1439 : memref<1x10000x64xf32, #tpu.memory_space<hbm>> -> memref<10000x64xf32, #tpu.memory_space<hbm>>
        %dma_start3A_1441 = arith.constant 0 : i32
        %dma_start3A_1442 = arith.constant 0 : i32
        %dma_start3A_1443 = tpu.memref_slice %dma_start3A_1440[%dma_start3A_1441, %dma_start3A_1442] : memref<10000x64xf32, #tpu.memory_space<hbm>> -> memref<10000x64xf32, #tpu.memory_space<hbm>>
        tpu.enqueue_indirect_dma source(%dma_start3A_1443 : memref<10000x64xf32, #tpu.memory_space<hbm>>) target(%arg21 : memref<128x64xf32, #tpu.memory_space<vmem>>) offsets(%dma_start3A_1436 : memref<128xi32, #tpu.memory_space<vmem>>) semaphore(%arg29 : memref<!tpu.dma_semaphore, #tpu.memory_space<semaphore_mem>>)
        %dma_start3A_1444 = arith.constant 1 : i32
        %dma_start3A_1445 = arith.constant 0 : i32
        %dma_start3A_1446 = tpu.memref_slice %arg14[%dma_start3A_1444, %dma_start3A_1445] : memref<5x128xi32, #tpu.memory_space<vmem>> -> memref<1x128xi32, #tpu.memory_space<vmem>>
        %dma_start3A_1447 = tpu.memref_squeeze %dma_start3A_1446 : memref<1x128xi32, #tpu.memory_space<vmem>> -> memref<128xi32, #tpu.memory_space<vmem>>
        %dma_start3A_1448 = arith.constant 0 : i32
        %dma_start3A_1449 = arith.constant 0 : i32
        %dma_start3A_1450 = tpu.memref_slice %arg6[%arg0, %dma_start3A_1448, %dma_start3A_1449] : memref<2x10000x64xf32, #tpu.memory_space<hbm>> -> memref<1x10000x64xf32, #tpu.memory_space<hbm>>
        %dma_start3A_1451 = tpu.memref_squeeze %dma_start3A_1450 : memref<1x10000x64xf32, #tpu.memory_space<hbm>> -> memref<10000x64xf32, #tpu.memory_space<hbm>>
        %dma_start3A_1452 = arith.constant 0 : i32
        %dma_start3A_1453 = arith.constant 0 : i32
        %dma_start3A_1454 = tpu.memref_slice %dma_start3A_1451[%dma_start3A_1452, %dma_start3A_1453] : memref<10000x64xf32, #tpu.memory_space<hbm>> -> memref<10000x64xf32, #tpu.memory_space<hbm>>
        tpu.enqueue_indirect_dma source(%dma_start3A_1454 : memref<10000x64xf32, #tpu.memory_space<hbm>>) target(%arg22 : memref<128x64xf32, #tpu.memory_space<vmem>>) offsets(%dma_start3A_1447 : memref<128xi32, #tpu.memory_space<vmem>>) semaphore(%arg30 : memref<!tpu.dma_semaphore, #tpu.memory_space<semaphore_mem>>)
        %dma_start3A_1455 = arith.constant 2 : i32
        %dma_start3A_1456 = arith.constant 0 : i32
        %dma_start3A_1457 = tpu.memref_slice %arg14[%dma_start3A_1455, %dma_start3A_1456] : memref<5x128xi32, #tpu.memory_space<vmem>> -> memref<1x128xi32, #tpu.memory_space<vmem>>
        %dma_start3A_1458 = tpu.memref_squeeze %dma_start3A_1457 : memref<1x128xi32, #tpu.memory_space<vmem>> -> memref<128xi32, #tpu.memory_space<vmem>>
        %dma_start3A_1459 = arith.constant 0 : i32
        %dma_start3A_1460 = arith.constant 0 : i32
        %dma_start3A_1461 = tpu.memref_slice %arg6[%arg0, %dma_start3A_1459, %dma_start3A_1460] : memref<2x10000x64xf32, #tpu.memory_space<hbm>> -> memref<1x10000x64xf32, #tpu.memory_space<hbm>>
        %dma_start3A_1462 = tpu.memref_squeeze %dma_start3A_1461 : memref<1x10000x64xf32, #tpu.memory_space<hbm>> -> memref<10000x64xf32, #tpu.memory_space<hbm>>
        %dma_start3A_1463 = arith.constant 0 : i32
        %dma_start3A_1464 = arith.constant 0 : i32
        %dma_start3A_1465 = tpu.memref_slice %dma_start3A_1462[%dma_start3A_1463, %dma_start3A_1464] : memref<10000x64xf32, #tpu.memory_space<hbm>> -> memref<10000x64xf32, #tpu.memory_space<hbm>>
        tpu.enqueue_indirect_dma source(%dma_start3A_1465 : memref<10000x64xf32, #tpu.memory_space<hbm>>) target(%arg23 : memref<128x64xf32, #tpu.memory_space<vmem>>) offsets(%dma_start3A_1458 : memref<128xi32, #tpu.memory_space<vmem>>) semaphore(%arg31 : memref<!tpu.dma_semaphore, #tpu.memory_space<semaphore_mem>>)
      } else {
      }
      %mul3A_334 = arith.constant 5 : i32
      %mul3A_335 = arith.muli %scan3A_328, %mul3A_334 : i32
      %add3A_336 = arith.constant 0 : i32
      %add3A_337 = arith.addi %mul3A_335, %add3A_336 : i32
      %ge3A = arith.constant 80 : i32
      %ge3A_338 = arith.cmpi sge, %add3A_337, %ge3A : i32
      %sub3A = arith.constant 80 : i32
      %sub3A_339 = arith.subi %add3A_337, %sub3A : i32
      %select_n3A = arith.select %ge3A_338, %sub3A_339, %add3A_337 : i32
      %gt3A = arith.constant 0 : i32
      %gt3A_340 = arith.cmpi sgt, %scan3A_328, %gt3A : i32
      %convert_element_type3A_341 = arith.extui %gt3A_340 : i1 to i32
      %cond3A_342 = arith.constant 0 : i32
      %cond3A_343 = arith.cmpi ne, %convert_element_type3A_341, %cond3A_342 : i32
      scf.if %cond3A_343 {
        %dma_wait3A_1212 = arith.constant 0 : i32
        %dma_wait3A_1213 = arith.constant 0 : i32
        %dma_wait3A_1214 = tpu.memref_slice %arg15[%dma_wait3A_1212, %dma_wait3A_1213] : memref<5x128xi32, #tpu.memory_space<vmem>> -> memref<1x128xi32, #tpu.memory_space<vmem>>
        %dma_wait3A_1215 = tpu.memref_squeeze %dma_wait3A_1214 : memref<1x128xi32, #tpu.memory_space<vmem>> -> memref<128xi32, #tpu.memory_space<vmem>>
        %dma_wait3A_1216 = arith.constant 0 : i32
        %dma_wait3A_1217 = arith.constant 0 : i32
        %dma_wait3A_1218 = tpu.memref_slice %arg27[%dma_wait3A_1216, %dma_wait3A_1217] : memref<10240x64xf32, #tpu.memory_space<vmem_shared>> -> memref<10240x64xf32, #tpu.memory_space<vmem_shared>>
        tpu.wait_indirect_dma semaphore(%arg37 : memref<!tpu.dma_semaphore, #tpu.memory_space<semaphore_mem>>) src(%arg24 : memref<128x64xf32, #tpu.memory_space<vmem>>) dst(%dma_wait3A_1218 : memref<10240x64xf32, #tpu.memory_space<vmem_shared>>)
      } else {
      }
      %add3A_344 = arith.constant 3 : i32
      %add3A_345 = arith.addi %select_n3A, %add3A_344 : i32
      %get3A_346 = arith.index_cast %add3A_345 : i32 to index
      %get3A_347 = arith.constant 0 : index
      %get3A_348 = tpu.vector_load %arg12[%get3A_346, %get3A_347] {strides = array<i32>} : memref<80x128xi32, #tpu.memory_space<vmem>>, vector<16xi32>,
      %swap3A_349 = arith.constant 3 : i32
      %swap3A_350 = arith.index_cast %swap3A_349 : i32 to index
      %swap3A_351 = arith.constant 0 : index
      %swap3A_352 = tpu.vector_load %arg14[%swap3A_350, %swap3A_351] {strides = array<i32>} : memref<5x128xi32, #tpu.memory_space<vmem>>, vector<16xi32>,
      tpu.vector_store %arg14[%swap3A_350, %swap3A_351], %get3A_348 {strides = array<i32>} : memref<5x128xi32, #tpu.memory_space<vmem>>, vector<16xi32>,
      %get3A_353 = arith.index_cast %add3A_345 : i32 to index
      %get3A_354 = arith.constant 16 : index
      %get3A_355 = tpu.vector_load %arg12[%get3A_353, %get3A_354] {strides = array<i32>} : memref<80x128xi32, #tpu.memory_space<vmem>>, vector<16xi32>,
      %swap3A_356 = arith.constant 3 : i32
      %swap3A_357 = arith.index_cast %swap3A_356 : i32 to index
      %swap3A_358 = arith.constant 16 : index
      %swap3A_359 = tpu.vector_load %arg14[%swap3A_357, %swap3A_358] {strides = array<i32>} : memref<5x128xi32, #tpu.memory_space<vmem>>, vector<16xi32>,
      tpu.vector_store %arg14[%swap3A_357, %swap3A_358], %get3A_355 {strides = array<i32>} : memref<5x128xi32, #tpu.memory_space<vmem>>, vector<16xi32>,
      %get3A_360 = arith.index_cast %add3A_345 : i32 to index
      %get3A_361 = arith.constant 32 : index
      %get3A_362 = tpu.vector_load %arg12[%get3A_360, %get3A_361] {strides = array<i32>} : memref<80x128xi32, #tpu.memory_space<vmem>>, vector<16xi32>,
      %swap3A_363 = arith.constant 3 : i32
      %swap3A_364 = arith.index_cast %swap3A_363 : i32 to index
      %swap3A_365 = arith.constant 32 : index
      %swap3A_366 = tpu.vector_load %arg14[%swap3A_364, %swap3A_365] {strides = array<i32>} : memref<5x128xi32, #tpu.memory_space<vmem>>, vector<16xi32>,
      tpu.vector_store %arg14[%swap3A_364, %swap3A_365], %get3A_362 {strides = array<i32>} : memref<5x128xi32, #tpu.memory_space<vmem>>, vector<16xi32>,
      %get3A_367 = arith.index_cast %add3A_345 : i32 to index
      %get3A_368 = arith.constant 48 : index
      %get3A_369 = tpu.vector_load %arg12[%get3A_367, %get3A_368] {strides = array<i32>} : memref<80x128xi32, #tpu.memory_space<vmem>>, vector<16xi32>,
      %swap3A_370 = arith.constant 3 : i32
      %swap3A_371 = arith.index_cast %swap3A_370 : i32 to index
      %swap3A_372 = arith.constant 48 : index
      %swap3A_373 = tpu.vector_load %arg14[%swap3A_371, %swap3A_372] {strides = array<i32>} : memref<5x128xi32, #tpu.memory_space<vmem>>, vector<16xi32>,
      tpu.vector_store %arg14[%swap3A_371, %swap3A_372], %get3A_369 {strides = array<i32>} : memref<5x128xi32, #tpu.memory_space<vmem>>, vector<16xi32>,
      %get3A_374 = arith.index_cast %add3A_345 : i32 to index
      %get3A_375 = arith.constant 64 : index
      %get3A_376 = tpu.vector_load %arg12[%get3A_374, %get3A_375] {strides = array<i32>} : memref<80x128xi32, #tpu.memory_space<vmem>>, vector<16xi32>,
      %swap3A_377 = arith.constant 3 : i32
      %swap3A_378 = arith.index_cast %swap3A_377 : i32 to index
      %swap3A_379 = arith.constant 64 : index
      %swap3A_380 = tpu.vector_load %arg14[%swap3A_378, %swap3A_379] {strides = array<i32>} : memref<5x128xi32, #tpu.memory_space<vmem>>, vector<16xi32>,
      tpu.vector_store %arg14[%swap3A_378, %swap3A_379], %get3A_376 {strides = array<i32>} : memref<5x128xi32, #tpu.memory_space<vmem>>, vector<16xi32>,
      %get3A_381 = arith.index_cast %add3A_345 : i32 to index
      %get3A_382 = arith.constant 80 : index
      %get3A_383 = tpu.vector_load %arg12[%get3A_381, %get3A_382] {strides = array<i32>} : memref<80x128xi32, #tpu.memory_space<vmem>>, vector<16xi32>,
      %swap3A_384 = arith.constant 3 : i32
      %swap3A_385 = arith.index_cast %swap3A_384 : i32 to index
      %swap3A_386 = arith.constant 80 : index
      %swap3A_387 = tpu.vector_load %arg14[%swap3A_385, %swap3A_386] {strides = array<i32>} : memref<5x128xi32, #tpu.memory_space<vmem>>, vector<16xi32>,
      tpu.vector_store %arg14[%swap3A_385, %swap3A_386], %get3A_383 {strides = array<i32>} : memref<5x128xi32, #tpu.memory_space<vmem>>, vector<16xi32>,
      %get3A_388 = arith.index_cast %add3A_345 : i32 to index
      %get3A_389 = arith.constant 96 : index
      %get3A_390 = tpu.vector_load %arg12[%get3A_388, %get3A_389] {strides = array<i32>} : memref<80x128xi32, #tpu.memory_space<vmem>>, vector<16xi32>,
      %swap3A_391 = arith.constant 3 : i32
      %swap3A_392 = arith.index_cast %swap3A_391 : i32 to index
      %swap3A_393 = arith.constant 96 : index
      %swap3A_394 = tpu.vector_load %arg14[%swap3A_392, %swap3A_393] {strides = array<i32>} : memref<5x128xi32, #tpu.memory_space<vmem>>, vector<16xi32>,
      tpu.vector_store %arg14[%swap3A_392, %swap3A_393], %get3A_390 {strides = array<i32>} : memref<5x128xi32, #tpu.memory_space<vmem>>, vector<16xi32>,
      %get3A_395 = arith.index_cast %add3A_345 : i32 to index
      %get3A_396 = arith.constant 112 : index
      %get3A_397 = tpu.vector_load %arg12[%get3A_395, %get3A_396] {strides = array<i32>} : memref<80x128xi32, #tpu.memory_space<vmem>>, vector<16xi32>,
      %swap3A_398 = arith.constant 3 : i32
      %swap3A_399 = arith.index_cast %swap3A_398 : i32 to index
      %swap3A_400 = arith.constant 112 : index
      %swap3A_401 = tpu.vector_load %arg14[%swap3A_399, %swap3A_400] {strides = array<i32>} : memref<5x128xi32, #tpu.memory_space<vmem>>, vector<16xi32>,
      tpu.vector_store %arg14[%swap3A_399, %swap3A_400], %get3A_397 {strides = array<i32>} : memref<5x128xi32, #tpu.memory_space<vmem>>, vector<16xi32>,
      %dma_start3A_402 = arith.constant 3 : i32
      %dma_start3A_403 = arith.constant 0 : i32
      %dma_start3A_404 = tpu.memref_slice %arg14[%dma_start3A_402, %dma_start3A_403] : memref<5x128xi32, #tpu.memory_space<vmem>> -> memref<1x128xi32, #tpu.memory_space<vmem>>
      %dma_start3A_405 = tpu.memref_squeeze %dma_start3A_404 : memref<1x128xi32, #tpu.memory_space<vmem>> -> memref<128xi32, #tpu.memory_space<vmem>>
      %dma_start3A_406 = arith.constant 0 : i32
      %dma_start3A_407 = arith.constant 0 : i32
      %dma_start3A_408 = tpu.memref_slice %arg6[%arg0, %dma_start3A_406, %dma_start3A_407] : memref<2x10000x64xf32, #tpu.memory_space<hbm>> -> memref<1x10000x64xf32, #tpu.memory_space<hbm>>
      %dma_start3A_409 = tpu.memref_squeeze %dma_start3A_408 : memref<1x10000x64xf32, #tpu.memory_space<hbm>> -> memref<10000x64xf32, #tpu.memory_space<hbm>>
      %dma_start3A_410 = arith.constant 0 : i32
      %dma_start3A_411 = arith.constant 0 : i32
      %dma_start3A_412 = tpu.memref_slice %dma_start3A_409[%dma_start3A_410, %dma_start3A_411] : memref<10000x64xf32, #tpu.memory_space<hbm>> -> memref<10000x64xf32, #tpu.memory_space<hbm>>
      tpu.enqueue_indirect_dma source(%dma_start3A_412 : memref<10000x64xf32, #tpu.memory_space<hbm>>) target(%arg24 : memref<128x64xf32, #tpu.memory_space<vmem>>) offsets(%dma_start3A_405 : memref<128xi32, #tpu.memory_space<vmem>>) semaphore(%arg32 : memref<!tpu.dma_semaphore, #tpu.memory_space<semaphore_mem>>)
      %add3A_413 = arith.constant 0 : i32
      %add3A_414 = arith.addi %scan3A_328, %add3A_413 : i32
      %add3A_415 = arith.constant 1 : i32
      %add3A_416 = arith.addi %add3A_414, %add3A_415 : i32
      %jit3A = arith.constant 2 : i32
      %eq3A_417 = arith.constant 0 : i32
      %eq3A_418 = arith.cmpi eq, %jit3A, %eq3A_417 : i32
      %jit3A_419 = arith.constant 1 : i32
      %select_n3A_420 = arith.select %eq3A_418, %jit3A_419, %jit3A : i32
      %rem3A = arith.remsi %add3A_416, %select_n3A_420 : i32
      %ne3A = arith.constant 0 : i32
      %ne3A_421 = arith.cmpi ne, %rem3A, %ne3A : i32
      %lt3A = arith.constant 0 : i32
      %lt3A_422 = arith.cmpi slt, %rem3A, %lt3A : i32
      %lt3A_423 = arith.constant 0 : i32
      %lt3A_424 = arith.cmpi slt, %select_n3A_420, %lt3A_423 : i32
      %ne3A_425 = arith.xori %lt3A_422, %lt3A_424 : i1
      %and3A_426 = arith.andi %ne3A_425, %ne3A_421 : i1
      %add3A_427 = arith.addi %rem3A, %select_n3A_420 : i32
      %select_n3A_428 = arith.select %and3A_426, %add3A_427, %rem3A : i32
      %eq3A_429 = arith.cmpi eq, %arg0, %select_n3A_428 : i32
      %gt3A_430 = arith.constant 0 : i32
      %gt3A_431 = arith.cmpi sgt, %scan3A_328, %gt3A_430 : i32
      %and3A_432 = arith.andi %eq3A_429, %gt3A_431 : i1
      %convert_element_type3A_433 = arith.extui %and3A_432 : i1 to i32
      %cond3A_434 = arith.constant 0 : i32
      %cond3A_435 = arith.cmpi ne, %convert_element_type3A_433, %cond3A_434 : i32
      scf.if %cond3A_435 {
        %dma_wait3A_1212 = arith.constant 0 : i32
        %dma_wait3A_1213 = arith.constant 0 : i32
        %dma_wait3A_1214 = tpu.memref_slice %arg15[%dma_wait3A_1212, %dma_wait3A_1213] : memref<5x128xi32, #tpu.memory_space<vmem>> -> memref<1x128xi32, #tpu.memory_space<vmem>>
        %dma_wait3A_1215 = tpu.memref_squeeze %dma_wait3A_1214 : memref<1x128xi32, #tpu.memory_space<vmem>> -> memref<128xi32, #tpu.memory_space<vmem>>
        %dma_wait3A_1216 = arith.constant 0 : i32
        %dma_wait3A_1217 = tpu.memref_slice %arg28[%dma_wait3A_1216] : memref<10240xf32, #tpu.memory_space<vmem_shared>> -> memref<10240xf32, #tpu.memory_space<vmem_shared>>
        tpu.wait_indirect_dma semaphore(%arg39 : memref<!tpu.dma_semaphore, #tpu.memory_space<semaphore_mem>>) src(%arg16 : memref<128xf32, #tpu.memory_space<vmem>>) dst(%dma_wait3A_1217 : memref<10240xf32, #tpu.memory_space<vmem_shared>>)
      } else {
      }
      %mul3A_436 = arith.constant 160 : i32
      %mul3A_437 = arith.muli %arg1, %mul3A_436 : i32
      %add3A_438 = arith.addi %mul3A_437, %add3A_337 : i32
      %mul3A_439 = arith.constant 128 : i32
      %mul3A_440 = arith.muli %add3A_438, %mul3A_439 : i32
      %parallel_loop3A = arith.constant 0 : i32
      %parallel_loop3A_441 = arith.constant 128 : i32
      %parallel_loop3A_442 = arith.constant 16 : i32
      scf.for %parallel_loop3A_1212 = %parallel_loop3A to %parallel_loop3A_441 step %parallel_loop3A_442  : i32 {
        %parallel_loop3A_1213 = arith.index_cast %select_n3A : i32 to index
        %parallel_loop3A_1214 = arith.index_cast %parallel_loop3A_1212 : i32 to index
        %parallel_loop3A_1215 = tpu.vector_load %arg12[%parallel_loop3A_1213, %parallel_loop3A_1214] {strides = array<i32>} : memref<80x128xi32, #tpu.memory_space<vmem>>, vector<16xi32>,
        %parallel_loop3A_1216 = arith.index_cast %select_n3A : i32 to index
        %parallel_loop3A_1217 = arith.index_cast %parallel_loop3A_1212 : i32 to index
        %parallel_loop3A_1218 = tpu.vector_load %arg13[%parallel_loop3A_1216, %parallel_loop3A_1217] {strides = array<i32>} : memref<80x128xi32, #tpu.memory_space<vmem>>, vector<16xi32>,
        %parallel_loop3A_1219 = tpu.vector_load_idx %arg10[%parallel_loop3A_1215] : memref<10000xf32, #tpu.memory_space<vmem>>[vector<16xi32>], vector<16xf32>,
        %parallel_loop3A_1220 = tpu.vector_load_idx %arg11[%parallel_loop3A_1218] : memref<10000xf32, #tpu.memory_space<vmem>>[vector<16xi32>], vector<16xf32>,
        %parallel_loop3A_1221 = arith.addf %parallel_loop3A_1219, %parallel_loop3A_1220 : vector<16xf32>
        %parallel_loop3A_1222 = arith.constant 0.000000e+00 : f32
        %parallel_loop3A_1223 = vector.broadcast %parallel_loop3A_1222 : f32 to vector<16xf32>
        %parallel_loop3A_1224 = arith.cmpf ogt, %parallel_loop3A_1221, %parallel_loop3A_1223 : vector<16xf32>
        %parallel_loop3A_1225 = arith.constant 2.000000e-01 : f32
        %parallel_loop3A_1226 = vector.broadcast %parallel_loop3A_1225 : f32 to vector<16xf32>
        %parallel_loop3A_1227 = arith.mulf %parallel_loop3A_1221, %parallel_loop3A_1226 : vector<16xf32>
        %parallel_loop3A_1228 = arith.select %parallel_loop3A_1224, %parallel_loop3A_1221, %parallel_loop3A_1227 : vector<16xi1>, vector<16xf32>
        %parallel_loop3A_1229 = math.exp %parallel_loop3A_1228 : vector<16xf32>
        %parallel_loop3A_1230 = arith.addi %mul3A_440, %parallel_loop3A_1212 : i32
        %parallel_loop3A_1231 = tpu.iota {dimensions = array<i32: 0>} : vector<16xi32>
        %parallel_loop3A_1232 = vector.broadcast %parallel_loop3A_1230 : i32 to vector<16xi32>
        %parallel_loop3A_1233 = arith.addi %parallel_loop3A_1232, %parallel_loop3A_1231 : vector<16xi32>
        %parallel_loop3A_1234 = arith.constant 320000 : i32
        %parallel_loop3A_1235 = vector.broadcast %parallel_loop3A_1234 : i32 to vector<16xi32>
        %parallel_loop3A_1236 = arith.cmpi slt, %parallel_loop3A_1233, %parallel_loop3A_1235 : vector<16xi32>
        %parallel_loop3A_1237 = arith.constant 0.000000e+00 : f32
        %parallel_loop3A_1238 = vector.broadcast %parallel_loop3A_1237 : f32 to vector<16xf32>
        %parallel_loop3A_1239 = arith.select %parallel_loop3A_1236, %parallel_loop3A_1229, %parallel_loop3A_1238 : vector<16xi1>, vector<16xf32>
        %parallel_loop3A_1240 = arith.index_cast %parallel_loop3A_1212 : i32 to index
        %parallel_loop3A_1241 = tpu.vector_load %arg16[%parallel_loop3A_1240] {strides = array<i32>} : memref<128xf32, #tpu.memory_space<vmem>>, vector<16xf32>,
        tpu.vector_store %arg16[%parallel_loop3A_1240], %parallel_loop3A_1239 {strides = array<i32>} : memref<128xf32, #tpu.memory_space<vmem>>, vector<16xf32>,
      } {sc.loop_unroll_factor = 2 : i64, sc.parallel_access}
      %dma_wait3A_443 = arith.constant 0 : i32
      %dma_wait3A_444 = arith.constant 0 : i32
      %dma_wait3A_445 = tpu.memref_slice %arg14[%dma_wait3A_443, %dma_wait3A_444] : memref<5x128xi32, #tpu.memory_space<vmem>> -> memref<1x128xi32, #tpu.memory_space<vmem>>
      %dma_wait3A_446 = tpu.memref_squeeze %dma_wait3A_445 : memref<1x128xi32, #tpu.memory_space<vmem>> -> memref<128xi32, #tpu.memory_space<vmem>>
      %dma_wait3A_447 = arith.constant 0 : i32
      %dma_wait3A_448 = arith.constant 0 : i32
      %dma_wait3A_449 = tpu.memref_slice %arg6[%arg0, %dma_wait3A_447, %dma_wait3A_448] : memref<2x10000x64xf32, #tpu.memory_space<hbm>> -> memref<1x10000x64xf32, #tpu.memory_space<hbm>>
      %dma_wait3A_450 = tpu.memref_squeeze %dma_wait3A_449 : memref<1x10000x64xf32, #tpu.memory_space<hbm>> -> memref<10000x64xf32, #tpu.memory_space<hbm>>
      %dma_wait3A_451 = arith.constant 0 : i32
      %dma_wait3A_452 = arith.constant 0 : i32
      %dma_wait3A_453 = tpu.memref_slice %dma_wait3A_450[%dma_wait3A_451, %dma_wait3A_452] : memref<10000x64xf32, #tpu.memory_space<hbm>> -> memref<10000x64xf32, #tpu.memory_space<hbm>>
      tpu.wait_indirect_dma semaphore(%arg29 : memref<!tpu.dma_semaphore, #tpu.memory_space<semaphore_mem>>) src(%dma_wait3A_453 : memref<10000x64xf32, #tpu.memory_space<hbm>>) dst(%arg21 : memref<128x64xf32, #tpu.memory_space<vmem>>)
      %parallel_loop3A_454 = arith.constant 0 : i32
      %parallel_loop3A_455 = arith.constant 128 : i32
      %parallel_loop3A_456 = arith.constant 1 : i32
      scf.for %parallel_loop3A_1212 = %parallel_loop3A_454 to %parallel_loop3A_455 step %parallel_loop3A_456  : i32 {
        %parallel_loop3A_1213 = vector.broadcast %parallel_loop3A_1212 : i32 to vector<16xi32>
        %parallel_loop3A_1214 = tpu.vector_load_idx %arg16[%parallel_loop3A_1213] : memref<128xf32, #tpu.memory_space<vmem>>[vector<16xi32>], vector<16xf32>,
        %parallel_loop3A_1215 = arith.index_cast %parallel_loop3A_1212 : i32 to index
        %parallel_loop3A_1216 = arith.constant 0 : index
        %parallel_loop3A_1217 = tpu.vector_load %arg21[%parallel_loop3A_1215, %parallel_loop3A_1216] {strides = array<i32>} : memref<128x64xf32, #tpu.memory_space<vmem>>, vector<16xf32>,
        %parallel_loop3A_1218 = arith.mulf %parallel_loop3A_1217, %parallel_loop3A_1214 : vector<16xf32>
        %parallel_loop3A_1219 = arith.index_cast %parallel_loop3A_1212 : i32 to index
        %parallel_loop3A_1220 = arith.constant 0 : index
        %parallel_loop3A_1221 = tpu.vector_load %arg21[%parallel_loop3A_1219, %parallel_loop3A_1220] {strides = array<i32>} : memref<128x64xf32, #tpu.memory_space<vmem>>, vector<16xf32>,
        tpu.vector_store %arg21[%parallel_loop3A_1219, %parallel_loop3A_1220], %parallel_loop3A_1218 {strides = array<i32>} : memref<128x64xf32, #tpu.memory_space<vmem>>, vector<16xf32>,
        %parallel_loop3A_1222 = arith.index_cast %parallel_loop3A_1212 : i32 to index
        %parallel_loop3A_1223 = arith.constant 16 : index
        %parallel_loop3A_1224 = tpu.vector_load %arg21[%parallel_loop3A_1222, %parallel_loop3A_1223] {strides = array<i32>} : memref<128x64xf32, #tpu.memory_space<vmem>>, vector<16xf32>,
        %parallel_loop3A_1225 = arith.mulf %parallel_loop3A_1224, %parallel_loop3A_1214 : vector<16xf32>
        %parallel_loop3A_1226 = arith.index_cast %parallel_loop3A_1212 : i32 to index
        %parallel_loop3A_1227 = arith.constant 16 : index
        %parallel_loop3A_1228 = tpu.vector_load %arg21[%parallel_loop3A_1226, %parallel_loop3A_1227] {strides = array<i32>} : memref<128x64xf32, #tpu.memory_space<vmem>>, vector<16xf32>,
        tpu.vector_store %arg21[%parallel_loop3A_1226, %parallel_loop3A_1227], %parallel_loop3A_1225 {strides = array<i32>} : memref<128x64xf32, #tpu.memory_space<vmem>>, vector<16xf32>,
        %parallel_loop3A_1229 = arith.index_cast %parallel_loop3A_1212 : i32 to index
        %parallel_loop3A_1230 = arith.constant 32 : index
        %parallel_loop3A_1231 = tpu.vector_load %arg21[%parallel_loop3A_1229, %parallel_loop3A_1230] {strides = array<i32>} : memref<128x64xf32, #tpu.memory_space<vmem>>, vector<16xf32>,
        %parallel_loop3A_1232 = arith.mulf %parallel_loop3A_1231, %parallel_loop3A_1214 : vector<16xf32>
        %parallel_loop3A_1233 = arith.index_cast %parallel_loop3A_1212 : i32 to index
        %parallel_loop3A_1234 = arith.constant 32 : index
        %parallel_loop3A_1235 = tpu.vector_load %arg21[%parallel_loop3A_1233, %parallel_loop3A_1234] {strides = array<i32>} : memref<128x64xf32, #tpu.memory_space<vmem>>, vector<16xf32>,
        tpu.vector_store %arg21[%parallel_loop3A_1233, %parallel_loop3A_1234], %parallel_loop3A_1232 {strides = array<i32>} : memref<128x64xf32, #tpu.memory_space<vmem>>, vector<16xf32>,
        %parallel_loop3A_1236 = arith.index_cast %parallel_loop3A_1212 : i32 to index
        %parallel_loop3A_1237 = arith.constant 48 : index
        %parallel_loop3A_1238 = tpu.vector_load %arg21[%parallel_loop3A_1236, %parallel_loop3A_1237] {strides = array<i32>} : memref<128x64xf32, #tpu.memory_space<vmem>>, vector<16xf32>,
        %parallel_loop3A_1239 = arith.mulf %parallel_loop3A_1238, %parallel_loop3A_1214 : vector<16xf32>
        %parallel_loop3A_1240 = arith.index_cast %parallel_loop3A_1212 : i32 to index
        %parallel_loop3A_1241 = arith.constant 48 : index
        %parallel_loop3A_1242 = tpu.vector_load %arg21[%parallel_loop3A_1240, %parallel_loop3A_1241] {strides = array<i32>} : memref<128x64xf32, #tpu.memory_space<vmem>>, vector<16xf32>,
        tpu.vector_store %arg21[%parallel_loop3A_1240, %parallel_loop3A_1241], %parallel_loop3A_1239 {strides = array<i32>} : memref<128x64xf32, #tpu.memory_space<vmem>>, vector<16xf32>,
      } {sc.loop_unroll_factor = 4 : i64, sc.parallel_access}
      %get3A_457 = arith.index_cast %select_n3A : i32 to index
      %get3A_458 = arith.constant 0 : index
      %get3A_459 = tpu.vector_load %arg13[%get3A_457, %get3A_458] {strides = array<i32>} : memref<80x128xi32, #tpu.memory_space<vmem>>, vector<16xi32>,
      %swap3A_460 = arith.constant 0 : i32
      %swap3A_461 = arith.index_cast %swap3A_460 : i32 to index
      %swap3A_462 = arith.constant 0 : index
      %swap3A_463 = tpu.vector_load %arg15[%swap3A_461, %swap3A_462] {strides = array<i32>} : memref<5x128xi32, #tpu.memory_space<vmem>>, vector<16xi32>,
      tpu.vector_store %arg15[%swap3A_461, %swap3A_462], %get3A_459 {strides = array<i32>} : memref<5x128xi32, #tpu.memory_space<vmem>>, vector<16xi32>,
      %get3A_464 = arith.index_cast %select_n3A : i32 to index
      %get3A_465 = arith.constant 16 : index
      %get3A_466 = tpu.vector_load %arg13[%get3A_464, %get3A_465] {strides = array<i32>} : memref<80x128xi32, #tpu.memory_space<vmem>>, vector<16xi32>,
      %swap3A_467 = arith.constant 0 : i32
      %swap3A_468 = arith.index_cast %swap3A_467 : i32 to index
      %swap3A_469 = arith.constant 16 : index
      %swap3A_470 = tpu.vector_load %arg15[%swap3A_468, %swap3A_469] {strides = array<i32>} : memref<5x128xi32, #tpu.memory_space<vmem>>, vector<16xi32>,
      tpu.vector_store %arg15[%swap3A_468, %swap3A_469], %get3A_466 {strides = array<i32>} : memref<5x128xi32, #tpu.memory_space<vmem>>, vector<16xi32>,
      %get3A_471 = arith.index_cast %select_n3A : i32 to index
      %get3A_472 = arith.constant 32 : index
      %get3A_473 = tpu.vector_load %arg13[%get3A_471, %get3A_472] {strides = array<i32>} : memref<80x128xi32, #tpu.memory_space<vmem>>, vector<16xi32>,
      %swap3A_474 = arith.constant 0 : i32
      %swap3A_475 = arith.index_cast %swap3A_474 : i32 to index
      %swap3A_476 = arith.constant 32 : index
      %swap3A_477 = tpu.vector_load %arg15[%swap3A_475, %swap3A_476] {strides = array<i32>} : memref<5x128xi32, #tpu.memory_space<vmem>>, vector<16xi32>,
      tpu.vector_store %arg15[%swap3A_475, %swap3A_476], %get3A_473 {strides = array<i32>} : memref<5x128xi32, #tpu.memory_space<vmem>>, vector<16xi32>,
      %get3A_478 = arith.index_cast %select_n3A : i32 to index
      %get3A_479 = arith.constant 48 : index
      %get3A_480 = tpu.vector_load %arg13[%get3A_478, %get3A_479] {strides = array<i32>} : memref<80x128xi32, #tpu.memory_space<vmem>>, vector<16xi32>,
      %swap3A_481 = arith.constant 0 : i32
      %swap3A_482 = arith.index_cast %swap3A_481 : i32 to index
      %swap3A_483 = arith.constant 48 : index
      %swap3A_484 = tpu.vector_load %arg15[%swap3A_482, %swap3A_483] {strides = array<i32>} : memref<5x128xi32, #tpu.memory_space<vmem>>, vector<16xi32>,
      tpu.vector_store %arg15[%swap3A_482, %swap3A_483], %get3A_480 {strides = array<i32>} : memref<5x128xi32, #tpu.memory_space<vmem>>, vector<16xi32>,
      %get3A_485 = arith.index_cast %select_n3A : i32 to index
      %get3A_486 = arith.constant 64 : index
      %get3A_487 = tpu.vector_load %arg13[%get3A_485, %get3A_486] {strides = array<i32>} : memref<80x128xi32, #tpu.memory_space<vmem>>, vector<16xi32>,
      %swap3A_488 = arith.constant 0 : i32
      %swap3A_489 = arith.index_cast %swap3A_488 : i32 to index
      %swap3A_490 = arith.constant 64 : index
      %swap3A_491 = tpu.vector_load %arg15[%swap3A_489, %swap3A_490] {strides = array<i32>} : memref<5x128xi32, #tpu.memory_space<vmem>>, vector<16xi32>,
      tpu.vector_store %arg15[%swap3A_489, %swap3A_490], %get3A_487 {strides = array<i32>} : memref<5x128xi32, #tpu.memory_space<vmem>>, vector<16xi32>,
      %get3A_492 = arith.index_cast %select_n3A : i32 to index
      %get3A_493 = arith.constant 80 : index
      %get3A_494 = tpu.vector_load %arg13[%get3A_492, %get3A_493] {strides = array<i32>} : memref<80x128xi32, #tpu.memory_space<vmem>>, vector<16xi32>,
      %swap3A_495 = arith.constant 0 : i32
      %swap3A_496 = arith.index_cast %swap3A_495 : i32 to index
      %swap3A_497 = arith.constant 80 : index
      %swap3A_498 = tpu.vector_load %arg15[%swap3A_496, %swap3A_497] {strides = array<i32>} : memref<5x128xi32, #tpu.memory_space<vmem>>, vector<16xi32>,
      tpu.vector_store %arg15[%swap3A_496, %swap3A_497], %get3A_494 {strides = array<i32>} : memref<5x128xi32, #tpu.memory_space<vmem>>, vector<16xi32>,
      %get3A_499 = arith.index_cast %select_n3A : i32 to index
      %get3A_500 = arith.constant 96 : index
      %get3A_501 = tpu.vector_load %arg13[%get3A_499, %get3A_500] {strides = array<i32>} : memref<80x128xi32, #tpu.memory_space<vmem>>, vector<16xi32>,
      %swap3A_502 = arith.constant 0 : i32
      %swap3A_503 = arith.index_cast %swap3A_502 : i32 to index
      %swap3A_504 = arith.constant 96 : index
      %swap3A_505 = tpu.vector_load %arg15[%swap3A_503, %swap3A_504] {strides = array<i32>} : memref<5x128xi32, #tpu.memory_space<vmem>>, vector<16xi32>,
      tpu.vector_store %arg15[%swap3A_503, %swap3A_504], %get3A_501 {strides = array<i32>} : memref<5x128xi32, #tpu.memory_space<vmem>>, vector<16xi32>,
      %get3A_506 = arith.index_cast %select_n3A : i32 to index
      %get3A_507 = arith.constant 112 : index
      %get3A_508 = tpu.vector_load %arg13[%get3A_506, %get3A_507] {strides = array<i32>} : memref<80x128xi32, #tpu.memory_space<vmem>>, vector<16xi32>,
      %swap3A_509 = arith.constant 0 : i32
      %swap3A_510 = arith.index_cast %swap3A_509 : i32 to index
      %swap3A_511 = arith.constant 112 : index
      %swap3A_512 = tpu.vector_load %arg15[%swap3A_510, %swap3A_511] {strides = array<i32>} : memref<5x128xi32, #tpu.memory_space<vmem>>, vector<16xi32>,
      tpu.vector_store %arg15[%swap3A_510, %swap3A_511], %get3A_508 {strides = array<i32>} : memref<5x128xi32, #tpu.memory_space<vmem>>, vector<16xi32>,
      %dma_start3A_513 = arith.constant 0 : i32
      %dma_start3A_514 = arith.constant 0 : i32
      %dma_start3A_515 = tpu.memref_slice %arg15[%dma_start3A_513, %dma_start3A_514] : memref<5x128xi32, #tpu.memory_space<vmem>> -> memref<1x128xi32, #tpu.memory_space<vmem>>
      %dma_start3A_516 = tpu.memref_squeeze %dma_start3A_515 : memref<1x128xi32, #tpu.memory_space<vmem>> -> memref<128xi32, #tpu.memory_space<vmem>>
      %dma_start3A_517 = arith.constant 0 : i32
      %dma_start3A_518 = arith.constant 0 : i32
      %dma_start3A_519 = tpu.memref_slice %arg27[%dma_start3A_517, %dma_start3A_518] : memref<10240x64xf32, #tpu.memory_space<vmem_shared>> -> memref<10240x64xf32, #tpu.memory_space<vmem_shared>>
      tpu.enqueue_indirect_dma source(%arg21 : memref<128x64xf32, #tpu.memory_space<vmem>>) target(%dma_start3A_519 : memref<10240x64xf32, #tpu.memory_space<vmem_shared>>) offsets(%dma_start3A_516 : memref<128xi32, #tpu.memory_space<vmem>>) semaphore(%arg34 : memref<!tpu.dma_semaphore, #tpu.memory_space<semaphore_mem>>) {add = true}
      %add3A_520 = arith.constant 0 : i32
      %add3A_521 = arith.addi %scan3A_328, %add3A_520 : i32
      %jit3A_522 = arith.constant 2 : i32
      %eq3A_523 = arith.constant 0 : i32
      %eq3A_524 = arith.cmpi eq, %jit3A_522, %eq3A_523 : i32
      %jit3A_525 = arith.constant 1 : i32
      %select_n3A_526 = arith.select %eq3A_524, %jit3A_525, %jit3A_522 : i32
      %rem3A_527 = arith.remsi %add3A_521, %select_n3A_526 : i32
      %ne3A_528 = arith.constant 0 : i32
      %ne3A_529 = arith.cmpi ne, %rem3A_527, %ne3A_528 : i32
      %lt3A_530 = arith.constant 0 : i32
      %lt3A_531 = arith.cmpi slt, %rem3A_527, %lt3A_530 : i32
      %lt3A_532 = arith.constant 0 : i32
      %lt3A_533 = arith.cmpi slt, %select_n3A_526, %lt3A_532 : i32
      %ne3A_534 = arith.xori %lt3A_531, %lt3A_533 : i1
      %and3A_535 = arith.andi %ne3A_534, %ne3A_529 : i1
      %add3A_536 = arith.addi %rem3A_527, %select_n3A_526 : i32
      %select_n3A_537 = arith.select %and3A_535, %add3A_536, %rem3A_527 : i32
      %eq3A_538 = arith.cmpi eq, %arg0, %select_n3A_537 : i32
      %convert_element_type3A_539 = arith.extui %eq3A_538 : i1 to i32
      %cond3A_540 = arith.constant 0 : i32
      %cond3A_541 = arith.cmpi ne, %convert_element_type3A_539, %cond3A_540 : i32
      scf.if %cond3A_541 {
        %dma_start3A_1212 = arith.constant 0 : i32
        %dma_start3A_1213 = arith.constant 0 : i32
        %dma_start3A_1214 = tpu.memref_slice %arg15[%dma_start3A_1212, %dma_start3A_1213] : memref<5x128xi32, #tpu.memory_space<vmem>> -> memref<1x128xi32, #tpu.memory_space<vmem>>
        %dma_start3A_1215 = tpu.memref_squeeze %dma_start3A_1214 : memref<1x128xi32, #tpu.memory_space<vmem>> -> memref<128xi32, #tpu.memory_space<vmem>>
        %dma_start3A_1216 = arith.constant 0 : i32
        %dma_start3A_1217 = tpu.memref_slice %arg28[%dma_start3A_1216] : memref<10240xf32, #tpu.memory_space<vmem_shared>> -> memref<10240xf32, #tpu.memory_space<vmem_shared>>
        tpu.enqueue_indirect_dma source(%arg16 : memref<128xf32, #tpu.memory_space<vmem>>) target(%dma_start3A_1217 : memref<10240xf32, #tpu.memory_space<vmem_shared>>) offsets(%dma_start3A_1215 : memref<128xi32, #tpu.memory_space<vmem>>) semaphore(%arg39 : memref<!tpu.dma_semaphore, #tpu.memory_space<semaphore_mem>>) {add = true}
      } else {
      }
      %mul3A_542 = arith.constant 5 : i32
      %mul3A_543 = arith.muli %scan3A_328, %mul3A_542 : i32
      %add3A_544 = arith.constant 1 : i32
      %add3A_545 = arith.addi %mul3A_543, %add3A_544 : i32
      %ge3A_546 = arith.constant 80 : i32
      %ge3A_547 = arith.cmpi sge, %add3A_545, %ge3A_546 : i32
      %sub3A_548 = arith.constant 80 : i32
      %sub3A_549 = arith.subi %add3A_545, %sub3A_548 : i32
      %select_n3A_550 = arith.select %ge3A_547, %sub3A_549, %add3A_545 : i32
      %gt3A_551 = arith.constant 0 : i32
      %gt3A_552 = arith.cmpi sgt, %scan3A_328, %gt3A_551 : i32
      %convert_element_type3A_553 = arith.extui %gt3A_552 : i1 to i32
      %cond3A_554 = arith.constant 0 : i32
      %cond3A_555 = arith.cmpi ne, %convert_element_type3A_553, %cond3A_554 : i32
      scf.if %cond3A_555 {
        %dma_wait3A_1212 = arith.constant 0 : i32
        %dma_wait3A_1213 = arith.constant 0 : i32
        %dma_wait3A_1214 = tpu.memref_slice %arg15[%dma_wait3A_1212, %dma_wait3A_1213] : memref<5x128xi32, #tpu.memory_space<vmem>> -> memref<1x128xi32, #tpu.memory_space<vmem>>
        %dma_wait3A_1215 = tpu.memref_squeeze %dma_wait3A_1214 : memref<1x128xi32, #tpu.memory_space<vmem>> -> memref<128xi32, #tpu.memory_space<vmem>>
        %dma_wait3A_1216 = arith.constant 0 : i32
        %dma_wait3A_1217 = arith.constant 0 : i32
        %dma_wait3A_1218 = tpu.memref_slice %arg27[%dma_wait3A_1216, %dma_wait3A_1217] : memref<10240x64xf32, #tpu.memory_space<vmem_shared>> -> memref<10240x64xf32, #tpu.memory_space<vmem_shared>>
        tpu.wait_indirect_dma semaphore(%arg38 : memref<!tpu.dma_semaphore, #tpu.memory_space<semaphore_mem>>) src(%arg25 : memref<128x64xf32, #tpu.memory_space<vmem>>) dst(%dma_wait3A_1218 : memref<10240x64xf32, #tpu.memory_space<vmem_shared>>)
      } else {
      }
      %add3A_556 = arith.constant 3 : i32
      %add3A_557 = arith.addi %select_n3A_550, %add3A_556 : i32
      %get3A_558 = arith.index_cast %add3A_557 : i32 to index
      %get3A_559 = arith.constant 0 : index
      %get3A_560 = tpu.vector_load %arg12[%get3A_558, %get3A_559] {strides = array<i32>} : memref<80x128xi32, #tpu.memory_space<vmem>>, vector<16xi32>,
      %swap3A_561 = arith.constant 4 : i32
      %swap3A_562 = arith.index_cast %swap3A_561 : i32 to index
      %swap3A_563 = arith.constant 0 : index
      %swap3A_564 = tpu.vector_load %arg14[%swap3A_562, %swap3A_563] {strides = array<i32>} : memref<5x128xi32, #tpu.memory_space<vmem>>, vector<16xi32>,
      tpu.vector_store %arg14[%swap3A_562, %swap3A_563], %get3A_560 {strides = array<i32>} : memref<5x128xi32, #tpu.memory_space<vmem>>, vector<16xi32>,
      %get3A_565 = arith.index_cast %add3A_557 : i32 to index
      %get3A_566 = arith.constant 16 : index
      %get3A_567 = tpu.vector_load %arg12[%get3A_565, %get3A_566] {strides = array<i32>} : memref<80x128xi32, #tpu.memory_space<vmem>>, vector<16xi32>,
      %swap3A_568 = arith.constant 4 : i32
      %swap3A_569 = arith.index_cast %swap3A_568 : i32 to index
      %swap3A_570 = arith.constant 16 : index
      %swap3A_571 = tpu.vector_load %arg14[%swap3A_569, %swap3A_570] {strides = array<i32>} : memref<5x128xi32, #tpu.memory_space<vmem>>, vector<16xi32>,
      tpu.vector_store %arg14[%swap3A_569, %swap3A_570], %get3A_567 {strides = array<i32>} : memref<5x128xi32, #tpu.memory_space<vmem>>, vector<16xi32>,
      %get3A_572 = arith.index_cast %add3A_557 : i32 to index
      %get3A_573 = arith.constant 32 : index
      %get3A_574 = tpu.vector_load %arg12[%get3A_572, %get3A_573] {strides = array<i32>} : memref<80x128xi32, #tpu.memory_space<vmem>>, vector<16xi32>,
      %swap3A_575 = arith.constant 4 : i32
      %swap3A_576 = arith.index_cast %swap3A_575 : i32 to index
      %swap3A_577 = arith.constant 32 : index
      %swap3A_578 = tpu.vector_load %arg14[%swap3A_576, %swap3A_577] {strides = array<i32>} : memref<5x128xi32, #tpu.memory_space<vmem>>, vector<16xi32>,
      tpu.vector_store %arg14[%swap3A_576, %swap3A_577], %get3A_574 {strides = array<i32>} : memref<5x128xi32, #tpu.memory_space<vmem>>, vector<16xi32>,
      %get3A_579 = arith.index_cast %add3A_557 : i32 to index
      %get3A_580 = arith.constant 48 : index
      %get3A_581 = tpu.vector_load %arg12[%get3A_579, %get3A_580] {strides = array<i32>} : memref<80x128xi32, #tpu.memory_space<vmem>>, vector<16xi32>,
      %swap3A_582 = arith.constant 4 : i32
      %swap3A_583 = arith.index_cast %swap3A_582 : i32 to index
      %swap3A_584 = arith.constant 48 : index
      %swap3A_585 = tpu.vector_load %arg14[%swap3A_583, %swap3A_584] {strides = array<i32>} : memref<5x128xi32, #tpu.memory_space<vmem>>, vector<16xi32>,
      tpu.vector_store %arg14[%swap3A_583, %swap3A_584], %get3A_581 {strides = array<i32>} : memref<5x128xi32, #tpu.memory_space<vmem>>, vector<16xi32>,
      %get3A_586 = arith.index_cast %add3A_557 : i32 to index
      %get3A_587 = arith.constant 64 : index
      %get3A_588 = tpu.vector_load %arg12[%get3A_586, %get3A_587] {strides = array<i32>} : memref<80x128xi32, #tpu.memory_space<vmem>>, vector<16xi32>,
      %swap3A_589 = arith.constant 4 : i32
      %swap3A_590 = arith.index_cast %swap3A_589 : i32 to index
      %swap3A_591 = arith.constant 64 : index
      %swap3A_592 = tpu.vector_load %arg14[%swap3A_590, %swap3A_591] {strides = array<i32>} : memref<5x128xi32, #tpu.memory_space<vmem>>, vector<16xi32>,
      tpu.vector_store %arg14[%swap3A_590, %swap3A_591], %get3A_588 {strides = array<i32>} : memref<5x128xi32, #tpu.memory_space<vmem>>, vector<16xi32>,
      %get3A_593 = arith.index_cast %add3A_557 : i32 to index
      %get3A_594 = arith.constant 80 : index
      %get3A_595 = tpu.vector_load %arg12[%get3A_593, %get3A_594] {strides = array<i32>} : memref<80x128xi32, #tpu.memory_space<vmem>>, vector<16xi32>,
      %swap3A_596 = arith.constant 4 : i32
      %swap3A_597 = arith.index_cast %swap3A_596 : i32 to index
      %swap3A_598 = arith.constant 80 : index
      %swap3A_599 = tpu.vector_load %arg14[%swap3A_597, %swap3A_598] {strides = array<i32>} : memref<5x128xi32, #tpu.memory_space<vmem>>, vector<16xi32>,
      tpu.vector_store %arg14[%swap3A_597, %swap3A_598], %get3A_595 {strides = array<i32>} : memref<5x128xi32, #tpu.memory_space<vmem>>, vector<16xi32>,
      %get3A_600 = arith.index_cast %add3A_557 : i32 to index
      %get3A_601 = arith.constant 96 : index
      %get3A_602 = tpu.vector_load %arg12[%get3A_600, %get3A_601] {strides = array<i32>} : memref<80x128xi32, #tpu.memory_space<vmem>>, vector<16xi32>,
      %swap3A_603 = arith.constant 4 : i32
      %swap3A_604 = arith.index_cast %swap3A_603 : i32 to index
      %swap3A_605 = arith.constant 96 : index
      %swap3A_606 = tpu.vector_load %arg14[%swap3A_604, %swap3A_605] {strides = array<i32>} : memref<5x128xi32, #tpu.memory_space<vmem>>, vector<16xi32>,
      tpu.vector_store %arg14[%swap3A_604, %swap3A_605], %get3A_602 {strides = array<i32>} : memref<5x128xi32, #tpu.memory_space<vmem>>, vector<16xi32>,
      %get3A_607 = arith.index_cast %add3A_557 : i32 to index
      %get3A_608 = arith.constant 112 : index
      %get3A_609 = tpu.vector_load %arg12[%get3A_607, %get3A_608] {strides = array<i32>} : memref<80x128xi32, #tpu.memory_space<vmem>>, vector<16xi32>,
      %swap3A_610 = arith.constant 4 : i32
      %swap3A_611 = arith.index_cast %swap3A_610 : i32 to index
      %swap3A_612 = arith.constant 112 : index
      %swap3A_613 = tpu.vector_load %arg14[%swap3A_611, %swap3A_612] {strides = array<i32>} : memref<5x128xi32, #tpu.memory_space<vmem>>, vector<16xi32>,
      tpu.vector_store %arg14[%swap3A_611, %swap3A_612], %get3A_609 {strides = array<i32>} : memref<5x128xi32, #tpu.memory_space<vmem>>, vector<16xi32>,
      %dma_start3A_614 = arith.constant 4 : i32
      %dma_start3A_615 = arith.constant 0 : i32
      %dma_start3A_616 = tpu.memref_slice %arg14[%dma_start3A_614, %dma_start3A_615] : memref<5x128xi32, #tpu.memory_space<vmem>> -> memref<1x128xi32, #tpu.memory_space<vmem>>
      %dma_start3A_617 = tpu.memref_squeeze %dma_start3A_616 : memref<1x128xi32, #tpu.memory_space<vmem>> -> memref<128xi32, #tpu.memory_space<vmem>>
      %dma_start3A_618 = arith.constant 0 : i32
      %dma_start3A_619 = arith.constant 0 : i32
      %dma_start3A_620 = tpu.memref_slice %arg6[%arg0, %dma_start3A_618, %dma_start3A_619] : memref<2x10000x64xf32, #tpu.memory_space<hbm>> -> memref<1x10000x64xf32, #tpu.memory_space<hbm>>
      %dma_start3A_621 = tpu.memref_squeeze %dma_start3A_620 : memref<1x10000x64xf32, #tpu.memory_space<hbm>> -> memref<10000x64xf32, #tpu.memory_space<hbm>>
      %dma_start3A_622 = arith.constant 0 : i32
      %dma_start3A_623 = arith.constant 0 : i32
      %dma_start3A_624 = tpu.memref_slice %dma_start3A_621[%dma_start3A_622, %dma_start3A_623] : memref<10000x64xf32, #tpu.memory_space<hbm>> -> memref<10000x64xf32, #tpu.memory_space<hbm>>
      tpu.enqueue_indirect_dma source(%dma_start3A_624 : memref<10000x64xf32, #tpu.memory_space<hbm>>) target(%arg25 : memref<128x64xf32, #tpu.memory_space<vmem>>) offsets(%dma_start3A_617 : memref<128xi32, #tpu.memory_space<vmem>>) semaphore(%arg33 : memref<!tpu.dma_semaphore, #tpu.memory_space<semaphore_mem>>)
      %add3A_625 = arith.constant 1 : i32
      %add3A_626 = arith.addi %scan3A_328, %add3A_625 : i32
      %add3A_627 = arith.constant 1 : i32
      %add3A_628 = arith.addi %add3A_626, %add3A_627 : i32
      %jit3A_629 = arith.constant 2 : i32
      %eq3A_630 = arith.constant 0 : i32
      %eq3A_631 = arith.cmpi eq, %jit3A_629, %eq3A_630 : i32
      %jit3A_632 = arith.constant 1 : i32
      %select_n3A_633 = arith.select %eq3A_631, %jit3A_632, %jit3A_629 : i32
      %rem3A_634 = arith.remsi %add3A_628, %select_n3A_633 : i32
      %ne3A_635 = arith.constant 0 : i32
      %ne3A_636 = arith.cmpi ne, %rem3A_634, %ne3A_635 : i32
      %lt3A_637 = arith.constant 0 : i32
      %lt3A_638 = arith.cmpi slt, %rem3A_634, %lt3A_637 : i32
      %lt3A_639 = arith.constant 0 : i32
      %lt3A_640 = arith.cmpi slt, %select_n3A_633, %lt3A_639 : i32
      %ne3A_641 = arith.xori %lt3A_638, %lt3A_640 : i1
      %and3A_642 = arith.andi %ne3A_641, %ne3A_636 : i1
      %add3A_643 = arith.addi %rem3A_634, %select_n3A_633 : i32
      %select_n3A_644 = arith.select %and3A_642, %add3A_643, %rem3A_634 : i32
      %eq3A_645 = arith.cmpi eq, %arg0, %select_n3A_644 : i32
      %gt3A_646 = arith.constant 0 : i32
      %gt3A_647 = arith.cmpi sgt, %scan3A_328, %gt3A_646 : i32
      %and3A_648 = arith.andi %eq3A_645, %gt3A_647 : i1
      %convert_element_type3A_649 = arith.extui %and3A_648 : i1 to i32
      %cond3A_650 = arith.constant 0 : i32
      %cond3A_651 = arith.cmpi ne, %convert_element_type3A_649, %cond3A_650 : i32
      scf.if %cond3A_651 {
        %dma_wait3A_1212 = arith.constant 0 : i32
        %dma_wait3A_1213 = arith.constant 0 : i32
        %dma_wait3A_1214 = tpu.memref_slice %arg15[%dma_wait3A_1212, %dma_wait3A_1213] : memref<5x128xi32, #tpu.memory_space<vmem>> -> memref<1x128xi32, #tpu.memory_space<vmem>>
        %dma_wait3A_1215 = tpu.memref_squeeze %dma_wait3A_1214 : memref<1x128xi32, #tpu.memory_space<vmem>> -> memref<128xi32, #tpu.memory_space<vmem>>
        %dma_wait3A_1216 = arith.constant 0 : i32
        %dma_wait3A_1217 = tpu.memref_slice %arg28[%dma_wait3A_1216] : memref<10240xf32, #tpu.memory_space<vmem_shared>> -> memref<10240xf32, #tpu.memory_space<vmem_shared>>
        tpu.wait_indirect_dma semaphore(%arg40 : memref<!tpu.dma_semaphore, #tpu.memory_space<semaphore_mem>>) src(%arg17 : memref<128xf32, #tpu.memory_space<vmem>>) dst(%dma_wait3A_1217 : memref<10240xf32, #tpu.memory_space<vmem_shared>>)
      } else {
      }
      %mul3A_652 = arith.constant 160 : i32
      %mul3A_653 = arith.muli %arg1, %mul3A_652 : i32
      %add3A_654 = arith.addi %mul3A_653, %add3A_545 : i32
      %mul3A_655 = arith.constant 128 : i32
      %mul3A_656 = arith.muli %add3A_654, %mul3A_655 : i32
      %parallel_loop3A_657 = arith.constant 0 : i32
      %parallel_loop3A_658 = arith.constant 128 : i32
      %parallel_loop3A_659 = arith.constant 16 : i32
      scf.for %parallel_loop3A_1212 = %parallel_loop3A_657 to %parallel_loop3A_658 step %parallel_loop3A_659  : i32 {
        %parallel_loop3A_1213 = arith.index_cast %select_n3A_550 : i32 to index
        %parallel_loop3A_1214 = arith.index_cast %parallel_loop3A_1212 : i32 to index
        %parallel_loop3A_1215 = tpu.vector_load %arg12[%parallel_loop3A_1213, %parallel_loop3A_1214] {strides = array<i32>} : memref<80x128xi32, #tpu.memory_space<vmem>>, vector<16xi32>,
        %parallel_loop3A_1216 = arith.index_cast %select_n3A_550 : i32 to index
        %parallel_loop3A_1217 = arith.index_cast %parallel_loop3A_1212 : i32 to index
        %parallel_loop3A_1218 = tpu.vector_load %arg13[%parallel_loop3A_1216, %parallel_loop3A_1217] {strides = array<i32>} : memref<80x128xi32, #tpu.memory_space<vmem>>, vector<16xi32>,
        %parallel_loop3A_1219 = tpu.vector_load_idx %arg10[%parallel_loop3A_1215] : memref<10000xf32, #tpu.memory_space<vmem>>[vector<16xi32>], vector<16xf32>,
        %parallel_loop3A_1220 = tpu.vector_load_idx %arg11[%parallel_loop3A_1218] : memref<10000xf32, #tpu.memory_space<vmem>>[vector<16xi32>], vector<16xf32>,
        %parallel_loop3A_1221 = arith.addf %parallel_loop3A_1219, %parallel_loop3A_1220 : vector<16xf32>
        %parallel_loop3A_1222 = arith.constant 0.000000e+00 : f32
        %parallel_loop3A_1223 = vector.broadcast %parallel_loop3A_1222 : f32 to vector<16xf32>
        %parallel_loop3A_1224 = arith.cmpf ogt, %parallel_loop3A_1221, %parallel_loop3A_1223 : vector<16xf32>
        %parallel_loop3A_1225 = arith.constant 2.000000e-01 : f32
        %parallel_loop3A_1226 = vector.broadcast %parallel_loop3A_1225 : f32 to vector<16xf32>
        %parallel_loop3A_1227 = arith.mulf %parallel_loop3A_1221, %parallel_loop3A_1226 : vector<16xf32>
        %parallel_loop3A_1228 = arith.select %parallel_loop3A_1224, %parallel_loop3A_1221, %parallel_loop3A_1227 : vector<16xi1>, vector<16xf32>
        %parallel_loop3A_1229 = math.exp %parallel_loop3A_1228 : vector<16xf32>
        %parallel_loop3A_1230 = arith.addi %mul3A_656, %parallel_loop3A_1212 : i32
        %parallel_loop3A_1231 = tpu.iota {dimensions = array<i32: 0>} : vector<16xi32>
        %parallel_loop3A_1232 = vector.broadcast %parallel_loop3A_1230 : i32 to vector<16xi32>
        %parallel_loop3A_1233 = arith.addi %parallel_loop3A_1232, %parallel_loop3A_1231 : vector<16xi32>
        %parallel_loop3A_1234 = arith.constant 320000 : i32
        %parallel_loop3A_1235 = vector.broadcast %parallel_loop3A_1234 : i32 to vector<16xi32>
        %parallel_loop3A_1236 = arith.cmpi slt, %parallel_loop3A_1233, %parallel_loop3A_1235 : vector<16xi32>
        %parallel_loop3A_1237 = arith.constant 0.000000e+00 : f32
        %parallel_loop3A_1238 = vector.broadcast %parallel_loop3A_1237 : f32 to vector<16xf32>
        %parallel_loop3A_1239 = arith.select %parallel_loop3A_1236, %parallel_loop3A_1229, %parallel_loop3A_1238 : vector<16xi1>, vector<16xf32>
        %parallel_loop3A_1240 = arith.index_cast %parallel_loop3A_1212 : i32 to index
        %parallel_loop3A_1241 = tpu.vector_load %arg17[%parallel_loop3A_1240] {strides = array<i32>} : memref<128xf32, #tpu.memory_space<vmem>>, vector<16xf32>,
        tpu.vector_store %arg17[%parallel_loop3A_1240], %parallel_loop3A_1239 {strides = array<i32>} : memref<128xf32, #tpu.memory_space<vmem>>, vector<16xf32>,
      } {sc.loop_unroll_factor = 2 : i64, sc.parallel_access}
      %dma_wait3A_660 = arith.constant 0 : i32
      %dma_wait3A_661 = arith.constant 0 : i32
      %dma_wait3A_662 = tpu.memref_slice %arg14[%dma_wait3A_660, %dma_wait3A_661] : memref<5x128xi32, #tpu.memory_space<vmem>> -> memref<1x128xi32, #tpu.memory_space<vmem>>
      %dma_wait3A_663 = tpu.memref_squeeze %dma_wait3A_662 : memref<1x128xi32, #tpu.memory_space<vmem>> -> memref<128xi32, #tpu.memory_space<vmem>>
      %dma_wait3A_664 = arith.constant 0 : i32
      %dma_wait3A_665 = arith.constant 0 : i32
      %dma_wait3A_666 = tpu.memref_slice %arg6[%arg0, %dma_wait3A_664, %dma_wait3A_665] : memref<2x10000x64xf32, #tpu.memory_space<hbm>> -> memref<1x10000x64xf32, #tpu.memory_space<hbm>>
      %dma_wait3A_667 = tpu.memref_squeeze %dma_wait3A_666 : memref<1x10000x64xf32, #tpu.memory_space<hbm>> -> memref<10000x64xf32, #tpu.memory_space<hbm>>
      %dma_wait3A_668 = arith.constant 0 : i32
      %dma_wait3A_669 = arith.constant 0 : i32
      %dma_wait3A_670 = tpu.memref_slice %dma_wait3A_667[%dma_wait3A_668, %dma_wait3A_669] : memref<10000x64xf32, #tpu.memory_space<hbm>> -> memref<10000x64xf32, #tpu.memory_space<hbm>>
      tpu.wait_indirect_dma semaphore(%arg30 : memref<!tpu.dma_semaphore, #tpu.memory_space<semaphore_mem>>) src(%dma_wait3A_670 : memref<10000x64xf32, #tpu.memory_space<hbm>>) dst(%arg22 : memref<128x64xf32, #tpu.memory_space<vmem>>)
      %parallel_loop3A_671 = arith.constant 0 : i32
      %parallel_loop3A_672 = arith.constant 128 : i32
      %parallel_loop3A_673 = arith.constant 1 : i32
      scf.for %parallel_loop3A_1212 = %parallel_loop3A_671 to %parallel_loop3A_672 step %parallel_loop3A_673  : i32 {
        %parallel_loop3A_1213 = vector.broadcast %parallel_loop3A_1212 : i32 to vector<16xi32>
        %parallel_loop3A_1214 = tpu.vector_load_idx %arg17[%parallel_loop3A_1213] : memref<128xf32, #tpu.memory_space<vmem>>[vector<16xi32>], vector<16xf32>,
        %parallel_loop3A_1215 = arith.index_cast %parallel_loop3A_1212 : i32 to index
        %parallel_loop3A_1216 = arith.constant 0 : index
        %parallel_loop3A_1217 = tpu.vector_load %arg22[%parallel_loop3A_1215, %parallel_loop3A_1216] {strides = array<i32>} : memref<128x64xf32, #tpu.memory_space<vmem>>, vector<16xf32>,
        %parallel_loop3A_1218 = arith.mulf %parallel_loop3A_1217, %parallel_loop3A_1214 : vector<16xf32>
        %parallel_loop3A_1219 = arith.index_cast %parallel_loop3A_1212 : i32 to index
        %parallel_loop3A_1220 = arith.constant 0 : index
        %parallel_loop3A_1221 = tpu.vector_load %arg22[%parallel_loop3A_1219, %parallel_loop3A_1220] {strides = array<i32>} : memref<128x64xf32, #tpu.memory_space<vmem>>, vector<16xf32>,
        tpu.vector_store %arg22[%parallel_loop3A_1219, %parallel_loop3A_1220], %parallel_loop3A_1218 {strides = array<i32>} : memref<128x64xf32, #tpu.memory_space<vmem>>, vector<16xf32>,
        %parallel_loop3A_1222 = arith.index_cast %parallel_loop3A_1212 : i32 to index
        %parallel_loop3A_1223 = arith.constant 16 : index
        %parallel_loop3A_1224 = tpu.vector_load %arg22[%parallel_loop3A_1222, %parallel_loop3A_1223] {strides = array<i32>} : memref<128x64xf32, #tpu.memory_space<vmem>>, vector<16xf32>,
        %parallel_loop3A_1225 = arith.mulf %parallel_loop3A_1224, %parallel_loop3A_1214 : vector<16xf32>
        %parallel_loop3A_1226 = arith.index_cast %parallel_loop3A_1212 : i32 to index
        %parallel_loop3A_1227 = arith.constant 16 : index
        %parallel_loop3A_1228 = tpu.vector_load %arg22[%parallel_loop3A_1226, %parallel_loop3A_1227] {strides = array<i32>} : memref<128x64xf32, #tpu.memory_space<vmem>>, vector<16xf32>,
        tpu.vector_store %arg22[%parallel_loop3A_1226, %parallel_loop3A_1227], %parallel_loop3A_1225 {strides = array<i32>} : memref<128x64xf32, #tpu.memory_space<vmem>>, vector<16xf32>,
        %parallel_loop3A_1229 = arith.index_cast %parallel_loop3A_1212 : i32 to index
        %parallel_loop3A_1230 = arith.constant 32 : index
        %parallel_loop3A_1231 = tpu.vector_load %arg22[%parallel_loop3A_1229, %parallel_loop3A_1230] {strides = array<i32>} : memref<128x64xf32, #tpu.memory_space<vmem>>, vector<16xf32>,
        %parallel_loop3A_1232 = arith.mulf %parallel_loop3A_1231, %parallel_loop3A_1214 : vector<16xf32>
        %parallel_loop3A_1233 = arith.index_cast %parallel_loop3A_1212 : i32 to index
        %parallel_loop3A_1234 = arith.constant 32 : index
        %parallel_loop3A_1235 = tpu.vector_load %arg22[%parallel_loop3A_1233, %parallel_loop3A_1234] {strides = array<i32>} : memref<128x64xf32, #tpu.memory_space<vmem>>, vector<16xf32>,
        tpu.vector_store %arg22[%parallel_loop3A_1233, %parallel_loop3A_1234], %parallel_loop3A_1232 {strides = array<i32>} : memref<128x64xf32, #tpu.memory_space<vmem>>, vector<16xf32>,
        %parallel_loop3A_1236 = arith.index_cast %parallel_loop3A_1212 : i32 to index
        %parallel_loop3A_1237 = arith.constant 48 : index
        %parallel_loop3A_1238 = tpu.vector_load %arg22[%parallel_loop3A_1236, %parallel_loop3A_1237] {strides = array<i32>} : memref<128x64xf32, #tpu.memory_space<vmem>>, vector<16xf32>,
        %parallel_loop3A_1239 = arith.mulf %parallel_loop3A_1238, %parallel_loop3A_1214 : vector<16xf32>
        %parallel_loop3A_1240 = arith.index_cast %parallel_loop3A_1212 : i32 to index
        %parallel_loop3A_1241 = arith.constant 48 : index
        %parallel_loop3A_1242 = tpu.vector_load %arg22[%parallel_loop3A_1240, %parallel_loop3A_1241] {strides = array<i32>} : memref<128x64xf32, #tpu.memory_space<vmem>>, vector<16xf32>,
        tpu.vector_store %arg22[%parallel_loop3A_1240, %parallel_loop3A_1241], %parallel_loop3A_1239 {strides = array<i32>} : memref<128x64xf32, #tpu.memory_space<vmem>>, vector<16xf32>,
      } {sc.loop_unroll_factor = 4 : i64, sc.parallel_access}
      %get3A_674 = arith.index_cast %select_n3A_550 : i32 to index
      %get3A_675 = arith.constant 0 : index
      %get3A_676 = tpu.vector_load %arg13[%get3A_674, %get3A_675] {strides = array<i32>} : memref<80x128xi32, #tpu.memory_space<vmem>>, vector<16xi32>,
      %swap3A_677 = arith.constant 1 : i32
      %swap3A_678 = arith.index_cast %swap3A_677 : i32 to index
      %swap3A_679 = arith.constant 0 : index
      %swap3A_680 = tpu.vector_load %arg15[%swap3A_678, %swap3A_679] {strides = array<i32>} : memref<5x128xi32, #tpu.memory_space<vmem>>, vector<16xi32>,
      tpu.vector_store %arg15[%swap3A_678, %swap3A_679], %get3A_676 {strides = array<i32>} : memref<5x128xi32, #tpu.memory_space<vmem>>, vector<16xi32>,
      %get3A_681 = arith.index_cast %select_n3A_550 : i32 to index
      %get3A_682 = arith.constant 16 : index
      %get3A_683 = tpu.vector_load %arg13[%get3A_681, %get3A_682] {strides = array<i32>} : memref<80x128xi32, #tpu.memory_space<vmem>>, vector<16xi32>,
      %swap3A_684 = arith.constant 1 : i32
      %swap3A_685 = arith.index_cast %swap3A_684 : i32 to index
      %swap3A_686 = arith.constant 16 : index
      %swap3A_687 = tpu.vector_load %arg15[%swap3A_685, %swap3A_686] {strides = array<i32>} : memref<5x128xi32, #tpu.memory_space<vmem>>, vector<16xi32>,
      tpu.vector_store %arg15[%swap3A_685, %swap3A_686], %get3A_683 {strides = array<i32>} : memref<5x128xi32, #tpu.memory_space<vmem>>, vector<16xi32>,
      %get3A_688 = arith.index_cast %select_n3A_550 : i32 to index
      %get3A_689 = arith.constant 32 : index
      %get3A_690 = tpu.vector_load %arg13[%get3A_688, %get3A_689] {strides = array<i32>} : memref<80x128xi32, #tpu.memory_space<vmem>>, vector<16xi32>,
      %swap3A_691 = arith.constant 1 : i32
      %swap3A_692 = arith.index_cast %swap3A_691 : i32 to index
      %swap3A_693 = arith.constant 32 : index
      %swap3A_694 = tpu.vector_load %arg15[%swap3A_692, %swap3A_693] {strides = array<i32>} : memref<5x128xi32, #tpu.memory_space<vmem>>, vector<16xi32>,
      tpu.vector_store %arg15[%swap3A_692, %swap3A_693], %get3A_690 {strides = array<i32>} : memref<5x128xi32, #tpu.memory_space<vmem>>, vector<16xi32>,
      %get3A_695 = arith.index_cast %select_n3A_550 : i32 to index
      %get3A_696 = arith.constant 48 : index
      %get3A_697 = tpu.vector_load %arg13[%get3A_695, %get3A_696] {strides = array<i32>} : memref<80x128xi32, #tpu.memory_space<vmem>>, vector<16xi32>,
      %swap3A_698 = arith.constant 1 : i32
      %swap3A_699 = arith.index_cast %swap3A_698 : i32 to index
      %swap3A_700 = arith.constant 48 : index
      %swap3A_701 = tpu.vector_load %arg15[%swap3A_699, %swap3A_700] {strides = array<i32>} : memref<5x128xi32, #tpu.memory_space<vmem>>, vector<16xi32>,
      tpu.vector_store %arg15[%swap3A_699, %swap3A_700], %get3A_697 {strides = array<i32>} : memref<5x128xi32, #tpu.memory_space<vmem>>, vector<16xi32>,
      %get3A_702 = arith.index_cast %select_n3A_550 : i32 to index
      %get3A_703 = arith.constant 64 : index
      %get3A_704 = tpu.vector_load %arg13[%get3A_702, %get3A_703] {strides = array<i32>} : memref<80x128xi32, #tpu.memory_space<vmem>>, vector<16xi32>,
      %swap3A_705 = arith.constant 1 : i32
      %swap3A_706 = arith.index_cast %swap3A_705 : i32 to index
      %swap3A_707 = arith.constant 64 : index
      %swap3A_708 = tpu.vector_load %arg15[%swap3A_706, %swap3A_707] {strides = array<i32>} : memref<5x128xi32, #tpu.memory_space<vmem>>, vector<16xi32>,
      tpu.vector_store %arg15[%swap3A_706, %swap3A_707], %get3A_704 {strides = array<i32>} : memref<5x128xi32, #tpu.memory_space<vmem>>, vector<16xi32>,
      %get3A_709 = arith.index_cast %select_n3A_550 : i32 to index
      %get3A_710 = arith.constant 80 : index
      %get3A_711 = tpu.vector_load %arg13[%get3A_709, %get3A_710] {strides = array<i32>} : memref<80x128xi32, #tpu.memory_space<vmem>>, vector<16xi32>,
      %swap3A_712 = arith.constant 1 : i32
      %swap3A_713 = arith.index_cast %swap3A_712 : i32 to index
      %swap3A_714 = arith.constant 80 : index
      %swap3A_715 = tpu.vector_load %arg15[%swap3A_713, %swap3A_714] {strides = array<i32>} : memref<5x128xi32, #tpu.memory_space<vmem>>, vector<16xi32>,
      tpu.vector_store %arg15[%swap3A_713, %swap3A_714], %get3A_711 {strides = array<i32>} : memref<5x128xi32, #tpu.memory_space<vmem>>, vector<16xi32>,
      %get3A_716 = arith.index_cast %select_n3A_550 : i32 to index
      %get3A_717 = arith.constant 96 : index
      %get3A_718 = tpu.vector_load %arg13[%get3A_716, %get3A_717] {strides = array<i32>} : memref<80x128xi32, #tpu.memory_space<vmem>>, vector<16xi32>,
      %swap3A_719 = arith.constant 1 : i32
      %swap3A_720 = arith.index_cast %swap3A_719 : i32 to index
      %swap3A_721 = arith.constant 96 : index
      %swap3A_722 = tpu.vector_load %arg15[%swap3A_720, %swap3A_721] {strides = array<i32>} : memref<5x128xi32, #tpu.memory_space<vmem>>, vector<16xi32>,
      tpu.vector_store %arg15[%swap3A_720, %swap3A_721], %get3A_718 {strides = array<i32>} : memref<5x128xi32, #tpu.memory_space<vmem>>, vector<16xi32>,
      %get3A_723 = arith.index_cast %select_n3A_550 : i32 to index
      %get3A_724 = arith.constant 112 : index
      %get3A_725 = tpu.vector_load %arg13[%get3A_723, %get3A_724] {strides = array<i32>} : memref<80x128xi32, #tpu.memory_space<vmem>>, vector<16xi32>,
      %swap3A_726 = arith.constant 1 : i32
      %swap3A_727 = arith.index_cast %swap3A_726 : i32 to index
      %swap3A_728 = arith.constant 112 : index
      %swap3A_729 = tpu.vector_load %arg15[%swap3A_727, %swap3A_728] {strides = array<i32>} : memref<5x128xi32, #tpu.memory_space<vmem>>, vector<16xi32>,
      tpu.vector_store %arg15[%swap3A_727, %swap3A_728], %get3A_725 {strides = array<i32>} : memref<5x128xi32, #tpu.memory_space<vmem>>, vector<16xi32>,
      %dma_start3A_730 = arith.constant 1 : i32
      %dma_start3A_731 = arith.constant 0 : i32
      %dma_start3A_732 = tpu.memref_slice %arg15[%dma_start3A_730, %dma_start3A_731] : memref<5x128xi32, #tpu.memory_space<vmem>> -> memref<1x128xi32, #tpu.memory_space<vmem>>
      %dma_start3A_733 = tpu.memref_squeeze %dma_start3A_732 : memref<1x128xi32, #tpu.memory_space<vmem>> -> memref<128xi32, #tpu.memory_space<vmem>>
      %dma_start3A_734 = arith.constant 0 : i32
      %dma_start3A_735 = arith.constant 0 : i32
      %dma_start3A_736 = tpu.memref_slice %arg27[%dma_start3A_734, %dma_start3A_735] : memref<10240x64xf32, #tpu.memory_space<vmem_shared>> -> memref<10240x64xf32, #tpu.memory_space<vmem_shared>>
      tpu.enqueue_indirect_dma source(%arg22 : memref<128x64xf32, #tpu.memory_space<vmem>>) target(%dma_start3A_736 : memref<10240x64xf32, #tpu.memory_space<vmem_shared>>) offsets(%dma_start3A_733 : memref<128xi32, #tpu.memory_space<vmem>>) semaphore(%arg35 : memref<!tpu.dma_semaphore, #tpu.memory_space<semaphore_mem>>) {add = true}
      %add3A_737 = arith.constant 1 : i32
      %add3A_738 = arith.addi %scan3A_328, %add3A_737 : i32
      %jit3A_739 = arith.constant 2 : i32
      %eq3A_740 = arith.constant 0 : i32
      %eq3A_741 = arith.cmpi eq, %jit3A_739, %eq3A_740 : i32
      %jit3A_742 = arith.constant 1 : i32
      %select_n3A_743 = arith.select %eq3A_741, %jit3A_742, %jit3A_739 : i32
      %rem3A_744 = arith.remsi %add3A_738, %select_n3A_743 : i32
      %ne3A_745 = arith.constant 0 : i32
      %ne3A_746 = arith.cmpi ne, %rem3A_744, %ne3A_745 : i32
      %lt3A_747 = arith.constant 0 : i32
      %lt3A_748 = arith.cmpi slt, %rem3A_744, %lt3A_747 : i32
      %lt3A_749 = arith.constant 0 : i32
      %lt3A_750 = arith.cmpi slt, %select_n3A_743, %lt3A_749 : i32
      %ne3A_751 = arith.xori %lt3A_748, %lt3A_750 : i1
      %and3A_752 = arith.andi %ne3A_751, %ne3A_746 : i1
      %add3A_753 = arith.addi %rem3A_744, %select_n3A_743 : i32
      %select_n3A_754 = arith.select %and3A_752, %add3A_753, %rem3A_744 : i32
      %eq3A_755 = arith.cmpi eq, %arg0, %select_n3A_754 : i32
      %convert_element_type3A_756 = arith.extui %eq3A_755 : i1 to i32
      %cond3A_757 = arith.constant 0 : i32
      %cond3A_758 = arith.cmpi ne, %convert_element_type3A_756, %cond3A_757 : i32
      scf.if %cond3A_758 {
        %dma_start3A_1212 = arith.constant 1 : i32
        %dma_start3A_1213 = arith.constant 0 : i32
        %dma_start3A_1214 = tpu.memref_slice %arg15[%dma_start3A_1212, %dma_start3A_1213] : memref<5x128xi32, #tpu.memory_space<vmem>> -> memref<1x128xi32, #tpu.memory_space<vmem>>
        %dma_start3A_1215 = tpu.memref_squeeze %dma_start3A_1214 : memref<1x128xi32, #tpu.memory_space<vmem>> -> memref<128xi32, #tpu.memory_space<vmem>>
        %dma_start3A_1216 = arith.constant 0 : i32
        %dma_start3A_1217 = tpu.memref_slice %arg28[%dma_start3A_1216] : memref<10240xf32, #tpu.memory_space<vmem_shared>> -> memref<10240xf32, #tpu.memory_space<vmem_shared>>
        tpu.enqueue_indirect_dma source(%arg17 : memref<128xf32, #tpu.memory_space<vmem>>) target(%dma_start3A_1217 : memref<10240xf32, #tpu.memory_space<vmem_shared>>) offsets(%dma_start3A_1215 : memref<128xi32, #tpu.memory_space<vmem>>) semaphore(%arg40 : memref<!tpu.dma_semaphore, #tpu.memory_space<semaphore_mem>>) {add = true}
      } else {
      }
      %mul3A_759 = arith.constant 5 : i32
      %mul3A_760 = arith.muli %scan3A_328, %mul3A_759 : i32
      %add3A_761 = arith.constant 2 : i32
      %add3A_762 = arith.addi %mul3A_760, %add3A_761 : i32
      %ge3A_763 = arith.constant 80 : i32
      %ge3A_764 = arith.cmpi sge, %add3A_762, %ge3A_763 : i32
      %sub3A_765 = arith.constant 80 : i32
      %sub3A_766 = arith.subi %add3A_762, %sub3A_765 : i32
      %select_n3A_767 = arith.select %ge3A_764, %sub3A_766, %add3A_762 : i32
      %lt3A_768 = arith.constant 31 : i32
      %lt3A_769 = arith.cmpi slt, %scan3A_328, %lt3A_768 : i32
      %ne3A_770 = arith.constant 15 : i32
      %ne3A_771 = arith.cmpi ne, %scan3A_328, %ne3A_770 : i32
      %and3A_772 = arith.andi %lt3A_769, %ne3A_771 : i1
      %convert_element_type3A_773 = arith.extui %and3A_772 : i1 to i32
      %cond3A_774 = arith.constant 0 : i32
      %cond3A_775 = arith.cmpi ne, %convert_element_type3A_773, %cond3A_774 : i32
      scf.if %cond3A_775 {
        %dma_wait3A_1212 = arith.constant 0 : i32
        %dma_wait3A_1213 = arith.constant 0 : i32
        %dma_wait3A_1214 = tpu.memref_slice %arg15[%dma_wait3A_1212, %dma_wait3A_1213] : memref<5x128xi32, #tpu.memory_space<vmem>> -> memref<1x128xi32, #tpu.memory_space<vmem>>
        %dma_wait3A_1215 = tpu.memref_squeeze %dma_wait3A_1214 : memref<1x128xi32, #tpu.memory_space<vmem>> -> memref<128xi32, #tpu.memory_space<vmem>>
        %dma_wait3A_1216 = arith.constant 0 : i32
        %dma_wait3A_1217 = arith.constant 0 : i32
        %dma_wait3A_1218 = tpu.memref_slice %arg27[%dma_wait3A_1216, %dma_wait3A_1217] : memref<10240x64xf32, #tpu.memory_space<vmem_shared>> -> memref<10240x64xf32, #tpu.memory_space<vmem_shared>>
        tpu.wait_indirect_dma semaphore(%arg34 : memref<!tpu.dma_semaphore, #tpu.memory_space<semaphore_mem>>) src(%arg21 : memref<128x64xf32, #tpu.memory_space<vmem>>) dst(%dma_wait3A_1218 : memref<10240x64xf32, #tpu.memory_space<vmem_shared>>)
        %add3A_1219 = arith.constant 3 : i32
        %add3A_1220 = arith.addi %select_n3A_767, %add3A_1219 : i32
        %get3A_1221 = arith.index_cast %add3A_1220 : i32 to index
        %get3A_1222 = arith.constant 0 : index
        %get3A_1223 = tpu.vector_load %arg12[%get3A_1221, %get3A_1222] {strides = array<i32>} : memref<80x128xi32, #tpu.memory_space<vmem>>, vector<16xi32>,
        %swap3A_1224 = arith.constant 0 : i32
        %swap3A_1225 = arith.index_cast %swap3A_1224 : i32 to index
        %swap3A_1226 = arith.constant 0 : index
        %swap3A_1227 = tpu.vector_load %arg14[%swap3A_1225, %swap3A_1226] {strides = array<i32>} : memref<5x128xi32, #tpu.memory_space<vmem>>, vector<16xi32>,
        tpu.vector_store %arg14[%swap3A_1225, %swap3A_1226], %get3A_1223 {strides = array<i32>} : memref<5x128xi32, #tpu.memory_space<vmem>>, vector<16xi32>,
        %get3A_1228 = arith.index_cast %add3A_1220 : i32 to index
        %get3A_1229 = arith.constant 16 : index
        %get3A_1230 = tpu.vector_load %arg12[%get3A_1228, %get3A_1229] {strides = array<i32>} : memref<80x128xi32, #tpu.memory_space<vmem>>, vector<16xi32>,
        %swap3A_1231 = arith.constant 0 : i32
        %swap3A_1232 = arith.index_cast %swap3A_1231 : i32 to index
        %swap3A_1233 = arith.constant 16 : index
        %swap3A_1234 = tpu.vector_load %arg14[%swap3A_1232, %swap3A_1233] {strides = array<i32>} : memref<5x128xi32, #tpu.memory_space<vmem>>, vector<16xi32>,
        tpu.vector_store %arg14[%swap3A_1232, %swap3A_1233], %get3A_1230 {strides = array<i32>} : memref<5x128xi32, #tpu.memory_space<vmem>>, vector<16xi32>,
        %get3A_1235 = arith.index_cast %add3A_1220 : i32 to index
        %get3A_1236 = arith.constant 32 : index
        %get3A_1237 = tpu.vector_load %arg12[%get3A_1235, %get3A_1236] {strides = array<i32>} : memref<80x128xi32, #tpu.memory_space<vmem>>, vector<16xi32>,
        %swap3A_1238 = arith.constant 0 : i32
        %swap3A_1239 = arith.index_cast %swap3A_1238 : i32 to index
        %swap3A_1240 = arith.constant 32 : index
        %swap3A_1241 = tpu.vector_load %arg14[%swap3A_1239, %swap3A_1240] {strides = array<i32>} : memref<5x128xi32, #tpu.memory_space<vmem>>, vector<16xi32>,
        tpu.vector_store %arg14[%swap3A_1239, %swap3A_1240], %get3A_1237 {strides = array<i32>} : memref<5x128xi32, #tpu.memory_space<vmem>>, vector<16xi32>,
        %get3A_1242 = arith.index_cast %add3A_1220 : i32 to index
        %get3A_1243 = arith.constant 48 : index
        %get3A_1244 = tpu.vector_load %arg12[%get3A_1242, %get3A_1243] {strides = array<i32>} : memref<80x128xi32, #tpu.memory_space<vmem>>, vector<16xi32>,
        %swap3A_1245 = arith.constant 0 : i32
        %swap3A_1246 = arith.index_cast %swap3A_1245 : i32 to index
        %swap3A_1247 = arith.constant 48 : index
        %swap3A_1248 = tpu.vector_load %arg14[%swap3A_1246, %swap3A_1247] {strides = array<i32>} : memref<5x128xi32, #tpu.memory_space<vmem>>, vector<16xi32>,
        tpu.vector_store %arg14[%swap3A_1246, %swap3A_1247], %get3A_1244 {strides = array<i32>} : memref<5x128xi32, #tpu.memory_space<vmem>>, vector<16xi32>,
        %get3A_1249 = arith.index_cast %add3A_1220 : i32 to index
        %get3A_1250 = arith.constant 64 : index
        %get3A_1251 = tpu.vector_load %arg12[%get3A_1249, %get3A_1250] {strides = array<i32>} : memref<80x128xi32, #tpu.memory_space<vmem>>, vector<16xi32>,
        %swap3A_1252 = arith.constant 0 : i32
        %swap3A_1253 = arith.index_cast %swap3A_1252 : i32 to index
        %swap3A_1254 = arith.constant 64 : index
        %swap3A_1255 = tpu.vector_load %arg14[%swap3A_1253, %swap3A_1254] {strides = array<i32>} : memref<5x128xi32, #tpu.memory_space<vmem>>, vector<16xi32>,
        tpu.vector_store %arg14[%swap3A_1253, %swap3A_1254], %get3A_1251 {strides = array<i32>} : memref<5x128xi32, #tpu.memory_space<vmem>>, vector<16xi32>,
        %get3A_1256 = arith.index_cast %add3A_1220 : i32 to index
        %get3A_1257 = arith.constant 80 : index
        %get3A_1258 = tpu.vector_load %arg12[%get3A_1256, %get3A_1257] {strides = array<i32>} : memref<80x128xi32, #tpu.memory_space<vmem>>, vector<16xi32>,
        %swap3A_1259 = arith.constant 0 : i32
        %swap3A_1260 = arith.index_cast %swap3A_1259 : i32 to index
        %swap3A_1261 = arith.constant 80 : index
        %swap3A_1262 = tpu.vector_load %arg14[%swap3A_1260, %swap3A_1261] {strides = array<i32>} : memref<5x128xi32, #tpu.memory_space<vmem>>, vector<16xi32>,
        tpu.vector_store %arg14[%swap3A_1260, %swap3A_1261], %get3A_1258 {strides = array<i32>} : memref<5x128xi32, #tpu.memory_space<vmem>>, vector<16xi32>,
        %get3A_1263 = arith.index_cast %add3A_1220 : i32 to index
        %get3A_1264 = arith.constant 96 : index
        %get3A_1265 = tpu.vector_load %arg12[%get3A_1263, %get3A_1264] {strides = array<i32>} : memref<80x128xi32, #tpu.memory_space<vmem>>, vector<16xi32>,
        %swap3A_1266 = arith.constant 0 : i32
        %swap3A_1267 = arith.index_cast %swap3A_1266 : i32 to index
        %swap3A_1268 = arith.constant 96 : index
        %swap3A_1269 = tpu.vector_load %arg14[%swap3A_1267, %swap3A_1268] {strides = array<i32>} : memref<5x128xi32, #tpu.memory_space<vmem>>, vector<16xi32>,
        tpu.vector_store %arg14[%swap3A_1267, %swap3A_1268], %get3A_1265 {strides = array<i32>} : memref<5x128xi32, #tpu.memory_space<vmem>>, vector<16xi32>,
        %get3A_1270 = arith.index_cast %add3A_1220 : i32 to index
        %get3A_1271 = arith.constant 112 : index
        %get3A_1272 = tpu.vector_load %arg12[%get3A_1270, %get3A_1271] {strides = array<i32>} : memref<80x128xi32, #tpu.memory_space<vmem>>, vector<16xi32>,
        %swap3A_1273 = arith.constant 0 : i32
        %swap3A_1274 = arith.index_cast %swap3A_1273 : i32 to index
        %swap3A_1275 = arith.constant 112 : index
        %swap3A_1276 = tpu.vector_load %arg14[%swap3A_1274, %swap3A_1275] {strides = array<i32>} : memref<5x128xi32, #tpu.memory_space<vmem>>, vector<16xi32>,
        tpu.vector_store %arg14[%swap3A_1274, %swap3A_1275], %get3A_1272 {strides = array<i32>} : memref<5x128xi32, #tpu.memory_space<vmem>>, vector<16xi32>,
        %dma_start3A_1277 = arith.constant 0 : i32
        %dma_start3A_1278 = arith.constant 0 : i32
        %dma_start3A_1279 = tpu.memref_slice %arg14[%dma_start3A_1277, %dma_start3A_1278] : memref<5x128xi32, #tpu.memory_space<vmem>> -> memref<1x128xi32, #tpu.memory_space<vmem>>
        %dma_start3A_1280 = tpu.memref_squeeze %dma_start3A_1279 : memref<1x128xi32, #tpu.memory_space<vmem>> -> memref<128xi32, #tpu.memory_space<vmem>>
        %dma_start3A_1281 = arith.constant 0 : i32
        %dma_start3A_1282 = arith.constant 0 : i32
        %dma_start3A_1283 = tpu.memref_slice %arg6[%arg0, %dma_start3A_1281, %dma_start3A_1282] : memref<2x10000x64xf32, #tpu.memory_space<hbm>> -> memref<1x10000x64xf32, #tpu.memory_space<hbm>>
        %dma_start3A_1284 = tpu.memref_squeeze %dma_start3A_1283 : memref<1x10000x64xf32, #tpu.memory_space<hbm>> -> memref<10000x64xf32, #tpu.memory_space<hbm>>
        %dma_start3A_1285 = arith.constant 0 : i32
        %dma_start3A_1286 = arith.constant 0 : i32
        %dma_start3A_1287 = tpu.memref_slice %dma_start3A_1284[%dma_start3A_1285, %dma_start3A_1286] : memref<10000x64xf32, #tpu.memory_space<hbm>> -> memref<10000x64xf32, #tpu.memory_space<hbm>>
        tpu.enqueue_indirect_dma source(%dma_start3A_1287 : memref<10000x64xf32, #tpu.memory_space<hbm>>) target(%arg21 : memref<128x64xf32, #tpu.memory_space<vmem>>) offsets(%dma_start3A_1280 : memref<128xi32, #tpu.memory_space<vmem>>) semaphore(%arg29 : memref<!tpu.dma_semaphore, #tpu.memory_space<semaphore_mem>>)
      } else {
      }
      %add3A_776 = arith.constant 2 : i32
      %add3A_777 = arith.addi %scan3A_328, %add3A_776 : i32
      %add3A_778 = arith.constant 1 : i32
      %add3A_779 = arith.addi %add3A_777, %add3A_778 : i32
      %jit3A_780 = arith.constant 2 : i32
      %eq3A_781 = arith.constant 0 : i32
      %eq3A_782 = arith.cmpi eq, %jit3A_780, %eq3A_781 : i32
      %jit3A_783 = arith.constant 1 : i32
      %select_n3A_784 = arith.select %eq3A_782, %jit3A_783, %jit3A_780 : i32
      %rem3A_785 = arith.remsi %add3A_779, %select_n3A_784 : i32
      %ne3A_786 = arith.constant 0 : i32
      %ne3A_787 = arith.cmpi ne, %rem3A_785, %ne3A_786 : i32
      %lt3A_788 = arith.constant 0 : i32
      %lt3A_789 = arith.cmpi slt, %rem3A_785, %lt3A_788 : i32
      %lt3A_790 = arith.constant 0 : i32
      %lt3A_791 = arith.cmpi slt, %select_n3A_784, %lt3A_790 : i32
      %ne3A_792 = arith.xori %lt3A_789, %lt3A_791 : i1
      %and3A_793 = arith.andi %ne3A_792, %ne3A_787 : i1
      %add3A_794 = arith.addi %rem3A_785, %select_n3A_784 : i32
      %select_n3A_795 = arith.select %and3A_793, %add3A_794, %rem3A_785 : i32
      %eq3A_796 = arith.cmpi eq, %arg0, %select_n3A_795 : i32
      %gt3A_797 = arith.constant 0 : i32
      %gt3A_798 = arith.cmpi sgt, %scan3A_328, %gt3A_797 : i32
      %and3A_799 = arith.andi %eq3A_796, %gt3A_798 : i1
      %convert_element_type3A_800 = arith.extui %and3A_799 : i1 to i32
      %cond3A_801 = arith.constant 0 : i32
      %cond3A_802 = arith.cmpi ne, %convert_element_type3A_800, %cond3A_801 : i32
      scf.if %cond3A_802 {
        %dma_wait3A_1212 = arith.constant 0 : i32
        %dma_wait3A_1213 = arith.constant 0 : i32
        %dma_wait3A_1214 = tpu.memref_slice %arg15[%dma_wait3A_1212, %dma_wait3A_1213] : memref<5x128xi32, #tpu.memory_space<vmem>> -> memref<1x128xi32, #tpu.memory_space<vmem>>
        %dma_wait3A_1215 = tpu.memref_squeeze %dma_wait3A_1214 : memref<1x128xi32, #tpu.memory_space<vmem>> -> memref<128xi32, #tpu.memory_space<vmem>>
        %dma_wait3A_1216 = arith.constant 0 : i32
        %dma_wait3A_1217 = tpu.memref_slice %arg28[%dma_wait3A_1216] : memref<10240xf32, #tpu.memory_space<vmem_shared>> -> memref<10240xf32, #tpu.memory_space<vmem_shared>>
        tpu.wait_indirect_dma semaphore(%arg41 : memref<!tpu.dma_semaphore, #tpu.memory_space<semaphore_mem>>) src(%arg18 : memref<128xf32, #tpu.memory_space<vmem>>) dst(%dma_wait3A_1217 : memref<10240xf32, #tpu.memory_space<vmem_shared>>)
      } else {
      }
      %mul3A_803 = arith.constant 160 : i32
      %mul3A_804 = arith.muli %arg1, %mul3A_803 : i32
      %add3A_805 = arith.addi %mul3A_804, %add3A_762 : i32
      %mul3A_806 = arith.constant 128 : i32
      %mul3A_807 = arith.muli %add3A_805, %mul3A_806 : i32
      %parallel_loop3A_808 = arith.constant 0 : i32
      %parallel_loop3A_809 = arith.constant 128 : i32
      %parallel_loop3A_810 = arith.constant 16 : i32
      scf.for %parallel_loop3A_1212 = %parallel_loop3A_808 to %parallel_loop3A_809 step %parallel_loop3A_810  : i32 {
        %parallel_loop3A_1213 = arith.index_cast %select_n3A_767 : i32 to index
        %parallel_loop3A_1214 = arith.index_cast %parallel_loop3A_1212 : i32 to index
        %parallel_loop3A_1215 = tpu.vector_load %arg12[%parallel_loop3A_1213, %parallel_loop3A_1214] {strides = array<i32>} : memref<80x128xi32, #tpu.memory_space<vmem>>, vector<16xi32>,
        %parallel_loop3A_1216 = arith.index_cast %select_n3A_767 : i32 to index
        %parallel_loop3A_1217 = arith.index_cast %parallel_loop3A_1212 : i32 to index
        %parallel_loop3A_1218 = tpu.vector_load %arg13[%parallel_loop3A_1216, %parallel_loop3A_1217] {strides = array<i32>} : memref<80x128xi32, #tpu.memory_space<vmem>>, vector<16xi32>,
        %parallel_loop3A_1219 = tpu.vector_load_idx %arg10[%parallel_loop3A_1215] : memref<10000xf32, #tpu.memory_space<vmem>>[vector<16xi32>], vector<16xf32>,
        %parallel_loop3A_1220 = tpu.vector_load_idx %arg11[%parallel_loop3A_1218] : memref<10000xf32, #tpu.memory_space<vmem>>[vector<16xi32>], vector<16xf32>,
        %parallel_loop3A_1221 = arith.addf %parallel_loop3A_1219, %parallel_loop3A_1220 : vector<16xf32>
        %parallel_loop3A_1222 = arith.constant 0.000000e+00 : f32
        %parallel_loop3A_1223 = vector.broadcast %parallel_loop3A_1222 : f32 to vector<16xf32>
        %parallel_loop3A_1224 = arith.cmpf ogt, %parallel_loop3A_1221, %parallel_loop3A_1223 : vector<16xf32>
        %parallel_loop3A_1225 = arith.constant 2.000000e-01 : f32
        %parallel_loop3A_1226 = vector.broadcast %parallel_loop3A_1225 : f32 to vector<16xf32>
        %parallel_loop3A_1227 = arith.mulf %parallel_loop3A_1221, %parallel_loop3A_1226 : vector<16xf32>
        %parallel_loop3A_1228 = arith.select %parallel_loop3A_1224, %parallel_loop3A_1221, %parallel_loop3A_1227 : vector<16xi1>, vector<16xf32>
        %parallel_loop3A_1229 = math.exp %parallel_loop3A_1228 : vector<16xf32>
        %parallel_loop3A_1230 = arith.addi %mul3A_807, %parallel_loop3A_1212 : i32
        %parallel_loop3A_1231 = tpu.iota {dimensions = array<i32: 0>} : vector<16xi32>
        %parallel_loop3A_1232 = vector.broadcast %parallel_loop3A_1230 : i32 to vector<16xi32>
        %parallel_loop3A_1233 = arith.addi %parallel_loop3A_1232, %parallel_loop3A_1231 : vector<16xi32>
        %parallel_loop3A_1234 = arith.constant 320000 : i32
        %parallel_loop3A_1235 = vector.broadcast %parallel_loop3A_1234 : i32 to vector<16xi32>
        %parallel_loop3A_1236 = arith.cmpi slt, %parallel_loop3A_1233, %parallel_loop3A_1235 : vector<16xi32>
        %parallel_loop3A_1237 = arith.constant 0.000000e+00 : f32
        %parallel_loop3A_1238 = vector.broadcast %parallel_loop3A_1237 : f32 to vector<16xf32>
        %parallel_loop3A_1239 = arith.select %parallel_loop3A_1236, %parallel_loop3A_1229, %parallel_loop3A_1238 : vector<16xi1>, vector<16xf32>
        %parallel_loop3A_1240 = arith.index_cast %parallel_loop3A_1212 : i32 to index
        %parallel_loop3A_1241 = tpu.vector_load %arg18[%parallel_loop3A_1240] {strides = array<i32>} : memref<128xf32, #tpu.memory_space<vmem>>, vector<16xf32>,
        tpu.vector_store %arg18[%parallel_loop3A_1240], %parallel_loop3A_1239 {strides = array<i32>} : memref<128xf32, #tpu.memory_space<vmem>>, vector<16xf32>,
      } {sc.loop_unroll_factor = 2 : i64, sc.parallel_access}
      %dma_wait3A_811 = arith.constant 0 : i32
      %dma_wait3A_812 = arith.constant 0 : i32
      %dma_wait3A_813 = tpu.memref_slice %arg14[%dma_wait3A_811, %dma_wait3A_812] : memref<5x128xi32, #tpu.memory_space<vmem>> -> memref<1x128xi32, #tpu.memory_space<vmem>>
      %dma_wait3A_814 = tpu.memref_squeeze %dma_wait3A_813 : memref<1x128xi32, #tpu.memory_space<vmem>> -> memref<128xi32, #tpu.memory_space<vmem>>
      %dma_wait3A_815 = arith.constant 0 : i32
      %dma_wait3A_816 = arith.constant 0 : i32
      %dma_wait3A_817 = tpu.memref_slice %arg6[%arg0, %dma_wait3A_815, %dma_wait3A_816] : memref<2x10000x64xf32, #tpu.memory_space<hbm>> -> memref<1x10000x64xf32, #tpu.memory_space<hbm>>
      %dma_wait3A_818 = tpu.memref_squeeze %dma_wait3A_817 : memref<1x10000x64xf32, #tpu.memory_space<hbm>> -> memref<10000x64xf32, #tpu.memory_space<hbm>>
      %dma_wait3A_819 = arith.constant 0 : i32
      %dma_wait3A_820 = arith.constant 0 : i32
      %dma_wait3A_821 = tpu.memref_slice %dma_wait3A_818[%dma_wait3A_819, %dma_wait3A_820] : memref<10000x64xf32, #tpu.memory_space<hbm>> -> memref<10000x64xf32, #tpu.memory_space<hbm>>
      tpu.wait_indirect_dma semaphore(%arg31 : memref<!tpu.dma_semaphore, #tpu.memory_space<semaphore_mem>>) src(%dma_wait3A_821 : memref<10000x64xf32, #tpu.memory_space<hbm>>) dst(%arg23 : memref<128x64xf32, #tpu.memory_space<vmem>>)
      %parallel_loop3A_822 = arith.constant 0 : i32
      %parallel_loop3A_823 = arith.constant 128 : i32
      %parallel_loop3A_824 = arith.constant 1 : i32
      scf.for %parallel_loop3A_1212 = %parallel_loop3A_822 to %parallel_loop3A_823 step %parallel_loop3A_824  : i32 {
        %parallel_loop3A_1213 = vector.broadcast %parallel_loop3A_1212 : i32 to vector<16xi32>
        %parallel_loop3A_1214 = tpu.vector_load_idx %arg18[%parallel_loop3A_1213] : memref<128xf32, #tpu.memory_space<vmem>>[vector<16xi32>], vector<16xf32>,
        %parallel_loop3A_1215 = arith.index_cast %parallel_loop3A_1212 : i32 to index
        %parallel_loop3A_1216 = arith.constant 0 : index
        %parallel_loop3A_1217 = tpu.vector_load %arg23[%parallel_loop3A_1215, %parallel_loop3A_1216] {strides = array<i32>} : memref<128x64xf32, #tpu.memory_space<vmem>>, vector<16xf32>,
        %parallel_loop3A_1218 = arith.mulf %parallel_loop3A_1217, %parallel_loop3A_1214 : vector<16xf32>
        %parallel_loop3A_1219 = arith.index_cast %parallel_loop3A_1212 : i32 to index
        %parallel_loop3A_1220 = arith.constant 0 : index
        %parallel_loop3A_1221 = tpu.vector_load %arg23[%parallel_loop3A_1219, %parallel_loop3A_1220] {strides = array<i32>} : memref<128x64xf32, #tpu.memory_space<vmem>>, vector<16xf32>,
        tpu.vector_store %arg23[%parallel_loop3A_1219, %parallel_loop3A_1220], %parallel_loop3A_1218 {strides = array<i32>} : memref<128x64xf32, #tpu.memory_space<vmem>>, vector<16xf32>,
        %parallel_loop3A_1222 = arith.index_cast %parallel_loop3A_1212 : i32 to index
        %parallel_loop3A_1223 = arith.constant 16 : index
        %parallel_loop3A_1224 = tpu.vector_load %arg23[%parallel_loop3A_1222, %parallel_loop3A_1223] {strides = array<i32>} : memref<128x64xf32, #tpu.memory_space<vmem>>, vector<16xf32>,
        %parallel_loop3A_1225 = arith.mulf %parallel_loop3A_1224, %parallel_loop3A_1214 : vector<16xf32>
        %parallel_loop3A_1226 = arith.index_cast %parallel_loop3A_1212 : i32 to index
        %parallel_loop3A_1227 = arith.constant 16 : index
        %parallel_loop3A_1228 = tpu.vector_load %arg23[%parallel_loop3A_1226, %parallel_loop3A_1227] {strides = array<i32>} : memref<128x64xf32, #tpu.memory_space<vmem>>, vector<16xf32>,
        tpu.vector_store %arg23[%parallel_loop3A_1226, %parallel_loop3A_1227], %parallel_loop3A_1225 {strides = array<i32>} : memref<128x64xf32, #tpu.memory_space<vmem>>, vector<16xf32>,
        %parallel_loop3A_1229 = arith.index_cast %parallel_loop3A_1212 : i32 to index
        %parallel_loop3A_1230 = arith.constant 32 : index
        %parallel_loop3A_1231 = tpu.vector_load %arg23[%parallel_loop3A_1229, %parallel_loop3A_1230] {strides = array<i32>} : memref<128x64xf32, #tpu.memory_space<vmem>>, vector<16xf32>,
        %parallel_loop3A_1232 = arith.mulf %parallel_loop3A_1231, %parallel_loop3A_1214 : vector<16xf32>
        %parallel_loop3A_1233 = arith.index_cast %parallel_loop3A_1212 : i32 to index
        %parallel_loop3A_1234 = arith.constant 32 : index
        %parallel_loop3A_1235 = tpu.vector_load %arg23[%parallel_loop3A_1233, %parallel_loop3A_1234] {strides = array<i32>} : memref<128x64xf32, #tpu.memory_space<vmem>>, vector<16xf32>,
        tpu.vector_store %arg23[%parallel_loop3A_1233, %parallel_loop3A_1234], %parallel_loop3A_1232 {strides = array<i32>} : memref<128x64xf32, #tpu.memory_space<vmem>>, vector<16xf32>,
        %parallel_loop3A_1236 = arith.index_cast %parallel_loop3A_1212 : i32 to index
        %parallel_loop3A_1237 = arith.constant 48 : index
        %parallel_loop3A_1238 = tpu.vector_load %arg23[%parallel_loop3A_1236, %parallel_loop3A_1237] {strides = array<i32>} : memref<128x64xf32, #tpu.memory_space<vmem>>, vector<16xf32>,
        %parallel_loop3A_1239 = arith.mulf %parallel_loop3A_1238, %parallel_loop3A_1214 : vector<16xf32>
        %parallel_loop3A_1240 = arith.index_cast %parallel_loop3A_1212 : i32 to index
        %parallel_loop3A_1241 = arith.constant 48 : index
        %parallel_loop3A_1242 = tpu.vector_load %arg23[%parallel_loop3A_1240, %parallel_loop3A_1241] {strides = array<i32>} : memref<128x64xf32, #tpu.memory_space<vmem>>, vector<16xf32>,
        tpu.vector_store %arg23[%parallel_loop3A_1240, %parallel_loop3A_1241], %parallel_loop3A_1239 {strides = array<i32>} : memref<128x64xf32, #tpu.memory_space<vmem>>, vector<16xf32>,
      } {sc.loop_unroll_factor = 4 : i64, sc.parallel_access}
      %get3A_825 = arith.index_cast %select_n3A_767 : i32 to index
      %get3A_826 = arith.constant 0 : index
      %get3A_827 = tpu.vector_load %arg13[%get3A_825, %get3A_826] {strides = array<i32>} : memref<80x128xi32, #tpu.memory_space<vmem>>, vector<16xi32>,
      %swap3A_828 = arith.constant 2 : i32
      %swap3A_829 = arith.index_cast %swap3A_828 : i32 to index
      %swap3A_830 = arith.constant 0 : index
      %swap3A_831 = tpu.vector_load %arg15[%swap3A_829, %swap3A_830] {strides = array<i32>} : memref<5x128xi32, #tpu.memory_space<vmem>>, vector<16xi32>,
      tpu.vector_store %arg15[%swap3A_829, %swap3A_830], %get3A_827 {strides = array<i32>} : memref<5x128xi32, #tpu.memory_space<vmem>>, vector<16xi32>,
      %get3A_832 = arith.index_cast %select_n3A_767 : i32 to index
      %get3A_833 = arith.constant 16 : index
      %get3A_834 = tpu.vector_load %arg13[%get3A_832, %get3A_833] {strides = array<i32>} : memref<80x128xi32, #tpu.memory_space<vmem>>, vector<16xi32>,
      %swap3A_835 = arith.constant 2 : i32
      %swap3A_836 = arith.index_cast %swap3A_835 : i32 to index
      %swap3A_837 = arith.constant 16 : index
      %swap3A_838 = tpu.vector_load %arg15[%swap3A_836, %swap3A_837] {strides = array<i32>} : memref<5x128xi32, #tpu.memory_space<vmem>>, vector<16xi32>,
      tpu.vector_store %arg15[%swap3A_836, %swap3A_837], %get3A_834 {strides = array<i32>} : memref<5x128xi32, #tpu.memory_space<vmem>>, vector<16xi32>,
      %get3A_839 = arith.index_cast %select_n3A_767 : i32 to index
      %get3A_840 = arith.constant 32 : index
      %get3A_841 = tpu.vector_load %arg13[%get3A_839, %get3A_840] {strides = array<i32>} : memref<80x128xi32, #tpu.memory_space<vmem>>, vector<16xi32>,
      %swap3A_842 = arith.constant 2 : i32
      %swap3A_843 = arith.index_cast %swap3A_842 : i32 to index
      %swap3A_844 = arith.constant 32 : index
      %swap3A_845 = tpu.vector_load %arg15[%swap3A_843, %swap3A_844] {strides = array<i32>} : memref<5x128xi32, #tpu.memory_space<vmem>>, vector<16xi32>,
      tpu.vector_store %arg15[%swap3A_843, %swap3A_844], %get3A_841 {strides = array<i32>} : memref<5x128xi32, #tpu.memory_space<vmem>>, vector<16xi32>,
      %get3A_846 = arith.index_cast %select_n3A_767 : i32 to index
      %get3A_847 = arith.constant 48 : index
      %get3A_848 = tpu.vector_load %arg13[%get3A_846, %get3A_847] {strides = array<i32>} : memref<80x128xi32, #tpu.memory_space<vmem>>, vector<16xi32>,
      %swap3A_849 = arith.constant 2 : i32
      %swap3A_850 = arith.index_cast %swap3A_849 : i32 to index
      %swap3A_851 = arith.constant 48 : index
      %swap3A_852 = tpu.vector_load %arg15[%swap3A_850, %swap3A_851] {strides = array<i32>} : memref<5x128xi32, #tpu.memory_space<vmem>>, vector<16xi32>,
      tpu.vector_store %arg15[%swap3A_850, %swap3A_851], %get3A_848 {strides = array<i32>} : memref<5x128xi32, #tpu.memory_space<vmem>>, vector<16xi32>,
      %get3A_853 = arith.index_cast %select_n3A_767 : i32 to index
      %get3A_854 = arith.constant 64 : index
      %get3A_855 = tpu.vector_load %arg13[%get3A_853, %get3A_854] {strides = array<i32>} : memref<80x128xi32, #tpu.memory_space<vmem>>, vector<16xi32>,
      %swap3A_856 = arith.constant 2 : i32
      %swap3A_857 = arith.index_cast %swap3A_856 : i32 to index
      %swap3A_858 = arith.constant 64 : index
      %swap3A_859 = tpu.vector_load %arg15[%swap3A_857, %swap3A_858] {strides = array<i32>} : memref<5x128xi32, #tpu.memory_space<vmem>>, vector<16xi32>,
      tpu.vector_store %arg15[%swap3A_857, %swap3A_858], %get3A_855 {strides = array<i32>} : memref<5x128xi32, #tpu.memory_space<vmem>>, vector<16xi32>,
      %get3A_860 = arith.index_cast %select_n3A_767 : i32 to index
      %get3A_861 = arith.constant 80 : index
      %get3A_862 = tpu.vector_load %arg13[%get3A_860, %get3A_861] {strides = array<i32>} : memref<80x128xi32, #tpu.memory_space<vmem>>, vector<16xi32>,
      %swap3A_863 = arith.constant 2 : i32
      %swap3A_864 = arith.index_cast %swap3A_863 : i32 to index
      %swap3A_865 = arith.constant 80 : index
      %swap3A_866 = tpu.vector_load %arg15[%swap3A_864, %swap3A_865] {strides = array<i32>} : memref<5x128xi32, #tpu.memory_space<vmem>>, vector<16xi32>,
      tpu.vector_store %arg15[%swap3A_864, %swap3A_865], %get3A_862 {strides = array<i32>} : memref<5x128xi32, #tpu.memory_space<vmem>>, vector<16xi32>,
      %get3A_867 = arith.index_cast %select_n3A_767 : i32 to index
      %get3A_868 = arith.constant 96 : index
      %get3A_869 = tpu.vector_load %arg13[%get3A_867, %get3A_868] {strides = array<i32>} : memref<80x128xi32, #tpu.memory_space<vmem>>, vector<16xi32>,
      %swap3A_870 = arith.constant 2 : i32
      %swap3A_871 = arith.index_cast %swap3A_870 : i32 to index
      %swap3A_872 = arith.constant 96 : index
      %swap3A_873 = tpu.vector_load %arg15[%swap3A_871, %swap3A_872] {strides = array<i32>} : memref<5x128xi32, #tpu.memory_space<vmem>>, vector<16xi32>,
      tpu.vector_store %arg15[%swap3A_871, %swap3A_872], %get3A_869 {strides = array<i32>} : memref<5x128xi32, #tpu.memory_space<vmem>>, vector<16xi32>,
      %get3A_874 = arith.index_cast %select_n3A_767 : i32 to index
      %get3A_875 = arith.constant 112 : index
      %get3A_876 = tpu.vector_load %arg13[%get3A_874, %get3A_875] {strides = array<i32>} : memref<80x128xi32, #tpu.memory_space<vmem>>, vector<16xi32>,
      %swap3A_877 = arith.constant 2 : i32
      %swap3A_878 = arith.index_cast %swap3A_877 : i32 to index
      %swap3A_879 = arith.constant 112 : index
      %swap3A_880 = tpu.vector_load %arg15[%swap3A_878, %swap3A_879] {strides = array<i32>} : memref<5x128xi32, #tpu.memory_space<vmem>>, vector<16xi32>,
      tpu.vector_store %arg15[%swap3A_878, %swap3A_879], %get3A_876 {strides = array<i32>} : memref<5x128xi32, #tpu.memory_space<vmem>>, vector<16xi32>,
      %dma_start3A_881 = arith.constant 2 : i32
      %dma_start3A_882 = arith.constant 0 : i32
      %dma_start3A_883 = tpu.memref_slice %arg15[%dma_start3A_881, %dma_start3A_882] : memref<5x128xi32, #tpu.memory_space<vmem>> -> memref<1x128xi32, #tpu.memory_space<vmem>>
      %dma_start3A_884 = tpu.memref_squeeze %dma_start3A_883 : memref<1x128xi32, #tpu.memory_space<vmem>> -> memref<128xi32, #tpu.memory_space<vmem>>
      %dma_start3A_885 = arith.constant 0 : i32
      %dma_start3A_886 = arith.constant 0 : i32
      %dma_start3A_887 = tpu.memref_slice %arg27[%dma_start3A_885, %dma_start3A_886] : memref<10240x64xf32, #tpu.memory_space<vmem_shared>> -> memref<10240x64xf32, #tpu.memory_space<vmem_shared>>
      tpu.enqueue_indirect_dma source(%arg23 : memref<128x64xf32, #tpu.memory_space<vmem>>) target(%dma_start3A_887 : memref<10240x64xf32, #tpu.memory_space<vmem_shared>>) offsets(%dma_start3A_884 : memref<128xi32, #tpu.memory_space<vmem>>) semaphore(%arg36 : memref<!tpu.dma_semaphore, #tpu.memory_space<semaphore_mem>>) {add = true}
      %add3A_888 = arith.constant 2 : i32
      %add3A_889 = arith.addi %scan3A_328, %add3A_888 : i32
      %jit3A_890 = arith.constant 2 : i32
      %eq3A_891 = arith.constant 0 : i32
      %eq3A_892 = arith.cmpi eq, %jit3A_890, %eq3A_891 : i32
      %jit3A_893 = arith.constant 1 : i32
      %select_n3A_894 = arith.select %eq3A_892, %jit3A_893, %jit3A_890 : i32
      %rem3A_895 = arith.remsi %add3A_889, %select_n3A_894 : i32
      %ne3A_896 = arith.constant 0 : i32
      %ne3A_897 = arith.cmpi ne, %rem3A_895, %ne3A_896 : i32
      %lt3A_898 = arith.constant 0 : i32
      %lt3A_899 = arith.cmpi slt, %rem3A_895, %lt3A_898 : i32
      %lt3A_900 = arith.constant 0 : i32
      %lt3A_901 = arith.cmpi slt, %select_n3A_894, %lt3A_900 : i32
      %ne3A_902 = arith.xori %lt3A_899, %lt3A_901 : i1
      %and3A_903 = arith.andi %ne3A_902, %ne3A_897 : i1
      %add3A_904 = arith.addi %rem3A_895, %select_n3A_894 : i32
      %select_n3A_905 = arith.select %and3A_903, %add3A_904, %rem3A_895 : i32
      %eq3A_906 = arith.cmpi eq, %arg0, %select_n3A_905 : i32
      %convert_element_type3A_907 = arith.extui %eq3A_906 : i1 to i32
      %cond3A_908 = arith.constant 0 : i32
      %cond3A_909 = arith.cmpi ne, %convert_element_type3A_907, %cond3A_908 : i32
      scf.if %cond3A_909 {
        %dma_start3A_1212 = arith.constant 2 : i32
        %dma_start3A_1213 = arith.constant 0 : i32
        %dma_start3A_1214 = tpu.memref_slice %arg15[%dma_start3A_1212, %dma_start3A_1213] : memref<5x128xi32, #tpu.memory_space<vmem>> -> memref<1x128xi32, #tpu.memory_space<vmem>>
        %dma_start3A_1215 = tpu.memref_squeeze %dma_start3A_1214 : memref<1x128xi32, #tpu.memory_space<vmem>> -> memref<128xi32, #tpu.memory_space<vmem>>
        %dma_start3A_1216 = arith.constant 0 : i32
        %dma_start3A_1217 = tpu.memref_slice %arg28[%dma_start3A_1216] : memref<10240xf32, #tpu.memory_space<vmem_shared>> -> memref<10240xf32, #tpu.memory_space<vmem_shared>>
        tpu.enqueue_indirect_dma source(%arg18 : memref<128xf32, #tpu.memory_space<vmem>>) target(%dma_start3A_1217 : memref<10240xf32, #tpu.memory_space<vmem_shared>>) offsets(%dma_start3A_1215 : memref<128xi32, #tpu.memory_space<vmem>>) semaphore(%arg41 : memref<!tpu.dma_semaphore, #tpu.memory_space<semaphore_mem>>) {add = true}
      } else {
      }
      %mul3A_910 = arith.constant 5 : i32
      %mul3A_911 = arith.muli %scan3A_328, %mul3A_910 : i32
      %add3A_912 = arith.constant 3 : i32
      %add3A_913 = arith.addi %mul3A_911, %add3A_912 : i32
      %ge3A_914 = arith.constant 80 : i32
      %ge3A_915 = arith.cmpi sge, %add3A_913, %ge3A_914 : i32
      %sub3A_916 = arith.constant 80 : i32
      %sub3A_917 = arith.subi %add3A_913, %sub3A_916 : i32
      %select_n3A_918 = arith.select %ge3A_915, %sub3A_917, %add3A_913 : i32
      %lt3A_919 = arith.constant 31 : i32
      %lt3A_920 = arith.cmpi slt, %scan3A_328, %lt3A_919 : i32
      %ne3A_921 = arith.constant 15 : i32
      %ne3A_922 = arith.cmpi ne, %scan3A_328, %ne3A_921 : i32
      %and3A_923 = arith.andi %lt3A_920, %ne3A_922 : i1
      %convert_element_type3A_924 = arith.extui %and3A_923 : i1 to i32
      %cond3A_925 = arith.constant 0 : i32
      %cond3A_926 = arith.cmpi ne, %convert_element_type3A_924, %cond3A_925 : i32
      scf.if %cond3A_926 {
        %dma_wait3A_1212 = arith.constant 0 : i32
        %dma_wait3A_1213 = arith.constant 0 : i32
        %dma_wait3A_1214 = tpu.memref_slice %arg15[%dma_wait3A_1212, %dma_wait3A_1213] : memref<5x128xi32, #tpu.memory_space<vmem>> -> memref<1x128xi32, #tpu.memory_space<vmem>>
        %dma_wait3A_1215 = tpu.memref_squeeze %dma_wait3A_1214 : memref<1x128xi32, #tpu.memory_space<vmem>> -> memref<128xi32, #tpu.memory_space<vmem>>
        %dma_wait3A_1216 = arith.constant 0 : i32
        %dma_wait3A_1217 = arith.constant 0 : i32
        %dma_wait3A_1218 = tpu.memref_slice %arg27[%dma_wait3A_1216, %dma_wait3A_1217] : memref<10240x64xf32, #tpu.memory_space<vmem_shared>> -> memref<10240x64xf32, #tpu.memory_space<vmem_shared>>
        tpu.wait_indirect_dma semaphore(%arg35 : memref<!tpu.dma_semaphore, #tpu.memory_space<semaphore_mem>>) src(%arg22 : memref<128x64xf32, #tpu.memory_space<vmem>>) dst(%dma_wait3A_1218 : memref<10240x64xf32, #tpu.memory_space<vmem_shared>>)
        %add3A_1219 = arith.constant 3 : i32
        %add3A_1220 = arith.addi %select_n3A_918, %add3A_1219 : i32
        %get3A_1221 = arith.index_cast %add3A_1220 : i32 to index
        %get3A_1222 = arith.constant 0 : index
        %get3A_1223 = tpu.vector_load %arg12[%get3A_1221, %get3A_1222] {strides = array<i32>} : memref<80x128xi32, #tpu.memory_space<vmem>>, vector<16xi32>,
        %swap3A_1224 = arith.constant 1 : i32
        %swap3A_1225 = arith.index_cast %swap3A_1224 : i32 to index
        %swap3A_1226 = arith.constant 0 : index
        %swap3A_1227 = tpu.vector_load %arg14[%swap3A_1225, %swap3A_1226] {strides = array<i32>} : memref<5x128xi32, #tpu.memory_space<vmem>>, vector<16xi32>,
        tpu.vector_store %arg14[%swap3A_1225, %swap3A_1226], %get3A_1223 {strides = array<i32>} : memref<5x128xi32, #tpu.memory_space<vmem>>, vector<16xi32>,
        %get3A_1228 = arith.index_cast %add3A_1220 : i32 to index
        %get3A_1229 = arith.constant 16 : index
        %get3A_1230 = tpu.vector_load %arg12[%get3A_1228, %get3A_1229] {strides = array<i32>} : memref<80x128xi32, #tpu.memory_space<vmem>>, vector<16xi32>,
        %swap3A_1231 = arith.constant 1 : i32
        %swap3A_1232 = arith.index_cast %swap3A_1231 : i32 to index
        %swap3A_1233 = arith.constant 16 : index
        %swap3A_1234 = tpu.vector_load %arg14[%swap3A_1232, %swap3A_1233] {strides = array<i32>} : memref<5x128xi32, #tpu.memory_space<vmem>>, vector<16xi32>,
        tpu.vector_store %arg14[%swap3A_1232, %swap3A_1233], %get3A_1230 {strides = array<i32>} : memref<5x128xi32, #tpu.memory_space<vmem>>, vector<16xi32>,
        %get3A_1235 = arith.index_cast %add3A_1220 : i32 to index
        %get3A_1236 = arith.constant 32 : index
        %get3A_1237 = tpu.vector_load %arg12[%get3A_1235, %get3A_1236] {strides = array<i32>} : memref<80x128xi32, #tpu.memory_space<vmem>>, vector<16xi32>,
        %swap3A_1238 = arith.constant 1 : i32
        %swap3A_1239 = arith.index_cast %swap3A_1238 : i32 to index
        %swap3A_1240 = arith.constant 32 : index
        %swap3A_1241 = tpu.vector_load %arg14[%swap3A_1239, %swap3A_1240] {strides = array<i32>} : memref<5x128xi32, #tpu.memory_space<vmem>>, vector<16xi32>,
        tpu.vector_store %arg14[%swap3A_1239, %swap3A_1240], %get3A_1237 {strides = array<i32>} : memref<5x128xi32, #tpu.memory_space<vmem>>, vector<16xi32>,
        %get3A_1242 = arith.index_cast %add3A_1220 : i32 to index
        %get3A_1243 = arith.constant 48 : index
        %get3A_1244 = tpu.vector_load %arg12[%get3A_1242, %get3A_1243] {strides = array<i32>} : memref<80x128xi32, #tpu.memory_space<vmem>>, vector<16xi32>,
        %swap3A_1245 = arith.constant 1 : i32
        %swap3A_1246 = arith.index_cast %swap3A_1245 : i32 to index
        %swap3A_1247 = arith.constant 48 : index
        %swap3A_1248 = tpu.vector_load %arg14[%swap3A_1246, %swap3A_1247] {strides = array<i32>} : memref<5x128xi32, #tpu.memory_space<vmem>>, vector<16xi32>,
        tpu.vector_store %arg14[%swap3A_1246, %swap3A_1247], %get3A_1244 {strides = array<i32>} : memref<5x128xi32, #tpu.memory_space<vmem>>, vector<16xi32>,
        %get3A_1249 = arith.index_cast %add3A_1220 : i32 to index
        %get3A_1250 = arith.constant 64 : index
        %get3A_1251 = tpu.vector_load %arg12[%get3A_1249, %get3A_1250] {strides = array<i32>} : memref<80x128xi32, #tpu.memory_space<vmem>>, vector<16xi32>,
        %swap3A_1252 = arith.constant 1 : i32
        %swap3A_1253 = arith.index_cast %swap3A_1252 : i32 to index
        %swap3A_1254 = arith.constant 64 : index
        %swap3A_1255 = tpu.vector_load %arg14[%swap3A_1253, %swap3A_1254] {strides = array<i32>} : memref<5x128xi32, #tpu.memory_space<vmem>>, vector<16xi32>,
        tpu.vector_store %arg14[%swap3A_1253, %swap3A_1254], %get3A_1251 {strides = array<i32>} : memref<5x128xi32, #tpu.memory_space<vmem>>, vector<16xi32>,
        %get3A_1256 = arith.index_cast %add3A_1220 : i32 to index
        %get3A_1257 = arith.constant 80 : index
        %get3A_1258 = tpu.vector_load %arg12[%get3A_1256, %get3A_1257] {strides = array<i32>} : memref<80x128xi32, #tpu.memory_space<vmem>>, vector<16xi32>,
        %swap3A_1259 = arith.constant 1 : i32
        %swap3A_1260 = arith.index_cast %swap3A_1259 : i32 to index
        %swap3A_1261 = arith.constant 80 : index
        %swap3A_1262 = tpu.vector_load %arg14[%swap3A_1260, %swap3A_1261] {strides = array<i32>} : memref<5x128xi32, #tpu.memory_space<vmem>>, vector<16xi32>,
        tpu.vector_store %arg14[%swap3A_1260, %swap3A_1261], %get3A_1258 {strides = array<i32>} : memref<5x128xi32, #tpu.memory_space<vmem>>, vector<16xi32>,
        %get3A_1263 = arith.index_cast %add3A_1220 : i32 to index
        %get3A_1264 = arith.constant 96 : index
        %get3A_1265 = tpu.vector_load %arg12[%get3A_1263, %get3A_1264] {strides = array<i32>} : memref<80x128xi32, #tpu.memory_space<vmem>>, vector<16xi32>,
        %swap3A_1266 = arith.constant 1 : i32
        %swap3A_1267 = arith.index_cast %swap3A_1266 : i32 to index
        %swap3A_1268 = arith.constant 96 : index
        %swap3A_1269 = tpu.vector_load %arg14[%swap3A_1267, %swap3A_1268] {strides = array<i32>} : memref<5x128xi32, #tpu.memory_space<vmem>>, vector<16xi32>,
        tpu.vector_store %arg14[%swap3A_1267, %swap3A_1268], %get3A_1265 {strides = array<i32>} : memref<5x128xi32, #tpu.memory_space<vmem>>, vector<16xi32>,
        %get3A_1270 = arith.index_cast %add3A_1220 : i32 to index
        %get3A_1271 = arith.constant 112 : index
        %get3A_1272 = tpu.vector_load %arg12[%get3A_1270, %get3A_1271] {strides = array<i32>} : memref<80x128xi32, #tpu.memory_space<vmem>>, vector<16xi32>,
        %swap3A_1273 = arith.constant 1 : i32
        %swap3A_1274 = arith.index_cast %swap3A_1273 : i32 to index
        %swap3A_1275 = arith.constant 112 : index
        %swap3A_1276 = tpu.vector_load %arg14[%swap3A_1274, %swap3A_1275] {strides = array<i32>} : memref<5x128xi32, #tpu.memory_space<vmem>>, vector<16xi32>,
        tpu.vector_store %arg14[%swap3A_1274, %swap3A_1275], %get3A_1272 {strides = array<i32>} : memref<5x128xi32, #tpu.memory_space<vmem>>, vector<16xi32>,
        %dma_start3A_1277 = arith.constant 1 : i32
        %dma_start3A_1278 = arith.constant 0 : i32
        %dma_start3A_1279 = tpu.memref_slice %arg14[%dma_start3A_1277, %dma_start3A_1278] : memref<5x128xi32, #tpu.memory_space<vmem>> -> memref<1x128xi32, #tpu.memory_space<vmem>>
        %dma_start3A_1280 = tpu.memref_squeeze %dma_start3A_1279 : memref<1x128xi32, #tpu.memory_space<vmem>> -> memref<128xi32, #tpu.memory_space<vmem>>
        %dma_start3A_1281 = arith.constant 0 : i32
        %dma_start3A_1282 = arith.constant 0 : i32
        %dma_start3A_1283 = tpu.memref_slice %arg6[%arg0, %dma_start3A_1281, %dma_start3A_1282] : memref<2x10000x64xf32, #tpu.memory_space<hbm>> -> memref<1x10000x64xf32, #tpu.memory_space<hbm>>
        %dma_start3A_1284 = tpu.memref_squeeze %dma_start3A_1283 : memref<1x10000x64xf32, #tpu.memory_space<hbm>> -> memref<10000x64xf32, #tpu.memory_space<hbm>>
        %dma_start3A_1285 = arith.constant 0 : i32
        %dma_start3A_1286 = arith.constant 0 : i32
        %dma_start3A_1287 = tpu.memref_slice %dma_start3A_1284[%dma_start3A_1285, %dma_start3A_1286] : memref<10000x64xf32, #tpu.memory_space<hbm>> -> memref<10000x64xf32, #tpu.memory_space<hbm>>
        tpu.enqueue_indirect_dma source(%dma_start3A_1287 : memref<10000x64xf32, #tpu.memory_space<hbm>>) target(%arg22 : memref<128x64xf32, #tpu.memory_space<vmem>>) offsets(%dma_start3A_1280 : memref<128xi32, #tpu.memory_space<vmem>>) semaphore(%arg30 : memref<!tpu.dma_semaphore, #tpu.memory_space<semaphore_mem>>)
      } else {
      }
      %add3A_927 = arith.constant 3 : i32
      %add3A_928 = arith.addi %scan3A_328, %add3A_927 : i32
      %add3A_929 = arith.constant 1 : i32
      %add3A_930 = arith.addi %add3A_928, %add3A_929 : i32
      %jit3A_931 = arith.constant 2 : i32
      %eq3A_932 = arith.constant 0 : i32
      %eq3A_933 = arith.cmpi eq, %jit3A_931, %eq3A_932 : i32
      %jit3A_934 = arith.constant 1 : i32
      %select_n3A_935 = arith.select %eq3A_933, %jit3A_934, %jit3A_931 : i32
      %rem3A_936 = arith.remsi %add3A_930, %select_n3A_935 : i32
      %ne3A_937 = arith.constant 0 : i32
      %ne3A_938 = arith.cmpi ne, %rem3A_936, %ne3A_937 : i32
      %lt3A_939 = arith.constant 0 : i32
      %lt3A_940 = arith.cmpi slt, %rem3A_936, %lt3A_939 : i32
      %lt3A_941 = arith.constant 0 : i32
      %lt3A_942 = arith.cmpi slt, %select_n3A_935, %lt3A_941 : i32
      %ne3A_943 = arith.xori %lt3A_940, %lt3A_942 : i1
      %and3A_944 = arith.andi %ne3A_943, %ne3A_938 : i1
      %add3A_945 = arith.addi %rem3A_936, %select_n3A_935 : i32
      %select_n3A_946 = arith.select %and3A_944, %add3A_945, %rem3A_936 : i32
      %eq3A_947 = arith.cmpi eq, %arg0, %select_n3A_946 : i32
      %gt3A_948 = arith.constant 0 : i32
      %gt3A_949 = arith.cmpi sgt, %scan3A_328, %gt3A_948 : i32
      %and3A_950 = arith.andi %eq3A_947, %gt3A_949 : i1
      %convert_element_type3A_951 = arith.extui %and3A_950 : i1 to i32
      %cond3A_952 = arith.constant 0 : i32
      %cond3A_953 = arith.cmpi ne, %convert_element_type3A_951, %cond3A_952 : i32
      scf.if %cond3A_953 {
        %dma_wait3A_1212 = arith.constant 0 : i32
        %dma_wait3A_1213 = arith.constant 0 : i32
        %dma_wait3A_1214 = tpu.memref_slice %arg15[%dma_wait3A_1212, %dma_wait3A_1213] : memref<5x128xi32, #tpu.memory_space<vmem>> -> memref<1x128xi32, #tpu.memory_space<vmem>>
        %dma_wait3A_1215 = tpu.memref_squeeze %dma_wait3A_1214 : memref<1x128xi32, #tpu.memory_space<vmem>> -> memref<128xi32, #tpu.memory_space<vmem>>
        %dma_wait3A_1216 = arith.constant 0 : i32
        %dma_wait3A_1217 = tpu.memref_slice %arg28[%dma_wait3A_1216] : memref<10240xf32, #tpu.memory_space<vmem_shared>> -> memref<10240xf32, #tpu.memory_space<vmem_shared>>
        tpu.wait_indirect_dma semaphore(%arg42 : memref<!tpu.dma_semaphore, #tpu.memory_space<semaphore_mem>>) src(%arg19 : memref<128xf32, #tpu.memory_space<vmem>>) dst(%dma_wait3A_1217 : memref<10240xf32, #tpu.memory_space<vmem_shared>>)
      } else {
      }
      %mul3A_954 = arith.constant 160 : i32
      %mul3A_955 = arith.muli %arg1, %mul3A_954 : i32
      %add3A_956 = arith.addi %mul3A_955, %add3A_913 : i32
      %mul3A_957 = arith.constant 128 : i32
      %mul3A_958 = arith.muli %add3A_956, %mul3A_957 : i32
      %parallel_loop3A_959 = arith.constant 0 : i32
      %parallel_loop3A_960 = arith.constant 128 : i32
      %parallel_loop3A_961 = arith.constant 16 : i32
      scf.for %parallel_loop3A_1212 = %parallel_loop3A_959 to %parallel_loop3A_960 step %parallel_loop3A_961  : i32 {
        %parallel_loop3A_1213 = arith.index_cast %select_n3A_918 : i32 to index
        %parallel_loop3A_1214 = arith.index_cast %parallel_loop3A_1212 : i32 to index
        %parallel_loop3A_1215 = tpu.vector_load %arg12[%parallel_loop3A_1213, %parallel_loop3A_1214] {strides = array<i32>} : memref<80x128xi32, #tpu.memory_space<vmem>>, vector<16xi32>,
        %parallel_loop3A_1216 = arith.index_cast %select_n3A_918 : i32 to index
        %parallel_loop3A_1217 = arith.index_cast %parallel_loop3A_1212 : i32 to index
        %parallel_loop3A_1218 = tpu.vector_load %arg13[%parallel_loop3A_1216, %parallel_loop3A_1217] {strides = array<i32>} : memref<80x128xi32, #tpu.memory_space<vmem>>, vector<16xi32>,
        %parallel_loop3A_1219 = tpu.vector_load_idx %arg10[%parallel_loop3A_1215] : memref<10000xf32, #tpu.memory_space<vmem>>[vector<16xi32>], vector<16xf32>,
        %parallel_loop3A_1220 = tpu.vector_load_idx %arg11[%parallel_loop3A_1218] : memref<10000xf32, #tpu.memory_space<vmem>>[vector<16xi32>], vector<16xf32>,
        %parallel_loop3A_1221 = arith.addf %parallel_loop3A_1219, %parallel_loop3A_1220 : vector<16xf32>
        %parallel_loop3A_1222 = arith.constant 0.000000e+00 : f32
        %parallel_loop3A_1223 = vector.broadcast %parallel_loop3A_1222 : f32 to vector<16xf32>
        %parallel_loop3A_1224 = arith.cmpf ogt, %parallel_loop3A_1221, %parallel_loop3A_1223 : vector<16xf32>
        %parallel_loop3A_1225 = arith.constant 2.000000e-01 : f32
        %parallel_loop3A_1226 = vector.broadcast %parallel_loop3A_1225 : f32 to vector<16xf32>
        %parallel_loop3A_1227 = arith.mulf %parallel_loop3A_1221, %parallel_loop3A_1226 : vector<16xf32>
        %parallel_loop3A_1228 = arith.select %parallel_loop3A_1224, %parallel_loop3A_1221, %parallel_loop3A_1227 : vector<16xi1>, vector<16xf32>
        %parallel_loop3A_1229 = math.exp %parallel_loop3A_1228 : vector<16xf32>
        %parallel_loop3A_1230 = arith.addi %mul3A_958, %parallel_loop3A_1212 : i32
        %parallel_loop3A_1231 = tpu.iota {dimensions = array<i32: 0>} : vector<16xi32>
        %parallel_loop3A_1232 = vector.broadcast %parallel_loop3A_1230 : i32 to vector<16xi32>
        %parallel_loop3A_1233 = arith.addi %parallel_loop3A_1232, %parallel_loop3A_1231 : vector<16xi32>
        %parallel_loop3A_1234 = arith.constant 320000 : i32
        %parallel_loop3A_1235 = vector.broadcast %parallel_loop3A_1234 : i32 to vector<16xi32>
        %parallel_loop3A_1236 = arith.cmpi slt, %parallel_loop3A_1233, %parallel_loop3A_1235 : vector<16xi32>
        %parallel_loop3A_1237 = arith.constant 0.000000e+00 : f32
        %parallel_loop3A_1238 = vector.broadcast %parallel_loop3A_1237 : f32 to vector<16xf32>
        %parallel_loop3A_1239 = arith.select %parallel_loop3A_1236, %parallel_loop3A_1229, %parallel_loop3A_1238 : vector<16xi1>, vector<16xf32>
        %parallel_loop3A_1240 = arith.index_cast %parallel_loop3A_1212 : i32 to index
        %parallel_loop3A_1241 = tpu.vector_load %arg19[%parallel_loop3A_1240] {strides = array<i32>} : memref<128xf32, #tpu.memory_space<vmem>>, vector<16xf32>,
        tpu.vector_store %arg19[%parallel_loop3A_1240], %parallel_loop3A_1239 {strides = array<i32>} : memref<128xf32, #tpu.memory_space<vmem>>, vector<16xf32>,
      } {sc.loop_unroll_factor = 2 : i64, sc.parallel_access}
      %dma_wait3A_962 = arith.constant 0 : i32
      %dma_wait3A_963 = arith.constant 0 : i32
      %dma_wait3A_964 = tpu.memref_slice %arg14[%dma_wait3A_962, %dma_wait3A_963] : memref<5x128xi32, #tpu.memory_space<vmem>> -> memref<1x128xi32, #tpu.memory_space<vmem>>
      %dma_wait3A_965 = tpu.memref_squeeze %dma_wait3A_964 : memref<1x128xi32, #tpu.memory_space<vmem>> -> memref<128xi32, #tpu.memory_space<vmem>>
      %dma_wait3A_966 = arith.constant 0 : i32
      %dma_wait3A_967 = arith.constant 0 : i32
      %dma_wait3A_968 = tpu.memref_slice %arg6[%arg0, %dma_wait3A_966, %dma_wait3A_967] : memref<2x10000x64xf32, #tpu.memory_space<hbm>> -> memref<1x10000x64xf32, #tpu.memory_space<hbm>>
      %dma_wait3A_969 = tpu.memref_squeeze %dma_wait3A_968 : memref<1x10000x64xf32, #tpu.memory_space<hbm>> -> memref<10000x64xf32, #tpu.memory_space<hbm>>
      %dma_wait3A_970 = arith.constant 0 : i32
      %dma_wait3A_971 = arith.constant 0 : i32
      %dma_wait3A_972 = tpu.memref_slice %dma_wait3A_969[%dma_wait3A_970, %dma_wait3A_971] : memref<10000x64xf32, #tpu.memory_space<hbm>> -> memref<10000x64xf32, #tpu.memory_space<hbm>>
      tpu.wait_indirect_dma semaphore(%arg32 : memref<!tpu.dma_semaphore, #tpu.memory_space<semaphore_mem>>) src(%dma_wait3A_972 : memref<10000x64xf32, #tpu.memory_space<hbm>>) dst(%arg24 : memref<128x64xf32, #tpu.memory_space<vmem>>)
      %parallel_loop3A_973 = arith.constant 0 : i32
      %parallel_loop3A_974 = arith.constant 128 : i32
      %parallel_loop3A_975 = arith.constant 1 : i32
      scf.for %parallel_loop3A_1212 = %parallel_loop3A_973 to %parallel_loop3A_974 step %parallel_loop3A_975  : i32 {
        %parallel_loop3A_1213 = vector.broadcast %parallel_loop3A_1212 : i32 to vector<16xi32>
        %parallel_loop3A_1214 = tpu.vector_load_idx %arg19[%parallel_loop3A_1213] : memref<128xf32, #tpu.memory_space<vmem>>[vector<16xi32>], vector<16xf32>,
        %parallel_loop3A_1215 = arith.index_cast %parallel_loop3A_1212 : i32 to index
        %parallel_loop3A_1216 = arith.constant 0 : index
        %parallel_loop3A_1217 = tpu.vector_load %arg24[%parallel_loop3A_1215, %parallel_loop3A_1216] {strides = array<i32>} : memref<128x64xf32, #tpu.memory_space<vmem>>, vector<16xf32>,
        %parallel_loop3A_1218 = arith.mulf %parallel_loop3A_1217, %parallel_loop3A_1214 : vector<16xf32>
        %parallel_loop3A_1219 = arith.index_cast %parallel_loop3A_1212 : i32 to index
        %parallel_loop3A_1220 = arith.constant 0 : index
        %parallel_loop3A_1221 = tpu.vector_load %arg24[%parallel_loop3A_1219, %parallel_loop3A_1220] {strides = array<i32>} : memref<128x64xf32, #tpu.memory_space<vmem>>, vector<16xf32>,
        tpu.vector_store %arg24[%parallel_loop3A_1219, %parallel_loop3A_1220], %parallel_loop3A_1218 {strides = array<i32>} : memref<128x64xf32, #tpu.memory_space<vmem>>, vector<16xf32>,
        %parallel_loop3A_1222 = arith.index_cast %parallel_loop3A_1212 : i32 to index
        %parallel_loop3A_1223 = arith.constant 16 : index
        %parallel_loop3A_1224 = tpu.vector_load %arg24[%parallel_loop3A_1222, %parallel_loop3A_1223] {strides = array<i32>} : memref<128x64xf32, #tpu.memory_space<vmem>>, vector<16xf32>,
        %parallel_loop3A_1225 = arith.mulf %parallel_loop3A_1224, %parallel_loop3A_1214 : vector<16xf32>
        %parallel_loop3A_1226 = arith.index_cast %parallel_loop3A_1212 : i32 to index
        %parallel_loop3A_1227 = arith.constant 16 : index
        %parallel_loop3A_1228 = tpu.vector_load %arg24[%parallel_loop3A_1226, %parallel_loop3A_1227] {strides = array<i32>} : memref<128x64xf32, #tpu.memory_space<vmem>>, vector<16xf32>,
        tpu.vector_store %arg24[%parallel_loop3A_1226, %parallel_loop3A_1227], %parallel_loop3A_1225 {strides = array<i32>} : memref<128x64xf32, #tpu.memory_space<vmem>>, vector<16xf32>,
        %parallel_loop3A_1229 = arith.index_cast %parallel_loop3A_1212 : i32 to index
        %parallel_loop3A_1230 = arith.constant 32 : index
        %parallel_loop3A_1231 = tpu.vector_load %arg24[%parallel_loop3A_1229, %parallel_loop3A_1230] {strides = array<i32>} : memref<128x64xf32, #tpu.memory_space<vmem>>, vector<16xf32>,
        %parallel_loop3A_1232 = arith.mulf %parallel_loop3A_1231, %parallel_loop3A_1214 : vector<16xf32>
        %parallel_loop3A_1233 = arith.index_cast %parallel_loop3A_1212 : i32 to index
        %parallel_loop3A_1234 = arith.constant 32 : index
        %parallel_loop3A_1235 = tpu.vector_load %arg24[%parallel_loop3A_1233, %parallel_loop3A_1234] {strides = array<i32>} : memref<128x64xf32, #tpu.memory_space<vmem>>, vector<16xf32>,
        tpu.vector_store %arg24[%parallel_loop3A_1233, %parallel_loop3A_1234], %parallel_loop3A_1232 {strides = array<i32>} : memref<128x64xf32, #tpu.memory_space<vmem>>, vector<16xf32>,
        %parallel_loop3A_1236 = arith.index_cast %parallel_loop3A_1212 : i32 to index
        %parallel_loop3A_1237 = arith.constant 48 : index
        %parallel_loop3A_1238 = tpu.vector_load %arg24[%parallel_loop3A_1236, %parallel_loop3A_1237] {strides = array<i32>} : memref<128x64xf32, #tpu.memory_space<vmem>>, vector<16xf32>,
        %parallel_loop3A_1239 = arith.mulf %parallel_loop3A_1238, %parallel_loop3A_1214 : vector<16xf32>
        %parallel_loop3A_1240 = arith.index_cast %parallel_loop3A_1212 : i32 to index
        %parallel_loop3A_1241 = arith.constant 48 : index
        %parallel_loop3A_1242 = tpu.vector_load %arg24[%parallel_loop3A_1240, %parallel_loop3A_1241] {strides = array<i32>} : memref<128x64xf32, #tpu.memory_space<vmem>>, vector<16xf32>,
        tpu.vector_store %arg24[%parallel_loop3A_1240, %parallel_loop3A_1241], %parallel_loop3A_1239 {strides = array<i32>} : memref<128x64xf32, #tpu.memory_space<vmem>>, vector<16xf32>,
      } {sc.loop_unroll_factor = 4 : i64, sc.parallel_access}
      %get3A_976 = arith.index_cast %select_n3A_918 : i32 to index
      %get3A_977 = arith.constant 0 : index
      %get3A_978 = tpu.vector_load %arg13[%get3A_976, %get3A_977] {strides = array<i32>} : memref<80x128xi32, #tpu.memory_space<vmem>>, vector<16xi32>,
      %swap3A_979 = arith.constant 3 : i32
      %swap3A_980 = arith.index_cast %swap3A_979 : i32 to index
      %swap3A_981 = arith.constant 0 : index
      %swap3A_982 = tpu.vector_load %arg15[%swap3A_980, %swap3A_981] {strides = array<i32>} : memref<5x128xi32, #tpu.memory_space<vmem>>, vector<16xi32>,
      tpu.vector_store %arg15[%swap3A_980, %swap3A_981], %get3A_978 {strides = array<i32>} : memref<5x128xi32, #tpu.memory_space<vmem>>, vector<16xi32>,
      %get3A_983 = arith.index_cast %select_n3A_918 : i32 to index
      %get3A_984 = arith.constant 16 : index
      %get3A_985 = tpu.vector_load %arg13[%get3A_983, %get3A_984] {strides = array<i32>} : memref<80x128xi32, #tpu.memory_space<vmem>>, vector<16xi32>,
      %swap3A_986 = arith.constant 3 : i32
      %swap3A_987 = arith.index_cast %swap3A_986 : i32 to index
      %swap3A_988 = arith.constant 16 : index
      %swap3A_989 = tpu.vector_load %arg15[%swap3A_987, %swap3A_988] {strides = array<i32>} : memref<5x128xi32, #tpu.memory_space<vmem>>, vector<16xi32>,
      tpu.vector_store %arg15[%swap3A_987, %swap3A_988], %get3A_985 {strides = array<i32>} : memref<5x128xi32, #tpu.memory_space<vmem>>, vector<16xi32>,
      %get3A_990 = arith.index_cast %select_n3A_918 : i32 to index
      %get3A_991 = arith.constant 32 : index
      %get3A_992 = tpu.vector_load %arg13[%get3A_990, %get3A_991] {strides = array<i32>} : memref<80x128xi32, #tpu.memory_space<vmem>>, vector<16xi32>,
      %swap3A_993 = arith.constant 3 : i32
      %swap3A_994 = arith.index_cast %swap3A_993 : i32 to index
      %swap3A_995 = arith.constant 32 : index
      %swap3A_996 = tpu.vector_load %arg15[%swap3A_994, %swap3A_995] {strides = array<i32>} : memref<5x128xi32, #tpu.memory_space<vmem>>, vector<16xi32>,
      tpu.vector_store %arg15[%swap3A_994, %swap3A_995], %get3A_992 {strides = array<i32>} : memref<5x128xi32, #tpu.memory_space<vmem>>, vector<16xi32>,
      %get3A_997 = arith.index_cast %select_n3A_918 : i32 to index
      %get3A_998 = arith.constant 48 : index
      %get3A_999 = tpu.vector_load %arg13[%get3A_997, %get3A_998] {strides = array<i32>} : memref<80x128xi32, #tpu.memory_space<vmem>>, vector<16xi32>,
      %swap3A_1000 = arith.constant 3 : i32
      %swap3A_1001 = arith.index_cast %swap3A_1000 : i32 to index
      %swap3A_1002 = arith.constant 48 : index
      %swap3A_1003 = tpu.vector_load %arg15[%swap3A_1001, %swap3A_1002] {strides = array<i32>} : memref<5x128xi32, #tpu.memory_space<vmem>>, vector<16xi32>,
      tpu.vector_store %arg15[%swap3A_1001, %swap3A_1002], %get3A_999 {strides = array<i32>} : memref<5x128xi32, #tpu.memory_space<vmem>>, vector<16xi32>,
      %get3A_1004 = arith.index_cast %select_n3A_918 : i32 to index
      %get3A_1005 = arith.constant 64 : index
      %get3A_1006 = tpu.vector_load %arg13[%get3A_1004, %get3A_1005] {strides = array<i32>} : memref<80x128xi32, #tpu.memory_space<vmem>>, vector<16xi32>,
      %swap3A_1007 = arith.constant 3 : i32
      %swap3A_1008 = arith.index_cast %swap3A_1007 : i32 to index
      %swap3A_1009 = arith.constant 64 : index
      %swap3A_1010 = tpu.vector_load %arg15[%swap3A_1008, %swap3A_1009] {strides = array<i32>} : memref<5x128xi32, #tpu.memory_space<vmem>>, vector<16xi32>,
      tpu.vector_store %arg15[%swap3A_1008, %swap3A_1009], %get3A_1006 {strides = array<i32>} : memref<5x128xi32, #tpu.memory_space<vmem>>, vector<16xi32>,
      %get3A_1011 = arith.index_cast %select_n3A_918 : i32 to index
      %get3A_1012 = arith.constant 80 : index
      %get3A_1013 = tpu.vector_load %arg13[%get3A_1011, %get3A_1012] {strides = array<i32>} : memref<80x128xi32, #tpu.memory_space<vmem>>, vector<16xi32>,
      %swap3A_1014 = arith.constant 3 : i32
      %swap3A_1015 = arith.index_cast %swap3A_1014 : i32 to index
      %swap3A_1016 = arith.constant 80 : index
      %swap3A_1017 = tpu.vector_load %arg15[%swap3A_1015, %swap3A_1016] {strides = array<i32>} : memref<5x128xi32, #tpu.memory_space<vmem>>, vector<16xi32>,
      tpu.vector_store %arg15[%swap3A_1015, %swap3A_1016], %get3A_1013 {strides = array<i32>} : memref<5x128xi32, #tpu.memory_space<vmem>>, vector<16xi32>,
      %get3A_1018 = arith.index_cast %select_n3A_918 : i32 to index
      %get3A_1019 = arith.constant 96 : index
      %get3A_1020 = tpu.vector_load %arg13[%get3A_1018, %get3A_1019] {strides = array<i32>} : memref<80x128xi32, #tpu.memory_space<vmem>>, vector<16xi32>,
      %swap3A_1021 = arith.constant 3 : i32
      %swap3A_1022 = arith.index_cast %swap3A_1021 : i32 to index
      %swap3A_1023 = arith.constant 96 : index
      %swap3A_1024 = tpu.vector_load %arg15[%swap3A_1022, %swap3A_1023] {strides = array<i32>} : memref<5x128xi32, #tpu.memory_space<vmem>>, vector<16xi32>,
      tpu.vector_store %arg15[%swap3A_1022, %swap3A_1023], %get3A_1020 {strides = array<i32>} : memref<5x128xi32, #tpu.memory_space<vmem>>, vector<16xi32>,
      %get3A_1025 = arith.index_cast %select_n3A_918 : i32 to index
      %get3A_1026 = arith.constant 112 : index
      %get3A_1027 = tpu.vector_load %arg13[%get3A_1025, %get3A_1026] {strides = array<i32>} : memref<80x128xi32, #tpu.memory_space<vmem>>, vector<16xi32>,
      %swap3A_1028 = arith.constant 3 : i32
      %swap3A_1029 = arith.index_cast %swap3A_1028 : i32 to index
      %swap3A_1030 = arith.constant 112 : index
      %swap3A_1031 = tpu.vector_load %arg15[%swap3A_1029, %swap3A_1030] {strides = array<i32>} : memref<5x128xi32, #tpu.memory_space<vmem>>, vector<16xi32>,
      tpu.vector_store %arg15[%swap3A_1029, %swap3A_1030], %get3A_1027 {strides = array<i32>} : memref<5x128xi32, #tpu.memory_space<vmem>>, vector<16xi32>,
      %dma_start3A_1032 = arith.constant 3 : i32
      %dma_start3A_1033 = arith.constant 0 : i32
      %dma_start3A_1034 = tpu.memref_slice %arg15[%dma_start3A_1032, %dma_start3A_1033] : memref<5x128xi32, #tpu.memory_space<vmem>> -> memref<1x128xi32, #tpu.memory_space<vmem>>
      %dma_start3A_1035 = tpu.memref_squeeze %dma_start3A_1034 : memref<1x128xi32, #tpu.memory_space<vmem>> -> memref<128xi32, #tpu.memory_space<vmem>>
      %dma_start3A_1036 = arith.constant 0 : i32
      %dma_start3A_1037 = arith.constant 0 : i32
      %dma_start3A_1038 = tpu.memref_slice %arg27[%dma_start3A_1036, %dma_start3A_1037] : memref<10240x64xf32, #tpu.memory_space<vmem_shared>> -> memref<10240x64xf32, #tpu.memory_space<vmem_shared>>
      tpu.enqueue_indirect_dma source(%arg24 : memref<128x64xf32, #tpu.memory_space<vmem>>) target(%dma_start3A_1038 : memref<10240x64xf32, #tpu.memory_space<vmem_shared>>) offsets(%dma_start3A_1035 : memref<128xi32, #tpu.memory_space<vmem>>) semaphore(%arg37 : memref<!tpu.dma_semaphore, #tpu.memory_space<semaphore_mem>>) {add = true}
      %add3A_1039 = arith.constant 3 : i32
      %add3A_1040 = arith.addi %scan3A_328, %add3A_1039 : i32
      %jit3A_1041 = arith.constant 2 : i32
      %eq3A_1042 = arith.constant 0 : i32
      %eq3A_1043 = arith.cmpi eq, %jit3A_1041, %eq3A_1042 : i32
      %jit3A_1044 = arith.constant 1 : i32
      %select_n3A_1045 = arith.select %eq3A_1043, %jit3A_1044, %jit3A_1041 : i32
      %rem3A_1046 = arith.remsi %add3A_1040, %select_n3A_1045 : i32
      %ne3A_1047 = arith.constant 0 : i32
      %ne3A_1048 = arith.cmpi ne, %rem3A_1046, %ne3A_1047 : i32
      %lt3A_1049 = arith.constant 0 : i32
      %lt3A_1050 = arith.cmpi slt, %rem3A_1046, %lt3A_1049 : i32
      %lt3A_1051 = arith.constant 0 : i32
      %lt3A_1052 = arith.cmpi slt, %select_n3A_1045, %lt3A_1051 : i32
      %ne3A_1053 = arith.xori %lt3A_1050, %lt3A_1052 : i1
      %and3A_1054 = arith.andi %ne3A_1053, %ne3A_1048 : i1
      %add3A_1055 = arith.addi %rem3A_1046, %select_n3A_1045 : i32
      %select_n3A_1056 = arith.select %and3A_1054, %add3A_1055, %rem3A_1046 : i32
      %eq3A_1057 = arith.cmpi eq, %arg0, %select_n3A_1056 : i32
      %convert_element_type3A_1058 = arith.extui %eq3A_1057 : i1 to i32
      %cond3A_1059 = arith.constant 0 : i32
      %cond3A_1060 = arith.cmpi ne, %convert_element_type3A_1058, %cond3A_1059 : i32
      scf.if %cond3A_1060 {
        %dma_start3A_1212 = arith.constant 3 : i32
        %dma_start3A_1213 = arith.constant 0 : i32
        %dma_start3A_1214 = tpu.memref_slice %arg15[%dma_start3A_1212, %dma_start3A_1213] : memref<5x128xi32, #tpu.memory_space<vmem>> -> memref<1x128xi32, #tpu.memory_space<vmem>>
        %dma_start3A_1215 = tpu.memref_squeeze %dma_start3A_1214 : memref<1x128xi32, #tpu.memory_space<vmem>> -> memref<128xi32, #tpu.memory_space<vmem>>
        %dma_start3A_1216 = arith.constant 0 : i32
        %dma_start3A_1217 = tpu.memref_slice %arg28[%dma_start3A_1216] : memref<10240xf32, #tpu.memory_space<vmem_shared>> -> memref<10240xf32, #tpu.memory_space<vmem_shared>>
        tpu.enqueue_indirect_dma source(%arg19 : memref<128xf32, #tpu.memory_space<vmem>>) target(%dma_start3A_1217 : memref<10240xf32, #tpu.memory_space<vmem_shared>>) offsets(%dma_start3A_1215 : memref<128xi32, #tpu.memory_space<vmem>>) semaphore(%arg42 : memref<!tpu.dma_semaphore, #tpu.memory_space<semaphore_mem>>) {add = true}
      } else {
      }
      %mul3A_1061 = arith.constant 5 : i32
      %mul3A_1062 = arith.muli %scan3A_328, %mul3A_1061 : i32
      %add3A_1063 = arith.constant 4 : i32
      %add3A_1064 = arith.addi %mul3A_1062, %add3A_1063 : i32
      %ge3A_1065 = arith.constant 80 : i32
      %ge3A_1066 = arith.cmpi sge, %add3A_1064, %ge3A_1065 : i32
      %sub3A_1067 = arith.constant 80 : i32
      %sub3A_1068 = arith.subi %add3A_1064, %sub3A_1067 : i32
      %select_n3A_1069 = arith.select %ge3A_1066, %sub3A_1068, %add3A_1064 : i32
      %lt3A_1070 = arith.constant 31 : i32
      %lt3A_1071 = arith.cmpi slt, %scan3A_328, %lt3A_1070 : i32
      %ne3A_1072 = arith.constant 15 : i32
      %ne3A_1073 = arith.cmpi ne, %scan3A_328, %ne3A_1072 : i32
      %and3A_1074 = arith.andi %lt3A_1071, %ne3A_1073 : i1
      %convert_element_type3A_1075 = arith.extui %and3A_1074 : i1 to i32
      %cond3A_1076 = arith.constant 0 : i32
      %cond3A_1077 = arith.cmpi ne, %convert_element_type3A_1075, %cond3A_1076 : i32
      scf.if %cond3A_1077 {
        %dma_wait3A_1212 = arith.constant 0 : i32
        %dma_wait3A_1213 = arith.constant 0 : i32
        %dma_wait3A_1214 = tpu.memref_slice %arg15[%dma_wait3A_1212, %dma_wait3A_1213] : memref<5x128xi32, #tpu.memory_space<vmem>> -> memref<1x128xi32, #tpu.memory_space<vmem>>
        %dma_wait3A_1215 = tpu.memref_squeeze %dma_wait3A_1214 : memref<1x128xi32, #tpu.memory_space<vmem>> -> memref<128xi32, #tpu.memory_space<vmem>>
        %dma_wait3A_1216 = arith.constant 0 : i32
        %dma_wait3A_1217 = arith.constant 0 : i32
        %dma_wait3A_1218 = tpu.memref_slice %arg27[%dma_wait3A_1216, %dma_wait3A_1217] : memref<10240x64xf32, #tpu.memory_space<vmem_shared>> -> memref<10240x64xf32, #tpu.memory_space<vmem_shared>>
        tpu.wait_indirect_dma semaphore(%arg36 : memref<!tpu.dma_semaphore, #tpu.memory_space<semaphore_mem>>) src(%arg23 : memref<128x64xf32, #tpu.memory_space<vmem>>) dst(%dma_wait3A_1218 : memref<10240x64xf32, #tpu.memory_space<vmem_shared>>)
        %add3A_1219 = arith.constant 3 : i32
        %add3A_1220 = arith.addi %select_n3A_1069, %add3A_1219 : i32
        %get3A_1221 = arith.index_cast %add3A_1220 : i32 to index
        %get3A_1222 = arith.constant 0 : index
        %get3A_1223 = tpu.vector_load %arg12[%get3A_1221, %get3A_1222] {strides = array<i32>} : memref<80x128xi32, #tpu.memory_space<vmem>>, vector<16xi32>,
        %swap3A_1224 = arith.constant 2 : i32
        %swap3A_1225 = arith.index_cast %swap3A_1224 : i32 to index
        %swap3A_1226 = arith.constant 0 : index
        %swap3A_1227 = tpu.vector_load %arg14[%swap3A_1225, %swap3A_1226] {strides = array<i32>} : memref<5x128xi32, #tpu.memory_space<vmem>>, vector<16xi32>,
        tpu.vector_store %arg14[%swap3A_1225, %swap3A_1226], %get3A_1223 {strides = array<i32>} : memref<5x128xi32, #tpu.memory_space<vmem>>, vector<16xi32>,
        %get3A_1228 = arith.index_cast %add3A_1220 : i32 to index
        %get3A_1229 = arith.constant 16 : index
        %get3A_1230 = tpu.vector_load %arg12[%get3A_1228, %get3A_1229] {strides = array<i32>} : memref<80x128xi32, #tpu.memory_space<vmem>>, vector<16xi32>,
        %swap3A_1231 = arith.constant 2 : i32
        %swap3A_1232 = arith.index_cast %swap3A_1231 : i32 to index
        %swap3A_1233 = arith.constant 16 : index
        %swap3A_1234 = tpu.vector_load %arg14[%swap3A_1232, %swap3A_1233] {strides = array<i32>} : memref<5x128xi32, #tpu.memory_space<vmem>>, vector<16xi32>,
        tpu.vector_store %arg14[%swap3A_1232, %swap3A_1233], %get3A_1230 {strides = array<i32>} : memref<5x128xi32, #tpu.memory_space<vmem>>, vector<16xi32>,
        %get3A_1235 = arith.index_cast %add3A_1220 : i32 to index
        %get3A_1236 = arith.constant 32 : index
        %get3A_1237 = tpu.vector_load %arg12[%get3A_1235, %get3A_1236] {strides = array<i32>} : memref<80x128xi32, #tpu.memory_space<vmem>>, vector<16xi32>,
        %swap3A_1238 = arith.constant 2 : i32
        %swap3A_1239 = arith.index_cast %swap3A_1238 : i32 to index
        %swap3A_1240 = arith.constant 32 : index
        %swap3A_1241 = tpu.vector_load %arg14[%swap3A_1239, %swap3A_1240] {strides = array<i32>} : memref<5x128xi32, #tpu.memory_space<vmem>>, vector<16xi32>,
        tpu.vector_store %arg14[%swap3A_1239, %swap3A_1240], %get3A_1237 {strides = array<i32>} : memref<5x128xi32, #tpu.memory_space<vmem>>, vector<16xi32>,
        %get3A_1242 = arith.index_cast %add3A_1220 : i32 to index
        %get3A_1243 = arith.constant 48 : index
        %get3A_1244 = tpu.vector_load %arg12[%get3A_1242, %get3A_1243] {strides = array<i32>} : memref<80x128xi32, #tpu.memory_space<vmem>>, vector<16xi32>,
        %swap3A_1245 = arith.constant 2 : i32
        %swap3A_1246 = arith.index_cast %swap3A_1245 : i32 to index
        %swap3A_1247 = arith.constant 48 : index
        %swap3A_1248 = tpu.vector_load %arg14[%swap3A_1246, %swap3A_1247] {strides = array<i32>} : memref<5x128xi32, #tpu.memory_space<vmem>>, vector<16xi32>,
        tpu.vector_store %arg14[%swap3A_1246, %swap3A_1247], %get3A_1244 {strides = array<i32>} : memref<5x128xi32, #tpu.memory_space<vmem>>, vector<16xi32>,
        %get3A_1249 = arith.index_cast %add3A_1220 : i32 to index
        %get3A_1250 = arith.constant 64 : index
        %get3A_1251 = tpu.vector_load %arg12[%get3A_1249, %get3A_1250] {strides = array<i32>} : memref<80x128xi32, #tpu.memory_space<vmem>>, vector<16xi32>,
        %swap3A_1252 = arith.constant 2 : i32
        %swap3A_1253 = arith.index_cast %swap3A_1252 : i32 to index
        %swap3A_1254 = arith.constant 64 : index
        %swap3A_1255 = tpu.vector_load %arg14[%swap3A_1253, %swap3A_1254] {strides = array<i32>} : memref<5x128xi32, #tpu.memory_space<vmem>>, vector<16xi32>,
        tpu.vector_store %arg14[%swap3A_1253, %swap3A_1254], %get3A_1251 {strides = array<i32>} : memref<5x128xi32, #tpu.memory_space<vmem>>, vector<16xi32>,
        %get3A_1256 = arith.index_cast %add3A_1220 : i32 to index
        %get3A_1257 = arith.constant 80 : index
        %get3A_1258 = tpu.vector_load %arg12[%get3A_1256, %get3A_1257] {strides = array<i32>} : memref<80x128xi32, #tpu.memory_space<vmem>>, vector<16xi32>,
        %swap3A_1259 = arith.constant 2 : i32
        %swap3A_1260 = arith.index_cast %swap3A_1259 : i32 to index
        %swap3A_1261 = arith.constant 80 : index
        %swap3A_1262 = tpu.vector_load %arg14[%swap3A_1260, %swap3A_1261] {strides = array<i32>} : memref<5x128xi32, #tpu.memory_space<vmem>>, vector<16xi32>,
        tpu.vector_store %arg14[%swap3A_1260, %swap3A_1261], %get3A_1258 {strides = array<i32>} : memref<5x128xi32, #tpu.memory_space<vmem>>, vector<16xi32>,
        %get3A_1263 = arith.index_cast %add3A_1220 : i32 to index
        %get3A_1264 = arith.constant 96 : index
        %get3A_1265 = tpu.vector_load %arg12[%get3A_1263, %get3A_1264] {strides = array<i32>} : memref<80x128xi32, #tpu.memory_space<vmem>>, vector<16xi32>,
        %swap3A_1266 = arith.constant 2 : i32
        %swap3A_1267 = arith.index_cast %swap3A_1266 : i32 to index
        %swap3A_1268 = arith.constant 96 : index
        %swap3A_1269 = tpu.vector_load %arg14[%swap3A_1267, %swap3A_1268] {strides = array<i32>} : memref<5x128xi32, #tpu.memory_space<vmem>>, vector<16xi32>,
        tpu.vector_store %arg14[%swap3A_1267, %swap3A_1268], %get3A_1265 {strides = array<i32>} : memref<5x128xi32, #tpu.memory_space<vmem>>, vector<16xi32>,
        %get3A_1270 = arith.index_cast %add3A_1220 : i32 to index
        %get3A_1271 = arith.constant 112 : index
        %get3A_1272 = tpu.vector_load %arg12[%get3A_1270, %get3A_1271] {strides = array<i32>} : memref<80x128xi32, #tpu.memory_space<vmem>>, vector<16xi32>,
        %swap3A_1273 = arith.constant 2 : i32
        %swap3A_1274 = arith.index_cast %swap3A_1273 : i32 to index
        %swap3A_1275 = arith.constant 112 : index
        %swap3A_1276 = tpu.vector_load %arg14[%swap3A_1274, %swap3A_1275] {strides = array<i32>} : memref<5x128xi32, #tpu.memory_space<vmem>>, vector<16xi32>,
        tpu.vector_store %arg14[%swap3A_1274, %swap3A_1275], %get3A_1272 {strides = array<i32>} : memref<5x128xi32, #tpu.memory_space<vmem>>, vector<16xi32>,
        %dma_start3A_1277 = arith.constant 2 : i32
        %dma_start3A_1278 = arith.constant 0 : i32
        %dma_start3A_1279 = tpu.memref_slice %arg14[%dma_start3A_1277, %dma_start3A_1278] : memref<5x128xi32, #tpu.memory_space<vmem>> -> memref<1x128xi32, #tpu.memory_space<vmem>>
        %dma_start3A_1280 = tpu.memref_squeeze %dma_start3A_1279 : memref<1x128xi32, #tpu.memory_space<vmem>> -> memref<128xi32, #tpu.memory_space<vmem>>
        %dma_start3A_1281 = arith.constant 0 : i32
        %dma_start3A_1282 = arith.constant 0 : i32
        %dma_start3A_1283 = tpu.memref_slice %arg6[%arg0, %dma_start3A_1281, %dma_start3A_1282] : memref<2x10000x64xf32, #tpu.memory_space<hbm>> -> memref<1x10000x64xf32, #tpu.memory_space<hbm>>
        %dma_start3A_1284 = tpu.memref_squeeze %dma_start3A_1283 : memref<1x10000x64xf32, #tpu.memory_space<hbm>> -> memref<10000x64xf32, #tpu.memory_space<hbm>>
        %dma_start3A_1285 = arith.constant 0 : i32
        %dma_start3A_1286 = arith.constant 0 : i32
        %dma_start3A_1287 = tpu.memref_slice %dma_start3A_1284[%dma_start3A_1285, %dma_start3A_1286] : memref<10000x64xf32, #tpu.memory_space<hbm>> -> memref<10000x64xf32, #tpu.memory_space<hbm>>
        tpu.enqueue_indirect_dma source(%dma_start3A_1287 : memref<10000x64xf32, #tpu.memory_space<hbm>>) target(%arg23 : memref<128x64xf32, #tpu.memory_space<vmem>>) offsets(%dma_start3A_1280 : memref<128xi32, #tpu.memory_space<vmem>>) semaphore(%arg31 : memref<!tpu.dma_semaphore, #tpu.memory_space<semaphore_mem>>)
      } else {
      }
      %add3A_1078 = arith.constant 4 : i32
      %add3A_1079 = arith.addi %scan3A_328, %add3A_1078 : i32
      %add3A_1080 = arith.constant 1 : i32
      %add3A_1081 = arith.addi %add3A_1079, %add3A_1080 : i32
      %jit3A_1082 = arith.constant 2 : i32
      %eq3A_1083 = arith.constant 0 : i32
      %eq3A_1084 = arith.cmpi eq, %jit3A_1082, %eq3A_1083 : i32
      %jit3A_1085 = arith.constant 1 : i32
      %select_n3A_1086 = arith.select %eq3A_1084, %jit3A_1085, %jit3A_1082 : i32
      %rem3A_1087 = arith.remsi %add3A_1081, %select_n3A_1086 : i32
      %ne3A_1088 = arith.constant 0 : i32
      %ne3A_1089 = arith.cmpi ne, %rem3A_1087, %ne3A_1088 : i32
      %lt3A_1090 = arith.constant 0 : i32
      %lt3A_1091 = arith.cmpi slt, %rem3A_1087, %lt3A_1090 : i32
      %lt3A_1092 = arith.constant 0 : i32
      %lt3A_1093 = arith.cmpi slt, %select_n3A_1086, %lt3A_1092 : i32
      %ne3A_1094 = arith.xori %lt3A_1091, %lt3A_1093 : i1
      %and3A_1095 = arith.andi %ne3A_1094, %ne3A_1089 : i1
      %add3A_1096 = arith.addi %rem3A_1087, %select_n3A_1086 : i32
      %select_n3A_1097 = arith.select %and3A_1095, %add3A_1096, %rem3A_1087 : i32
      %eq3A_1098 = arith.cmpi eq, %arg0, %select_n3A_1097 : i32
      %gt3A_1099 = arith.constant 0 : i32
      %gt3A_1100 = arith.cmpi sgt, %scan3A_328, %gt3A_1099 : i32
      %and3A_1101 = arith.andi %eq3A_1098, %gt3A_1100 : i1
      %convert_element_type3A_1102 = arith.extui %and3A_1101 : i1 to i32
      %cond3A_1103 = arith.constant 0 : i32
      %cond3A_1104 = arith.cmpi ne, %convert_element_type3A_1102, %cond3A_1103 : i32
      scf.if %cond3A_1104 {
        %dma_wait3A_1212 = arith.constant 0 : i32
        %dma_wait3A_1213 = arith.constant 0 : i32
        %dma_wait3A_1214 = tpu.memref_slice %arg15[%dma_wait3A_1212, %dma_wait3A_1213] : memref<5x128xi32, #tpu.memory_space<vmem>> -> memref<1x128xi32, #tpu.memory_space<vmem>>
        %dma_wait3A_1215 = tpu.memref_squeeze %dma_wait3A_1214 : memref<1x128xi32, #tpu.memory_space<vmem>> -> memref<128xi32, #tpu.memory_space<vmem>>
        %dma_wait3A_1216 = arith.constant 0 : i32
        %dma_wait3A_1217 = tpu.memref_slice %arg28[%dma_wait3A_1216] : memref<10240xf32, #tpu.memory_space<vmem_shared>> -> memref<10240xf32, #tpu.memory_space<vmem_shared>>
        tpu.wait_indirect_dma semaphore(%arg43 : memref<!tpu.dma_semaphore, #tpu.memory_space<semaphore_mem>>) src(%arg20 : memref<128xf32, #tpu.memory_space<vmem>>) dst(%dma_wait3A_1217 : memref<10240xf32, #tpu.memory_space<vmem_shared>>)
      } else {
      }
      %mul3A_1105 = arith.constant 160 : i32
      %mul3A_1106 = arith.muli %arg1, %mul3A_1105 : i32
      %add3A_1107 = arith.addi %mul3A_1106, %add3A_1064 : i32
      %mul3A_1108 = arith.constant 128 : i32
      %mul3A_1109 = arith.muli %add3A_1107, %mul3A_1108 : i32
      %parallel_loop3A_1110 = arith.constant 0 : i32
      %parallel_loop3A_1111 = arith.constant 128 : i32
      %parallel_loop3A_1112 = arith.constant 16 : i32
      scf.for %parallel_loop3A_1212 = %parallel_loop3A_1110 to %parallel_loop3A_1111 step %parallel_loop3A_1112  : i32 {
        %parallel_loop3A_1213 = arith.index_cast %select_n3A_1069 : i32 to index
        %parallel_loop3A_1214 = arith.index_cast %parallel_loop3A_1212 : i32 to index
        %parallel_loop3A_1215 = tpu.vector_load %arg12[%parallel_loop3A_1213, %parallel_loop3A_1214] {strides = array<i32>} : memref<80x128xi32, #tpu.memory_space<vmem>>, vector<16xi32>,
        %parallel_loop3A_1216 = arith.index_cast %select_n3A_1069 : i32 to index
        %parallel_loop3A_1217 = arith.index_cast %parallel_loop3A_1212 : i32 to index
        %parallel_loop3A_1218 = tpu.vector_load %arg13[%parallel_loop3A_1216, %parallel_loop3A_1217] {strides = array<i32>} : memref<80x128xi32, #tpu.memory_space<vmem>>, vector<16xi32>,
        %parallel_loop3A_1219 = tpu.vector_load_idx %arg10[%parallel_loop3A_1215] : memref<10000xf32, #tpu.memory_space<vmem>>[vector<16xi32>], vector<16xf32>,
        %parallel_loop3A_1220 = tpu.vector_load_idx %arg11[%parallel_loop3A_1218] : memref<10000xf32, #tpu.memory_space<vmem>>[vector<16xi32>], vector<16xf32>,
        %parallel_loop3A_1221 = arith.addf %parallel_loop3A_1219, %parallel_loop3A_1220 : vector<16xf32>
        %parallel_loop3A_1222 = arith.constant 0.000000e+00 : f32
        %parallel_loop3A_1223 = vector.broadcast %parallel_loop3A_1222 : f32 to vector<16xf32>
        %parallel_loop3A_1224 = arith.cmpf ogt, %parallel_loop3A_1221, %parallel_loop3A_1223 : vector<16xf32>
        %parallel_loop3A_1225 = arith.constant 2.000000e-01 : f32
        %parallel_loop3A_1226 = vector.broadcast %parallel_loop3A_1225 : f32 to vector<16xf32>
        %parallel_loop3A_1227 = arith.mulf %parallel_loop3A_1221, %parallel_loop3A_1226 : vector<16xf32>
        %parallel_loop3A_1228 = arith.select %parallel_loop3A_1224, %parallel_loop3A_1221, %parallel_loop3A_1227 : vector<16xi1>, vector<16xf32>
        %parallel_loop3A_1229 = math.exp %parallel_loop3A_1228 : vector<16xf32>
        %parallel_loop3A_1230 = arith.addi %mul3A_1109, %parallel_loop3A_1212 : i32
        %parallel_loop3A_1231 = tpu.iota {dimensions = array<i32: 0>} : vector<16xi32>
        %parallel_loop3A_1232 = vector.broadcast %parallel_loop3A_1230 : i32 to vector<16xi32>
        %parallel_loop3A_1233 = arith.addi %parallel_loop3A_1232, %parallel_loop3A_1231 : vector<16xi32>
        %parallel_loop3A_1234 = arith.constant 320000 : i32
        %parallel_loop3A_1235 = vector.broadcast %parallel_loop3A_1234 : i32 to vector<16xi32>
        %parallel_loop3A_1236 = arith.cmpi slt, %parallel_loop3A_1233, %parallel_loop3A_1235 : vector<16xi32>
        %parallel_loop3A_1237 = arith.constant 0.000000e+00 : f32
        %parallel_loop3A_1238 = vector.broadcast %parallel_loop3A_1237 : f32 to vector<16xf32>
        %parallel_loop3A_1239 = arith.select %parallel_loop3A_1236, %parallel_loop3A_1229, %parallel_loop3A_1238 : vector<16xi1>, vector<16xf32>
        %parallel_loop3A_1240 = arith.index_cast %parallel_loop3A_1212 : i32 to index
        %parallel_loop3A_1241 = tpu.vector_load %arg20[%parallel_loop3A_1240] {strides = array<i32>} : memref<128xf32, #tpu.memory_space<vmem>>, vector<16xf32>,
        tpu.vector_store %arg20[%parallel_loop3A_1240], %parallel_loop3A_1239 {strides = array<i32>} : memref<128xf32, #tpu.memory_space<vmem>>, vector<16xf32>,
      } {sc.loop_unroll_factor = 2 : i64, sc.parallel_access}
      %dma_wait3A_1113 = arith.constant 0 : i32
      %dma_wait3A_1114 = arith.constant 0 : i32
      %dma_wait3A_1115 = tpu.memref_slice %arg14[%dma_wait3A_1113, %dma_wait3A_1114] : memref<5x128xi32, #tpu.memory_space<vmem>> -> memref<1x128xi32, #tpu.memory_space<vmem>>
      %dma_wait3A_1116 = tpu.memref_squeeze %dma_wait3A_1115 : memref<1x128xi32, #tpu.memory_space<vmem>> -> memref<128xi32, #tpu.memory_space<vmem>>
      %dma_wait3A_1117 = arith.constant 0 : i32
      %dma_wait3A_1118 = arith.constant 0 : i32
      %dma_wait3A_1119 = tpu.memref_slice %arg6[%arg0, %dma_wait3A_1117, %dma_wait3A_1118] : memref<2x10000x64xf32, #tpu.memory_space<hbm>> -> memref<1x10000x64xf32, #tpu.memory_space<hbm>>
      %dma_wait3A_1120 = tpu.memref_squeeze %dma_wait3A_1119 : memref<1x10000x64xf32, #tpu.memory_space<hbm>> -> memref<10000x64xf32, #tpu.memory_space<hbm>>
      %dma_wait3A_1121 = arith.constant 0 : i32
      %dma_wait3A_1122 = arith.constant 0 : i32
      %dma_wait3A_1123 = tpu.memref_slice %dma_wait3A_1120[%dma_wait3A_1121, %dma_wait3A_1122] : memref<10000x64xf32, #tpu.memory_space<hbm>> -> memref<10000x64xf32, #tpu.memory_space<hbm>>
      tpu.wait_indirect_dma semaphore(%arg33 : memref<!tpu.dma_semaphore, #tpu.memory_space<semaphore_mem>>) src(%dma_wait3A_1123 : memref<10000x64xf32, #tpu.memory_space<hbm>>) dst(%arg25 : memref<128x64xf32, #tpu.memory_space<vmem>>)
      %parallel_loop3A_1124 = arith.constant 0 : i32
      %parallel_loop3A_1125 = arith.constant 128 : i32
      %parallel_loop3A_1126 = arith.constant 1 : i32
      scf.for %parallel_loop3A_1212 = %parallel_loop3A_1124 to %parallel_loop3A_1125 step %parallel_loop3A_1126  : i32 {
        %parallel_loop3A_1213 = vector.broadcast %parallel_loop3A_1212 : i32 to vector<16xi32>
        %parallel_loop3A_1214 = tpu.vector_load_idx %arg20[%parallel_loop3A_1213] : memref<128xf32, #tpu.memory_space<vmem>>[vector<16xi32>], vector<16xf32>,
        %parallel_loop3A_1215 = arith.index_cast %parallel_loop3A_1212 : i32 to index
        %parallel_loop3A_1216 = arith.constant 0 : index
        %parallel_loop3A_1217 = tpu.vector_load %arg25[%parallel_loop3A_1215, %parallel_loop3A_1216] {strides = array<i32>} : memref<128x64xf32, #tpu.memory_space<vmem>>, vector<16xf32>,
        %parallel_loop3A_1218 = arith.mulf %parallel_loop3A_1217, %parallel_loop3A_1214 : vector<16xf32>
        %parallel_loop3A_1219 = arith.index_cast %parallel_loop3A_1212 : i32 to index
        %parallel_loop3A_1220 = arith.constant 0 : index
        %parallel_loop3A_1221 = tpu.vector_load %arg25[%parallel_loop3A_1219, %parallel_loop3A_1220] {strides = array<i32>} : memref<128x64xf32, #tpu.memory_space<vmem>>, vector<16xf32>,
        tpu.vector_store %arg25[%parallel_loop3A_1219, %parallel_loop3A_1220], %parallel_loop3A_1218 {strides = array<i32>} : memref<128x64xf32, #tpu.memory_space<vmem>>, vector<16xf32>,
        %parallel_loop3A_1222 = arith.index_cast %parallel_loop3A_1212 : i32 to index
        %parallel_loop3A_1223 = arith.constant 16 : index
        %parallel_loop3A_1224 = tpu.vector_load %arg25[%parallel_loop3A_1222, %parallel_loop3A_1223] {strides = array<i32>} : memref<128x64xf32, #tpu.memory_space<vmem>>, vector<16xf32>,
        %parallel_loop3A_1225 = arith.mulf %parallel_loop3A_1224, %parallel_loop3A_1214 : vector<16xf32>
        %parallel_loop3A_1226 = arith.index_cast %parallel_loop3A_1212 : i32 to index
        %parallel_loop3A_1227 = arith.constant 16 : index
        %parallel_loop3A_1228 = tpu.vector_load %arg25[%parallel_loop3A_1226, %parallel_loop3A_1227] {strides = array<i32>} : memref<128x64xf32, #tpu.memory_space<vmem>>, vector<16xf32>,
        tpu.vector_store %arg25[%parallel_loop3A_1226, %parallel_loop3A_1227], %parallel_loop3A_1225 {strides = array<i32>} : memref<128x64xf32, #tpu.memory_space<vmem>>, vector<16xf32>,
        %parallel_loop3A_1229 = arith.index_cast %parallel_loop3A_1212 : i32 to index
        %parallel_loop3A_1230 = arith.constant 32 : index
        %parallel_loop3A_1231 = tpu.vector_load %arg25[%parallel_loop3A_1229, %parallel_loop3A_1230] {strides = array<i32>} : memref<128x64xf32, #tpu.memory_space<vmem>>, vector<16xf32>,
        %parallel_loop3A_1232 = arith.mulf %parallel_loop3A_1231, %parallel_loop3A_1214 : vector<16xf32>
        %parallel_loop3A_1233 = arith.index_cast %parallel_loop3A_1212 : i32 to index
        %parallel_loop3A_1234 = arith.constant 32 : index
        %parallel_loop3A_1235 = tpu.vector_load %arg25[%parallel_loop3A_1233, %parallel_loop3A_1234] {strides = array<i32>} : memref<128x64xf32, #tpu.memory_space<vmem>>, vector<16xf32>,
        tpu.vector_store %arg25[%parallel_loop3A_1233, %parallel_loop3A_1234], %parallel_loop3A_1232 {strides = array<i32>} : memref<128x64xf32, #tpu.memory_space<vmem>>, vector<16xf32>,
        %parallel_loop3A_1236 = arith.index_cast %parallel_loop3A_1212 : i32 to index
        %parallel_loop3A_1237 = arith.constant 48 : index
        %parallel_loop3A_1238 = tpu.vector_load %arg25[%parallel_loop3A_1236, %parallel_loop3A_1237] {strides = array<i32>} : memref<128x64xf32, #tpu.memory_space<vmem>>, vector<16xf32>,
        %parallel_loop3A_1239 = arith.mulf %parallel_loop3A_1238, %parallel_loop3A_1214 : vector<16xf32>
        %parallel_loop3A_1240 = arith.index_cast %parallel_loop3A_1212 : i32 to index
        %parallel_loop3A_1241 = arith.constant 48 : index
        %parallel_loop3A_1242 = tpu.vector_load %arg25[%parallel_loop3A_1240, %parallel_loop3A_1241] {strides = array<i32>} : memref<128x64xf32, #tpu.memory_space<vmem>>, vector<16xf32>,
        tpu.vector_store %arg25[%parallel_loop3A_1240, %parallel_loop3A_1241], %parallel_loop3A_1239 {strides = array<i32>} : memref<128x64xf32, #tpu.memory_space<vmem>>, vector<16xf32>,
      } {sc.loop_unroll_factor = 4 : i64, sc.parallel_access}
      %get3A_1127 = arith.index_cast %select_n3A_1069 : i32 to index
      %get3A_1128 = arith.constant 0 : index
      %get3A_1129 = tpu.vector_load %arg13[%get3A_1127, %get3A_1128] {strides = array<i32>} : memref<80x128xi32, #tpu.memory_space<vmem>>, vector<16xi32>,
      %swap3A_1130 = arith.constant 4 : i32
      %swap3A_1131 = arith.index_cast %swap3A_1130 : i32 to index
      %swap3A_1132 = arith.constant 0 : index
      %swap3A_1133 = tpu.vector_load %arg15[%swap3A_1131, %swap3A_1132] {strides = array<i32>} : memref<5x128xi32, #tpu.memory_space<vmem>>, vector<16xi32>,
      tpu.vector_store %arg15[%swap3A_1131, %swap3A_1132], %get3A_1129 {strides = array<i32>} : memref<5x128xi32, #tpu.memory_space<vmem>>, vector<16xi32>,
      %get3A_1134 = arith.index_cast %select_n3A_1069 : i32 to index
      %get3A_1135 = arith.constant 16 : index
      %get3A_1136 = tpu.vector_load %arg13[%get3A_1134, %get3A_1135] {strides = array<i32>} : memref<80x128xi32, #tpu.memory_space<vmem>>, vector<16xi32>,
      %swap3A_1137 = arith.constant 4 : i32
      %swap3A_1138 = arith.index_cast %swap3A_1137 : i32 to index
      %swap3A_1139 = arith.constant 16 : index
      %swap3A_1140 = tpu.vector_load %arg15[%swap3A_1138, %swap3A_1139] {strides = array<i32>} : memref<5x128xi32, #tpu.memory_space<vmem>>, vector<16xi32>,
      tpu.vector_store %arg15[%swap3A_1138, %swap3A_1139], %get3A_1136 {strides = array<i32>} : memref<5x128xi32, #tpu.memory_space<vmem>>, vector<16xi32>,
      %get3A_1141 = arith.index_cast %select_n3A_1069 : i32 to index
      %get3A_1142 = arith.constant 32 : index
      %get3A_1143 = tpu.vector_load %arg13[%get3A_1141, %get3A_1142] {strides = array<i32>} : memref<80x128xi32, #tpu.memory_space<vmem>>, vector<16xi32>,
      %swap3A_1144 = arith.constant 4 : i32
      %swap3A_1145 = arith.index_cast %swap3A_1144 : i32 to index
      %swap3A_1146 = arith.constant 32 : index
      %swap3A_1147 = tpu.vector_load %arg15[%swap3A_1145, %swap3A_1146] {strides = array<i32>} : memref<5x128xi32, #tpu.memory_space<vmem>>, vector<16xi32>,
      tpu.vector_store %arg15[%swap3A_1145, %swap3A_1146], %get3A_1143 {strides = array<i32>} : memref<5x128xi32, #tpu.memory_space<vmem>>, vector<16xi32>,
      %get3A_1148 = arith.index_cast %select_n3A_1069 : i32 to index
      %get3A_1149 = arith.constant 48 : index
      %get3A_1150 = tpu.vector_load %arg13[%get3A_1148, %get3A_1149] {strides = array<i32>} : memref<80x128xi32, #tpu.memory_space<vmem>>, vector<16xi32>,
      %swap3A_1151 = arith.constant 4 : i32
      %swap3A_1152 = arith.index_cast %swap3A_1151 : i32 to index
      %swap3A_1153 = arith.constant 48 : index
      %swap3A_1154 = tpu.vector_load %arg15[%swap3A_1152, %swap3A_1153] {strides = array<i32>} : memref<5x128xi32, #tpu.memory_space<vmem>>, vector<16xi32>,
      tpu.vector_store %arg15[%swap3A_1152, %swap3A_1153], %get3A_1150 {strides = array<i32>} : memref<5x128xi32, #tpu.memory_space<vmem>>, vector<16xi32>,
      %get3A_1155 = arith.index_cast %select_n3A_1069 : i32 to index
      %get3A_1156 = arith.constant 64 : index
      %get3A_1157 = tpu.vector_load %arg13[%get3A_1155, %get3A_1156] {strides = array<i32>} : memref<80x128xi32, #tpu.memory_space<vmem>>, vector<16xi32>,
      %swap3A_1158 = arith.constant 4 : i32
      %swap3A_1159 = arith.index_cast %swap3A_1158 : i32 to index
      %swap3A_1160 = arith.constant 64 : index
      %swap3A_1161 = tpu.vector_load %arg15[%swap3A_1159, %swap3A_1160] {strides = array<i32>} : memref<5x128xi32, #tpu.memory_space<vmem>>, vector<16xi32>,
      tpu.vector_store %arg15[%swap3A_1159, %swap3A_1160], %get3A_1157 {strides = array<i32>} : memref<5x128xi32, #tpu.memory_space<vmem>>, vector<16xi32>,
      %get3A_1162 = arith.index_cast %select_n3A_1069 : i32 to index
      %get3A_1163 = arith.constant 80 : index
      %get3A_1164 = tpu.vector_load %arg13[%get3A_1162, %get3A_1163] {strides = array<i32>} : memref<80x128xi32, #tpu.memory_space<vmem>>, vector<16xi32>,
      %swap3A_1165 = arith.constant 4 : i32
      %swap3A_1166 = arith.index_cast %swap3A_1165 : i32 to index
      %swap3A_1167 = arith.constant 80 : index
      %swap3A_1168 = tpu.vector_load %arg15[%swap3A_1166, %swap3A_1167] {strides = array<i32>} : memref<5x128xi32, #tpu.memory_space<vmem>>, vector<16xi32>,
      tpu.vector_store %arg15[%swap3A_1166, %swap3A_1167], %get3A_1164 {strides = array<i32>} : memref<5x128xi32, #tpu.memory_space<vmem>>, vector<16xi32>,
      %get3A_1169 = arith.index_cast %select_n3A_1069 : i32 to index
      %get3A_1170 = arith.constant 96 : index
      %get3A_1171 = tpu.vector_load %arg13[%get3A_1169, %get3A_1170] {strides = array<i32>} : memref<80x128xi32, #tpu.memory_space<vmem>>, vector<16xi32>,
      %swap3A_1172 = arith.constant 4 : i32
      %swap3A_1173 = arith.index_cast %swap3A_1172 : i32 to index
      %swap3A_1174 = arith.constant 96 : index
      %swap3A_1175 = tpu.vector_load %arg15[%swap3A_1173, %swap3A_1174] {strides = array<i32>} : memref<5x128xi32, #tpu.memory_space<vmem>>, vector<16xi32>,
      tpu.vector_store %arg15[%swap3A_1173, %swap3A_1174], %get3A_1171 {strides = array<i32>} : memref<5x128xi32, #tpu.memory_space<vmem>>, vector<16xi32>,
      %get3A_1176 = arith.index_cast %select_n3A_1069 : i32 to index
      %get3A_1177 = arith.constant 112 : index
      %get3A_1178 = tpu.vector_load %arg13[%get3A_1176, %get3A_1177] {strides = array<i32>} : memref<80x128xi32, #tpu.memory_space<vmem>>, vector<16xi32>,
      %swap3A_1179 = arith.constant 4 : i32
      %swap3A_1180 = arith.index_cast %swap3A_1179 : i32 to index
      %swap3A_1181 = arith.constant 112 : index
      %swap3A_1182 = tpu.vector_load %arg15[%swap3A_1180, %swap3A_1181] {strides = array<i32>} : memref<5x128xi32, #tpu.memory_space<vmem>>, vector<16xi32>,
      tpu.vector_store %arg15[%swap3A_1180, %swap3A_1181], %get3A_1178 {strides = array<i32>} : memref<5x128xi32, #tpu.memory_space<vmem>>, vector<16xi32>,
      %dma_start3A_1183 = arith.constant 4 : i32
      %dma_start3A_1184 = arith.constant 0 : i32
      %dma_start3A_1185 = tpu.memref_slice %arg15[%dma_start3A_1183, %dma_start3A_1184] : memref<5x128xi32, #tpu.memory_space<vmem>> -> memref<1x128xi32, #tpu.memory_space<vmem>>
      %dma_start3A_1186 = tpu.memref_squeeze %dma_start3A_1185 : memref<1x128xi32, #tpu.memory_space<vmem>> -> memref<128xi32, #tpu.memory_space<vmem>>
      %dma_start3A_1187 = arith.constant 0 : i32
      %dma_start3A_1188 = arith.constant 0 : i32
      %dma_start3A_1189 = tpu.memref_slice %arg27[%dma_start3A_1187, %dma_start3A_1188] : memref<10240x64xf32, #tpu.memory_space<vmem_shared>> -> memref<10240x64xf32, #tpu.memory_space<vmem_shared>>
      tpu.enqueue_indirect_dma source(%arg25 : memref<128x64xf32, #tpu.memory_space<vmem>>) target(%dma_start3A_1189 : memref<10240x64xf32, #tpu.memory_space<vmem_shared>>) offsets(%dma_start3A_1186 : memref<128xi32, #tpu.memory_space<vmem>>) semaphore(%arg38 : memref<!tpu.dma_semaphore, #tpu.memory_space<semaphore_mem>>) {add = true}
      %add3A_1190 = arith.constant 4 : i32
      %add3A_1191 = arith.addi %scan3A_328, %add3A_1190 : i32
      %jit3A_1192 = arith.constant 2 : i32
      %eq3A_1193 = arith.constant 0 : i32
      %eq3A_1194 = arith.cmpi eq, %jit3A_1192, %eq3A_1193 : i32
      %jit3A_1195 = arith.constant 1 : i32
      %select_n3A_1196 = arith.select %eq3A_1194, %jit3A_1195, %jit3A_1192 : i32
      %rem3A_1197 = arith.remsi %add3A_1191, %select_n3A_1196 : i32
      %ne3A_1198 = arith.constant 0 : i32
      %ne3A_1199 = arith.cmpi ne, %rem3A_1197, %ne3A_1198 : i32
      %lt3A_1200 = arith.constant 0 : i32
      %lt3A_1201 = arith.cmpi slt, %rem3A_1197, %lt3A_1200 : i32
      %lt3A_1202 = arith.constant 0 : i32
      %lt3A_1203 = arith.cmpi slt, %select_n3A_1196, %lt3A_1202 : i32
      %ne3A_1204 = arith.xori %lt3A_1201, %lt3A_1203 : i1
      %and3A_1205 = arith.andi %ne3A_1204, %ne3A_1199 : i1
      %add3A_1206 = arith.addi %rem3A_1197, %select_n3A_1196 : i32
      %select_n3A_1207 = arith.select %and3A_1205, %add3A_1206, %rem3A_1197 : i32
      %eq3A_1208 = arith.cmpi eq, %arg0, %select_n3A_1207 : i32
      %convert_element_type3A_1209 = arith.extui %eq3A_1208 : i1 to i32
      %cond3A_1210 = arith.constant 0 : i32
      %cond3A_1211 = arith.cmpi ne, %convert_element_type3A_1209, %cond3A_1210 : i32
      scf.if %cond3A_1211 {
        %dma_start3A_1212 = arith.constant 4 : i32
        %dma_start3A_1213 = arith.constant 0 : i32
        %dma_start3A_1214 = tpu.memref_slice %arg15[%dma_start3A_1212, %dma_start3A_1213] : memref<5x128xi32, #tpu.memory_space<vmem>> -> memref<1x128xi32, #tpu.memory_space<vmem>>
        %dma_start3A_1215 = tpu.memref_squeeze %dma_start3A_1214 : memref<1x128xi32, #tpu.memory_space<vmem>> -> memref<128xi32, #tpu.memory_space<vmem>>
        %dma_start3A_1216 = arith.constant 0 : i32
        %dma_start3A_1217 = tpu.memref_slice %arg28[%dma_start3A_1216] : memref<10240xf32, #tpu.memory_space<vmem_shared>> -> memref<10240xf32, #tpu.memory_space<vmem_shared>>
        tpu.enqueue_indirect_dma source(%arg20 : memref<128xf32, #tpu.memory_space<vmem>>) target(%dma_start3A_1217 : memref<10240xf32, #tpu.memory_space<vmem_shared>>) offsets(%dma_start3A_1215 : memref<128xi32, #tpu.memory_space<vmem>>) semaphore(%arg43 : memref<!tpu.dma_semaphore, #tpu.memory_space<semaphore_mem>>) {add = true}
      } else {
      }
    }
    %scan3A_255 = arith.constant 32 : i32
    %dma_wait3A = arith.constant 0 : i32
    %dma_wait3A_256 = arith.constant 0 : i32
    %dma_wait3A_257 = tpu.memref_slice %arg15[%dma_wait3A, %dma_wait3A_256] : memref<5x128xi32, #tpu.memory_space<vmem>> -> memref<1x128xi32, #tpu.memory_space<vmem>>
    %dma_wait3A_258 = tpu.memref_squeeze %dma_wait3A_257 : memref<1x128xi32, #tpu.memory_space<vmem>> -> memref<128xi32, #tpu.memory_space<vmem>>
    %dma_wait3A_259 = arith.constant 0 : i32
    %dma_wait3A_260 = arith.constant 0 : i32
    %dma_wait3A_261 = tpu.memref_slice %arg27[%dma_wait3A_259, %dma_wait3A_260] : memref<10240x64xf32, #tpu.memory_space<vmem_shared>> -> memref<10240x64xf32, #tpu.memory_space<vmem_shared>>
    tpu.wait_indirect_dma semaphore(%arg34 : memref<!tpu.dma_semaphore, #tpu.memory_space<semaphore_mem>>) src(%arg21 : memref<128x64xf32, #tpu.memory_space<vmem>>) dst(%dma_wait3A_261 : memref<10240x64xf32, #tpu.memory_space<vmem_shared>>)
    %eq3A = arith.constant 1 : i32
    %eq3A_262 = arith.cmpi eq, %arg0, %eq3A : i32
    %convert_element_type3A = arith.extui %eq3A_262 : i1 to i32
    %cond3A = arith.constant 0 : i32
    %cond3A_263 = arith.cmpi ne, %convert_element_type3A, %cond3A : i32
    scf.if %cond3A_263 {
      %dma_wait3A_328 = arith.constant 0 : i32
      %dma_wait3A_329 = arith.constant 0 : i32
      %dma_wait3A_330 = tpu.memref_slice %arg15[%dma_wait3A_328, %dma_wait3A_329] : memref<5x128xi32, #tpu.memory_space<vmem>> -> memref<1x128xi32, #tpu.memory_space<vmem>>
      %dma_wait3A_331 = tpu.memref_squeeze %dma_wait3A_330 : memref<1x128xi32, #tpu.memory_space<vmem>> -> memref<128xi32, #tpu.memory_space<vmem>>
      %dma_wait3A_332 = arith.constant 0 : i32
      %dma_wait3A_333 = tpu.memref_slice %arg28[%dma_wait3A_332] : memref<10240xf32, #tpu.memory_space<vmem_shared>> -> memref<10240xf32, #tpu.memory_space<vmem_shared>>
      tpu.wait_indirect_dma semaphore(%arg39 : memref<!tpu.dma_semaphore, #tpu.memory_space<semaphore_mem>>) src(%arg16 : memref<128xf32, #tpu.memory_space<vmem>>) dst(%dma_wait3A_333 : memref<10240xf32, #tpu.memory_space<vmem_shared>>)
    } else {
    }
    %dma_wait3A_264 = arith.constant 0 : i32
    %dma_wait3A_265 = arith.constant 0 : i32
    %dma_wait3A_266 = tpu.memref_slice %arg15[%dma_wait3A_264, %dma_wait3A_265] : memref<5x128xi32, #tpu.memory_space<vmem>> -> memref<1x128xi32, #tpu.memory_space<vmem>>
    %dma_wait3A_267 = tpu.memref_squeeze %dma_wait3A_266 : memref<1x128xi32, #tpu.memory_space<vmem>> -> memref<128xi32, #tpu.memory_space<vmem>>
    %dma_wait3A_268 = arith.constant 0 : i32
    %dma_wait3A_269 = arith.constant 0 : i32
    %dma_wait3A_270 = tpu.memref_slice %arg27[%dma_wait3A_268, %dma_wait3A_269] : memref<10240x64xf32, #tpu.memory_space<vmem_shared>> -> memref<10240x64xf32, #tpu.memory_space<vmem_shared>>
    tpu.wait_indirect_dma semaphore(%arg35 : memref<!tpu.dma_semaphore, #tpu.memory_space<semaphore_mem>>) src(%arg22 : memref<128x64xf32, #tpu.memory_space<vmem>>) dst(%dma_wait3A_270 : memref<10240x64xf32, #tpu.memory_space<vmem_shared>>)
    %eq3A_271 = arith.constant 0 : i32
    %eq3A_272 = arith.cmpi eq, %arg0, %eq3A_271 : i32
    %convert_element_type3A_273 = arith.extui %eq3A_272 : i1 to i32
    %cond3A_274 = arith.constant 0 : i32
    %cond3A_275 = arith.cmpi ne, %convert_element_type3A_273, %cond3A_274 : i32
    scf.if %cond3A_275 {
      %dma_wait3A_328 = arith.constant 0 : i32
      %dma_wait3A_329 = arith.constant 0 : i32
      %dma_wait3A_330 = tpu.memref_slice %arg15[%dma_wait3A_328, %dma_wait3A_329] : memref<5x128xi32, #tpu.memory_space<vmem>> -> memref<1x128xi32, #tpu.memory_space<vmem>>
      %dma_wait3A_331 = tpu.memref_squeeze %dma_wait3A_330 : memref<1x128xi32, #tpu.memory_space<vmem>> -> memref<128xi32, #tpu.memory_space<vmem>>
      %dma_wait3A_332 = arith.constant 0 : i32
      %dma_wait3A_333 = tpu.memref_slice %arg28[%dma_wait3A_332] : memref<10240xf32, #tpu.memory_space<vmem_shared>> -> memref<10240xf32, #tpu.memory_space<vmem_shared>>
      tpu.wait_indirect_dma semaphore(%arg40 : memref<!tpu.dma_semaphore, #tpu.memory_space<semaphore_mem>>) src(%arg17 : memref<128xf32, #tpu.memory_space<vmem>>) dst(%dma_wait3A_333 : memref<10240xf32, #tpu.memory_space<vmem_shared>>)
    } else {
    }
    %dma_wait3A_276 = arith.constant 0 : i32
    %dma_wait3A_277 = arith.constant 0 : i32
    %dma_wait3A_278 = tpu.memref_slice %arg15[%dma_wait3A_276, %dma_wait3A_277] : memref<5x128xi32, #tpu.memory_space<vmem>> -> memref<1x128xi32, #tpu.memory_space<vmem>>
    %dma_wait3A_279 = tpu.memref_squeeze %dma_wait3A_278 : memref<1x128xi32, #tpu.memory_space<vmem>> -> memref<128xi32, #tpu.memory_space<vmem>>
    %dma_wait3A_280 = arith.constant 0 : i32
    %dma_wait3A_281 = arith.constant 0 : i32
    %dma_wait3A_282 = tpu.memref_slice %arg27[%dma_wait3A_280, %dma_wait3A_281] : memref<10240x64xf32, #tpu.memory_space<vmem_shared>> -> memref<10240x64xf32, #tpu.memory_space<vmem_shared>>
    tpu.wait_indirect_dma semaphore(%arg36 : memref<!tpu.dma_semaphore, #tpu.memory_space<semaphore_mem>>) src(%arg23 : memref<128x64xf32, #tpu.memory_space<vmem>>) dst(%dma_wait3A_282 : memref<10240x64xf32, #tpu.memory_space<vmem_shared>>)
    %eq3A_283 = arith.constant 1 : i32
    %eq3A_284 = arith.cmpi eq, %arg0, %eq3A_283 : i32
    %convert_element_type3A_285 = arith.extui %eq3A_284 : i1 to i32
    %cond3A_286 = arith.constant 0 : i32
    %cond3A_287 = arith.cmpi ne, %convert_element_type3A_285, %cond3A_286 : i32
    scf.if %cond3A_287 {
      %dma_wait3A_328 = arith.constant 0 : i32
      %dma_wait3A_329 = arith.constant 0 : i32
      %dma_wait3A_330 = tpu.memref_slice %arg15[%dma_wait3A_328, %dma_wait3A_329] : memref<5x128xi32, #tpu.memory_space<vmem>> -> memref<1x128xi32, #tpu.memory_space<vmem>>
      %dma_wait3A_331 = tpu.memref_squeeze %dma_wait3A_330 : memref<1x128xi32, #tpu.memory_space<vmem>> -> memref<128xi32, #tpu.memory_space<vmem>>
      %dma_wait3A_332 = arith.constant 0 : i32
      %dma_wait3A_333 = tpu.memref_slice %arg28[%dma_wait3A_332] : memref<10240xf32, #tpu.memory_space<vmem_shared>> -> memref<10240xf32, #tpu.memory_space<vmem_shared>>
      tpu.wait_indirect_dma semaphore(%arg41 : memref<!tpu.dma_semaphore, #tpu.memory_space<semaphore_mem>>) src(%arg18 : memref<128xf32, #tpu.memory_space<vmem>>) dst(%dma_wait3A_333 : memref<10240xf32, #tpu.memory_space<vmem_shared>>)
    } else {
    }
    %dma_wait3A_288 = arith.constant 0 : i32
    %dma_wait3A_289 = arith.constant 0 : i32
    %dma_wait3A_290 = tpu.memref_slice %arg15[%dma_wait3A_288, %dma_wait3A_289] : memref<5x128xi32, #tpu.memory_space<vmem>> -> memref<1x128xi32, #tpu.memory_space<vmem>>
    %dma_wait3A_291 = tpu.memref_squeeze %dma_wait3A_290 : memref<1x128xi32, #tpu.memory_space<vmem>> -> memref<128xi32, #tpu.memory_space<vmem>>
    %dma_wait3A_292 = arith.constant 0 : i32
    %dma_wait3A_293 = arith.constant 0 : i32
    %dma_wait3A_294 = tpu.memref_slice %arg27[%dma_wait3A_292, %dma_wait3A_293] : memref<10240x64xf32, #tpu.memory_space<vmem_shared>> -> memref<10240x64xf32, #tpu.memory_space<vmem_shared>>
    tpu.wait_indirect_dma semaphore(%arg37 : memref<!tpu.dma_semaphore, #tpu.memory_space<semaphore_mem>>) src(%arg24 : memref<128x64xf32, #tpu.memory_space<vmem>>) dst(%dma_wait3A_294 : memref<10240x64xf32, #tpu.memory_space<vmem_shared>>)
    %eq3A_295 = arith.constant 0 : i32
    %eq3A_296 = arith.cmpi eq, %arg0, %eq3A_295 : i32
    %convert_element_type3A_297 = arith.extui %eq3A_296 : i1 to i32
    %cond3A_298 = arith.constant 0 : i32
    %cond3A_299 = arith.cmpi ne, %convert_element_type3A_297, %cond3A_298 : i32
    scf.if %cond3A_299 {
      %dma_wait3A_328 = arith.constant 0 : i32
      %dma_wait3A_329 = arith.constant 0 : i32
      %dma_wait3A_330 = tpu.memref_slice %arg15[%dma_wait3A_328, %dma_wait3A_329] : memref<5x128xi32, #tpu.memory_space<vmem>> -> memref<1x128xi32, #tpu.memory_space<vmem>>
      %dma_wait3A_331 = tpu.memref_squeeze %dma_wait3A_330 : memref<1x128xi32, #tpu.memory_space<vmem>> -> memref<128xi32, #tpu.memory_space<vmem>>
      %dma_wait3A_332 = arith.constant 0 : i32
      %dma_wait3A_333 = tpu.memref_slice %arg28[%dma_wait3A_332] : memref<10240xf32, #tpu.memory_space<vmem_shared>> -> memref<10240xf32, #tpu.memory_space<vmem_shared>>
      tpu.wait_indirect_dma semaphore(%arg42 : memref<!tpu.dma_semaphore, #tpu.memory_space<semaphore_mem>>) src(%arg19 : memref<128xf32, #tpu.memory_space<vmem>>) dst(%dma_wait3A_333 : memref<10240xf32, #tpu.memory_space<vmem_shared>>)
    } else {
    }
    %dma_wait3A_300 = arith.constant 0 : i32
    %dma_wait3A_301 = arith.constant 0 : i32
    %dma_wait3A_302 = tpu.memref_slice %arg15[%dma_wait3A_300, %dma_wait3A_301] : memref<5x128xi32, #tpu.memory_space<vmem>> -> memref<1x128xi32, #tpu.memory_space<vmem>>
    %dma_wait3A_303 = tpu.memref_squeeze %dma_wait3A_302 : memref<1x128xi32, #tpu.memory_space<vmem>> -> memref<128xi32, #tpu.memory_space<vmem>>
    %dma_wait3A_304 = arith.constant 0 : i32
    %dma_wait3A_305 = arith.constant 0 : i32
    %dma_wait3A_306 = tpu.memref_slice %arg27[%dma_wait3A_304, %dma_wait3A_305] : memref<10240x64xf32, #tpu.memory_space<vmem_shared>> -> memref<10240x64xf32, #tpu.memory_space<vmem_shared>>
    tpu.wait_indirect_dma semaphore(%arg38 : memref<!tpu.dma_semaphore, #tpu.memory_space<semaphore_mem>>) src(%arg25 : memref<128x64xf32, #tpu.memory_space<vmem>>) dst(%dma_wait3A_306 : memref<10240x64xf32, #tpu.memory_space<vmem_shared>>)
    %eq3A_307 = arith.constant 1 : i32
    %eq3A_308 = arith.cmpi eq, %arg0, %eq3A_307 : i32
    %convert_element_type3A_309 = arith.extui %eq3A_308 : i1 to i32
    %cond3A_310 = arith.constant 0 : i32
    %cond3A_311 = arith.cmpi ne, %convert_element_type3A_309, %cond3A_310 : i32
    scf.if %cond3A_311 {
      %dma_wait3A_328 = arith.constant 0 : i32
      %dma_wait3A_329 = arith.constant 0 : i32
      %dma_wait3A_330 = tpu.memref_slice %arg15[%dma_wait3A_328, %dma_wait3A_329] : memref<5x128xi32, #tpu.memory_space<vmem>> -> memref<1x128xi32, #tpu.memory_space<vmem>>
      %dma_wait3A_331 = tpu.memref_squeeze %dma_wait3A_330 : memref<1x128xi32, #tpu.memory_space<vmem>> -> memref<128xi32, #tpu.memory_space<vmem>>
      %dma_wait3A_332 = arith.constant 0 : i32
      %dma_wait3A_333 = tpu.memref_slice %arg28[%dma_wait3A_332] : memref<10240xf32, #tpu.memory_space<vmem_shared>> -> memref<10240xf32, #tpu.memory_space<vmem_shared>>
      tpu.wait_indirect_dma semaphore(%arg43 : memref<!tpu.dma_semaphore, #tpu.memory_space<semaphore_mem>>) src(%arg20 : memref<128xf32, #tpu.memory_space<vmem>>) dst(%dma_wait3A_333 : memref<10240xf32, #tpu.memory_space<vmem_shared>>)
    } else {
    }
    %barrier3A_312 = arith.constant 0 : index
    tpu.barrier barrier_id(%barrier3A_312)
    "tpu.region"() ({
      %run_scoped3A = tpu.sem_alloc : memref<!tpu.dma_semaphore, #tpu.memory_space<semaphore_mem>>
      %dma_start3A_328 = arith.constant 0 : i32
      %dma_start3A_329 = tpu.memref_slice %arg7[%arg0, %mul3A_238, %dma_start3A_328] : memref<2x10240x64xf32, #tpu.memory_space<hbm>> -> memref<1x640x64xf32, #tpu.memory_space<hbm>>
      %dma_start3A_330 = tpu.memref_squeeze %dma_start3A_329 : memref<1x640x64xf32, #tpu.memory_space<hbm>> -> memref<640x64xf32, #tpu.memory_space<hbm>>
      %dma_start3A_331 = arith.constant 0 : i32
      %dma_start3A_332 = tpu.memref_slice %arg27[%mul3A_238, %dma_start3A_331] : memref<10240x64xf32, #tpu.memory_space<vmem_shared>> -> memref<640x64xf32, #tpu.memory_space<vmem_shared>>
      tpu.enqueue_dma source(%dma_start3A_332 : memref<640x64xf32, #tpu.memory_space<vmem_shared>>) target(%dma_start3A_330 : memref<640x64xf32, #tpu.memory_space<hbm>>) target_semaphore(%run_scoped3A : memref<!tpu.dma_semaphore, #tpu.memory_space<semaphore_mem>>)
      %dma_wait3A_333 = arith.constant 0 : i32
      %dma_wait3A_334 = tpu.memref_slice %arg7[%arg0, %mul3A_238, %dma_wait3A_333] : memref<2x10240x64xf32, #tpu.memory_space<hbm>> -> memref<1x640x64xf32, #tpu.memory_space<hbm>>
      %dma_wait3A_335 = tpu.memref_squeeze %dma_wait3A_334 : memref<1x640x64xf32, #tpu.memory_space<hbm>> -> memref<640x64xf32, #tpu.memory_space<hbm>>
      %dma_wait3A_336 = arith.constant 0 : i32
      %dma_wait3A_337 = tpu.memref_slice %arg27[%mul3A_238, %dma_wait3A_336] : memref<10240x64xf32, #tpu.memory_space<vmem_shared>> -> memref<640x64xf32, #tpu.memory_space<vmem_shared>>
      tpu.wait_dma2 semaphore(%run_scoped3A : memref<!tpu.dma_semaphore, #tpu.memory_space<semaphore_mem>>) src(%dma_wait3A_337 : memref<640x64xf32, #tpu.memory_space<vmem_shared>>) dst(%dma_wait3A_335 : memref<640x64xf32, #tpu.memory_space<hbm>>)
      tpu.yield
    }) : () -> ()
    %eq3A_313 = arith.constant 0 : i32
    %eq3A_314 = arith.cmpi eq, %arg1, %eq3A_313 : i32
    %eq3A_315 = arith.constant 0 : i32
    %eq3A_316 = arith.cmpi eq, %arg0, %eq3A_315 : i32
    %and3A = arith.andi %eq3A_314, %eq3A_316 : i1
    %convert_element_type3A_317 = arith.extui %and3A : i1 to i32
    %cond3A_318 = arith.constant 0 : i32
    %cond3A_319 = arith.cmpi ne, %convert_element_type3A_317, %cond3A_318 : i32
    scf.if %cond3A_319 {
      "tpu.region"() ({
        %run_scoped3A = tpu.sem_alloc : memref<!tpu.dma_semaphore, #tpu.memory_space<semaphore_mem>>
        tpu.enqueue_dma source(%arg28 : memref<10240xf32, #tpu.memory_space<vmem_shared>>) target(%arg8 : memref<10240xf32, #tpu.memory_space<hbm>>) target_semaphore(%run_scoped3A : memref<!tpu.dma_semaphore, #tpu.memory_space<semaphore_mem>>)
        tpu.wait_dma2 semaphore(%run_scoped3A : memref<!tpu.dma_semaphore, #tpu.memory_space<semaphore_mem>>) src(%arg28 : memref<10240xf32, #tpu.memory_space<vmem_shared>>) dst(%arg8 : memref<10240xf32, #tpu.memory_space<hbm>>)
        tpu.yield
      }) : () -> ()
    } else {
    }
    %eq3A_320 = arith.constant 0 : i32
    %eq3A_321 = arith.cmpi eq, %arg1, %eq3A_320 : i32
    %eq3A_322 = arith.constant 1 : i32
    %eq3A_323 = arith.cmpi eq, %arg0, %eq3A_322 : i32
    %and3A_324 = arith.andi %eq3A_321, %eq3A_323 : i1
    %convert_element_type3A_325 = arith.extui %and3A_324 : i1 to i32
    %cond3A_326 = arith.constant 0 : i32
    %cond3A_327 = arith.cmpi ne, %convert_element_type3A_325, %cond3A_326 : i32
    scf.if %cond3A_327 {
      "tpu.region"() ({
        %run_scoped3A = tpu.sem_alloc : memref<!tpu.dma_semaphore, #tpu.memory_space<semaphore_mem>>
        tpu.enqueue_dma source(%arg28 : memref<10240xf32, #tpu.memory_space<vmem_shared>>) target(%arg9 : memref<10240xf32, #tpu.memory_space<hbm>>) target_semaphore(%run_scoped3A : memref<!tpu.dma_semaphore, #tpu.memory_space<semaphore_mem>>)
        tpu.wait_dma2 semaphore(%run_scoped3A : memref<!tpu.dma_semaphore, #tpu.memory_space<semaphore_mem>>) src(%arg28 : memref<10240xf32, #tpu.memory_space<vmem_shared>>) dst(%arg9 : memref<10240xf32, #tpu.memory_space<hbm>>)
        tpu.yield
      }) : () -> ()
    } else {
    }
    return
  }
}

module attributes {stable_mosaic.version = 14 : i64} {
  func.func @_mm_body(%arg0: i32, %arg1: memref<2048x128xf32, #tpu.memory_space<vmem>>, %arg2: memref<128x128xf32, #tpu.memory_space<vmem>>, %arg3: memref<128xf32, #tpu.memory_space<vmem>>, %arg4: memref<128xf32, #tpu.memory_space<vmem>>, %arg5: memref<2x2048x64xf32, #tpu.memory_space<vmem>>, %arg6: memref<2048xf32, #tpu.memory_space<vmem>>, %arg7: memref<2048xf32, #tpu.memory_space<vmem>>) attributes {dimension_semantics = [#tpu.dimension_semantics<arbitrary>], iteration_bounds = array<i64: 5>, scalar_prefetch = 0 : i64, scratch_operands = 0 : i64, tpu.core_type = #tpu.core_type<tc>, window_params = [{transform_indices = @transform_0, window_bounds = array<i64: 2048, 128>}, {pipeline_mode = #tpu.pipeline_mode<synchronous>, transform_indices = @transform_1, window_bounds = array<i64: 128, 128>}, {pipeline_mode = #tpu.pipeline_mode<synchronous>, transform_indices = @transform_2, window_bounds = array<i64: 128>}, {pipeline_mode = #tpu.pipeline_mode<synchronous>, transform_indices = @transform_3, window_bounds = array<i64: 128>}, {transform_indices = @transform_4, window_bounds = array<i64: 2, 2048, 64>}, {transform_indices = @transform_5, window_bounds = array<i64: 2048>}, {transform_indices = @transform_6, window_bounds = array<i64: 2048>}]} {
    %get3A = arith.constant 0 : index
    %get3A_0 = arith.constant 0 : index
    %get3A_1 = vector.load %arg1[%get3A, %get3A_0] : memref<2048x128xf32, #tpu.memory_space<vmem>>, vector<2048x128xf32>
    %get3A_2 = arith.constant 0 : index
    %get3A_3 = arith.constant 0 : index
    %get3A_4 = vector.load %arg2[%get3A_2, %get3A_3] : memref<128x128xf32, #tpu.memory_space<vmem>>, vector<128x128xf32>
    %dot_general3A = arith.constant dense<0.000000e+00> : vector<2048x128xf32>
    %dot_general3A_5 = tpu.matmul %get3A_1, %get3A_4, %dot_general3A {dimension_numbers = #tpu.dot_dimension_numbers<[1], [0], [0], [1], [0, 0, 1, 1], [], []>, transpose_lhs_hint = false} : vector<2048x128xf32>, vector<128x128xf32>, vector<2048x128xf32> -> vector<2048x128xf32>
    %slice3A = vector.extract_strided_slice %dot_general3A_5 {offsets = [0, 0], sizes = [2048, 64], strides = [1, 1]} : vector<2048x128xf32> to vector<2048x64xf32>
    %swap3A = arith.constant 0 : index
    %swap3A_6 = arith.constant 0 : index
    %swap3A_7 = arith.constant 0 : index
    %swap3A_8 = vector.load %arg5[%swap3A, %swap3A_6, %swap3A_7] : memref<2x2048x64xf32, #tpu.memory_space<vmem>>, vector<1x2048x64xf32>
    %swap3A_9 = vector.shape_cast %swap3A_8 : vector<1x2048x64xf32> to vector<2048x64xf32>
    %swap3A_10 = vector.shape_cast %slice3A : vector<2048x64xf32> to vector<1x2048x64xf32>
    tpu.vector_store %arg5[%swap3A, %swap3A_6, %swap3A_7], %swap3A_10 {strides = array<i32>} : memref<2x2048x64xf32, #tpu.memory_space<vmem>>, vector<1x2048x64xf32>,
    %slice3A_11 = vector.extract_strided_slice %dot_general3A_5 {offsets = [0, 64], sizes = [2048, 64], strides = [1, 1]} : vector<2048x128xf32> to vector<2048x64xf32>
    %swap3A_12 = arith.constant 1 : index
    %swap3A_13 = arith.constant 0 : index
    %swap3A_14 = arith.constant 0 : index
    %swap3A_15 = vector.load %arg5[%swap3A_12, %swap3A_13, %swap3A_14] : memref<2x2048x64xf32, #tpu.memory_space<vmem>>, vector<1x2048x64xf32>
    %swap3A_16 = vector.shape_cast %swap3A_15 : vector<1x2048x64xf32> to vector<2048x64xf32>
    %swap3A_17 = vector.shape_cast %slice3A_11 : vector<2048x64xf32> to vector<1x2048x64xf32>
    tpu.vector_store %arg5[%swap3A_12, %swap3A_13, %swap3A_14], %swap3A_17 {strides = array<i32>} : memref<2x2048x64xf32, #tpu.memory_space<vmem>>, vector<1x2048x64xf32>,
    %get3A_18 = arith.constant 0 : index
    %get3A_19 = vector.load %arg3[%get3A_18] : memref<128xf32, #tpu.memory_space<vmem>>, vector<128xf32>
    %broadcast_in_dim3A = vector.shape_cast %get3A_19 : vector<128xf32> to vector<1x128xf32>
    %mul3A = vector.broadcast %broadcast_in_dim3A : vector<1x128xf32> to vector<2048x128xf32>
    %mul3A_20 = arith.mulf %dot_general3A_5, %mul3A : vector<2048x128xf32>
    %reduce_sum3A = arith.constant dense<0.000000e+00> : vector<2048xf32>
    %reduce_sum3A_21 = vector.multi_reduction <add>, %mul3A_20, %reduce_sum3A [1] : vector<2048x128xf32> to vector<2048xf32>
    %swap3A_22 = arith.constant 0 : index
    %swap3A_23 = vector.load %arg6[%swap3A_22] : memref<2048xf32, #tpu.memory_space<vmem>>, vector<2048xf32>
    tpu.vector_store %arg6[%swap3A_22], %reduce_sum3A_21 {strides = array<i32>} : memref<2048xf32, #tpu.memory_space<vmem>>, vector<2048xf32>,
    %get3A_24 = arith.constant 0 : index
    %get3A_25 = vector.load %arg4[%get3A_24] : memref<128xf32, #tpu.memory_space<vmem>>, vector<128xf32>
    %broadcast_in_dim3A_26 = vector.shape_cast %get3A_25 : vector<128xf32> to vector<1x128xf32>
    %mul3A_27 = vector.broadcast %broadcast_in_dim3A_26 : vector<1x128xf32> to vector<2048x128xf32>
    %mul3A_28 = arith.mulf %dot_general3A_5, %mul3A_27 : vector<2048x128xf32>
    %reduce_sum3A_29 = arith.constant dense<0.000000e+00> : vector<2048xf32>
    %reduce_sum3A_30 = vector.multi_reduction <add>, %mul3A_28, %reduce_sum3A_29 [1] : vector<2048x128xf32> to vector<2048xf32>
    %swap3A_31 = arith.constant 0 : index
    %swap3A_32 = vector.load %arg7[%swap3A_31] : memref<2048xf32, #tpu.memory_space<vmem>>, vector<2048xf32>
    tpu.vector_store %arg7[%swap3A_31], %reduce_sum3A_30 {strides = array<i32>} : memref<2048xf32, #tpu.memory_space<vmem>>, vector<2048xf32>,
    return
  }
  func.func @transform_0(%arg0: i32) -> (i32, i32) {
    %c0_i32 = arith.constant 0 : i32
    %c0_i32_0 = arith.constant 0 : i32
    return %arg0, %c0_i32 : i32, i32
  }
  func.func @transform_1(%arg0: i32) -> (i32, i32) {
    %c0_i32 = arith.constant 0 : i32
    %c0_i32_0 = arith.constant 0 : i32
    %c0_i32_1 = arith.constant 0 : i32
    return %c0_i32, %c0_i32_0 : i32, i32
  }
  func.func @transform_2(%arg0: i32) -> i32 {
    %c0_i32 = arith.constant 0 : i32
    %c0_i32_0 = arith.constant 0 : i32
    return %c0_i32 : i32
  }
  func.func @transform_3(%arg0: i32) -> i32 {
    %c0_i32 = arith.constant 0 : i32
    %c0_i32_0 = arith.constant 0 : i32
    return %c0_i32 : i32
  }
  func.func @transform_4(%arg0: i32) -> (i32, i32, i32) {
    %c0_i32 = arith.constant 0 : i32
    %c0_i32_0 = arith.constant 0 : i32
    %c0_i32_1 = arith.constant 0 : i32
    return %c0_i32, %arg0, %c0_i32_0 : i32, i32, i32
  }
  func.func @transform_5(%arg0: i32) -> i32 {
    %c0_i32 = arith.constant 0 : i32
    return %arg0 : i32
  }
  func.func @transform_6(%arg0: i32) -> i32 {
    %c0_i32 = arith.constant 0 : i32
    return %arg0 : i32
  }
}

module attributes {stable_mosaic.version = 14 : i64} {
  func.func @_ep_body(%arg0: i32, %arg1: memref<2x2048x64xf32, #tpu.memory_space<vmem>>, %arg2: memref<2048xf32, #tpu.memory_space<vmem>>, %arg3: memref<2048xf32, #tpu.memory_space<vmem>>, %arg4: memref<128xf32, #tpu.memory_space<vmem>>, %arg5: memref<2048x128xf32, #tpu.memory_space<vmem>>) attributes {dimension_semantics = [#tpu.dimension_semantics<arbitrary>], iteration_bounds = array<i64: 5>, scalar_prefetch = 0 : i64, scratch_operands = 0 : i64, tpu.core_type = #tpu.core_type<tc>, window_params = [{transform_indices = @transform_0, window_bounds = array<i64: 2, 2048, 64>}, {transform_indices = @transform_1, window_bounds = array<i64: 2048>}, {transform_indices = @transform_2, window_bounds = array<i64: 2048>}, {pipeline_mode = #tpu.pipeline_mode<synchronous>, transform_indices = @transform_3, window_bounds = array<i64: 128>}, {transform_indices = @transform_4, window_bounds = array<i64: 2048, 128>}]} {
    %get3A = arith.constant 0 : index
    %get3A_0 = arith.constant 0 : index
    %get3A_1 = arith.constant 0 : index
    %get3A_2 = vector.load %arg1[%get3A, %get3A_0, %get3A_1] : memref<2x2048x64xf32, #tpu.memory_space<vmem>>, vector<1x2048x64xf32>
    %get3A_3 = vector.shape_cast %get3A_2 : vector<1x2048x64xf32> to vector<2048x64xf32>
    %get3A_4 = arith.constant 1 : index
    %get3A_5 = arith.constant 0 : index
    %get3A_6 = arith.constant 0 : index
    %get3A_7 = vector.load %arg1[%get3A_4, %get3A_5, %get3A_6] : memref<2x2048x64xf32, #tpu.memory_space<vmem>>, vector<1x2048x64xf32>
    %get3A_8 = vector.shape_cast %get3A_7 : vector<1x2048x64xf32> to vector<2048x64xf32>
    %concatenate3A = tpu.concatenate %get3A_3, %get3A_8 in 1 : vector<2048x64xf32>, vector<2048x64xf32> -> vector<2048x128xf32>
    %get3A_9 = arith.constant 0 : index
    %get3A_10 = vector.load %arg2[%get3A_9] : memref<2048xf32, #tpu.memory_space<vmem>>, vector<2048xf32>
    %get3A_11 = arith.constant 0 : index
    %get3A_12 = vector.load %arg3[%get3A_11] : memref<2048xf32, #tpu.memory_space<vmem>>, vector<2048xf32>
    %add3A = arith.addf %get3A_10, %get3A_12 : vector<2048xf32>
    %eq3A = arith.constant 0.000000e+00 : f32
    %eq3A_13 = vector.broadcast %eq3A : f32 to vector<2048xf32>
    %eq3A_14 = arith.cmpf oeq, %add3A, %eq3A_13 : vector<2048xf32>
    %jit3A = arith.constant 1.000000e+00 : f32
    %broadcast_in_dim3A = vector.broadcast %jit3A : f32 to vector<2048xf32>
    %select_n3A = arith.select %eq3A_14, %broadcast_in_dim3A, %add3A : vector<2048xi1>, vector<2048xf32>
    %broadcast_in_dim3A_15 = vector.shape_cast %select_n3A : vector<2048xf32> to vector<2048x1xf32>
    %div3A = vector.broadcast %broadcast_in_dim3A_15 : vector<2048x1xf32> to vector<2048x128xf32>
    %div3A_16 = arith.divf %concatenate3A, %div3A : vector<2048x128xf32>
    %get3A_17 = arith.constant 0 : index
    %get3A_18 = vector.load %arg4[%get3A_17] : memref<128xf32, #tpu.memory_space<vmem>>, vector<128xf32>
    %broadcast_in_dim3A_19 = vector.shape_cast %get3A_18 : vector<128xf32> to vector<1x128xf32>
    %add3A_20 = vector.broadcast %broadcast_in_dim3A_19 : vector<1x128xf32> to vector<2048x128xf32>
    %add3A_21 = arith.addf %div3A_16, %add3A_20 : vector<2048x128xf32>
    %swap3A = arith.constant 0 : index
    %swap3A_22 = arith.constant 0 : index
    %swap3A_23 = vector.load %arg5[%swap3A, %swap3A_22] : memref<2048x128xf32, #tpu.memory_space<vmem>>, vector<2048x128xf32>
    tpu.vector_store %arg5[%swap3A, %swap3A_22], %add3A_21 {strides = array<i32>} : memref<2048x128xf32, #tpu.memory_space<vmem>>, vector<2048x128xf32>,
    return
  }
  func.func @transform_0(%arg0: i32) -> (i32, i32, i32) {
    %c0_i32 = arith.constant 0 : i32
    %c0_i32_0 = arith.constant 0 : i32
    %c0_i32_1 = arith.constant 0 : i32
    return %c0_i32, %arg0, %c0_i32_0 : i32, i32, i32
  }
  func.func @transform_1(%arg0: i32) -> i32 {
    %c0_i32 = arith.constant 0 : i32
    return %arg0 : i32
  }
  func.func @transform_2(%arg0: i32) -> i32 {
    %c0_i32 = arith.constant 0 : i32
    return %arg0 : i32
  }
  func.func @transform_3(%arg0: i32) -> i32 {
    %c0_i32 = arith.constant 0 : i32
    %c0_i32_0 = arith.constant 0 : i32
    return %c0_i32 : i32
  }
  func.func @transform_4(%arg0: i32) -> (i32, i32) {
    %c0_i32 = arith.constant 0 : i32
    %c0_i32_0 = arith.constant 0 : i32
    return %arg0, %c0_i32 : i32, i32
  }
}

</mosaic_0001>

<sc_bundles>
// kernel: kernel.5.cloned.1.call-start
scs
__scs_entry_jumppad:
0x0: {  	(pc) =	sbr.rel $0x88, $3  }
0x1: {  	(tag) =	ssettag $0x0;
	lr =	simm.s32 $0x1  }
0x2: {  	[smem:$0x3F9B] =	sst lr;
	_ =	strace $0xD0000000  }
0x3: {  	_ = 	snop  }
0x4: {  	_ = 	snop  }
0x5: {  	_ = 	snop  }
0x6: {  	_ = 	snop  }
0x7: {  	_ = 	snop  }
__scs_overlays_trampoline_lowered:
0x8: {  	[smem:$0x3FAA] =	sst s0  }
0x9: {  	[smem:$0x3FAB] =	sst s1  }
0xa: {  	[smem:$0x3FAC] =	sst s2  }
0xb: {  	[smem:$0x3FAD] =	sst s3  }
0xc: {  	[smem:$0x3FAE] =	sst s4  }
0xd: {  	[smem:$0x3FAF] =	sst s5  }
0xe: {  	[smem:$0x3FB0] =	sst s6  }
0xf: {  	[smem:$0x3FB1] =	sst s7  }
0x10: {  	[smem:$0x3FB2] =	sst s8  }
0x11: {  	[smem:$0x3FB3] =	sst s9;
	s0 =	simm.s32 @!p0 $0x0  }
0x12: {  	s1 =	sld [smem:$0x3F99];
	s0 =	simm.s32 @p0 $0x1  }
0x13: {  	[smem:$0x3FB4] =	sst s0;
	s0 =	simm.s32 @!p1 $0x0  }
0x14: {  	s2 =	sld [smem:$0x3F98];
	s0 =	simm.s32 @p1 $0x1  }
0x15: {  	[smem:$0x3FB5] =	sst s0;
	s0 =	simm.s32 @!p2 $0x0  }
0x16: {  	s3 =	sld [smem:$0x3FDB];
	s0 =	simm.s32 @p2 $0x1  }
0x17: {  	s4 =	simm.s32 $0x1BF5;
	[smem:$0x3FB7] =	sst s0  }
0x18: {  	s0 =	sld [smem:$0x3F9A];
	_ =	swait.ge [sflag:s4], $0x0  }
0x19: {  	s7 =	sld [smem:$0x3F9B]  }
0x1a: {  	s8 =	sadd.s32 $0xFFFFE003, lr  }
0x1b: {  	s9 =	sadd.s32 $0xFFFFFEF7, lr;
	s5 =	simm.s32 $0xFFFFFFFF;
	p2 =	slt.u32 s8, $0xFFFFF086  }
0x1c: {  	p1 =	slt.u32 s9, $0xF7A;
	s5 =	simm.s32 @!p2 $0x0  }
0x1d: {  	s5 =	simm.s32 @p1 $0x1;
	p0 =	seq.s32 s7, s2  }
0x1e: {  	s7 =	smul.u32 @!p0 $0xF7A, s2;
	p2 =	seq.s32 @!p0 s5, $0x0  }
0x1f: {  	s9 =	smul.u32 $0xF7A, s1;
	s8 =	simm.s32 @!p0 $0x1BF5;
	p2 =	por !p2, p0  }
0x20: {  	[sflag:s8] =	ssyncset.s32 @!p0 $0xFFFFF086;
	s6 =	sadd.s32 @!p0 s3, s7;
	s7 =	simm.s32 @!p0 $0x108  }
0x21: {  	s3 =	sadd.s32 s3, s9;
	s6 =	sadd.s32 @!p0 $0x88, s6;
	s7 =	simm.s32 @p2 $0x1082  }
0x22: {  	[simem:s7], [sflag:s8] =	dma.local @!p0 [hbm:s6], $0xF7A  }
0x23: {  	s9 =	sor.u32 $0xD0000000, s2;
	s6 =	simm.s32 $0x108;
	_ =	swait.ge @!p0 [sflag:s8], $0x0  }
0x24: {  	s3 =	sadd.s32 $0x88, s3;
	s6 =	simm.s32 @!p1 $0x1082;
	[sflag:s4] =	ssyncset.s32 $0xFFFFF086  }
0x25: {  	[simem:s6], [sflag:s4] =	dma.local [hbm:s3], $0xF7A  }
0x26: {  	[smem:$0x3F9B] =	sst s1;
	(tag) =	ssettag s2;
	_ =	strace s9  }
0x27: {  	s1 =	sld [smem:$0x3FAB]  }
0x28: {  	s2 =	sld [smem:$0x3FAC]  }
0x29: {  	s4 =	sld [smem:$0x3FAE]  }
0x2a: {  	p0 =	seq.s32 s5, $0x0;
	s5 =	sld [smem:$0x3FAF]  }
0x2b: {  	s6 =	sld [smem:$0x3FB0]  }
0x2c: {  	s7 =	sld [smem:$0x3FB1]  }
0x2d: {  	s3 =	simm.s32 $0x108;
	s8 =	sld [smem:$0x3FB2]  }
0x2e: {  	s3 =	simm.s32 @!p0 $0x1082;
	s9 =	sld [smem:$0x3FB3]  }
0x2f: {  	lr =	sadd.s32 s0, s3;
	s0 =	sld [smem:$0x3FAA]  }
0x30: {  	s3 =	sld [smem:$0x3FAD]  }
0x31: {  	[smem:$0x3FB6] =	sst s10  }
0x32: {  	s10 =	sld [smem:$0x3FB4];
	_ =	sdelay $0x3  }
0x33: {  	p0 =	seq.s32 s10, $0x1;
	s10 =	sld [smem:$0x3FB6];
	_ =	sdelay $0x3  }
0x34: {  	[smem:$0x3FB6] =	sst s10  }
0x35: {  	s10 =	sld [smem:$0x3FB5];
	_ =	sdelay $0x3  }
0x36: {  	p1 =	seq.s32 s10, $0x1;
	s10 =	sld [smem:$0x3FB6];
	_ =	sdelay $0x3  }
0x37: {  	[smem:$0x3FB6] =	sst s10  }
0x38: {  	s10 =	sld [smem:$0x3FB7]  }
0x39: {  	_ = 	snop;
	(pc) =	sbr.ind lr, $3  }
0x3a: {  	_ = 	snop  }
0x3b: {  	_ = 	snop  }
0x3c: {  	p2 =	seq.s32 s10, $0x1;
	s10 =	sld [smem:$0x3FB6]  }
0x3d: {  	_ =	shalt  }
0x3e: {  	_ =	shalt  }
0x3f: {  	_ =	shalt  }
0x40: {  	_ =	shalt  }
0x41: {  	_ =	shalt  }
0x42: {  	_ =	shalt  }
0x43: {  	_ =	shalt  }
0x44: {  	_ =	shalt  }
0x45: {  	_ =	shalt  }
0x46: {  	_ =	shalt  }
0x47: {  	_ =	shalt  }
0x48: {  	_ =	shalt  }
0x49: {  	_ =	shalt  }
0x4a: {  	_ =	shalt  }
0x4b: {  	_ =	shalt  }
0x4c: {  	_ =	shalt  }
0x4d: {  	_ =	shalt  }
0x4e: {  	_ =	shalt  }
0x4f: {  	_ =	shalt  }
0x50: {  	_ =	shalt  }
0x51: {  	_ =	shalt  }
0x52: {  	_ =	shalt  }
0x53: {  	_ =	shalt  }
0x54: {  	_ =	shalt  }
0x55: {  	_ =	shalt  }
0x56: {  	_ =	shalt  }
0x57: {  	_ =	shalt  }
0x58: {  	_ =	shalt  }
0x59: {  	_ =	shalt  }
0x5a: {  	_ =	shalt  }
0x5b: {  	_ =	shalt  }
0x5c: {  	_ =	shalt  }
0x5d: {  	_ =	shalt  }
0x5e: {  	_ =	shalt  }
0x5f: {  	_ =	shalt  }
0x60: {  	_ =	shalt  }
0x61: {  	_ =	shalt  }
0x62: {  	_ =	shalt  }
0x63: {  	_ =	shalt  }
0x64: {  	_ =	shalt  }
0x65: {  	_ =	shalt  }
0x66: {  	_ =	shalt  }
0x67: {  	_ =	shalt  }
0x68: {  	_ =	shalt  }
0x69: {  	_ =	shalt  }
0x6a: {  	_ =	shalt  }
0x6b: {  	_ =	shalt  }
0x6c: {  	_ =	shalt  }
0x6d: {  	_ =	shalt  }
0x6e: {  	_ =	shalt  }
0x6f: {  	_ =	shalt  }
0x70: {  	_ =	shalt  }
0x71: {  	_ =	shalt  }
0x72: {  	_ =	shalt  }
0x73: {  	_ =	shalt  }
0x74: {  	_ =	shalt  }
0x75: {  	_ =	shalt  }
0x76: {  	_ =	shalt  }
0x77: {  	_ =	shalt  }
0x78: {  	_ =	shalt  }
0x79: {  	_ =	shalt  }
0x7a: {  	_ =	shalt  }
0x7b: {  	_ =	shalt  }
0x7c: {  	_ =	shalt  }
0x7d: {  	_ =	shalt  }
0x7e: {  	_ =	shalt  }
0x7f: {  	_ =	shalt  }
0x80: {  	_ =	shalt  }
0x81: {  	_ =	shalt  }
0x82: {  	_ =	shalt  }
0x83: {  	_ =	shalt  }
0x84: {  	_ =	shalt  }
0x85: {  	_ =	shalt  }
0x86: {  	_ =	shalt  }
0x87: {  	_ =	shalt  }
.Lfunc_end0:
.L_simem_size_0:
called_computation_lowered:
.L_overlay_start_0:
0x88: {  	s2 =	sld [smem:$0x3FD9]  }
0x89: {  	s3 =	sld [smem:$0x3FFE];
	_ =	sdelay $0x1  }
0x8a: {  	s1 =	srdreg.scid  }
0x8b: {  	s0 =	sand.u32 $0x1, s1  }
0x8c: {  	s17 =	sshll.u32 s0, $0xA;
	s2 =	sadd.s32 s3, s2  }
0x8d: {  	s2 =	sadd.s32 s2, s17  }
0x8e: {  	[smem:$0x3FC2] =	sst s2  }
0x8f: {  	_ = 	snop  }
0x90: {  	s2 =	sld [smem:$0x3FD0];
	(tm) =	ssettm $0x1  }
0x91: {  	s18 =	sld [smem:$0x3FFB];
	_ =	sdelay $0x3  }
0x92: {  	_ =	strace s18  }
0x93: {  	s3 =	sld [smem:$0x3FFC];
	_ =	sdelay $0x3  }
0x94: {  	_ =	strace s3  }
0x95: {  	s3 =	sld [smem:$0x3FFD];
	_ =	sdelay $0x3  }
0x96: {  	_ =	strace s3  }
0x97: {  	_ =	strace $0x8FFFFFFF  }
0x98: {  	s19 =	sld [smem:$0x3FDB];
	_ =	sdelay $0x1  }
0x99: {  	s4 =	simm.s32 $_scs_section_size  }
0x9a: {  	s5 =	simm.s32 $_size__tile_overlayer_lowered;
	s6 =	simm.s32 $_tile_overlayer_lowered  }
0x9b: {  	s22 =	simm.s32 $0x1BFF;
	s21 =	sshll.u32 s6, $0x1;
	s3 =	sadd.s32 s4, s19  }
0x9c: {  	s7 =	simm.s32 $0x0;
	s20 =	sshll.u32 s5, $0x1;
	s5 =	sadd.s32 s21, s3  }
0x9d: {  	[timem:s7], [sflag:s22] =	dma.local [hbm:s5], s20  }
0x9e: {  	_ =	swait.ge [sflag:s22], s20  }
0x9f: {  	s4 =	ssub.s32 $0x0, s20;
	[sflag:s22] =	ssyncset.done $0x0  }
0xa0: {  	[sflag:s22] =	ssyncadd.s32 s4;
	_ =	sdelay $0x1  }
0xa1: {  	s23 =	simm.s32 $0x1B8B  }
0xa2: {  	_ =	swait.ge [sflag:s23], $0x1  }
0xa3: {  	[sflag:s23] =	ssyncset.done $0x0  }
0xa4: {  	s25 =	simm.s32 $0x1B8E;
	s24 =	sld [smem:$0x3FFE];
	[sflag:s23] =	ssyncadd.s32 $0xFFFFFFFF  }
0xa5: {  	s26 =	simm.s32 $execute0_lowered;
	[smem:$0x3FD2] =	sst s25  }
0xa6: {  	s5 =	sshll.u32 s26, $0x1;
	_ =	strace $0x80000046;
	[dreg:$0x1] =	wrdreg $0xFFFFFFFF  }
0xa7: {  	s28 =	simm.s32 $_size_execute0_lowered;
	s3 =	sadd.s32 s3, s5;
	[dreg:$0x0] =	wrdreg $0x0  }
0xa8: {  	s5 =	sshll.u32 s28, $0x1;
	[dreg:$0x2] =	wrdreg s3  }
0xa9: {  	[dreg:$0x3] =	wrdreg s5  }
0xaa: {  	[dreg:$0x4] =	wrdreg $0xC0  }
0xab: {  	_ =	task [dreg:s7], $0x5FFFF  }
0xac: {  	[dreg:$0x1] =	wrdreg $0xFFFFFFFF  }
0xad: {  	[dreg:$0x0] =	wrdreg $0x60  }
0xae: {  	[dreg:$0x2] =	wrdreg s24  }
0xaf: {  	[dreg:$0x3] =	wrdreg s2  }
0xb0: {  	[dreg:$0x4] =	wrdreg $0x148200  }
0xb1: {  	[dreg:$0x5] =	wrdreg $0x1E8200  }
0xb2: {  	[dreg:$0x6] =	wrdreg $0x9  }
0xb3: {  	_ =	task.clear_ibuf [dreg:s7], $0x7FFFF;
	_ =	strace $0x90000046  }
0xb4: {  	s29 =	simm.s32 $0x9;
	_ =	strace $0x80000048  }
0xb5: {  	_ =	swait.ge [sflag:s29], $0x1  }
0xb6: {  	[sflag:s29] =	ssyncadd.s32 $0xFFFFFFFF  }
0xb7: {  	_ =	strace $0x90000048  }
0xb8: {  	_ =	sfence  }
0xb9: {  	s30 =	sld [smem:$0x0];
	_ =	sdelay $0x2  }
0xba: {  	s31 =	sshll.u32 s1, $0xD;
	s1 =	sshrl.u32 s1, $0x2  }
0xbb: {  	s3 =	sand.u32 $0x4000, s31;
	s1 =	sadd.s32 s1, s30  }
0xbc: {  	s0 =	sor.u32 s3, s0;
	s1 =	sshll.u32 s1, $0x11  }
0xbd: {  	s0 =	sor.u32 s1, s0  }
0xbe: {  	s0 =	sadd.s32 $0x8F2B, s0  }
0xbf: {  	[sflag:s0] =	ssyncadd.remote.s32 $0x1  }
0xc0: {  	_ =	sfence.sel $0xFFFF  }
0xc1: {  	[dreg:$0x0] =	wrdreg $0xFFFFFFFF;
	(pc) =	sbr.abs _section_cstart, $3  }
0xc2: {  	[dreg:$0x1] =	wrdreg $0xFFFFFFFF  }
0xc3: {  	_ =	task.clear_ibuf [dreg:s7], $0x2FFFF;
	_ =	strace $0x9FFFFFFF  }
0xc4: {  	(tm) =	ssettm $0x7FFFFFFF  }
0xc5: {  	_ =	shalt  }
tec
execute0_lowered:
.L_overlay_start_1:
0x0: {  	(tag) =	ssettag $0x1  }
0x1: {  	s0 =	rddreg [dreg:$0x0]  }
0x2: {  	s2 =	rddreg [dreg:$0x1]  }
0x3: {  	s1 =	rddreg [dreg:$0x2]  }
0x4: {  	s3 =	rddreg [dreg:$0x3]  }
0x5: {  	s4 =	srdreg.scid;
	s15 =	stileid.u32  }
0x6: {  	s5 =	simm.s32 $0x0;
	s29 =	simm.s32 $0x80;
	s24 =	smul.u32 $0xA000, s15  }
0x7: {  	s28 =	simm.s32 $0xA3A0;
	s6 =	sand.u32 $0x1, s4;
	s10 =	smul.u32 $0xA0, s15  }
0x8: {  	[smem:$0x7FF] =	sst s5;
	s8 =	sadd.s32 $0x1600, s0;
	s11 =	smul.u32 $0xA00, s15  }
0x9: {  	s25 =	sadd.s32 $0x1C00, s0;
	s9 =	sadd.s32 $0x2200, s0;
	s13 =	smul.u32 $0x28000, s15  }
0xa: {  	s12 =	sadd.s32 $0x3E200, s0;
	s19 =	smul.u32 $0x5000, s15;
	p0 =	seq.s32 s15, $0x0  }
0xb: {  	s7 =	smul.u32 $0xA0000, s6;
	_ =	strace $0x80000047;
	[dreg:$0x5] =	wrdreg s8  }
0xc: {  	[dreg:$0x6] =	wrdreg s25;
	s8 =	sadd.s32 $0xC200, s0;
	s26 =	ssub.s32 $0x2, s6  }
0xd: {  	[dreg:$0x8] =	wrdreg s12;
	s31 =	smul.u32 $0x13880, s6;
	p1 =	seq.s32 s6, $0x1  }
0xe: {  	[dreg:$0x7] =	wrdreg s10;
	s30 =	sshrl.u32 s26, $0x1;
	s14 =	sadd.s32 s8, s11  }
0xf: {  	s16 =	sadd.s32 s9, s11;
	s17 =	sshrl.u32 s13, $0x2;
	s4 =	sadd.s32 s24, s1  }
0x10: {  	s23 =	sshrl.u32 s11, $0x2;
	s10 =	sshrl.u32 s19, $0x3;
	p0 =	por !p0, !p1  }
0x11: {  	s19 =	simm.s32 $0x1;
	s7 =	sadd.s32 s24, s7;
	[dreg:$0xa] =	wrdreg s14  }
0x12: {  	[dreg:$0xb] =	wrdreg s16;
	s14 =	sadd.s32 s2, s31;
	s18 =	sadd.s32 s17, s1  }
0x13: {  	[dreg:$0xc] =	wrdreg s4;
	s24 =	sadd.s32 s23, s3;
	s25 =	sadd.s32 $0x500, s10  }
0x14: {  	s31 =	sor.u32 s6, s15;
	p0 =	por !p0, !p0;
	s10 =	simm.s32 $0x2710  }
0x15: {  	s17 =	simm.s32 $0x105A0;
	s23 =	simm.s32 $0x5;
	s7 =	sshrl.u32 s7, $0x3  }
0x16: {  	s20 =	sadd.s32 $0x2000, s18;
	s21 =	sadd.s32 $0x4000, s18;
	[dreg:$0x11] =	wrdreg s24  }
0x17: {  	s22 =	sadd.s32 $0x6000, s18;
	s2 =	sadd.s32 $0x8000, s18;
	[dreg:$0xd] =	wrdreg s20  }
0x18: {  	s4 =	simm.s32 @!p0 $0x0;
	s24 =	simm.s32 $0xA520;
	[dreg:$0xe] =	wrdreg s21  }
0x19: {  	s7 =	sadd.s32 s7, s0;
	s0 =	sadd.s32 $0x3E800, s0;
	[dreg:$0xf] =	wrdreg s22  }
0x1a: {  	[dreg:$0x10] =	wrdreg s2;
	s2 =	sadd.s32 s9, s25;
	s4 =	simm.s32 @p0 $0x1  }
0x1b: {  	p0 =	sne.s32 s31, $0x0;
	s20 =	simm.s32 $0xA320;
	s21 =	simm.s32 $0x4  }
0x1c: {  	s22 =	simm.s32 $0xA4A0;
	[dreg:$0x9] =	wrdreg s0;
	s0 =	ssub.s32 s26, s30  }
0x1d: {  	s26 =	sadd.s32 s8, s25;
	[dreg:$0x13] =	wrdreg s2;
	s30 =	sadd.s32 $0x16200, s7  }
0x1e: {  	s2 =	simm.s32 @!p1 $0x0;
	[smem:$0x7FB] =	sst s4;
	s25 =	simm.s32 $0x2  }
0x1f: {  	s7 =	simm.s32 $0xA420;
	[dreg:$0x12] =	wrdreg s26;
	s0 =	smax.u32 s0, $0x1  }
.Ltmp0:
0x20: {  	[dreg:$0x15] =	wrdreg s0;
	s0 =	simm.s32 @!p0 $0x0;
	(pc) =	sbr.rel .LBB2_1-.Ltmp0, $4  }
0x21: {  	[dreg:$0x14] =	wrdreg s30;
	s0 =	simm.s32 @p0 $0x1;
	p0 =	sne.s32 s6, $0x0  }
0x22: {  	s2 =	simm.s32 @p1 $0x1;
	[smem:$0x7FC] =	sst s0;
	s0 =	simm.s32 @!p0 $0x0  }
0x23: {  	s8 =	simm.s32 $0x0;
	[smem:$0x7FA] =	sst s2;
	s0 =	simm.s32 @p0 $0x1  }
0x24: {  	v0 =	vimm.f32 $0.0e+00;
	s26 =	simm.s32 $0x10;
	[smem:$0x7FD] =	sst s0;
	s0 =	simm.s32 $0x3  }
.LBB2_30:
0x25: {  	s2 =	simm.s32 $0x6  }
0x26: {  	_ =	swait.ge [sflag:s2], $0x2000  }
0x27: {  	s4 =	sld [smem:$0x7FA];
	_ =	sdelay $0x2  }
0x28: {  	[sflag:s2] =	ssyncset.done $0x0;
	p0 =	seq.s32 s4, $0x1  }
0x29: {  	[sflag:s2] =	ssyncadd.s32 $0xFFFFE000;
	s2 =	simm.s32 @p0 $0xB  }
0x2a: {  	_ =	swait.ge @p0 [sflag:s2], $0x80  }
0x2b: {  	[sflag:s2] =	ssyncset.done @p0 $0x0  }
0x2c: {  	s8 =	simm.s32 $0x7;
	[sflag:s2] =	ssyncadd.s32 @p0 $0xFFFFFF80  }
0x2d: {  	_ =	swait.ge [sflag:s8], $0x2000  }
0x2e: {  	s9 =	sld [smem:$0x7FD];
	_ =	sdelay $0x2  }
0x2f: {  	[sflag:s8] =	ssyncset.done $0x0;
	p1 =	seq.s32 s9, $0x1  }
0x30: {  	[sflag:s8] =	ssyncadd.s32 $0xFFFFE000;
	s2 =	simm.s32 @!p1 $0xC  }
0x31: {  	_ =	swait.ge @!p1 [sflag:s2], $0x80  }
0x32: {  	[sflag:s2] =	ssyncset.done @!p1 $0x0  }
0x33: {  	s11 =	simm.s32 $0x8;
	[sflag:s2] =	ssyncadd.s32 @!p1 $0xFFFFFF80  }
0x34: {  	_ =	swait.ge [sflag:s11], $0x2000  }
0x35: {  	[sflag:s11] =	ssyncset.done $0x0  }
0x36: {  	s2 =	simm.s32 @p0 $0xD;
	[sflag:s11] =	ssyncadd.s32 $0xFFFFE000  }
0x37: {  	_ =	swait.ge @p0 [sflag:s2], $0x80  }
0x38: {  	[sflag:s2] =	ssyncset.done @p0 $0x0  }
0x39: {  	s12 =	simm.s32 $0x9;
	[sflag:s2] =	ssyncadd.s32 @p0 $0xFFFFFF80  }
0x3a: {  	_ =	swait.ge [sflag:s12], $0x2000  }
0x3b: {  	[sflag:s12] =	ssyncset.done $0x0  }
0x3c: {  	s2 =	simm.s32 @!p1 $0xE;
	[sflag:s12] =	ssyncadd.s32 $0xFFFFE000  }
0x3d: {  	_ =	swait.ge @!p1 [sflag:s2], $0x80  }
0x3e: {  	[sflag:s2] =	ssyncset.done @!p1 $0x0  }
0x3f: {  	s13 =	simm.s32 $0xA;
	[sflag:s2] =	ssyncadd.s32 @!p1 $0xFFFFFF80  }
0x40: {  	_ =	swait.ge [sflag:s13], $0x2000  }
0x41: {  	[sflag:s13] =	ssyncset.done $0x0  }
0x42: {  	s2 =	simm.s32 @p0 $0xF;
	[sflag:s13] =	ssyncadd.s32 $0xFFFFE000  }
0x43: {  	_ =	swait.ge @p0 [sflag:s2], $0x80  }
0x44: {  	[sflag:s2] =	ssyncset.done @p0 $0x0  }
0x45: {  	[sflag:s2] =	ssyncadd.s32 @p0 $0xFFFFFF80  }
0x46: {  	s15 =	stileid.u32;
	[bflag:$0x0] =	sbarrier.arrive $0xFFFF  }
0x47: {  	s2 =	sshll.u32 s15, $0x6;
	s4 =	rddreg [dreg:$0xc]  }
0x48: {  	s2 =	sor.u32 $0x1C10, s2;
	s8 =	rddreg [dreg:$0x14];
	s4 =	sshrl.u32 s4, $0x3  }
0x49: {  	[hbm:s8], [sflag:s2] =	dma.local [spmem:s4], $0x1400  }
0x4a: {  	_ =	swait.ge [sflag:s26], $0x1400  }
0x4b: {  	s16 =	sld [smem:$0x7FC];
	_ =	sdelay $0x2  }
0x4c: {  	[sflag:s26] =	ssyncset.done $0x0;
	p0 =	seq.s32 s16, $0x1  }
0x4d: {  	s8 =	rddreg [dreg:$0x8];
	[sflag:s26] =	ssyncadd.s32 $0xFFFFEC00;
	s4 =	sshrl.u32 @!p0 s3, $0x3  }
0x4e: {  	[hbm:s8], [sflag:s2] =	dma.local @!p0 [spmem:s4], $0x500  }
0x4f: {  	s4 =	simm.s32 @!p0 $0x10  }
0x50: {  	_ =	swait.ge @!p0 [sflag:s4], $0x500  }
0x51: {  	s18 =	sld [smem:$0x7FB];
	_ =	sdelay $0x2  }
0x52: {  	[sflag:s4] =	ssyncset.done @!p0 $0x0;
	p1 =	seq.s32 s18, $0x1  }
0x53: {  	s8 =	rddreg [dreg:$0x9];
	[sflag:s4] =	ssyncadd.s32 @!p0 $0xFFFFFB00;
	s4 =	sshrl.u32 @p1 s3, $0x3  }
0x54: {  	[hbm:s8], [sflag:s2] =	dma.local @p1 [spmem:s4], $0x500  }
0x55: {  	s2 =	simm.s32 @p1 $0x10  }
0x56: {  	_ =	swait.ge @p1 [sflag:s2], $0x500  }
0x57: {  	s30 =	rddreg [dreg:$0x16]  }
0x58: {  	s31 =	rddreg [dreg:$0x15];
	s8 =	sadd.s32 $0x1, s30  }
0x59: {  	p0 =	sne.s32 s8, s31  }
.Ltmp1:
0x5a: {  	_ = 	snop;
	(pc) =	sbr.rel @!p0 .LBB2_31-.Ltmp1, $3  }
0x5b: {  	_ =	sdelay $0x1  }
0x5c: {  	[sflag:s2] =	ssyncset.done @p1 $0x0  }
0x5d: {  	[sflag:s2] =	ssyncadd.s32 @p1 $0xFFFFFB00  }
.LBB2_1:
0x5e: {  	[dreg:$0x16] =	wrdreg s8  }
0x5f: {  	s2 =	rddreg [dreg:$0xa];
	s4 =	simm.s32 $0x4E20  }
0x60: {  	[tilespmem:s4], [sflag:$0x10] =	stream.linear.gather [hbm4b:s2+s5], $0x2800, $0x38;
	[tilespmem:$0x1EAA0] =	vst v63  }
0x61: {  	_ =	swait.ge [sflag:s26], $0x2800  }
0x62: {  	[sflag:s26] =	ssyncset.done $0x0  }
0x63: {  	s9 =	simm.s32 $0x7620;
	s8 =	rddreg [dreg:$0xb];
	[sflag:s26] =	ssyncadd.s32 $0xFFFFD800  }
0x64: {  	[tilespmem:s9], [sflag:$0x10] =	stream.linear.gather [hbm4b:s8+s5], $0x2800, $0x38;
	[tilespmem:$0x1EAA0] =	vst v63  }
0x65: {  	_ =	swait.ge [sflag:s26], $0x2800  }
0x66: {  	[sflag:s26] =	ssyncset.done $0x0  }
0x67: {  	[sflag:s26] =	ssyncadd.s32 $0xFFFFD800  }
0x68: {  	v1 =	vld [tilespmem:$0x4E20]  }
0x69: {  	v2 =	vld [tilespmem:$0x4E30]  }
0x6a: {  	v3 =	vld [tilespmem:$0x4E40]  }
0x6b: {  	v4 =	vld [tilespmem:$0x4E50]  }
0x6c: {  	v5 =	vld [tilespmem:$0x4E60]  }
0x6d: {  	v57 =	vld [tilespmem:$0x4EA0];
	[tilespmem:$0x9E20] =	vst v1  }
0x6e: {  	v1 =	vld [tilespmem:$0x4E70];
	[tilespmem:$0x9E30] =	vst v2  }
0x6f: {  	v2 =	vld [tilespmem:$0x4E80];
	[tilespmem:$0x9E40] =	vst v3  }
0x70: {  	v3 =	vld [tilespmem:$0x4E90];
	[tilespmem:$0x9E50] =	vst v4  }
0x71: {  	v58 =	vld [tilespmem:$0x4EB0];
	[tilespmem:$0x9E60] =	vst v5  }
0x72: {  	v59 =	vld [tilespmem:$0x4EF0];
	[tilespmem:$0x9EA0] =	vst v57  }
0x73: {  	[tilespmem:$0x9E70] =	vst v1;
	v1 =	vld [tilespmem:$0x4EC0]  }
0x74: {  	[tilespmem:$0x9E80] =	vst v2;
	v2 =	vld [tilespmem:$0x4ED0]  }
0x75: {  	[tilespmem:$0x9E90] =	vst v3;
	v3 =	vld [tilespmem:$0x4EE0]  }
0x76: {  	v60 =	vld [tilespmem:$0x4F00];
	[tilespmem:$0x9EB0] =	vst v58  }
0x77: {  	v61 =	vld [tilespmem:$0x4F40];
	[tilespmem:$0x9EF0] =	vst v59  }
0x78: {  	[tilespmem:$0x9EC0] =	vst v1;
	v1 =	vld [tilespmem:$0x4F10]  }
0x79: {  	[tilespmem:$0x9ED0] =	vst v2;
	v2 =	vld [tilespmem:$0x4F20]  }
0x7a: {  	[tilespmem:$0x9EE0] =	vst v3;
	v3 =	vld [tilespmem:$0x4F30]  }
0x7b: {  	v62 =	vld [tilespmem:$0x4F50];
	[tilespmem:$0x9F00] =	vst v60  }
0x7c: {  	v63 =	vld [tilespmem:$0x4F90];
	[tilespmem:$0x9F40] =	vst v61  }
0x7d: {  	[tilespmem:$0x9F10] =	vst v1;
	v1 =	vld [tilespmem:$0x4F60]  }
0x7e: {  	[tilespmem:$0x9F20] =	vst v2;
	v2 =	vld [tilespmem:$0x4F70]  }
0x7f: {  	[tilespmem:$0x9F30] =	vst v3;
	v3 =	vld [tilespmem:$0x4F80]  }
0x80: {  	[tilespmem:$0x9F50] =	vst v62  }
0x81: {  	[tilespmem:$0x9F90] =	vst v63  }
0x82: {  	[tilespmem:$0x9F60] =	vst v1  }
0x83: {  	[tilespmem:$0x9F70] =	vst v2  }
0x84: {  	s11 =	simm.s32 $0x9E20;
	s12 =	simm.s32 $0xA5A0;
	[tilespmem:$0x9F80] =	vst v3  }
0x85: {  	[tilespmem:s12], [sflag:$0x1] =	stream.indirect.gather [hbm4b:s14+s29], $0x40, s11, s29, $0xb8;
	[tilespmem:$0x1EAA0] =	vst v63  }
0x86: {  	s13 =	simm.s32 $0x9EA0;
	s15 =	simm.s32 $0xC5A0  }
0x87: {  	[tilespmem:s15], [sflag:$0x2] =	stream.indirect.gather [hbm4b:s14+s29], $0x40, s13, s29, $0xb8;
	[tilespmem:$0x1EAA0] =	vst v63  }
0x88: {  	s16 =	simm.s32 $0x9F20;
	s18 =	simm.s32 $0xE5A0  }
0x89: {  	[tilespmem:s18], [sflag:$0x3] =	stream.indirect.gather [hbm4b:s14+s29], $0x40, s16, s29, $0xb8;
	[tilespmem:$0x1EAA0] =	vst v63  }
0x8a: {  	s30 =	rddreg [dreg:$0x5]  }
0x8b: {  	[tilespmem:s5], [sflag:$0x10] =	stream.linear.gather [hbm4b:s30+s5], $0x2710, $0x38;
	[tilespmem:$0x1EAA0] =	vst v63  }
0x8c: {  	_ =	swait.ge [sflag:s26], $0x2710  }
0x8d: {  	[sflag:s26] =	ssyncset.done $0x0  }
0x8e: {  	s31 =	rddreg [dreg:$0x6];
	[sflag:s26] =	ssyncadd.s32 $0xFFFFD8F0  }
0x8f: {  	[tilespmem:s10], [sflag:$0x10] =	stream.linear.gather [hbm4b:s31+s5], $0x2710, $0x38;
	[tilespmem:$0x1EAA0] =	vst v63  }
0x90: {  	_ =	swait.ge [sflag:s26], $0x2710  }
0x91: {  	[sflag:s26] =	ssyncset.done $0x0  }
0x92: {  	s4 =	simm.s32 $0x100;
	s2 =	simm.s32 $0x0;
	[sflag:s26] =	ssyncadd.s32 $0xFFFFD8F0  }
.LBB2_2:
0x93: {  	p0 =	sne.s32 s4, $0x7F00;
	[tilespmem:s2+$0x105D0] =	vst v0;
	s8 =	smov.u32 s4;
	s4 =	sadd.s32 $0x100, s4  }
.Ltmp2:
0x94: {  	[tilespmem:s2+$0x105C0] =	vst v0;
	(pc) =	sbr.rel @p0 .LBB2_2-.Ltmp2, $3  }
0x95: {  	[tilespmem:s2+$0x105A0] =	vst v0  }
0x96: {  	[tilespmem:s2+$0x105B0] =	vst v0;
	_ =	sdelay $0x1  }
0x97: {  	s2 =	sshra.s32 s8, $0x2  }
0x98: {  	[tilespmem:s2+$0x105D0] =	vst v0  }
0x99: {  	[tilespmem:s2+$0x105C0] =	vst v0  }
0x9a: {  	[tilespmem:s2+$0x105A0] =	vst v0  }
0x9b: {  	[tilespmem:s2+$0x105B0] =	vst v0  }
0x9c: {  	[tilespmem:$0x145A0] =	vst v0  }
0x9d: {  	[tilespmem:$0x145B0] =	vst v0  }
0x9e: {  	[tilespmem:$0x145C0] =	vst v0  }
0x9f: {  	[tilespmem:$0x145D0] =	vst v0  }
0xa0: {  	[tilespmem:$0x145E0] =	vst v0  }
0xa1: {  	[tilespmem:$0x145F0] =	vst v0  }
0xa2: {  	[tilespmem:$0x14600] =	vst v0  }
0xa3: {  	[tilespmem:$0x14610] =	vst v0  }
0xa4: {  	[tilespmem:$0x14620] =	vst v0  }
0xa5: {  	[tilespmem:$0x14630] =	vst v0  }
0xa6: {  	[tilespmem:$0x14640] =	vst v0  }
0xa7: {  	[tilespmem:$0x14650] =	vst v0  }
0xa8: {  	[tilespmem:$0x14660] =	vst v0  }
0xa9: {  	[tilespmem:$0x14670] =	vst v0  }
0xaa: {  	[tilespmem:$0x14680] =	vst v0  }
0xab: {  	[tilespmem:$0x14690] =	vst v0  }
0xac: {  	[tilespmem:$0x146A0] =	vst v0  }
0xad: {  	[tilespmem:$0x146B0] =	vst v0  }
0xae: {  	[tilespmem:$0x146C0] =	vst v0  }
0xaf: {  	[tilespmem:$0x146D0] =	vst v0  }
0xb0: {  	[tilespmem:$0x146E0] =	vst v0  }
0xb1: {  	[tilespmem:$0x146F0] =	vst v0  }
0xb2: {  	[tilespmem:$0x14700] =	vst v0  }
0xb3: {  	[tilespmem:$0x14710] =	vst v0  }
0xb4: {  	[tilespmem:$0x14720] =	vst v0  }
0xb5: {  	[tilespmem:$0x14730] =	vst v0  }
0xb6: {  	[tilespmem:$0x14740] =	vst v0  }
0xb7: {  	[tilespmem:$0x14750] =	vst v0  }
0xb8: {  	[tilespmem:$0x14760] =	vst v0  }
0xb9: {  	[tilespmem:$0x14770] =	vst v0  }
0xba: {  	[tilespmem:$0x14780] =	vst v0  }
0xbb: {  	[tilespmem:$0x14790] =	vst v0  }
0xbc: {  	[tilespmem:$0x147A0] =	vst v0  }
0xbd: {  	[tilespmem:$0x147B0] =	vst v0  }
0xbe: {  	[tilespmem:$0x147C0] =	vst v0  }
0xbf: {  	[tilespmem:$0x147D0] =	vst v0  }
0xc0: {  	[tilespmem:$0x147E0] =	vst v0  }
0xc1: {  	[tilespmem:$0x147F0] =	vst v0  }
0xc2: {  	[tilespmem:$0x14800] =	vst v0  }
0xc3: {  	s13 =	rddreg [dreg:$0xc];
	[tilespmem:$0x14810] =	vst v0  }
0xc4: {  	[spmem:s13] =	stream.linear.scatter [tilespmem:s17], [sflag:$0x10], $0x2000, $0x38;
	[tilespmem:$0x1EAA0] =	vst v63  }
0xc5: {  	_ =	swait.ge [sflag:s26], $0x2000  }
0xc6: {  	[sflag:s26] =	ssyncset.done $0x0  }
0xc7: {  	s15 =	rddreg [dreg:$0xd];
	[sflag:s26] =	ssyncadd.s32 $0xFFFFE000  }
0xc8: {  	[spmem:s15] =	stream.linear.scatter [tilespmem:s17], [sflag:$0x10], $0x2000, $0x38;
	[tilespmem:$0x1EAA0] =	vst v63  }
0xc9: {  	_ =	swait.ge [sflag:s26], $0x2000  }
0xca: {  	[sflag:s26] =	ssyncset.done $0x0  }
0xcb: {  	s16 =	rddreg [dreg:$0xe];
	[sflag:s26] =	ssyncadd.s32 $0xFFFFE000  }
0xcc: {  	[spmem:s16] =	stream.linear.scatter [tilespmem:s17], [sflag:$0x10], $0x2000, $0x38;
	[tilespmem:$0x1EAA0] =	vst v63  }
0xcd: {  	_ =	swait.ge [sflag:s26], $0x2000  }
0xce: {  	[sflag:s26] =	ssyncset.done $0x0  }
0xcf: {  	s18 =	rddreg [dreg:$0xf];
	[sflag:s26] =	ssyncadd.s32 $0xFFFFE000  }
0xd0: {  	[spmem:s18] =	stream.linear.scatter [tilespmem:s17], [sflag:$0x10], $0x2000, $0x38;
	[tilespmem:$0x1EAA0] =	vst v63  }
0xd1: {  	_ =	swait.ge [sflag:s26], $0x2000  }
0xd2: {  	[sflag:s26] =	ssyncset.done $0x0  }
0xd3: {  	s30 =	rddreg [dreg:$0x10];
	[sflag:s26] =	ssyncadd.s32 $0xFFFFE000  }
0xd4: {  	[spmem:s30] =	stream.linear.scatter [tilespmem:s17], [sflag:$0x10], $0x2000, $0x38;
	[tilespmem:$0x1EAA0] =	vst v63  }
0xd5: {  	_ =	swait.ge [sflag:s26], $0x2000  }
0xd6: {  	[sflag:s26] =	ssyncset.done $0x0  }
0xd7: {  	s4 =	simm.s32 $0x145A0;
	s31 =	rddreg [dreg:$0x11];
	[sflag:s26] =	ssyncadd.s32 $0xFFFFE000  }
0xd8: {  	[spmem:s31] =	stream.linear.scatter [tilespmem:s4], [sflag:$0x10], $0x280, $0x38;
	[tilespmem:$0x1EAA0] =	vst v63  }
0xd9: {  	_ =	swait.ge [sflag:s26], $0x280  }
0xda: {  	[sflag:s26] =	ssyncset.done $0x0  }
0xdb: {  	[sflag:s26] =	ssyncadd.s32 $0xFFFFFD80  }
0xdc: {  	s4 =	simm.s32 $0x0;
	[bflag:$0x0] =	sbarrier.arrive $0xFFFF  }
.LBB2_4:
0xdd: {  	p0 =	sne.s32 s4, $0x10  }
.Ltmp3:
0xde: {  	_ = 	snop;
	(pc) =	sbr.rel @p0 .LBB2_7-.Ltmp3, $1  }
0xdf: {  	_ =	sdelay $0x3  }
0xe0: {  	s2 =	simm.s32 $0x6  }
0xe1: {  	_ =	swait.ge [sflag:s2], $0x2000  }
0xe2: {  	[sflag:s2] =	ssyncset.done $0x0  }
0xe3: {  	s16 =	simm.s32 $0x7;
	[sflag:s2] =	ssyncadd.s32 $0xFFFFE000  }
0xe4: {  	_ =	swait.ge [sflag:s16], $0x2000  }
0xe5: {  	[sflag:s16] =	ssyncset.done $0x0  }
0xe6: {  	s18 =	simm.s32 $0x8;
	[sflag:s16] =	ssyncadd.s32 $0xFFFFE000  }
0xe7: {  	_ =	swait.ge [sflag:s18], $0x2000  }
0xe8: {  	s8 =	simm.s32 $0x0;
	[sflag:s18] =	ssyncset.done $0x0  }
0xe9: {  	s9 =	simm.s32 $0x4E20;
	s31 =	rddreg [dreg:$0x12];
	[sflag:s18] =	ssyncadd.s32 $0xFFFFE000  }
0xea: {  	[tilespmem:s9], [sflag:$0x10] =	stream.linear.gather [hbm4b:s31+s8], $0x2800, $0x38;
	[tilespmem:$0x1EAA0] =	vst v63  }
0xeb: {  	_ =	swait.ge [sflag:s26], $0x2800  }
0xec: {  	[sflag:s26] =	ssyncset.done $0x0  }
0xed: {  	s11 =	simm.s32 $0x7620;
	s9 =	rddreg [dreg:$0x13];
	[sflag:s26] =	ssyncadd.s32 $0xFFFFD800  }
0xee: {  	[tilespmem:s11], [sflag:$0x10] =	stream.linear.gather [hbm4b:s9+s8], $0x2800, $0x38;
	[tilespmem:$0x1EAA0] =	vst v63  }
0xef: {  	_ =	swait.ge [sflag:s26], $0x2800  }
0xf0: {  	[sflag:s26] =	ssyncset.done $0x0  }
0xf1: {  	[sflag:s26] =	ssyncadd.s32 $0xFFFFD800  }
0xf2: {  	v1 =	vld [tilespmem:$0x4E20]  }
0xf3: {  	v2 =	vld [tilespmem:$0x4E30]  }
0xf4: {  	v3 =	vld [tilespmem:$0x4E40]  }
0xf5: {  	v4 =	vld [tilespmem:$0x4E50]  }
0xf6: {  	v5 =	vld [tilespmem:$0x4E60]  }
0xf7: {  	v57 =	vld [tilespmem:$0x4EA0];
	[tilespmem:$0x9E20] =	vst v1  }
0xf8: {  	v1 =	vld [tilespmem:$0x4E70];
	[tilespmem:$0x9E30] =	vst v2  }
0xf9: {  	v2 =	vld [tilespmem:$0x4E80];
	[tilespmem:$0x9E40] =	vst v3  }
0xfa: {  	v3 =	vld [tilespmem:$0x4E90];
	[tilespmem:$0x9E50] =	vst v4  }
0xfb: {  	v58 =	vld [tilespmem:$0x4EB0];
	[tilespmem:$0x9E60] =	vst v5  }
0xfc: {  	v59 =	vld [tilespmem:$0x4EF0];
	[tilespmem:$0x9EA0] =	vst v57  }
0xfd: {  	[tilespmem:$0x9E70] =	vst v1;
	v1 =	vld [tilespmem:$0x4EC0]  }
0xfe: {  	[tilespmem:$0x9E80] =	vst v2;
	v2 =	vld [tilespmem:$0x4ED0]  }
0xff: {  	[tilespmem:$0x9E90] =	vst v3;
	v3 =	vld [tilespmem:$0x4EE0]  }
0x100: {  	v60 =	vld [tilespmem:$0x4F00];
	[tilespmem:$0x9EB0] =	vst v58  }
0x101: {  	v61 =	vld [tilespmem:$0x4F40];
	[tilespmem:$0x9EF0] =	vst v59  }
0x102: {  	[tilespmem:$0x9EC0] =	vst v1;
	v1 =	vld [tilespmem:$0x4F10]  }
0x103: {  	[tilespmem:$0x9ED0] =	vst v2;
	v2 =	vld [tilespmem:$0x4F20]  }
0x104: {  	[tilespmem:$0x9EE0] =	vst v3;
	v3 =	vld [tilespmem:$0x4F30]  }
0x105: {  	v62 =	vld [tilespmem:$0x4F50];
	[tilespmem:$0x9F00] =	vst v60  }
0x106: {  	v63 =	vld [tilespmem:$0x4F90];
	[tilespmem:$0x9F40] =	vst v61  }
0x107: {  	[tilespmem:$0x9F10] =	vst v1;
	v1 =	vld [tilespmem:$0x4F60]  }
0x108: {  	[tilespmem:$0x9F20] =	vst v2;
	v2 =	vld [tilespmem:$0x4F70]  }
0x109: {  	[tilespmem:$0x9F30] =	vst v3;
	v3 =	vld [tilespmem:$0x4F80]  }
0x10a: {  	[tilespmem:$0x9F50] =	vst v62  }
0x10b: {  	[tilespmem:$0x9F90] =	vst v63  }
0x10c: {  	[tilespmem:$0x9F60] =	vst v1  }
0x10d: {  	[tilespmem:$0x9F70] =	vst v2  }
0x10e: {  	s12 =	simm.s32 $0x9E20;
	s13 =	simm.s32 $0xA5A0;
	[tilespmem:$0x9F80] =	vst v3  }
0x10f: {  	[tilespmem:s13], [sflag:$0x1] =	stream.indirect.gather [hbm4b:s14+s29], $0x40, s12, s29, $0xb8;
	[tilespmem:$0x1EAA0] =	vst v63  }
.Ltmp4:
0x110: {  	_ = 	snop;
	(pc) =	sbr.rel .LBB2_6-.Ltmp4, $4  }
0x111: {  	s15 =	simm.s32 $0x9EA0;
	s30 =	simm.s32 $0x50;
	s16 =	simm.s32 $0xC5A0  }
0x112: {  	[tilespmem:s16], [sflag:$0x2] =	stream.indirect.gather [hbm4b:s14+s29], $0x40, s15, s29, $0xb8;
	[tilespmem:$0x1EAA0] =	vst v63  }
0x113: {  	p4 =	por $0x1, $0x1;
	s18 =	simm.s32 $0x9F20;
	s31 =	simm.s32 $0xE5A0  }
0x114: {  	[tilespmem:s31], [sflag:$0x3] =	stream.indirect.gather [hbm4b:s14+s29], $0x40, s18, s29, $0xb8;
	[tilespmem:$0x1EAA0] =	vst v63  }
.LBB2_7:
0x115: {  	p0 =	seq.s32 s4, $0x0  }
.Ltmp5:
0x116: {  	_ = 	snop;
	(pc) =	sbr.rel @p0 .LBB2_8-.Ltmp5, $3  }
0x117: {  	s30 =	smul.u32 $0x5, s4;
	_ =	sdelay $0x1  }
0x118: {  	p4 =	sgt.u32 s4, $0xF;
	s2 =	sadd.s32 $0xFFFFFFB0, s30;
	s8 =	smov.u32 s30  }
0x119: {  	s8 =	smov.u32 @p4 s2  }
.LBB2_6:
0x11a: {  	s2 =	simm.s32 $0x9  }
0x11b: {  	_ =	swait.ge [sflag:s2], $0x2000  }
0x11c: {  	[sflag:s2] =	ssyncset.done $0x0  }
0x11d: {  	p6 =	por $0x1, $0x1;
	[sflag:s2] =	ssyncadd.s32 $0xFFFFE000  }
.LBB2_9:
0x11e: {  	s2 =	sshll.u32 s8, $0x7  }
0x11f: {  	v1 =	vld [tilespmem:s2+$0x4FA0];
	_ =	sdelay $0x4  }
0x120: {  	[tilespmem:$0x9FA0] =	vst v1  }
0x121: {  	v1 =	vld [tilespmem:s2+$0x4FB0];
	_ =	sdelay $0x4  }
0x122: {  	[tilespmem:$0x9FB0] =	vst v1  }
0x123: {  	v1 =	vld [tilespmem:s2+$0x4FC0];
	_ =	sdelay $0x4  }
0x124: {  	[tilespmem:$0x9FC0] =	vst v1  }
0x125: {  	v1 =	vld [tilespmem:s2+$0x4FD0];
	_ =	sdelay $0x4  }
0x126: {  	[tilespmem:$0x9FD0] =	vst v1  }
0x127: {  	v1 =	vld [tilespmem:s2+$0x4FE0];
	_ =	sdelay $0x4  }
0x128: {  	[tilespmem:$0x9FE0] =	vst v1  }
0x129: {  	v1 =	vld [tilespmem:s2+$0x4FF0];
	_ =	sdelay $0x4  }
0x12a: {  	[tilespmem:$0x9FF0] =	vst v1  }
0x12b: {  	v1 =	vld [tilespmem:s2+$0x5000];
	_ =	sdelay $0x4  }
0x12c: {  	[tilespmem:$0xA000] =	vst v1  }
0x12d: {  	v1 =	vld [tilespmem:s2+$0x5010];
	_ =	sdelay $0x1  }
0x12e: {  	s31 =	sadd.s32 $0x1, s4  }
0x12f: {  	s18 =	sand.u32 $0x1, s31  }
0x130: {  	p1 =	sne.s32 s6, s18  }
0x131: {  	s9 =	simm.s32 $0x9FA0;
	p0 =	por !p6, p1;
	[tilespmem:$0xA010] =	vst v1  }
0x132: {  	[tilespmem:s17], [sflag:$0x4] =	stream.indirect.gather [hbm4b:s14+s29], $0x40, s9, s29, $0xb8;
	[tilespmem:$0x1EAA0] =	vst v63  }
0x133: {  	s9 =	simm.s32 @!p0 $0xB  }
0x134: {  	s11 =	sshll.u32 s8, $0x9;
	_ =	swait.ge @!p0 [sflag:s9], $0x80  }
0x135: {  	s8 =	sshra.s32 s11, $0x2;
	[sflag:s9] =	ssyncset.done @!p0 $0x0  }
0x136: {  	s12 =	sadd.s32 $0x4E30, s8;
	[sflag:s9] =	ssyncadd.s32 @!p0 $0xFFFFFF80  }
0x137: {  	s8 =	sadd.s32 $0x7630, s8;
	v1 =	vld [tilespmem:s12+$0x0]  }
0x138: {  	v2 =	vld [tilespmem:s8+$0x0];
	_ =	sdelay $0x4  }
0x139: {  	v3 =	vld [tilespmem:s8+$0xFFFFFFF0]  }
0x13a: {  	v4 =	vld [tilespmem:s12+$0xFFFFFFF0]  }
0x13b: {  	v1 =	vld.idx.msk [tilespmem:v1+s5+$0x0], $0xffff  }
0x13c: {  	v2 =	vld.idx.msk [tilespmem:v2+s10+$0x0], $0xffff  }
0x13d: {  	s9 =	sadd.s32 $0x20, s12  }
0x13e: {  	v5 =	vld [tilespmem:s9+$0x0];
	s8 =	sadd.s32 $0x20, s8  }
0x13f: {  	v6 =	vld [tilespmem:s8+$0x0];
	_ =	sdelay $0x1  }
0x140: {  	v1 =	vadd.f32 v2, v1;
	v2 =	vld.idx.msk [tilespmem:v3+s10+$0x0], $0xffff  }
0x141: {  	v3 =	vld [tilespmem:s8+$0xFFFFFFF0]  }
0x142: {  	v4 =	vld.idx.msk [tilespmem:v4+s5+$0x0], $0xffff  }
0x143: {  	v7 =	vmul.f32 $2.000000030e-01, v1  }
0x144: {  	v8 =	vld [tilespmem:s9+$0xFFFFFFF0];
	vm0 =	vgt.f32 v1, $0.0e+00  }
0x145: {  	v5 =	vld.idx.msk [tilespmem:v5+s5+$0x0], $0xffff;
	v1 =	vsel vm0, v1, v7  }
0x146: {  	s15 =	sadd.s32 $0x20, s9;
	v6 =	vld.idx.msk [tilespmem:v6+s10+$0x0], $0xffff;
	v1 =	vmul.f32 $1.442695020e+00, v1  }
0x147: {  	s16 =	sadd.s32 $0x20, s8;
	v7 =	vld [tilespmem:s15+$0x0];
	v2 =	vadd.f32 v2, v4  }
0x148: {  	(erf) = vpow2.f32 v1;
	v1 =	vld [tilespmem:s16+$0x0]  }
0x149: {  	v10 =	vld.idx.msk [tilespmem:v3+s10+$0x0], $0xffff;
	v3 =	vmul.f32 $2.000000030e-01, v2  }
0x14a: {  	v9 =	vld [tilespmem:s16+$0xFFFFFFF0];
	vm14 =	vgt.f32 v2, $0.0e+00  }
0x14b: {  	v3 =	vsel vm14, v2, v3  }
0x14c: {  	s13 =	rddreg [dreg:$0x7];
	v4 =	vadd.f32 v6, v5;
	v5 =	vmul.f32 $1.442695020e+00, v3  }
0x14d: {  	v8 =	vld.idx.msk [tilespmem:v8+s5+$0x0], $0xffff;
	s8 =	sadd.s32 s13, s30  }
0x14e: {  	s18 =	sshll.u32 s8, $0x7;
	v6 =	vmul.f32 $2.000000030e-01, v4;
	(erf) = vpow2.f32 v5  }
0x14f: {  	s17 =	sadd.s32 $0xFFFFFFE0, s18;
	vm15 =	vgt.f32 v4, $0.0e+00;
	v2 =	vld [tilespmem:s15+$0xFFFFFFF0]  }
0x150: {  	s12 =	simm.s32 $0x20;
	s9 =	simm.s32 $0x40;
	s11 =	sadd.s32 $0x30, s17;
	v3 =	vld.idx.msk [tilespmem:v7+s5+$0x0], $0xffff;
	v5 =	vsel vm15, v4, v6  }
0x151: {  	s13 =	simm.s32 $0x0;
	s17 =	sadd.s32 $0x20, s17;
	p2 =	slt.u32 s11, $0x4E200;
	v6 =	vmul.f32 $1.442695020e+00, v5;
	v4 =	vld.idx.msk [tilespmem:v1+s10+$0x0], $0xffff;
	v11 =	vpop (erf)  }
0x152: {  	s8 =	simm.s32 $0xA330;
	p0 =	slt.u32 s17, $0x4E200;
	s15 =	sadd.s32 $0x20, s15;
	v7 =	vadd.f32 v10, v8;
	v1 =	vld.idx.msk [tilespmem:v9+s10+$0x0], $0xffff;
	v5 =	vpsel !p2, $0x0, v11  }
.LBB2_10:
0x153: {  	v8 =	vld [tilespmem:s15+$0x0];
	s16 =	sadd.s32 $0x20, s16;
	(erf) = vpow2.f32 v6;
	[tilespmem:s8+$0x0] =	vst v5;
	s11 =	smov.u32 s9  }
0x154: {  	s9 =	sadd.s32 $0x20, s9;
	v5 =	vld [tilespmem:s16+$0x0];
	vm0 =	vgt.f32 v7, $0.0e+00;
	v6 =	vmul.f32 $2.000000030e-01, v7  }
0x155: {  	p2 =	slt.u32 s9, $0x60;
	v9 =	vld [tilespmem:s16+$0xFFFFFFF0]  }
0x156: {  	v10 =	vld [tilespmem:s15+$0xFFFFFFF0];
	v6 =	vsel vm0, v7, v6  }
0x157: {  	v7 =	vld.idx.msk [tilespmem:v2+s5+$0x0], $0xffff;
	v2 =	vadd.f32 v4, v3;
	v3 =	vmul.f32 $1.442695020e+00, v6;
	v4 =	vpop (erf)  }
0x158: {  	v4 =	vpsel !p0, $0x0, v4  }
.Ltmp6:
0x159: {  	v6 =	vmul.f32 $2.000000030e-01, v2;
	(erf) = vpow2.f32 v3;
	[tilespmem:s8+$0xFFFFFFF0] =	vst v4;
	(pc) =	sbr.rel @p2 .LBB2_10-.Ltmp6, $4  }
0x15a: {  	s17 =	sadd.s32 s13, s18;
	s13 =	smov.u32 s12;
	s12 =	smov.u32 s11;
	vm0 =	vgt.f32 v2, $0.0e+00  }
0x15b: {  	s11 =	sadd.s32 $0x20, s17;
	s17 =	sadd.s32 $0x30, s17;
	v3 =	vld.idx.msk [tilespmem:v8+s5+$0x0], $0xffff;
	v6 =	vsel vm0, v2, v6;
	v2 =	vmov v10  }
0x15c: {  	p3 =	slt.u32 s17, $0x4E200;
	p0 =	slt.u32 s11, $0x4E200;
	v4 =	vld.idx.msk [tilespmem:v5+s10+$0x0], $0xffff;
	v6 =	vmul.f32 $1.442695020e+00, v6;
	v5 =	vpop (erf)  }
0x15d: {  	s15 =	sadd.s32 $0x20, s15;
	s8 =	sadd.s32 $0x20, s8;
	v7 =	vadd.f32 v1, v7;
	v1 =	vld.idx.msk [tilespmem:v9+s10+$0x0], $0xffff;
	v5 =	vpsel !p3, $0x0, v5  }
0x15e: {  	_ =	sdelay $0x3  }
0x15f: {  	v2 =	vld.idx.msk [tilespmem:v2+s5+$0x0], $0xffff;
	_ =	sdelay $0x3  }
0x160: {  	v3 =	vadd.f32 v4, v3  }
0x161: {  	v4 =	vmul.f32 $2.000000030e-01, v7;
	v1 =	vadd.f32 v1, v2  }
0x162: {  	vm0 =	vgt.f32 v7, $0.0e+00;
	v2 =	vmul.f32 $2.000000030e-01, v3  }
0x163: {  	v4 =	vsel vm0, v7, v4;
	vm14 =	vgt.f32 v3, $0.0e+00;
	v7 =	vmul.f32 $2.000000030e-01, v1  }
0x164: {  	v4 =	vmul.f32 $1.442695020e+00, v4;
	v2 =	vsel vm14, v3, v2;
	vm15 =	vgt.f32 v1, $0.0e+00  }
0x165: {  	(erf) = vpow2.f32 v6;
	v2 =	vmul.f32 $1.442695020e+00, v2;
	v1 =	vsel vm15, v1, v7  }
0x166: {  	(erf) = vpow2.f32 v4;
	v1 =	vmul.f32 $1.442695020e+00, v1  }
0x167: {  	(erf) = vpow2.f32 v2  }
0x168: {  	(erf) = vpow2.f32 v1;
	_ =	sdelay $0x3  }
0x169: {  	s9 =	sadd.s32 s13, s18  }
0x16a: {  	s15 =	sadd.s32 s12, s18;
	s11 =	sadd.s32 $0x20, s9;
	s9 =	sadd.s32 $0x30, s9;
	v1 =	vpop (erf)  }
0x16b: {  	[tilespmem:s8+$0x0] =	vst v5;
	s16 =	sadd.s32 $0x20, s8;
	s17 =	simm.s32 $0x0;
	p3 =	slt.u32 s9, $0x4E200;
	v2 =	vpop (erf);
	v1 =	vpsel !p0, $0x0, v1  }
0x16c: {  	s12 =	sadd.s32 $0x20, s15;
	p2 =	slt.u32 s11, $0x4E200;
	s9 =	sadd.s32 $0x30, s15;
	[tilespmem:s8+$0xFFFFFFF0] =	vst v1;
	v1 =	vpsel !p3, $0x0, v2;
	v3 =	vpop (erf)  }
0x16d: {  	p5 =	slt.u32 s9, $0x4E200;
	p3 =	slt.u32 s12, $0x4E200;
	s12 =	simm.s32 $0x1;
	[tilespmem:s16+$0x0] =	vst v1;
	v2 =	vpsel !p2, $0x0, v3;
	v4 =	vpop (erf)  }
0x16e: {  	s11 =	sadd.s32 $0x20, s16;
	s9 =	simm.s32 $0x3;
	v5 =	vmov s12;
	[tilespmem:s16+$0xFFFFFFF0] =	vst v2;
	v1 =	vpsel !p5, $0x0, v4;
	v4 =	vmov s17;
	v3 =	vpop (erf)  }
0x16f: {  	s13 =	simm.s32 $0x2;
	v2 =	vand.u32 $0xFFFFFFFC, v4;
	v4 =	vmov s9;
	[tilespmem:s11+$0x0] =	vst v1;
	v3 =	vpsel !p3, $0x0, v3  }
0x170: {  	v1 =	vand.u32 $0xFFFFFFFD, v5;
	v5 =	vmov s13;
	[tilespmem:s11+$0xFFFFFFF0] =	vst v3  }
0x171: {  	v2 =	vbroadcast v2, $0x0;
	v3 =	vbroadcast v1, $0x0;
	v1 =	vand.u32 $0xFFFFFFFE, v5;
	_ =	swait.ge [sflag:s19], $0x2000  }
0x172: {  	v5 =	vbroadcast v1, $0x0;
	[sflag:s19] =	ssyncset.done $0x0  }
0x173: {  	[sflag:s19] =	ssyncadd.s32 $0xFFFFE000  }
0x174: {  	s8 =	simm.s32 $0xA620;
	v1 =	vld.idx.msk [tilespmem:v4+s20+$0x0], $0xffff  }
0x175: {  	v4 =	vld [tilespmem:s8+$0x30]  }
0x176: {  	v6 =	vld [tilespmem:s8+$0xFFFFFF90]  }
0x177: {  	v8 =	vld.idx.msk [tilespmem:v2+s20+$0x0], $0xffff  }
0x178: {  	v2 =	vld.idx.msk [tilespmem:v5+s20+$0x0], $0xffff  }
0x179: {  	v5 =	vld [tilespmem:s8+$0xFFFFFF80]  }
0x17a: {  	v7 =	vld [tilespmem:s8+$0xFFFFFFA0]  }
0x17b: {  	v9 =	vld [tilespmem:s8+$0xFFFFFFB0]  }
0x17c: {  	v10 =	vld [tilespmem:s8+$0xFFFFFFC0]  }
0x17d: {  	v3 =	vld.idx.msk [tilespmem:v3+s20+$0x0], $0xffff;
	v13 =	vmul.f32 v6, v8  }
0x17e: {  	v12 =	vmul.f32 v5, v8;
	v5 =	vld [tilespmem:s8+$0xFFFFFFD0]  }
0x17f: {  	s15 =	simm.s32 $0x4;
	v11 =	vmul.f32 v4, v2;
	v4 =	vld [tilespmem:s8+$0xFFFFFFE0];
	[tilespmem:s8+$0xFFFFFF90] =	vst v13  }
0x180: {  	s16 =	simm.s32 $0x7;
	v6 =	vmov s15;
	[tilespmem:s8+$0xFFFFFF80] =	vst v12;
	v12 =	vmul.f32 v7, v8;
	v7 =	vld [tilespmem:s8+$0xFFFFFFF0]  }
0x181: {  	s17 =	simm.s32 $0x5;
	v14 =	vand.u32 $0xFFFFFFFC, v6;
	v6 =	vmov s16;
	[tilespmem:s8+$0x30] =	vst v11;
	v11 =	vmul.f32 v9, v8;
	v9 =	vld [tilespmem:s8+$0x0]  }
0x182: {  	s12 =	simm.s32 $0xA620;
	s9 =	simm.s32 $0x6;
	s13 =	simm.s32 $0x8;
	v13 =	vmov s17;
	v8 =	vbroadcast v14, $0x0;
	[tilespmem:s8+$0xFFFFFFA0] =	vst v12;
	v12 =	vmul.f32 v10, v3;
	v10 =	vld [tilespmem:s8+$0x10]  }
.LBB2_12:
0x183: {  	p2 =	slt.u32 s13, $0x7C;
	v13 =	vand.u32 $0xFFFFFFFD, v13;
	v14 =	vmov s9;
	[tilespmem:s8+$0xFFFFFFB0] =	vst v11;
	v5 =	vmul.f32 v5, v3;
	v11 =	vld [tilespmem:s8+$0x20]  }
0x184: {  	v13 =	vbroadcast v13, $0x0;
	v14 =	vand.u32 $0xFFFFFFFE, v14;
	[tilespmem:s8+$0xFFFFFFC0] =	vst v12;
	v4 =	vmul.f32 v4, v3;
	v12 =	vld [tilespmem:s8+$0x40]  }
0x185: {  	v14 =	vbroadcast v14, $0x0;
	[tilespmem:s8+$0xFFFFFFD0] =	vst v5;
	v3 =	vmul.f32 v7, v3;
	v5 =	vld [tilespmem:s8+$0x50]  }
0x186: {  	[tilespmem:s8+$0xFFFFFFE0] =	vst v4;
	v4 =	vmul.f32 v9, v2;
	v7 =	vld [tilespmem:s8+$0x60]  }
0x187: {  	[tilespmem:s8+$0xFFFFFFF0] =	vst v3;
	v3 =	vmul.f32 v10, v2;
	v9 =	vld [tilespmem:s8+$0x70]  }
0x188: {  	v6 =	vld.idx.msk [tilespmem:v6+s20+$0x0], $0xffff;
	[tilespmem:s8+$0x0] =	vst v4;
	v2 =	vmul.f32 v11, v2  }
0x189: {  	v8 =	vld.idx.msk [tilespmem:v8+s20+$0x0], $0xffff;
	[tilespmem:s8+$0x10] =	vst v3;
	v4 =	vmul.f32 v12, v1  }
0x18a: {  	v3 =	vld.idx.msk [tilespmem:v13+s20+$0x0], $0xffff;
	[tilespmem:s8+$0x20] =	vst v2;
	v5 =	vmul.f32 v5, v1  }
0x18b: {  	s8 =	sadd.s32 $0x100, s8;
	v2 =	vld.idx.msk [tilespmem:v14+s20+$0x0], $0xffff;
	[tilespmem:s12+$0x40] =	vst v4;
	v4 =	vmul.f32 v7, v1  }
0x18c: {  	v7 =	vld [tilespmem:s8+$0x30];
	[tilespmem:s12+$0x50] =	vst v5;
	v9 =	vmul.f32 v9, v1  }
0x18d: {  	v5 =	vld [tilespmem:s8+$0xFFFFFF80];
	[tilespmem:s12+$0x60] =	vst v4  }
0x18e: {  	v1 =	vmov v6;
	v4 =	vld [tilespmem:s8+$0xFFFFFF90];
	[tilespmem:s12+$0x70] =	vst v9;
	s12 =	smov.u32 s8  }
0x18f: {  	v6 =	vld [tilespmem:s8+$0xFFFFFFA0]  }
0x190: {  	v9 =	vld [tilespmem:s8+$0xFFFFFFB0]  }
0x191: {  	v10 =	vld [tilespmem:s8+$0xFFFFFFC0];
	v7 =	vmul.f32 v7, v2  }
.Ltmp7:
0x192: {  	v11 =	vmul.f32 v5, v8;
	v5 =	vld [tilespmem:s8+$0xFFFFFFD0];
	(pc) =	sbr.rel @p2 .LBB2_12-.Ltmp7, $4  }
0x193: {  	v12 =	vmul.f32 v4, v8;
	v4 =	vld [tilespmem:s8+$0xFFFFFFE0];
	[tilespmem:s8+$0x30] =	vst v7  }
0x194: {  	s9 =	sadd.s32 $0x3, s13;
	v13 =	vmov s13;
	[tilespmem:s8+$0xFFFFFF80] =	vst v11;
	v14 =	vmul.f32 v6, v8;
	v7 =	vld [tilespmem:s8+$0xFFFFFFF0]  }
0x195: {  	s11 =	sadd.s32 $0x1, s13;
	v13 =	vand.u32 $0xFFFFFFFC, v13;
	v6 =	vmov s9;
	[tilespmem:s8+$0xFFFFFF90] =	vst v12;
	v11 =	vmul.f32 v9, v8;
	v9 =	vld [tilespmem:s8+$0x0]  }
0x196: {  	s9 =	sadd.s32 $0x2, s13;
	s13 =	sadd.s32 $0x4, s13;
	v8 =	vbroadcast v13, $0x0;
	v13 =	vmov s11;
	[tilespmem:s8+$0xFFFFFFA0] =	vst v14;
	v12 =	vmul.f32 v10, v3;
	v10 =	vld [tilespmem:s8+$0x10]  }
0x197: {  	v15 =	vld [tilespmem:s8+$0x20]  }
0x198: {  	v16 =	vld [tilespmem:s8+$0x40]  }
0x199: {  	v14 =	vmov s9;
	v17 =	vld [tilespmem:s8+$0x50]  }
0x19a: {  	v18 =	vld [tilespmem:s8+$0x60];
	v5 =	vmul.f32 v5, v3;
	v14 =	vand.u32 $0xFFFFFFFE, v14  }
0x19b: {  	[tilespmem:s8+$0xFFFFFFB0] =	vst v11;
	v53 =	vld [tilespmem:s8+$0x70];
	v4 =	vmul.f32 v4, v3;
	v14 =	vbroadcast v14, $0x0  }
0x19c: {  	v13 =	vand.u32 $0xFFFFFFFD, v13;
	v6 =	vld.idx.msk [tilespmem:v6+s20+$0x0], $0xffff;
	s11 =	sadd.s32 $0x100, s8;
	[tilespmem:s8+$0xFFFFFFD0] =	vst v5;
	v3 =	vmul.f32 v7, v3  }
0x19d: {  	v13 =	vbroadcast v13, $0x0;
	v54 =	vld [tilespmem:s11+$0xFFFFFF80];
	[tilespmem:s8+$0xFFFFFFE0] =	vst v4;
	v4 =	vmul.f32 v9, v2  }
0x19e: {  	v55 =	vld [tilespmem:s11+$0xFFFFFF90];
	[tilespmem:s8+$0xFFFFFFF0] =	vst v3;
	v3 =	vmul.f32 v10, v2  }
0x19f: {  	v5 =	vld.idx.msk [tilespmem:v8+s20+$0x0], $0xffff;
	[tilespmem:s8+$0x0] =	vst v4;
	v2 =	vmul.f32 v15, v2  }
0x1a0: {  	v4 =	vld [tilespmem:s11+$0x30];
	[tilespmem:s8+$0x10] =	vst v3;
	v3 =	vmul.f32 v16, v1  }
0x1a1: {  	[tilespmem:s8+$0x20] =	vst v2;
	v2 =	vmul.f32 v17, v1;
	v8 =	vld.idx.msk [tilespmem:v14+s20+$0x0], $0xffff  }
0x1a2: {  	v56 =	vld [tilespmem:s11+$0xFFFFFFA0];
	[tilespmem:s12+$0x40] =	vst v3;
	v3 =	vmul.f32 v18, v1  }
0x1a3: {  	v7 =	vld.idx.msk [tilespmem:v13+s20+$0x0], $0xffff;
	v1 =	vmul.f32 v53, v1;
	[tilespmem:s12+$0x50] =	vst v2  }
0x1a4: {  	v2 =	vld [tilespmem:s11+$0xFFFFFFB0];
	[tilespmem:s12+$0x60] =	vst v3  }
0x1a5: {  	v3 =	vld [tilespmem:s11+$0xFFFFFFC0];
	[tilespmem:s12+$0x70] =	vst v1;
	v1 =	vmul.f32 v54, v5  }
0x1a6: {  	[tilespmem:s8+$0xFFFFFFC0] =	vst v12;
	v57 =	vld [tilespmem:s11+$0xFFFFFFD0];
	v4 =	vmul.f32 v4, v8  }
0x1a7: {  	v58 =	vld [tilespmem:s11+$0xFFFFFFE0];
	v10 =	vmul.f32 v55, v5;
	[tilespmem:s11+$0xFFFFFF80] =	vst v1  }
0x1a8: {  	v1 =	vmul.f32 v56, v5;
	[tilespmem:s11+$0x30] =	vst v4;
	v4 =	vld [tilespmem:s11+$0xFFFFFFF0]  }
0x1a9: {  	[tilespmem:s11+$0xFFFFFF90] =	vst v10;
	v2 =	vmul.f32 v2, v5;
	v5 =	vld [tilespmem:s11+$0x0]  }
0x1aa: {  	[tilespmem:s11+$0xFFFFFFA0] =	vst v1;
	v1 =	vmul.f32 v3, v7;
	v3 =	vld [tilespmem:s11+$0x10]  }
0x1ab: {  	v59 =	vld [tilespmem:s11+$0x20];
	[tilespmem:s11+$0xFFFFFFB0] =	vst v2;
	v2 =	vmul.f32 v57, v7  }
0x1ac: {  	v60 =	vld [tilespmem:s11+$0x40];
	[tilespmem:s11+$0xFFFFFFC0] =	vst v1;
	v1 =	vmul.f32 v58, v7  }
0x1ad: {  	[tilespmem:s11+$0xFFFFFFD0] =	vst v2;
	v2 =	vmul.f32 v4, v7;
	v4 =	vld [tilespmem:s11+$0x50]  }
0x1ae: {  	[tilespmem:s11+$0xFFFFFFE0] =	vst v1;
	v1 =	vmul.f32 v5, v8;
	v5 =	vld [tilespmem:s11+$0x60]  }
0x1af: {  	[tilespmem:s11+$0xFFFFFFF0] =	vst v2;
	v2 =	vmul.f32 v3, v8;
	v3 =	vld [tilespmem:s11+$0x70]  }
0x1b0: {  	[tilespmem:s11+$0x0] =	vst v1;
	v1 =	vmul.f32 v59, v8  }
0x1b1: {  	[tilespmem:s11+$0x10] =	vst v2;
	v2 =	vmul.f32 v60, v6  }
0x1b2: {  	[tilespmem:s11+$0x20] =	vst v1;
	v1 =	vmul.f32 v4, v6  }
0x1b3: {  	[tilespmem:s11+$0x40] =	vst v2;
	v2 =	vmul.f32 v5, v6  }
0x1b4: {  	[tilespmem:s11+$0x50] =	vst v1;
	v1 =	vmul.f32 v3, v6  }
0x1b5: {  	[tilespmem:s11+$0x60] =	vst v2  }
0x1b6: {  	[tilespmem:s11+$0x70] =	vst v1  }
0x1b7: {  	v1 =	vld [tilespmem:s2+$0x7620];
	_ =	sdelay $0x4  }
0x1b8: {  	[tilespmem:$0xA0A0] =	vst v1  }
0x1b9: {  	v1 =	vld [tilespmem:s2+$0x7630];
	_ =	sdelay $0x4  }
0x1ba: {  	[tilespmem:$0xA0B0] =	vst v1  }
0x1bb: {  	v1 =	vld [tilespmem:s2+$0x7640];
	_ =	sdelay $0x4  }
0x1bc: {  	[tilespmem:$0xA0C0] =	vst v1  }
0x1bd: {  	v1 =	vld [tilespmem:s2+$0x7650];
	_ =	sdelay $0x4  }
0x1be: {  	[tilespmem:$0xA0D0] =	vst v1  }
0x1bf: {  	v1 =	vld [tilespmem:s2+$0x7660];
	_ =	sdelay $0x4  }
0x1c0: {  	[tilespmem:$0xA0E0] =	vst v1  }
0x1c1: {  	v1 =	vld [tilespmem:s2+$0x7670];
	_ =	sdelay $0x4  }
0x1c2: {  	[tilespmem:$0xA0F0] =	vst v1  }
0x1c3: {  	v1 =	vld [tilespmem:s2+$0x7680];
	_ =	sdelay $0x4  }
0x1c4: {  	[tilespmem:$0xA100] =	vst v1  }
0x1c5: {  	v1 =	vld [tilespmem:s2+$0x7690];
	_ =	sdelay $0x3  }
0x1c6: {  	s16 =	sand.u32 $0x1, s4  }
0x1c7: {  	s13 =	simm.s32 $0xA5A0;
	s15 =	simm.s32 $0xA0A0;
	p5 =	sne.s32 s6, s16;
	[tilespmem:$0xA110] =	vst v1  }
0x1c8: {  	[spmem:s1] =	stream.indirect.scatter.add.f32 [tilespmem:s13], [sflag:$0x6], $0x40, s15, s29, $0xb8;
	[tilespmem:$0x1EAA0] =	vst v63  }
0x1c9: {  	s9 =	simm.s32 @!p5 $0xA0A0;
	s11 =	simm.s32 @!p5 $0xA320;
	s2 =	simm.s32 @!p5 $0x80  }
0x1ca: {  	[spmem:s3] =	stream.indirect.scatter.add.f32 @!p5 [tilespmem:s11], [sflag:$0xB], $0x1, s9, s2, $0xb8;
	[tilespmem:$0x1EAA0] =	vst v63  }
0x1cb: {  	s11 =	simm.s32 @!p4 $0x0  }
0x1cc: {  	s11 =	simm.s32 @p4 $0x1  }
0x1cd: {  	s2 =	simm.s32 $0x1FFFFB1;
	s9 =	simm.s32 @p6 $0xA;
	[smem:$0x7F9] =	sst s11  }
0x1ce: {  	s2 =	simm.s32 @!p4 $0x1;
	_ =	swait.ge @p6 [sflag:s9], $0x2000  }
0x1cf: {  	s17 =	sadd.s32 s2, s30;
	[sflag:s9] =	ssyncset.done @p6 $0x0  }
0x1d0: {  	s2 =	sshll.u32 s17, $0x7;
	[sflag:s9] =	ssyncadd.s32 @p6 $0xFFFFE000  }
0x1d1: {  	v1 =	vld [tilespmem:s2+$0x4FA0];
	_ =	sdelay $0x4  }
0x1d2: {  	[tilespmem:$0xA020] =	vst v1  }
0x1d3: {  	v1 =	vld [tilespmem:s2+$0x4FB0];
	_ =	sdelay $0x4  }
0x1d4: {  	[tilespmem:$0xA030] =	vst v1  }
0x1d5: {  	v1 =	vld [tilespmem:s2+$0x4FC0];
	_ =	sdelay $0x4  }
0x1d6: {  	[tilespmem:$0xA040] =	vst v1  }
0x1d7: {  	v1 =	vld [tilespmem:s2+$0x4FD0];
	_ =	sdelay $0x4  }
0x1d8: {  	[tilespmem:$0xA050] =	vst v1  }
0x1d9: {  	v1 =	vld [tilespmem:s2+$0x4FE0];
	_ =	sdelay $0x4  }
0x1da: {  	[tilespmem:$0xA060] =	vst v1  }
0x1db: {  	v1 =	vld [tilespmem:s2+$0x4FF0];
	_ =	sdelay $0x4  }
0x1dc: {  	[tilespmem:$0xA070] =	vst v1  }
0x1dd: {  	v1 =	vld [tilespmem:s2+$0x5000];
	_ =	sdelay $0x4  }
0x1de: {  	[tilespmem:$0xA080] =	vst v1  }
0x1df: {  	v1 =	vld [tilespmem:s2+$0x5010];
	_ =	sdelay $0x1  }
0x1e0: {  	p0 =	seq.s32 s6, s16  }
0x1e1: {  	p0 =	por !p0, !p6  }
0x1e2: {  	p2 =	por !p0, !p0  }
0x1e3: {  	s8 =	simm.s32 @p2 $0xC;
	s12 =	simm.s32 $0xA020;
	s13 =	simm.s32 $0x125A0;
	[tilespmem:$0xA090] =	vst v1  }
0x1e4: {  	[tilespmem:s13], [sflag:$0x5] =	stream.indirect.gather [hbm4b:s14+s29], $0x40, s12, s29, $0xb8;
	[tilespmem:$0x1EAA0] =	vst v63  }
0x1e5: {  	s15 =	sshll.u32 s17, $0x9;
	_ =	swait.ge @p2 [sflag:s8], $0x80  }
0x1e6: {  	s9 =	sshra.s32 s15, $0x2;
	[sflag:s8] =	ssyncset.done @p2 $0x0  }
0x1e7: {  	s16 =	sadd.s32 $0x4E30, s9;
	[sflag:s8] =	ssyncadd.s32 @p2 $0xFFFFFF80  }
0x1e8: {  	s9 =	sadd.s32 $0x7630, s9;
	v1 =	vld [tilespmem:s16+$0x0]  }
0x1e9: {  	v2 =	vld [tilespmem:s9+$0x0];
	_ =	sdelay $0x4  }
0x1ea: {  	v3 =	vld [tilespmem:s9+$0xFFFFFFF0]  }
0x1eb: {  	v4 =	vld [tilespmem:s16+$0xFFFFFFF0]  }
0x1ec: {  	v1 =	vld.idx.msk [tilespmem:v1+s5+$0x0], $0xffff  }
0x1ed: {  	v2 =	vld.idx.msk [tilespmem:v2+s10+$0x0], $0xffff  }
0x1ee: {  	s8 =	sadd.s32 $0x20, s16  }
0x1ef: {  	v5 =	vld [tilespmem:s8+$0x0];
	s9 =	sadd.s32 $0x20, s9  }
0x1f0: {  	v6 =	vld [tilespmem:s9+$0x0];
	_ =	sdelay $0x1  }
0x1f1: {  	v1 =	vadd.f32 v2, v1;
	v2 =	vld.idx.msk [tilespmem:v3+s10+$0x0], $0xffff  }
0x1f2: {  	v3 =	vld [tilespmem:s9+$0xFFFFFFF0]  }
0x1f3: {  	v4 =	vld.idx.msk [tilespmem:v4+s5+$0x0], $0xffff  }
0x1f4: {  	v7 =	vmul.f32 $2.000000030e-01, v1  }
0x1f5: {  	v8 =	vld [tilespmem:s8+$0xFFFFFFF0];
	vm0 =	vgt.f32 v1, $0.0e+00  }
0x1f6: {  	v5 =	vld.idx.msk [tilespmem:v5+s5+$0x0], $0xffff;
	v1 =	vsel vm0, v1, v7  }
0x1f7: {  	s11 =	sadd.s32 $0x20, s8;
	v6 =	vld.idx.msk [tilespmem:v6+s10+$0x0], $0xffff;
	v1 =	vmul.f32 $1.442695020e+00, v1  }
0x1f8: {  	s16 =	sadd.s32 $0x20, s9;
	v7 =	vld [tilespmem:s11+$0x0];
	v2 =	vadd.f32 v2, v4  }
0x1f9: {  	(erf) = vpow2.f32 v1;
	v1 =	vld [tilespmem:s16+$0x0]  }
0x1fa: {  	v62 =	vld.idx.msk [tilespmem:v3+s10+$0x0], $0xffff;
	v3 =	vmul.f32 $2.000000030e-01, v2  }
0x1fb: {  	v61 =	vld [tilespmem:s16+$0xFFFFFFF0];
	vm14 =	vgt.f32 v2, $0.0e+00  }
0x1fc: {  	v3 =	vsel vm14, v2, v3  }
0x1fd: {  	v4 =	vadd.f32 v6, v5;
	v5 =	vmul.f32 $1.442695020e+00, v3  }
0x1fe: {  	v8 =	vld.idx.msk [tilespmem:v8+s5+$0x0], $0xffff  }
0x1ff: {  	s17 =	sadd.s32 $0xFFFFFFE0, s18;
	v6 =	vmul.f32 $2.000000030e-01, v4;
	(erf) = vpow2.f32 v5  }
0x200: {  	s15 =	sadd.s32 $0xB0, s17;
	vm15 =	vgt.f32 v4, $0.0e+00;
	v2 =	vld [tilespmem:s11+$0xFFFFFFF0]  }
0x201: {  	s17 =	sadd.s32 $0xA0, s17;
	p3 =	slt.u32 s15, $0x4E200;
	v3 =	vld.idx.msk [tilespmem:v7+s5+$0x0], $0xffff;
	v5 =	vsel vm15, v4, v6  }
0x202: {  	p0 =	slt.u32 s17, $0x4E200;
	s13 =	simm.s32 $0x0;
	s12 =	simm.s32 $0x20;
	v6 =	vmul.f32 $1.442695020e+00, v5;
	v4 =	vld.idx.msk [tilespmem:v1+s10+$0x0], $0xffff;
	v63 =	vpop (erf)  }
0x203: {  	s8 =	simm.s32 $0xA3B0;
	s15 =	sadd.s32 $0x20, s11;
	s9 =	simm.s32 $0x40;
	v7 =	vadd.f32 v62, v8;
	v1 =	vld.idx.msk [tilespmem:v61+s10+$0x0], $0xffff;
	v5 =	vpsel !p3, $0x0, v63  }
.LBB2_14:
0x204: {  	v8 =	vld [tilespmem:s15+$0x0];
	s16 =	sadd.s32 $0x20, s16;
	(erf) = vpow2.f32 v6;
	[tilespmem:s8+$0x0] =	vst v5;
	s11 =	smov.u32 s9  }
0x205: {  	s9 =	sadd.s32 $0x20, s9;
	v5 =	vld [tilespmem:s16+$0x0];
	vm0 =	vgt.f32 v7, $0.0e+00;
	v6 =	vmul.f32 $2.000000030e-01, v7  }
0x206: {  	p3 =	slt.u32 s9, $0x60;
	v9 =	vld [tilespmem:s16+$0xFFFFFFF0]  }
0x207: {  	v10 =	vld [tilespmem:s15+$0xFFFFFFF0];
	v6 =	vsel vm0, v7, v6  }
0x208: {  	v7 =	vld.idx.msk [tilespmem:v2+s5+$0x0], $0xffff;
	v2 =	vadd.f32 v4, v3;
	v3 =	vmul.f32 $1.442695020e+00, v6;
	v4 =	vpop (erf)  }
0x209: {  	v4 =	vpsel !p0, $0x0, v4  }
.Ltmp8:
0x20a: {  	v6 =	vmul.f32 $2.000000030e-01, v2;
	(erf) = vpow2.f32 v3;
	[tilespmem:s8+$0xFFFFFFF0] =	vst v4;
	(pc) =	sbr.rel @p3 .LBB2_14-.Ltmp8, $4  }
0x20b: {  	s17 =	sadd.s32 s13, s18;
	s13 =	smov.u32 s12;
	s12 =	smov.u32 s11;
	vm0 =	vgt.f32 v2, $0.0e+00  }
0x20c: {  	s11 =	sadd.s32 $0xA0, s17;
	s17 =	sadd.s32 $0xB0, s17;
	v3 =	vld.idx.msk [tilespmem:v8+s5+$0x0], $0xffff;
	v6 =	vsel vm0, v2, v6;
	v2 =	vmov v10  }
0x20d: {  	p4 =	slt.u32 s17, $0x4E200;
	p0 =	slt.u32 s11, $0x4E200;
	v4 =	vld.idx.msk [tilespmem:v5+s10+$0x0], $0xffff;
	v6 =	vmul.f32 $1.442695020e+00, v6;
	v5 =	vpop (erf)  }
0x20e: {  	s15 =	sadd.s32 $0x20, s15;
	s8 =	sadd.s32 $0x20, s8;
	v7 =	vadd.f32 v1, v7;
	v1 =	vld.idx.msk [tilespmem:v9+s10+$0x0], $0xffff;
	v5 =	vpsel !p4, $0x0, v5  }
0x20f: {  	_ =	sdelay $0x3  }
0x210: {  	v2 =	vld.idx.msk [tilespmem:v2+s5+$0x0], $0xffff;
	_ =	sdelay $0x3  }
0x211: {  	v3 =	vadd.f32 v4, v3  }
0x212: {  	v4 =	vmul.f32 $2.000000030e-01, v7;
	v1 =	vadd.f32 v1, v2  }
0x213: {  	vm0 =	vgt.f32 v7, $0.0e+00;
	v2 =	vmul.f32 $2.000000030e-01, v3  }
0x214: {  	v4 =	vsel vm0, v7, v4;
	vm14 =	vgt.f32 v3, $0.0e+00;
	v7 =	vmul.f32 $2.000000030e-01, v1  }
0x215: {  	v4 =	vmul.f32 $1.442695020e+00, v4;
	v2 =	vsel vm14, v3, v2;
	vm15 =	vgt.f32 v1, $0.0e+00  }
0x216: {  	(erf) = vpow2.f32 v6;
	v2 =	vmul.f32 $1.442695020e+00, v2;
	v1 =	vsel vm15, v1, v7  }
0x217: {  	(erf) = vpow2.f32 v4;
	v1 =	vmul.f32 $1.442695020e+00, v1  }
0x218: {  	(erf) = vpow2.f32 v2  }
0x219: {  	(erf) = vpow2.f32 v1;
	_ =	sdelay $0x3  }
0x21a: {  	s9 =	sadd.s32 s13, s18  }
0x21b: {  	s15 =	sadd.s32 s12, s18;
	s11 =	sadd.s32 $0xA0, s9;
	s9 =	sadd.s32 $0xB0, s9;
	v1 =	vpop (erf)  }
0x21c: {  	[tilespmem:s8+$0x0] =	vst v5;
	s16 =	sadd.s32 $0x20, s8;
	s17 =	simm.s32 $0x0;
	p4 =	slt.u32 s9, $0x4E200;
	v2 =	vpop (erf);
	v1 =	vpsel !p0, $0x0, v1  }
0x21d: {  	s12 =	sadd.s32 $0xA0, s15;
	p3 =	slt.u32 s11, $0x4E200;
	s9 =	sadd.s32 $0xB0, s15;
	[tilespmem:s8+$0xFFFFFFF0] =	vst v1;
	v1 =	vpsel !p4, $0x0, v2;
	v3 =	vpop (erf)  }
0x21e: {  	p0 =	slt.u32 s12, $0x4E200;
	s12 =	simm.s32 $0x1;
	p4 =	slt.u32 s9, $0x4E200;
	[tilespmem:s16+$0x0] =	vst v1;
	v2 =	vpsel !p3, $0x0, v3;
	v4 =	vpop (erf)  }
0x21f: {  	s11 =	sadd.s32 $0x20, s16;
	s9 =	simm.s32 $0x3;
	v5 =	vmov s12;
	[tilespmem:s16+$0xFFFFFFF0] =	vst v2;
	v1 =	vpsel !p4, $0x0, v4;
	v4 =	vmov s17;
	v3 =	vpop (erf)  }
0x220: {  	s13 =	simm.s32 $0x2;
	v2 =	vand.u32 $0xFFFFFFFC, v4;
	v4 =	vmov s9;
	[tilespmem:s11+$0x0] =	vst v1;
	v3 =	vpsel !p0, $0x0, v3  }
0x221: {  	v1 =	vand.u32 $0xFFFFFFFD, v5;
	v5 =	vmov s13;
	[tilespmem:s11+$0xFFFFFFF0] =	vst v3  }
0x222: {  	v2 =	vbroadcast v2, $0x0;
	v3 =	vbroadcast v1, $0x0;
	v1 =	vand.u32 $0xFFFFFFFE, v5;
	_ =	swait.ge [sflag:s25], $0x2000  }
0x223: {  	v5 =	vbroadcast v1, $0x0;
	[sflag:s25] =	ssyncset.done $0x0  }
0x224: {  	[sflag:s25] =	ssyncadd.s32 $0xFFFFE000  }
0x225: {  	s8 =	simm.s32 $0xC620;
	v1 =	vld.idx.msk [tilespmem:v4+s28+$0x0], $0xffff  }
0x226: {  	v4 =	vld [tilespmem:s8+$0x30]  }
0x227: {  	v6 =	vld [tilespmem:s8+$0xFFFFFF90]  }
0x228: {  	v8 =	vld.idx.msk [tilespmem:v2+s28+$0x0], $0xffff  }
0x229: {  	v2 =	vld.idx.msk [tilespmem:v5+s28+$0x0], $0xffff  }
0x22a: {  	v5 =	vld [tilespmem:s8+$0xFFFFFF80]  }
0x22b: {  	v7 =	vld [tilespmem:s8+$0xFFFFFFA0]  }
0x22c: {  	v9 =	vld [tilespmem:s8+$0xFFFFFFB0]  }
0x22d: {  	v10 =	vld [tilespmem:s8+$0xFFFFFFC0]  }
0x22e: {  	v3 =	vld.idx.msk [tilespmem:v3+s28+$0x0], $0xffff;
	v13 =	vmul.f32 v6, v8  }
0x22f: {  	v12 =	vmul.f32 v5, v8;
	v5 =	vld [tilespmem:s8+$0xFFFFFFD0]  }
0x230: {  	s15 =	simm.s32 $0x4;
	v11 =	vmul.f32 v4, v2;
	v4 =	vld [tilespmem:s8+$0xFFFFFFE0];
	[tilespmem:s8+$0xFFFFFF90] =	vst v13  }
0x231: {  	s16 =	simm.s32 $0x7;
	v6 =	vmov s15;
	[tilespmem:s8+$0xFFFFFF80] =	vst v12;
	v12 =	vmul.f32 v7, v8;
	v7 =	vld [tilespmem:s8+$0xFFFFFFF0]  }
0x232: {  	s17 =	simm.s32 $0x5;
	v14 =	vand.u32 $0xFFFFFFFC, v6;
	v6 =	vmov s16;
	[tilespmem:s8+$0x30] =	vst v11;
	v11 =	vmul.f32 v9, v8;
	v9 =	vld [tilespmem:s8+$0x0]  }
0x233: {  	s12 =	simm.s32 $0xC620;
	s9 =	simm.s32 $0x6;
	s13 =	simm.s32 $0x8;
	v13 =	vmov s17;
	v8 =	vbroadcast v14, $0x0;
	[tilespmem:s8+$0xFFFFFFA0] =	vst v12;
	v12 =	vmul.f32 v10, v3;
	v10 =	vld [tilespmem:s8+$0x10]  }
.LBB2_16:
0x234: {  	p3 =	slt.u32 s13, $0x7C;
	v13 =	vand.u32 $0xFFFFFFFD, v13;
	v14 =	vmov s9;
	[tilespmem:s8+$0xFFFFFFB0] =	vst v11;
	v5 =	vmul.f32 v5, v3;
	v11 =	vld [tilespmem:s8+$0x20]  }
0x235: {  	v13 =	vbroadcast v13, $0x0;
	v14 =	vand.u32 $0xFFFFFFFE, v14;
	[tilespmem:s8+$0xFFFFFFC0] =	vst v12;
	v4 =	vmul.f32 v4, v3;
	v12 =	vld [tilespmem:s8+$0x40]  }
0x236: {  	v14 =	vbroadcast v14, $0x0;
	[tilespmem:s8+$0xFFFFFFD0] =	vst v5;
	v3 =	vmul.f32 v7, v3;
	v5 =	vld [tilespmem:s8+$0x50]  }
0x237: {  	[tilespmem:s8+$0xFFFFFFE0] =	vst v4;
	v4 =	vmul.f32 v9, v2;
	v7 =	vld [tilespmem:s8+$0x60]  }
0x238: {  	[tilespmem:s8+$0xFFFFFFF0] =	vst v3;
	v3 =	vmul.f32 v10, v2;
	v9 =	vld [tilespmem:s8+$0x70]  }
0x239: {  	v6 =	vld.idx.msk [tilespmem:v6+s28+$0x0], $0xffff;
	[tilespmem:s8+$0x0] =	vst v4;
	v2 =	vmul.f32 v11, v2  }
0x23a: {  	v8 =	vld.idx.msk [tilespmem:v8+s28+$0x0], $0xffff;
	[tilespmem:s8+$0x10] =	vst v3;
	v4 =	vmul.f32 v12, v1  }
0x23b: {  	v3 =	vld.idx.msk [tilespmem:v13+s28+$0x0], $0xffff;
	[tilespmem:s8+$0x20] =	vst v2;
	v5 =	vmul.f32 v5, v1  }
0x23c: {  	s8 =	sadd.s32 $0x100, s8;
	v2 =	vld.idx.msk [tilespmem:v14+s28+$0x0], $0xffff;
	[tilespmem:s12+$0x40] =	vst v4;
	v4 =	vmul.f32 v7, v1  }
0x23d: {  	v7 =	vld [tilespmem:s8+$0x30];
	[tilespmem:s12+$0x50] =	vst v5;
	v9 =	vmul.f32 v9, v1  }
0x23e: {  	v5 =	vld [tilespmem:s8+$0xFFFFFF80];
	[tilespmem:s12+$0x60] =	vst v4  }
0x23f: {  	v1 =	vmov v6;
	v4 =	vld [tilespmem:s8+$0xFFFFFF90];
	[tilespmem:s12+$0x70] =	vst v9;
	s12 =	smov.u32 s8  }
0x240: {  	v6 =	vld [tilespmem:s8+$0xFFFFFFA0]  }
0x241: {  	v9 =	vld [tilespmem:s8+$0xFFFFFFB0]  }
0x242: {  	v10 =	vld [tilespmem:s8+$0xFFFFFFC0];
	v7 =	vmul.f32 v7, v2  }
.Ltmp9:
0x243: {  	v11 =	vmul.f32 v5, v8;
	v5 =	vld [tilespmem:s8+$0xFFFFFFD0];
	(pc) =	sbr.rel @p3 .LBB2_16-.Ltmp9, $4  }
0x244: {  	v12 =	vmul.f32 v4, v8;
	v4 =	vld [tilespmem:s8+$0xFFFFFFE0];
	[tilespmem:s8+$0x30] =	vst v7  }
0x245: {  	s9 =	sadd.s32 $0x3, s13;
	v13 =	vmov s13;
	[tilespmem:s8+$0xFFFFFF80] =	vst v11;
	v14 =	vmul.f32 v6, v8;
	v7 =	vld [tilespmem:s8+$0xFFFFFFF0]  }
0x246: {  	s11 =	sadd.s32 $0x1, s13;
	v13 =	vand.u32 $0xFFFFFFFC, v13;
	v6 =	vmov s9;
	[tilespmem:s8+$0xFFFFFF90] =	vst v12;
	v11 =	vmul.f32 v9, v8;
	v9 =	vld [tilespmem:s8+$0x0]  }
0x247: {  	s9 =	sadd.s32 $0x2, s13;
	s13 =	sadd.s32 $0x4, s13;
	v8 =	vbroadcast v13, $0x0;
	v13 =	vmov s11;
	[tilespmem:s8+$0xFFFFFFA0] =	vst v14;
	v12 =	vmul.f32 v10, v3;
	v10 =	vld [tilespmem:s8+$0x10]  }
0x248: {  	v15 =	vld [tilespmem:s8+$0x20]  }
0x249: {  	v16 =	vld [tilespmem:s8+$0x40]  }
0x24a: {  	v14 =	vmov s9;
	v17 =	vld [tilespmem:s8+$0x50]  }
0x24b: {  	v18 =	vld [tilespmem:s8+$0x60];
	v5 =	vmul.f32 v5, v3;
	v14 =	vand.u32 $0xFFFFFFFE, v14  }
0x24c: {  	[tilespmem:s8+$0xFFFFFFB0] =	vst v11;
	v53 =	vld [tilespmem:s8+$0x70];
	v4 =	vmul.f32 v4, v3;
	v14 =	vbroadcast v14, $0x0  }
0x24d: {  	v13 =	vand.u32 $0xFFFFFFFD, v13;
	v6 =	vld.idx.msk [tilespmem:v6+s28+$0x0], $0xffff;
	s15 =	sadd.s32 $0x100, s8;
	[tilespmem:s8+$0xFFFFFFD0] =	vst v5;
	v3 =	vmul.f32 v7, v3  }
0x24e: {  	v13 =	vbroadcast v13, $0x0;
	v54 =	vld [tilespmem:s15+$0xFFFFFF80];
	[tilespmem:s8+$0xFFFFFFE0] =	vst v4;
	v4 =	vmul.f32 v9, v2  }
0x24f: {  	v55 =	vld [tilespmem:s15+$0xFFFFFF90];
	[tilespmem:s8+$0xFFFFFFF0] =	vst v3;
	v3 =	vmul.f32 v10, v2  }
0x250: {  	v5 =	vld.idx.msk [tilespmem:v8+s28+$0x0], $0xffff;
	[tilespmem:s8+$0x0] =	vst v4;
	v2 =	vmul.f32 v15, v2  }
0x251: {  	v4 =	vld [tilespmem:s15+$0x30];
	[tilespmem:s8+$0x10] =	vst v3;
	v3 =	vmul.f32 v16, v1  }
0x252: {  	[tilespmem:s8+$0x20] =	vst v2;
	v2 =	vmul.f32 v17, v1;
	v8 =	vld.idx.msk [tilespmem:v14+s28+$0x0], $0xffff  }
0x253: {  	v56 =	vld [tilespmem:s15+$0xFFFFFFA0];
	[tilespmem:s12+$0x40] =	vst v3;
	v3 =	vmul.f32 v18, v1  }
0x254: {  	v7 =	vld.idx.msk [tilespmem:v13+s28+$0x0], $0xffff;
	v1 =	vmul.f32 v53, v1;
	[tilespmem:s12+$0x50] =	vst v2  }
0x255: {  	v2 =	vld [tilespmem:s15+$0xFFFFFFB0];
	[tilespmem:s12+$0x60] =	vst v3  }
0x256: {  	v3 =	vld [tilespmem:s15+$0xFFFFFFC0];
	[tilespmem:s12+$0x70] =	vst v1;
	v1 =	vmul.f32 v54, v5  }
0x257: {  	[tilespmem:s8+$0xFFFFFFC0] =	vst v12;
	v57 =	vld [tilespmem:s15+$0xFFFFFFD0];
	v4 =	vmul.f32 v4, v8  }
0x258: {  	v58 =	vld [tilespmem:s15+$0xFFFFFFE0];
	v10 =	vmul.f32 v55, v5;
	[tilespmem:s15+$0xFFFFFF80] =	vst v1  }
0x259: {  	v1 =	vmul.f32 v56, v5;
	[tilespmem:s15+$0x30] =	vst v4;
	v4 =	vld [tilespmem:s15+$0xFFFFFFF0]  }
0x25a: {  	[tilespmem:s15+$0xFFFFFF90] =	vst v10;
	v2 =	vmul.f32 v2, v5;
	v5 =	vld [tilespmem:s15+$0x0]  }
0x25b: {  	[tilespmem:s15+$0xFFFFFFA0] =	vst v1;
	v1 =	vmul.f32 v3, v7;
	v3 =	vld [tilespmem:s15+$0x10]  }
0x25c: {  	v59 =	vld [tilespmem:s15+$0x20];
	[tilespmem:s15+$0xFFFFFFB0] =	vst v2;
	v2 =	vmul.f32 v57, v7  }
0x25d: {  	v60 =	vld [tilespmem:s15+$0x40];
	[tilespmem:s15+$0xFFFFFFC0] =	vst v1;
	v1 =	vmul.f32 v58, v7  }
0x25e: {  	[tilespmem:s15+$0xFFFFFFD0] =	vst v2;
	v2 =	vmul.f32 v4, v7;
	v4 =	vld [tilespmem:s15+$0x50]  }
0x25f: {  	[tilespmem:s15+$0xFFFFFFE0] =	vst v1;
	v1 =	vmul.f32 v5, v8;
	v5 =	vld [tilespmem:s15+$0x60]  }
0x260: {  	[tilespmem:s15+$0xFFFFFFF0] =	vst v2;
	v2 =	vmul.f32 v3, v8;
	v3 =	vld [tilespmem:s15+$0x70]  }
0x261: {  	[tilespmem:s15+$0x0] =	vst v1;
	v1 =	vmul.f32 v59, v8  }
0x262: {  	[tilespmem:s15+$0x10] =	vst v2;
	v2 =	vmul.f32 v60, v6  }
0x263: {  	[tilespmem:s15+$0x20] =	vst v1;
	v1 =	vmul.f32 v4, v6  }
0x264: {  	[tilespmem:s15+$0x40] =	vst v2;
	v2 =	vmul.f32 v5, v6  }
0x265: {  	[tilespmem:s15+$0x50] =	vst v1;
	v1 =	vmul.f32 v3, v6  }
0x266: {  	[tilespmem:s15+$0x60] =	vst v2  }
0x267: {  	[tilespmem:s15+$0x70] =	vst v1  }
0x268: {  	v1 =	vld [tilespmem:s2+$0x7620];
	_ =	sdelay $0x4  }
0x269: {  	[tilespmem:$0xA120] =	vst v1  }
0x26a: {  	v1 =	vld [tilespmem:s2+$0x7630];
	_ =	sdelay $0x4  }
0x26b: {  	[tilespmem:$0xA130] =	vst v1  }
0x26c: {  	v1 =	vld [tilespmem:s2+$0x7640];
	_ =	sdelay $0x4  }
0x26d: {  	[tilespmem:$0xA140] =	vst v1  }
0x26e: {  	v1 =	vld [tilespmem:s2+$0x7650];
	_ =	sdelay $0x4  }
0x26f: {  	[tilespmem:$0xA150] =	vst v1  }
0x270: {  	v1 =	vld [tilespmem:s2+$0x7660];
	_ =	sdelay $0x4  }
0x271: {  	[tilespmem:$0xA160] =	vst v1  }
0x272: {  	v1 =	vld [tilespmem:s2+$0x7670];
	_ =	sdelay $0x4  }
0x273: {  	[tilespmem:$0xA170] =	vst v1  }
0x274: {  	v1 =	vld [tilespmem:s2+$0x7680];
	_ =	sdelay $0x4  }
0x275: {  	[tilespmem:$0xA180] =	vst v1  }
0x276: {  	v1 =	vld [tilespmem:s2+$0x7690];
	_ =	sdelay $0x4  }
0x277: {  	s16 =	simm.s32 $0xC5A0;
	s17 =	simm.s32 $0xA120;
	s9 =	simm.s32 @!p1 $0xA3A0;
	[tilespmem:$0xA190] =	vst v1  }
0x278: {  	[spmem:s1] =	stream.indirect.scatter.add.f32 [tilespmem:s16], [sflag:$0x7], $0x40, s17, s29, $0xb8;
	[tilespmem:$0x1EAA0] =	vst v63  }
0x279: {  	s8 =	simm.s32 @!p1 $0xA120;
	s11 =	sld [smem:$0x7F9];
	s2 =	simm.s32 @!p1 $0x80  }
0x27a: {  	[spmem:s3] =	stream.indirect.scatter.add.f32 @!p1 [tilespmem:s9], [sflag:$0xC], $0x1, s8, s2, $0xb8;
	[tilespmem:$0x1EAA0] =	vst v63  }
0x27b: {  	s9 =	sand.u32 $0xF, s4  }
0x27c: {  	p0 =	seq.s32 s11, $0x1;
	s8 =	simm.s32 $0xFFFFFFB2;
	p1 =	seq.s32 s9, $0xF  }
0x27d: {  	s8 =	simm.s32 @!p0 $0x2;
	s2 =	simm.s32 @!p1 $0x6  }
0x27e: {  	s8 =	sadd.s32 s8, s30;
	_ =	swait.ge @!p1 [sflag:s2], $0x2000  }
0x27f: {  	s9 =	sshll.u32 @!p1 s8, $0x9;
	[sflag:s2] =	ssyncset.done @!p1 $0x0  }
0x280: {  	[sflag:s2] =	ssyncadd.s32 @!p1 $0xFFFFE000;
	s2 =	sshra.s32 @!p1 s9, $0x2  }
0x281: {  	v1 =	vld @!p1 [tilespmem:s2+$0x4FA0];
	_ =	sdelay $0x4  }
0x282: {  	[tilespmem:$0x9E20] =	vst @!p1 v1  }
0x283: {  	v1 =	vld @!p1 [tilespmem:s2+$0x4FB0];
	_ =	sdelay $0x4  }
0x284: {  	[tilespmem:$0x9E30] =	vst @!p1 v1  }
0x285: {  	v1 =	vld @!p1 [tilespmem:s2+$0x4FC0];
	_ =	sdelay $0x4  }
0x286: {  	[tilespmem:$0x9E40] =	vst @!p1 v1  }
0x287: {  	v1 =	vld @!p1 [tilespmem:s2+$0x4FD0];
	_ =	sdelay $0x4  }
0x288: {  	[tilespmem:$0x9E50] =	vst @!p1 v1  }
0x289: {  	v1 =	vld @!p1 [tilespmem:s2+$0x4FE0];
	_ =	sdelay $0x4  }
0x28a: {  	[tilespmem:$0x9E60] =	vst @!p1 v1  }
0x28b: {  	v1 =	vld @!p1 [tilespmem:s2+$0x4FF0];
	_ =	sdelay $0x4  }
0x28c: {  	[tilespmem:$0x9E70] =	vst @!p1 v1  }
0x28d: {  	v1 =	vld @!p1 [tilespmem:s2+$0x5000];
	_ =	sdelay $0x4  }
0x28e: {  	[tilespmem:$0x9E80] =	vst @!p1 v1  }
0x28f: {  	v1 =	vld @!p1 [tilespmem:s2+$0x5010];
	_ =	sdelay $0x3  }
0x290: {  	s12 =	srdreg.scid  }
0x291: {  	s11 =	simm.s32 @!p1 $0xA5A0;
	s9 =	simm.s32 @!p1 $0x9E20;
	s2 =	simm.s32 @!p1 $0x80;
	[tilespmem:$0x9E90] =	vst @!p1 v1  }
0x292: {  	[tilespmem:s11], [sflag:$0x1] =	stream.indirect.gather @!p1 [hbm4b:s14+s2], $0x40, s9, s2, $0xb8;
	[tilespmem:$0x1EAA0] =	vst v63  }
0x293: {  	s2 =	sxor.u32 s12, s4  }
0x294: {  	s2 =	sand.u32 $0x1, s2  }
0x295: {  	p0 =	seq.s32 s2, $0x1  }
0x296: {  	s2 =	simm.s32 @!p0 $0x0  }
0x297: {  	s2 =	simm.s32 @p0 $0x1;
	p0 =	por !p6, !p0  }
0x298: {  	p6 =	por !p0, !p0  }
0x299: {  	[smem:$0x7F8] =	sst s2;
	s4 =	simm.s32 @p6 $0xD  }
0x29a: {  	s13 =	sshll.u32 s8, $0x9;
	_ =	swait.ge @p6 [sflag:s4], $0x80  }
0x29b: {  	s2 =	sshra.s32 s13, $0x2;
	[sflag:s4] =	ssyncset.done @p6 $0x0  }
0x29c: {  	s15 =	sadd.s32 $0x4E30, s2;
	[sflag:s4] =	ssyncadd.s32 @p6 $0xFFFFFF80  }
0x29d: {  	s16 =	sadd.s32 $0x7630, s2;
	v1 =	vld [tilespmem:s15+$0x0]  }
0x29e: {  	v2 =	vld [tilespmem:s16+$0x0];
	_ =	sdelay $0x4  }
0x29f: {  	v3 =	vld [tilespmem:s16+$0xFFFFFFF0]  }
0x2a0: {  	v4 =	vld [tilespmem:s15+$0xFFFFFFF0]  }
0x2a1: {  	v1 =	vld.idx.msk [tilespmem:v1+s5+$0x0], $0xffff  }
0x2a2: {  	v2 =	vld.idx.msk [tilespmem:v2+s10+$0x0], $0xffff  }
0x2a3: {  	s4 =	sadd.s32 $0x20, s15  }
0x2a4: {  	s8 =	sadd.s32 $0x20, s16;
	v5 =	vld [tilespmem:s4+$0x0]  }
0x2a5: {  	v6 =	vld [tilespmem:s8+$0x0];
	_ =	sdelay $0x1  }
0x2a6: {  	v1 =	vadd.f32 v2, v1;
	v2 =	vld.idx.msk [tilespmem:v3+s10+$0x0], $0xffff  }
0x2a7: {  	v3 =	vld [tilespmem:s8+$0xFFFFFFF0]  }
0x2a8: {  	v4 =	vld.idx.msk [tilespmem:v4+s5+$0x0], $0xffff  }
0x2a9: {  	v7 =	vmul.f32 $2.000000030e-01, v1  }
0x2aa: {  	v8 =	vld [tilespmem:s4+$0xFFFFFFF0];
	vm0 =	vgt.f32 v1, $0.0e+00  }
0x2ab: {  	v5 =	vld.idx.msk [tilespmem:v5+s5+$0x0], $0xffff;
	v1 =	vsel vm0, v1, v7  }
0x2ac: {  	s11 =	sadd.s32 $0x20, s4;
	v6 =	vld.idx.msk [tilespmem:v6+s10+$0x0], $0xffff;
	v1 =	vmul.f32 $1.442695020e+00, v1  }
0x2ad: {  	s13 =	sadd.s32 $0x20, s8;
	v7 =	vld [tilespmem:s11+$0x0];
	v2 =	vadd.f32 v2, v4  }
0x2ae: {  	(erf) = vpow2.f32 v1;
	v1 =	vld [tilespmem:s13+$0x0]  }
0x2af: {  	v62 =	vld.idx.msk [tilespmem:v3+s10+$0x0], $0xffff;
	v3 =	vmul.f32 $2.000000030e-01, v2  }
0x2b0: {  	v61 =	vld [tilespmem:s13+$0xFFFFFFF0];
	vm14 =	vgt.f32 v2, $0.0e+00  }
0x2b1: {  	v3 =	vsel vm14, v2, v3  }
0x2b2: {  	v4 =	vadd.f32 v6, v5;
	v5 =	vmul.f32 $1.442695020e+00, v3  }
0x2b3: {  	v8 =	vld.idx.msk [tilespmem:v8+s5+$0x0], $0xffff  }
0x2b4: {  	v6 =	vmul.f32 $2.000000030e-01, v4;
	(erf) = vpow2.f32 v5  }
0x2b5: {  	s17 =	sadd.s32 $0xFFFFFFE0, s18;
	s12 =	simm.s32 $0x0;
	vm15 =	vgt.f32 v4, $0.0e+00;
	v2 =	vld [tilespmem:s11+$0xFFFFFFF0]  }
0x2b6: {  	s9 =	simm.s32 $0x40;
	s4 =	simm.s32 $0xA430;
	s15 =	sadd.s32 $0x130, s17;
	v3 =	vld.idx.msk [tilespmem:v7+s5+$0x0], $0xffff;
	v5 =	vsel vm15, v4, v6  }
0x2b7: {  	s16 =	sadd.s32 $0x120, s17;
	s17 =	simm.s32 $0x105A0;
	p4 =	slt.u32 s15, $0x4E200;
	v6 =	vmul.f32 $1.442695020e+00, v5;
	v4 =	vld.idx.msk [tilespmem:v1+s10+$0x0], $0xffff;
	v63 =	vpop (erf)  }
0x2b8: {  	p0 =	slt.u32 s16, $0x4E200;
	s15 =	sadd.s32 $0x20, s11;
	s8 =	simm.s32 $0x20;
	v7 =	vadd.f32 v62, v8;
	v1 =	vld.idx.msk [tilespmem:v61+s10+$0x0], $0xffff;
	v5 =	vpsel !p4, $0x0, v63  }
.LBB2_18:
0x2b9: {  	v8 =	vld [tilespmem:s15+$0x0];
	s13 =	sadd.s32 $0x20, s13;
	(erf) = vpow2.f32 v6;
	[tilespmem:s4+$0x0] =	vst v5;
	s11 =	smov.u32 s9  }
0x2ba: {  	s9 =	sadd.s32 $0x20, s9;
	v5 =	vld [tilespmem:s13+$0x0];
	vm0 =	vgt.f32 v7, $0.0e+00;
	v6 =	vmul.f32 $2.000000030e-01, v7  }
0x2bb: {  	p4 =	slt.u32 s9, $0x60;
	v9 =	vld [tilespmem:s13+$0xFFFFFFF0]  }
0x2bc: {  	v10 =	vld [tilespmem:s15+$0xFFFFFFF0];
	v6 =	vsel vm0, v7, v6  }
0x2bd: {  	v7 =	vld.idx.msk [tilespmem:v2+s5+$0x0], $0xffff;
	v2 =	vadd.f32 v4, v3;
	v3 =	vmul.f32 $1.442695020e+00, v6;
	v4 =	vpop (erf)  }
0x2be: {  	v4 =	vpsel !p0, $0x0, v4  }
.Ltmp10:
0x2bf: {  	v6 =	vmul.f32 $2.000000030e-01, v2;
	(erf) = vpow2.f32 v3;
	[tilespmem:s4+$0xFFFFFFF0] =	vst v4;
	(pc) =	sbr.rel @p4 .LBB2_18-.Ltmp10, $4  }
0x2c0: {  	s16 =	sadd.s32 s12, s18;
	s12 =	smov.u32 s8;
	s8 =	smov.u32 s11;
	vm0 =	vgt.f32 v2, $0.0e+00  }
0x2c1: {  	s11 =	sadd.s32 $0x120, s16;
	s16 =	sadd.s32 $0x130, s16;
	v3 =	vld.idx.msk [tilespmem:v8+s5+$0x0], $0xffff;
	v6 =	vsel vm0, v2, v6;
	v2 =	vmov v10  }
0x2c2: {  	p3 =	slt.u32 s16, $0x4E200;
	p0 =	slt.u32 s11, $0x4E200;
	v4 =	vld.idx.msk [tilespmem:v5+s10+$0x0], $0xffff;
	v6 =	vmul.f32 $1.442695020e+00, v6;
	v5 =	vpop (erf)  }
0x2c3: {  	s15 =	sadd.s32 $0x20, s15;
	s4 =	sadd.s32 $0x20, s4;
	v7 =	vadd.f32 v1, v7;
	v1 =	vld.idx.msk [tilespmem:v9+s10+$0x0], $0xffff;
	v5 =	vpsel !p3, $0x0, v5  }
0x2c4: {  	_ =	sdelay $0x3  }
0x2c5: {  	v2 =	vld.idx.msk [tilespmem:v2+s5+$0x0], $0xffff;
	_ =	sdelay $0x3  }
0x2c6: {  	v3 =	vadd.f32 v4, v3  }
0x2c7: {  	v4 =	vmul.f32 $2.000000030e-01, v7;
	v1 =	vadd.f32 v1, v2  }
0x2c8: {  	vm0 =	vgt.f32 v7, $0.0e+00;
	v2 =	vmul.f32 $2.000000030e-01, v3  }
0x2c9: {  	v4 =	vsel vm0, v7, v4;
	vm14 =	vgt.f32 v3, $0.0e+00;
	v7 =	vmul.f32 $2.000000030e-01, v1  }
0x2ca: {  	v4 =	vmul.f32 $1.442695020e+00, v4;
	v2 =	vsel vm14, v3, v2;
	vm15 =	vgt.f32 v1, $0.0e+00  }
0x2cb: {  	(erf) = vpow2.f32 v6;
	v2 =	vmul.f32 $1.442695020e+00, v2;
	v1 =	vsel vm15, v1, v7  }
0x2cc: {  	(erf) = vpow2.f32 v4;
	v1 =	vmul.f32 $1.442695020e+00, v1  }
0x2cd: {  	(erf) = vpow2.f32 v2  }
0x2ce: {  	(erf) = vpow2.f32 v1;
	_ =	sdelay $0x3  }
0x2cf: {  	s9 =	sadd.s32 s12, s18  }
0x2d0: {  	s11 =	sadd.s32 $0x120, s9;
	s9 =	sadd.s32 $0x130, s9;
	v1 =	vpop (erf)  }
0x2d1: {  	s8 =	sadd.s32 s8, s18;
	[tilespmem:s4+$0x0] =	vst v5;
	s13 =	sadd.s32 $0x20, s4;
	p4 =	slt.u32 s9, $0x4E200;
	v2 =	vpop (erf);
	v1 =	vpsel !p0, $0x0, v1  }
0x2d2: {  	s15 =	sadd.s32 $0x120, s8;
	s8 =	sadd.s32 $0x130, s8;
	p3 =	slt.u32 s11, $0x4E200;
	[tilespmem:s4+$0xFFFFFFF0] =	vst v1;
	v1 =	vpsel !p4, $0x0, v2;
	v3 =	vpop (erf)  }
0x2d3: {  	s16 =	simm.s32 $0x0;
	s11 =	simm.s32 $0x1;
	p4 =	slt.u32 s8, $0x4E200;
	[tilespmem:s13+$0x0] =	vst v1;
	v2 =	vpsel !p3, $0x0, v3;
	v4 =	vpop (erf)  }
0x2d4: {  	s9 =	sadd.s32 $0x20, s13;
	v5 =	vmov s11;
	p0 =	slt.u32 s15, $0x4E200;
	s8 =	simm.s32 $0x3;
	[tilespmem:s13+$0xFFFFFFF0] =	vst v2;
	v1 =	vpsel !p4, $0x0, v4;
	v4 =	vmov s16;
	v3 =	vpop (erf)  }
0x2d5: {  	s12 =	simm.s32 $0x2;
	v2 =	vand.u32 $0xFFFFFFFC, v4;
	v4 =	vmov s8;
	[tilespmem:s9+$0x0] =	vst v1;
	v3 =	vpsel !p0, $0x0, v3  }
0x2d6: {  	v1 =	vand.u32 $0xFFFFFFFD, v5;
	v5 =	vmov s12;
	[tilespmem:s9+$0xFFFFFFF0] =	vst v3  }
0x2d7: {  	v2 =	vbroadcast v2, $0x0;
	v3 =	vbroadcast v1, $0x0;
	v1 =	vand.u32 $0xFFFFFFFE, v5;
	_ =	swait.ge [sflag:s0], $0x2000  }
0x2d8: {  	v5 =	vbroadcast v1, $0x0;
	[sflag:s0] =	ssyncset.done $0x0  }
0x2d9: {  	[sflag:s0] =	ssyncadd.s32 $0xFFFFE000  }
0x2da: {  	s4 =	simm.s32 $0xE620;
	v1 =	vld.idx.msk [tilespmem:v4+s7+$0x0], $0xffff  }
0x2db: {  	v4 =	vld [tilespmem:s4+$0x30]  }
0x2dc: {  	v6 =	vld [tilespmem:s4+$0xFFFFFF90]  }
0x2dd: {  	v8 =	vld.idx.msk [tilespmem:v2+s7+$0x0], $0xffff  }
0x2de: {  	v2 =	vld.idx.msk [tilespmem:v5+s7+$0x0], $0xffff  }
0x2df: {  	v5 =	vld [tilespmem:s4+$0xFFFFFF80]  }
0x2e0: {  	v7 =	vld [tilespmem:s4+$0xFFFFFFA0]  }
0x2e1: {  	v9 =	vld [tilespmem:s4+$0xFFFFFFB0]  }
0x2e2: {  	v10 =	vld [tilespmem:s4+$0xFFFFFFC0]  }
0x2e3: {  	v3 =	vld.idx.msk [tilespmem:v3+s7+$0x0], $0xffff;
	v13 =	vmul.f32 v6, v8  }
0x2e4: {  	v12 =	vmul.f32 v5, v8;
	v5 =	vld [tilespmem:s4+$0xFFFFFFD0]  }
0x2e5: {  	s13 =	simm.s32 $0x4;
	v11 =	vmul.f32 v4, v2;
	v4 =	vld [tilespmem:s4+$0xFFFFFFE0];
	[tilespmem:s4+$0xFFFFFF90] =	vst v13  }
0x2e6: {  	s15 =	simm.s32 $0x7;
	v6 =	vmov s13;
	[tilespmem:s4+$0xFFFFFF80] =	vst v12;
	v12 =	vmul.f32 v7, v8;
	v7 =	vld [tilespmem:s4+$0xFFFFFFF0]  }
0x2e7: {  	s16 =	simm.s32 $0x5;
	v14 =	vand.u32 $0xFFFFFFFC, v6;
	v6 =	vmov s15;
	[tilespmem:s4+$0x30] =	vst v11;
	v11 =	vmul.f32 v9, v8;
	v9 =	vld [tilespmem:s4+$0x0]  }
0x2e8: {  	s12 =	simm.s32 $0x8;
	s8 =	simm.s32 $0xE620;
	s9 =	simm.s32 $0x6;
	v13 =	vmov s16;
	v8 =	vbroadcast v14, $0x0;
	[tilespmem:s4+$0xFFFFFFA0] =	vst v12;
	v12 =	vmul.f32 v10, v3;
	v10 =	vld [tilespmem:s4+$0x10]  }
.LBB2_20:
0x2e9: {  	p0 =	slt.u32 s12, $0x7C;
	v13 =	vand.u32 $0xFFFFFFFD, v13;
	v14 =	vmov s9;
	[tilespmem:s4+$0xFFFFFFB0] =	vst v11;
	v5 =	vmul.f32 v5, v3;
	v11 =	vld [tilespmem:s4+$0x20]  }
0x2ea: {  	v13 =	vbroadcast v13, $0x0;
	v14 =	vand.u32 $0xFFFFFFFE, v14;
	[tilespmem:s4+$0xFFFFFFC0] =	vst v12;
	v4 =	vmul.f32 v4, v3;
	v12 =	vld [tilespmem:s4+$0x40]  }
0x2eb: {  	v14 =	vbroadcast v14, $0x0;
	[tilespmem:s4+$0xFFFFFFD0] =	vst v5;
	v3 =	vmul.f32 v7, v3;
	v5 =	vld [tilespmem:s4+$0x50]  }
0x2ec: {  	[tilespmem:s4+$0xFFFFFFE0] =	vst v4;
	v4 =	vmul.f32 v9, v2;
	v7 =	vld [tilespmem:s4+$0x60]  }
0x2ed: {  	[tilespmem:s4+$0xFFFFFFF0] =	vst v3;
	v3 =	vmul.f32 v10, v2;
	v9 =	vld [tilespmem:s4+$0x70]  }
0x2ee: {  	v6 =	vld.idx.msk [tilespmem:v6+s7+$0x0], $0xffff;
	[tilespmem:s4+$0x0] =	vst v4;
	v2 =	vmul.f32 v11, v2  }
0x2ef: {  	v8 =	vld.idx.msk [tilespmem:v8+s7+$0x0], $0xffff;
	[tilespmem:s4+$0x10] =	vst v3;
	v4 =	vmul.f32 v12, v1  }
0x2f0: {  	v3 =	vld.idx.msk [tilespmem:v13+s7+$0x0], $0xffff;
	[tilespmem:s4+$0x20] =	vst v2;
	v5 =	vmul.f32 v5, v1  }
0x2f1: {  	s4 =	sadd.s32 $0x100, s4;
	v2 =	vld.idx.msk [tilespmem:v14+s7+$0x0], $0xffff;
	[tilespmem:s8+$0x40] =	vst v4;
	v4 =	vmul.f32 v7, v1  }
0x2f2: {  	v7 =	vld [tilespmem:s4+$0x30];
	[tilespmem:s8+$0x50] =	vst v5;
	v9 =	vmul.f32 v9, v1  }
0x2f3: {  	v5 =	vld [tilespmem:s4+$0xFFFFFF80];
	[tilespmem:s8+$0x60] =	vst v4  }
0x2f4: {  	v1 =	vmov v6;
	v4 =	vld [tilespmem:s4+$0xFFFFFF90];
	[tilespmem:s8+$0x70] =	vst v9;
	s8 =	smov.u32 s4  }
0x2f5: {  	v6 =	vld [tilespmem:s4+$0xFFFFFFA0]  }
0x2f6: {  	v9 =	vld [tilespmem:s4+$0xFFFFFFB0]  }
0x2f7: {  	v10 =	vld [tilespmem:s4+$0xFFFFFFC0];
	v7 =	vmul.f32 v7, v2  }
.Ltmp11:
0x2f8: {  	v11 =	vmul.f32 v5, v8;
	v5 =	vld [tilespmem:s4+$0xFFFFFFD0];
	(pc) =	sbr.rel @p0 .LBB2_20-.Ltmp11, $4  }
0x2f9: {  	v12 =	vmul.f32 v4, v8;
	v4 =	vld [tilespmem:s4+$0xFFFFFFE0];
	[tilespmem:s4+$0x30] =	vst v7  }
0x2fa: {  	s9 =	sadd.s32 $0x3, s12;
	v13 =	vmov s12;
	[tilespmem:s4+$0xFFFFFF80] =	vst v11;
	v14 =	vmul.f32 v6, v8;
	v7 =	vld [tilespmem:s4+$0xFFFFFFF0]  }
0x2fb: {  	s11 =	sadd.s32 $0x1, s12;
	v13 =	vand.u32 $0xFFFFFFFC, v13;
	v6 =	vmov s9;
	[tilespmem:s4+$0xFFFFFF90] =	vst v12;
	v11 =	vmul.f32 v9, v8;
	v9 =	vld [tilespmem:s4+$0x0]  }
0x2fc: {  	s9 =	sadd.s32 $0x2, s12;
	s12 =	sadd.s32 $0x4, s12;
	v8 =	vbroadcast v13, $0x0;
	v13 =	vmov s11;
	[tilespmem:s4+$0xFFFFFFA0] =	vst v14;
	v12 =	vmul.f32 v10, v3;
	v10 =	vld [tilespmem:s4+$0x10]  }
0x2fd: {  	v15 =	vld [tilespmem:s4+$0x20]  }
0x2fe: {  	v16 =	vld [tilespmem:s4+$0x40]  }
0x2ff: {  	v14 =	vmov s9;
	v17 =	vld [tilespmem:s4+$0x50]  }
0x300: {  	v18 =	vld [tilespmem:s4+$0x60];
	v5 =	vmul.f32 v5, v3;
	v14 =	vand.u32 $0xFFFFFFFE, v14  }
0x301: {  	[tilespmem:s4+$0xFFFFFFB0] =	vst v11;
	v53 =	vld [tilespmem:s4+$0x70];
	v4 =	vmul.f32 v4, v3;
	v14 =	vbroadcast v14, $0x0  }
0x302: {  	v13 =	vand.u32 $0xFFFFFFFD, v13;
	v6 =	vld.idx.msk [tilespmem:v6+s7+$0x0], $0xffff;
	s16 =	sadd.s32 $0x100, s4;
	[tilespmem:s4+$0xFFFFFFD0] =	vst v5;
	v3 =	vmul.f32 v7, v3  }
0x303: {  	v13 =	vbroadcast v13, $0x0;
	v54 =	vld [tilespmem:s16+$0xFFFFFF80];
	[tilespmem:s4+$0xFFFFFFE0] =	vst v4;
	v4 =	vmul.f32 v9, v2  }
0x304: {  	v55 =	vld [tilespmem:s16+$0xFFFFFF90];
	[tilespmem:s4+$0xFFFFFFF0] =	vst v3;
	v3 =	vmul.f32 v10, v2  }
0x305: {  	v5 =	vld.idx.msk [tilespmem:v8+s7+$0x0], $0xffff;
	[tilespmem:s4+$0x0] =	vst v4;
	v2 =	vmul.f32 v15, v2  }
0x306: {  	v4 =	vld [tilespmem:s16+$0x30];
	[tilespmem:s4+$0x10] =	vst v3;
	v3 =	vmul.f32 v16, v1  }
0x307: {  	[tilespmem:s4+$0x20] =	vst v2;
	v2 =	vmul.f32 v17, v1;
	v8 =	vld.idx.msk [tilespmem:v14+s7+$0x0], $0xffff  }
0x308: {  	v56 =	vld [tilespmem:s16+$0xFFFFFFA0];
	[tilespmem:s8+$0x40] =	vst v3;
	v3 =	vmul.f32 v18, v1  }
0x309: {  	v7 =	vld.idx.msk [tilespmem:v13+s7+$0x0], $0xffff;
	v1 =	vmul.f32 v53, v1;
	[tilespmem:s8+$0x50] =	vst v2  }
0x30a: {  	v2 =	vld [tilespmem:s16+$0xFFFFFFB0];
	[tilespmem:s8+$0x60] =	vst v3  }
0x30b: {  	v3 =	vld [tilespmem:s16+$0xFFFFFFC0];
	[tilespmem:s8+$0x70] =	vst v1;
	v1 =	vmul.f32 v54, v5  }
0x30c: {  	[tilespmem:s4+$0xFFFFFFC0] =	vst v12;
	v57 =	vld [tilespmem:s16+$0xFFFFFFD0];
	v4 =	vmul.f32 v4, v8  }
0x30d: {  	v58 =	vld [tilespmem:s16+$0xFFFFFFE0];
	v10 =	vmul.f32 v55, v5;
	[tilespmem:s16+$0xFFFFFF80] =	vst v1  }
0x30e: {  	v1 =	vmul.f32 v56, v5;
	[tilespmem:s16+$0x30] =	vst v4;
	v4 =	vld [tilespmem:s16+$0xFFFFFFF0]  }
0x30f: {  	[tilespmem:s16+$0xFFFFFF90] =	vst v10;
	v2 =	vmul.f32 v2, v5;
	v5 =	vld [tilespmem:s16+$0x0]  }
0x310: {  	[tilespmem:s16+$0xFFFFFFA0] =	vst v1;
	v1 =	vmul.f32 v3, v7;
	v3 =	vld [tilespmem:s16+$0x10]  }
0x311: {  	v59 =	vld [tilespmem:s16+$0x20];
	[tilespmem:s16+$0xFFFFFFB0] =	vst v2;
	v2 =	vmul.f32 v57, v7  }
0x312: {  	v60 =	vld [tilespmem:s16+$0x40];
	[tilespmem:s16+$0xFFFFFFC0] =	vst v1;
	v1 =	vmul.f32 v58, v7  }
0x313: {  	[tilespmem:s16+$0xFFFFFFD0] =	vst v2;
	v2 =	vmul.f32 v4, v7;
	v4 =	vld [tilespmem:s16+$0x50]  }
0x314: {  	[tilespmem:s16+$0xFFFFFFE0] =	vst v1;
	v1 =	vmul.f32 v5, v8;
	v5 =	vld [tilespmem:s16+$0x60]  }
0x315: {  	[tilespmem:s16+$0xFFFFFFF0] =	vst v2;
	v2 =	vmul.f32 v3, v8;
	v3 =	vld [tilespmem:s16+$0x70]  }
0x316: {  	[tilespmem:s16+$0x0] =	vst v1;
	v1 =	vmul.f32 v59, v8  }
0x317: {  	[tilespmem:s16+$0x10] =	vst v2;
	v2 =	vmul.f32 v60, v6  }
0x318: {  	[tilespmem:s16+$0x20] =	vst v1;
	v1 =	vmul.f32 v4, v6  }
0x319: {  	[tilespmem:s16+$0x40] =	vst v2;
	v2 =	vmul.f32 v5, v6  }
0x31a: {  	[tilespmem:s16+$0x50] =	vst v1;
	v1 =	vmul.f32 v3, v6  }
0x31b: {  	[tilespmem:s16+$0x60] =	vst v2  }
0x31c: {  	[tilespmem:s16+$0x70] =	vst v1  }
0x31d: {  	v1 =	vld [tilespmem:s2+$0x7620];
	_ =	sdelay $0x4  }
0x31e: {  	[tilespmem:$0xA1A0] =	vst v1  }
0x31f: {  	v1 =	vld [tilespmem:s2+$0x7630];
	_ =	sdelay $0x4  }
0x320: {  	[tilespmem:$0xA1B0] =	vst v1  }
0x321: {  	v1 =	vld [tilespmem:s2+$0x7640];
	_ =	sdelay $0x4  }
0x322: {  	[tilespmem:$0xA1C0] =	vst v1  }
0x323: {  	v1 =	vld [tilespmem:s2+$0x7650];
	_ =	sdelay $0x4  }
0x324: {  	[tilespmem:$0xA1D0] =	vst v1  }
0x325: {  	v1 =	vld [tilespmem:s2+$0x7660];
	_ =	sdelay $0x4  }
0x326: {  	[tilespmem:$0xA1E0] =	vst v1  }
0x327: {  	v1 =	vld [tilespmem:s2+$0x7670];
	_ =	sdelay $0x4  }
0x328: {  	[tilespmem:$0xA1F0] =	vst v1  }
0x329: {  	v1 =	vld [tilespmem:s2+$0x7680];
	_ =	sdelay $0x4  }
0x32a: {  	[tilespmem:$0xA200] =	vst v1  }
0x32b: {  	v1 =	vld [tilespmem:s2+$0x7690];
	_ =	sdelay $0x4  }
0x32c: {  	s9 =	simm.s32 $0xE5A0;
	s11 =	simm.s32 $0xA1A0;
	s12 =	sld [smem:$0x7F9];
	[tilespmem:$0xA210] =	vst v1  }
0x32d: {  	[spmem:s1] =	stream.indirect.scatter.add.f32 [tilespmem:s9], [sflag:$0x8], $0x40, s11, s29, $0xb8;
	[tilespmem:$0x1EAA0] =	vst v63  }
0x32e: {  	s4 =	simm.s32 @!p5 $0xA1A0;
	s8 =	simm.s32 @!p5 $0xA420;
	s2 =	simm.s32 @!p5 $0x80  }
0x32f: {  	[spmem:s3] =	stream.indirect.scatter.add.f32 @!p5 [tilespmem:s8], [sflag:$0xD], $0x1, s4, s2, $0xb8;
	[tilespmem:$0x1EAA0] =	vst v63  }
0x330: {  	p4 =	seq.s32 s12, $0x1;
	s2 =	simm.s32 $0xFFFFFFB3  }
0x331: {  	s4 =	simm.s32 @!p1 $0x7;
	s2 =	simm.s32 @!p4 $0x3  }
0x332: {  	_ =	swait.ge @!p1 [sflag:s4], $0x2000;
	s2 =	sadd.s32 s2, s30  }
0x333: {  	[sflag:s4] =	ssyncset.done @!p1 $0x0;
	s8 =	sshll.u32 @!p1 s2, $0x9  }
0x334: {  	[sflag:s4] =	ssyncadd.s32 @!p1 $0xFFFFE000;
	s4 =	sshra.s32 @!p1 s8, $0x2  }
0x335: {  	v1 =	vld @!p1 [tilespmem:s4+$0x4FA0];
	_ =	sdelay $0x4  }
0x336: {  	[tilespmem:$0x9EA0] =	vst @!p1 v1  }
0x337: {  	v1 =	vld @!p1 [tilespmem:s4+$0x4FB0];
	_ =	sdelay $0x4  }
0x338: {  	[tilespmem:$0x9EB0] =	vst @!p1 v1  }
0x339: {  	v1 =	vld @!p1 [tilespmem:s4+$0x4FC0];
	_ =	sdelay $0x4  }
0x33a: {  	[tilespmem:$0x9EC0] =	vst @!p1 v1  }
0x33b: {  	v1 =	vld @!p1 [tilespmem:s4+$0x4FD0];
	_ =	sdelay $0x4  }
0x33c: {  	[tilespmem:$0x9ED0] =	vst @!p1 v1  }
0x33d: {  	v1 =	vld @!p1 [tilespmem:s4+$0x4FE0];
	_ =	sdelay $0x4  }
0x33e: {  	[tilespmem:$0x9EE0] =	vst @!p1 v1  }
0x33f: {  	v1 =	vld @!p1 [tilespmem:s4+$0x4FF0];
	_ =	sdelay $0x4  }
0x340: {  	[tilespmem:$0x9EF0] =	vst @!p1 v1  }
0x341: {  	v1 =	vld @!p1 [tilespmem:s4+$0x5000];
	_ =	sdelay $0x4  }
0x342: {  	[tilespmem:$0x9F00] =	vst @!p1 v1  }
0x343: {  	v1 =	vld @!p1 [tilespmem:s4+$0x5010];
	_ =	sdelay $0x4  }
0x344: {  	s9 =	simm.s32 @!p1 $0xC5A0;
	s8 =	simm.s32 @!p1 $0x9EA0;
	s4 =	simm.s32 @!p1 $0x80;
	[tilespmem:$0x9F10] =	vst @!p1 v1  }
0x345: {  	[tilespmem:s9], [sflag:$0x2] =	stream.indirect.gather @!p1 [hbm4b:s14+s4], $0x40, s8, s4, $0xb8;
	[tilespmem:$0x1EAA0] =	vst v63  }
0x346: {  	s4 =	simm.s32 @p2 $0xE  }
0x347: {  	s2 =	sshll.u32 s2, $0x9;
	_ =	swait.ge @p2 [sflag:s4], $0x80  }
0x348: {  	s2 =	sshra.s32 s2, $0x2;
	[sflag:s4] =	ssyncset.done @p2 $0x0  }
0x349: {  	s13 =	sadd.s32 $0x4E30, s2;
	[sflag:s4] =	ssyncadd.s32 @p2 $0xFFFFFF80  }
0x34a: {  	s15 =	sadd.s32 $0x7630, s2;
	v1 =	vld [tilespmem:s13+$0x0]  }
0x34b: {  	v2 =	vld [tilespmem:s15+$0x0];
	_ =	sdelay $0x4  }
0x34c: {  	v3 =	vld [tilespmem:s15+$0xFFFFFFF0]  }
0x34d: {  	v4 =	vld [tilespmem:s13+$0xFFFFFFF0]  }
0x34e: {  	v1 =	vld.idx.msk [tilespmem:v1+s5+$0x0], $0xffff  }
0x34f: {  	v2 =	vld.idx.msk [tilespmem:v2+s10+$0x0], $0xffff  }
0x350: {  	s4 =	sadd.s32 $0x20, s13  }
0x351: {  	s8 =	sadd.s32 $0x20, s15;
	v5 =	vld [tilespmem:s4+$0x0]  }
0x352: {  	v6 =	vld [tilespmem:s8+$0x0];
	_ =	sdelay $0x1  }
0x353: {  	v1 =	vadd.f32 v2, v1;
	v2 =	vld.idx.msk [tilespmem:v3+s10+$0x0], $0xffff  }
0x354: {  	v3 =	vld [tilespmem:s8+$0xFFFFFFF0]  }
0x355: {  	v4 =	vld.idx.msk [tilespmem:v4+s5+$0x0], $0xffff  }
0x356: {  	v7 =	vmul.f32 $2.000000030e-01, v1  }
0x357: {  	v8 =	vld [tilespmem:s4+$0xFFFFFFF0];
	vm0 =	vgt.f32 v1, $0.0e+00  }
0x358: {  	v5 =	vld.idx.msk [tilespmem:v5+s5+$0x0], $0xffff;
	v1 =	vsel vm0, v1, v7  }
0x359: {  	s11 =	sadd.s32 $0x20, s4;
	v6 =	vld.idx.msk [tilespmem:v6+s10+$0x0], $0xffff;
	v1 =	vmul.f32 $1.442695020e+00, v1  }
0x35a: {  	s13 =	sadd.s32 $0x20, s8;
	v7 =	vld [tilespmem:s11+$0x0];
	v2 =	vadd.f32 v2, v4  }
0x35b: {  	(erf) = vpow2.f32 v1;
	v1 =	vld [tilespmem:s13+$0x0]  }
0x35c: {  	v62 =	vld.idx.msk [tilespmem:v3+s10+$0x0], $0xffff;
	v3 =	vmul.f32 $2.000000030e-01, v2  }
0x35d: {  	v61 =	vld [tilespmem:s13+$0xFFFFFFF0];
	vm14 =	vgt.f32 v2, $0.0e+00  }
0x35e: {  	v3 =	vsel vm14, v2, v3  }
0x35f: {  	v4 =	vadd.f32 v6, v5;
	v5 =	vmul.f32 $1.442695020e+00, v3  }
0x360: {  	v8 =	vld.idx.msk [tilespmem:v8+s5+$0x0], $0xffff  }
0x361: {  	v6 =	vmul.f32 $2.000000030e-01, v4;
	(erf) = vpow2.f32 v5  }
0x362: {  	s16 =	sadd.s32 $0xFFFFFFE0, s18;
	vm15 =	vgt.f32 v4, $0.0e+00;
	v2 =	vld [tilespmem:s11+$0xFFFFFFF0]  }
0x363: {  	s12 =	simm.s32 $0x0;
	s9 =	simm.s32 $0x40;
	s15 =	sadd.s32 $0x1B0, s16;
	v3 =	vld.idx.msk [tilespmem:v7+s5+$0x0], $0xffff;
	v5 =	vsel vm15, v4, v6  }
0x364: {  	s4 =	simm.s32 $0xA4B0;
	s16 =	sadd.s32 $0x1A0, s16;
	p3 =	slt.u32 s15, $0x4E200;
	v6 =	vmul.f32 $1.442695020e+00, v5;
	v4 =	vld.idx.msk [tilespmem:v1+s10+$0x0], $0xffff;
	v63 =	vpop (erf)  }
0x365: {  	p0 =	slt.u32 s16, $0x4E200;
	s15 =	sadd.s32 $0x20, s11;
	s8 =	simm.s32 $0x20;
	v7 =	vadd.f32 v62, v8;
	v1 =	vld.idx.msk [tilespmem:v61+s10+$0x0], $0xffff;
	v5 =	vpsel !p3, $0x0, v63  }
.LBB2_22:
0x366: {  	v8 =	vld [tilespmem:s15+$0x0];
	s13 =	sadd.s32 $0x20, s13;
	(erf) = vpow2.f32 v6;
	[tilespmem:s4+$0x0] =	vst v5;
	s11 =	smov.u32 s9  }
0x367: {  	s9 =	sadd.s32 $0x20, s9;
	v5 =	vld [tilespmem:s13+$0x0];
	vm0 =	vgt.f32 v7, $0.0e+00;
	v6 =	vmul.f32 $2.000000030e-01, v7  }
0x368: {  	p2 =	slt.u32 s9, $0x60;
	v9 =	vld [tilespmem:s13+$0xFFFFFFF0]  }
0x369: {  	v10 =	vld [tilespmem:s15+$0xFFFFFFF0];
	v6 =	vsel vm0, v7, v6  }
0x36a: {  	v7 =	vld.idx.msk [tilespmem:v2+s5+$0x0], $0xffff;
	v2 =	vadd.f32 v4, v3;
	v3 =	vmul.f32 $1.442695020e+00, v6;
	v4 =	vpop (erf)  }
0x36b: {  	v4 =	vpsel !p0, $0x0, v4  }
.Ltmp12:
0x36c: {  	v6 =	vmul.f32 $2.000000030e-01, v2;
	(erf) = vpow2.f32 v3;
	[tilespmem:s4+$0xFFFFFFF0] =	vst v4;
	(pc) =	sbr.rel @p2 .LBB2_22-.Ltmp12, $4  }
0x36d: {  	s16 =	sadd.s32 s12, s18;
	s12 =	smov.u32 s8;
	s8 =	smov.u32 s11;
	vm0 =	vgt.f32 v2, $0.0e+00  }
0x36e: {  	s11 =	sadd.s32 $0x1A0, s16;
	s16 =	sadd.s32 $0x1B0, s16;
	v3 =	vld.idx.msk [tilespmem:v8+s5+$0x0], $0xffff;
	v6 =	vsel vm0, v2, v6;
	v2 =	vmov v10  }
0x36f: {  	p3 =	slt.u32 s16, $0x4E200;
	p0 =	slt.u32 s11, $0x4E200;
	v4 =	vld.idx.msk [tilespmem:v5+s10+$0x0], $0xffff;
	v6 =	vmul.f32 $1.442695020e+00, v6;
	v5 =	vpop (erf)  }
0x370: {  	s15 =	sadd.s32 $0x20, s15;
	s4 =	sadd.s32 $0x20, s4;
	v7 =	vadd.f32 v1, v7;
	v1 =	vld.idx.msk [tilespmem:v9+s10+$0x0], $0xffff;
	v5 =	vpsel !p3, $0x0, v5  }
0x371: {  	_ =	sdelay $0x3  }
0x372: {  	v2 =	vld.idx.msk [tilespmem:v2+s5+$0x0], $0xffff;
	_ =	sdelay $0x3  }
0x373: {  	v3 =	vadd.f32 v4, v3  }
0x374: {  	v4 =	vmul.f32 $2.000000030e-01, v7;
	v1 =	vadd.f32 v1, v2  }
0x375: {  	vm0 =	vgt.f32 v7, $0.0e+00;
	v2 =	vmul.f32 $2.000000030e-01, v3  }
0x376: {  	v4 =	vsel vm0, v7, v4;
	vm14 =	vgt.f32 v3, $0.0e+00;
	v7 =	vmul.f32 $2.000000030e-01, v1  }
0x377: {  	v4 =	vmul.f32 $1.442695020e+00, v4;
	v2 =	vsel vm14, v3, v2;
	vm15 =	vgt.f32 v1, $0.0e+00  }
0x378: {  	(erf) = vpow2.f32 v6;
	v2 =	vmul.f32 $1.442695020e+00, v2;
	v1 =	vsel vm15, v1, v7  }
0x379: {  	(erf) = vpow2.f32 v4;
	v1 =	vmul.f32 $1.442695020e+00, v1  }
0x37a: {  	(erf) = vpow2.f32 v2  }
0x37b: {  	(erf) = vpow2.f32 v1;
	_ =	sdelay $0x3  }
0x37c: {  	s9 =	sadd.s32 s12, s18  }
0x37d: {  	s11 =	sadd.s32 $0x1A0, s9;
	s9 =	sadd.s32 $0x1B0, s9;
	v1 =	vpop (erf)  }
0x37e: {  	s8 =	sadd.s32 s8, s18;
	[tilespmem:s4+$0x0] =	vst v5;
	s13 =	sadd.s32 $0x20, s4;
	p3 =	slt.u32 s9, $0x4E200;
	v2 =	vpop (erf);
	v1 =	vpsel !p0, $0x0, v1  }
0x37f: {  	s15 =	sadd.s32 $0x1A0, s8;
	s8 =	sadd.s32 $0x1B0, s8;
	p2 =	slt.u32 s11, $0x4E200;
	[tilespmem:s4+$0xFFFFFFF0] =	vst v1;
	v1 =	vpsel !p3, $0x0, v2;
	v3 =	vpop (erf)  }
0x380: {  	s16 =	simm.s32 $0x0;
	s11 =	simm.s32 $0x1;
	p3 =	slt.u32 s8, $0x4E200;
	[tilespmem:s13+$0x0] =	vst v1;
	v2 =	vpsel !p2, $0x0, v3;
	v4 =	vpop (erf)  }
0x381: {  	s9 =	sadd.s32 $0x20, s13;
	v5 =	vmov s11;
	p0 =	slt.u32 s15, $0x4E200;
	s8 =	simm.s32 $0x3;
	[tilespmem:s13+$0xFFFFFFF0] =	vst v2;
	v1 =	vpsel !p3, $0x0, v4;
	v4 =	vmov s16;
	v3 =	vpop (erf)  }
0x382: {  	s12 =	simm.s32 $0x2;
	v2 =	vand.u32 $0xFFFFFFFC, v4;
	v4 =	vmov s8;
	[tilespmem:s9+$0x0] =	vst v1;
	v3 =	vpsel !p0, $0x0, v3  }
0x383: {  	v1 =	vand.u32 $0xFFFFFFFD, v5;
	v5 =	vmov s12;
	[tilespmem:s9+$0xFFFFFFF0] =	vst v3  }
0x384: {  	v2 =	vbroadcast v2, $0x0;
	v3 =	vbroadcast v1, $0x0;
	v1 =	vand.u32 $0xFFFFFFFE, v5;
	_ =	swait.ge [sflag:s21], $0x2000  }
0x385: {  	v5 =	vbroadcast v1, $0x0;
	[sflag:s21] =	ssyncset.done $0x0  }
0x386: {  	[sflag:s21] =	ssyncadd.s32 $0xFFFFE000  }
0x387: {  	s4 =	simm.s32 $0x10620;
	v1 =	vld.idx.msk [tilespmem:v4+s22+$0x0], $0xffff  }
0x388: {  	v4 =	vld [tilespmem:s4+$0x30]  }
0x389: {  	v6 =	vld [tilespmem:s4+$0xFFFFFF90]  }
0x38a: {  	v8 =	vld.idx.msk [tilespmem:v2+s22+$0x0], $0xffff  }
0x38b: {  	v2 =	vld.idx.msk [tilespmem:v5+s22+$0x0], $0xffff  }
0x38c: {  	v5 =	vld [tilespmem:s4+$0xFFFFFF80]  }
0x38d: {  	v7 =	vld [tilespmem:s4+$0xFFFFFFA0]  }
0x38e: {  	v9 =	vld [tilespmem:s4+$0xFFFFFFB0]  }
0x38f: {  	v10 =	vld [tilespmem:s4+$0xFFFFFFC0]  }
0x390: {  	v3 =	vld.idx.msk [tilespmem:v3+s22+$0x0], $0xffff;
	v13 =	vmul.f32 v6, v8  }
0x391: {  	v12 =	vmul.f32 v5, v8;
	v5 =	vld [tilespmem:s4+$0xFFFFFFD0]  }
0x392: {  	s13 =	simm.s32 $0x4;
	v11 =	vmul.f32 v4, v2;
	v4 =	vld [tilespmem:s4+$0xFFFFFFE0];
	[tilespmem:s4+$0xFFFFFF90] =	vst v13  }
0x393: {  	s15 =	simm.s32 $0x7;
	v6 =	vmov s13;
	[tilespmem:s4+$0xFFFFFF80] =	vst v12;
	v12 =	vmul.f32 v7, v8;
	v7 =	vld [tilespmem:s4+$0xFFFFFFF0]  }
0x394: {  	s16 =	simm.s32 $0x5;
	v14 =	vand.u32 $0xFFFFFFFC, v6;
	v6 =	vmov s15;
	[tilespmem:s4+$0x30] =	vst v11;
	v11 =	vmul.f32 v9, v8;
	v9 =	vld [tilespmem:s4+$0x0]  }
0x395: {  	s12 =	simm.s32 $0x8;
	s8 =	simm.s32 $0x10620;
	s9 =	simm.s32 $0x6;
	v13 =	vmov s16;
	v8 =	vbroadcast v14, $0x0;
	[tilespmem:s4+$0xFFFFFFA0] =	vst v12;
	v12 =	vmul.f32 v10, v3;
	v10 =	vld [tilespmem:s4+$0x10]  }
.LBB2_24:
0x396: {  	p0 =	slt.u32 s12, $0x7C;
	v13 =	vand.u32 $0xFFFFFFFD, v13;
	v14 =	vmov s9;
	[tilespmem:s4+$0xFFFFFFB0] =	vst v11;
	v5 =	vmul.f32 v5, v3;
	v11 =	vld [tilespmem:s4+$0x20]  }
0x397: {  	v13 =	vbroadcast v13, $0x0;
	v14 =	vand.u32 $0xFFFFFFFE, v14;
	[tilespmem:s4+$0xFFFFFFC0] =	vst v12;
	v4 =	vmul.f32 v4, v3;
	v12 =	vld [tilespmem:s4+$0x40]  }
0x398: {  	v14 =	vbroadcast v14, $0x0;
	[tilespmem:s4+$0xFFFFFFD0] =	vst v5;
	v3 =	vmul.f32 v7, v3;
	v5 =	vld [tilespmem:s4+$0x50]  }
0x399: {  	[tilespmem:s4+$0xFFFFFFE0] =	vst v4;
	v4 =	vmul.f32 v9, v2;
	v7 =	vld [tilespmem:s4+$0x60]  }
0x39a: {  	[tilespmem:s4+$0xFFFFFFF0] =	vst v3;
	v3 =	vmul.f32 v10, v2;
	v9 =	vld [tilespmem:s4+$0x70]  }
0x39b: {  	v6 =	vld.idx.msk [tilespmem:v6+s22+$0x0], $0xffff;
	[tilespmem:s4+$0x0] =	vst v4;
	v2 =	vmul.f32 v11, v2  }
0x39c: {  	v8 =	vld.idx.msk [tilespmem:v8+s22+$0x0], $0xffff;
	[tilespmem:s4+$0x10] =	vst v3;
	v4 =	vmul.f32 v12, v1  }
0x39d: {  	v3 =	vld.idx.msk [tilespmem:v13+s22+$0x0], $0xffff;
	[tilespmem:s4+$0x20] =	vst v2;
	v5 =	vmul.f32 v5, v1  }
0x39e: {  	s4 =	sadd.s32 $0x100, s4;
	v2 =	vld.idx.msk [tilespmem:v14+s22+$0x0], $0xffff;
	[tilespmem:s8+$0x40] =	vst v4;
	v4 =	vmul.f32 v7, v1  }
0x39f: {  	v7 =	vld [tilespmem:s4+$0x30];
	[tilespmem:s8+$0x50] =	vst v5;
	v9 =	vmul.f32 v9, v1  }
0x3a0: {  	v5 =	vld [tilespmem:s4+$0xFFFFFF80];
	[tilespmem:s8+$0x60] =	vst v4  }
0x3a1: {  	v1 =	vmov v6;
	v4 =	vld [tilespmem:s4+$0xFFFFFF90];
	[tilespmem:s8+$0x70] =	vst v9;
	s8 =	smov.u32 s4  }
0x3a2: {  	v6 =	vld [tilespmem:s4+$0xFFFFFFA0]  }
0x3a3: {  	v9 =	vld [tilespmem:s4+$0xFFFFFFB0]  }
0x3a4: {  	v10 =	vld [tilespmem:s4+$0xFFFFFFC0];
	v7 =	vmul.f32 v7, v2  }
.Ltmp13:
0x3a5: {  	v11 =	vmul.f32 v5, v8;
	v5 =	vld [tilespmem:s4+$0xFFFFFFD0];
	(pc) =	sbr.rel @p0 .LBB2_24-.Ltmp13, $4  }
0x3a6: {  	v12 =	vmul.f32 v4, v8;
	v4 =	vld [tilespmem:s4+$0xFFFFFFE0];
	[tilespmem:s4+$0x30] =	vst v7  }
0x3a7: {  	s9 =	sadd.s32 $0x3, s12;
	v13 =	vmov s12;
	[tilespmem:s4+$0xFFFFFF80] =	vst v11;
	v14 =	vmul.f32 v6, v8;
	v7 =	vld [tilespmem:s4+$0xFFFFFFF0]  }
0x3a8: {  	s11 =	sadd.s32 $0x1, s12;
	v13 =	vand.u32 $0xFFFFFFFC, v13;
	v6 =	vmov s9;
	[tilespmem:s4+$0xFFFFFF90] =	vst v12;
	v11 =	vmul.f32 v9, v8;
	v9 =	vld [tilespmem:s4+$0x0]  }
0x3a9: {  	s9 =	sadd.s32 $0x2, s12;
	s12 =	sadd.s32 $0x4, s12;
	v8 =	vbroadcast v13, $0x0;
	v13 =	vmov s11;
	[tilespmem:s4+$0xFFFFFFA0] =	vst v14;
	v12 =	vmul.f32 v10, v3;
	v10 =	vld [tilespmem:s4+$0x10]  }
0x3aa: {  	v15 =	vld [tilespmem:s4+$0x20]  }
0x3ab: {  	v16 =	vld [tilespmem:s4+$0x40]  }
0x3ac: {  	v14 =	vmov s9;
	v17 =	vld [tilespmem:s4+$0x50]  }
0x3ad: {  	v18 =	vld [tilespmem:s4+$0x60];
	v5 =	vmul.f32 v5, v3;
	v14 =	vand.u32 $0xFFFFFFFE, v14  }
0x3ae: {  	[tilespmem:s4+$0xFFFFFFB0] =	vst v11;
	v53 =	vld [tilespmem:s4+$0x70];
	v4 =	vmul.f32 v4, v3;
	v14 =	vbroadcast v14, $0x0  }
0x3af: {  	v13 =	vand.u32 $0xFFFFFFFD, v13;
	v6 =	vld.idx.msk [tilespmem:v6+s22+$0x0], $0xffff;
	s11 =	sadd.s32 $0x100, s4;
	[tilespmem:s4+$0xFFFFFFD0] =	vst v5;
	v3 =	vmul.f32 v7, v3  }
0x3b0: {  	v13 =	vbroadcast v13, $0x0;
	v54 =	vld [tilespmem:s11+$0xFFFFFF80];
	[tilespmem:s4+$0xFFFFFFE0] =	vst v4;
	v4 =	vmul.f32 v9, v2  }
0x3b1: {  	v55 =	vld [tilespmem:s11+$0xFFFFFF90];
	[tilespmem:s4+$0xFFFFFFF0] =	vst v3;
	v3 =	vmul.f32 v10, v2  }
0x3b2: {  	v5 =	vld.idx.msk [tilespmem:v8+s22+$0x0], $0xffff;
	[tilespmem:s4+$0x0] =	vst v4;
	v2 =	vmul.f32 v15, v2  }
0x3b3: {  	v4 =	vld [tilespmem:s11+$0x30];
	[tilespmem:s4+$0x10] =	vst v3;
	v3 =	vmul.f32 v16, v1  }
0x3b4: {  	[tilespmem:s4+$0x20] =	vst v2;
	v2 =	vmul.f32 v17, v1;
	v8 =	vld.idx.msk [tilespmem:v14+s22+$0x0], $0xffff  }
0x3b5: {  	v56 =	vld [tilespmem:s11+$0xFFFFFFA0];
	[tilespmem:s8+$0x40] =	vst v3;
	v3 =	vmul.f32 v18, v1  }
0x3b6: {  	v7 =	vld.idx.msk [tilespmem:v13+s22+$0x0], $0xffff;
	v1 =	vmul.f32 v53, v1;
	[tilespmem:s8+$0x50] =	vst v2  }
0x3b7: {  	v2 =	vld [tilespmem:s11+$0xFFFFFFB0];
	[tilespmem:s8+$0x60] =	vst v3  }
0x3b8: {  	v3 =	vld [tilespmem:s11+$0xFFFFFFC0];
	[tilespmem:s8+$0x70] =	vst v1;
	v1 =	vmul.f32 v54, v5  }
0x3b9: {  	[tilespmem:s4+$0xFFFFFFC0] =	vst v12;
	v57 =	vld [tilespmem:s11+$0xFFFFFFD0];
	v4 =	vmul.f32 v4, v8  }
0x3ba: {  	v58 =	vld [tilespmem:s11+$0xFFFFFFE0];
	v10 =	vmul.f32 v55, v5;
	[tilespmem:s11+$0xFFFFFF80] =	vst v1  }
0x3bb: {  	v1 =	vmul.f32 v56, v5;
	[tilespmem:s11+$0x30] =	vst v4;
	v4 =	vld [tilespmem:s11+$0xFFFFFFF0]  }
0x3bc: {  	[tilespmem:s11+$0xFFFFFF90] =	vst v10;
	v2 =	vmul.f32 v2, v5;
	v5 =	vld [tilespmem:s11+$0x0]  }
0x3bd: {  	[tilespmem:s11+$0xFFFFFFA0] =	vst v1;
	v1 =	vmul.f32 v3, v7;
	v3 =	vld [tilespmem:s11+$0x10]  }
0x3be: {  	v59 =	vld [tilespmem:s11+$0x20];
	[tilespmem:s11+$0xFFFFFFB0] =	vst v2;
	v2 =	vmul.f32 v57, v7  }
0x3bf: {  	v60 =	vld [tilespmem:s11+$0x40];
	[tilespmem:s11+$0xFFFFFFC0] =	vst v1;
	v1 =	vmul.f32 v58, v7  }
0x3c0: {  	[tilespmem:s11+$0xFFFFFFD0] =	vst v2;
	v2 =	vmul.f32 v4, v7;
	v4 =	vld [tilespmem:s11+$0x50]  }
0x3c1: {  	[tilespmem:s11+$0xFFFFFFE0] =	vst v1;
	v1 =	vmul.f32 v5, v8;
	v5 =	vld [tilespmem:s11+$0x60]  }
0x3c2: {  	[tilespmem:s11+$0xFFFFFFF0] =	vst v2;
	v2 =	vmul.f32 v3, v8;
	v3 =	vld [tilespmem:s11+$0x70]  }
0x3c3: {  	[tilespmem:s11+$0x0] =	vst v1;
	v1 =	vmul.f32 v59, v8  }
0x3c4: {  	[tilespmem:s11+$0x10] =	vst v2;
	v2 =	vmul.f32 v60, v6  }
0x3c5: {  	[tilespmem:s11+$0x20] =	vst v1;
	v1 =	vmul.f32 v4, v6  }
0x3c6: {  	[tilespmem:s11+$0x40] =	vst v2;
	v2 =	vmul.f32 v5, v6  }
0x3c7: {  	[tilespmem:s11+$0x50] =	vst v1;
	v1 =	vmul.f32 v3, v6  }
0x3c8: {  	[tilespmem:s11+$0x60] =	vst v2  }
0x3c9: {  	[tilespmem:s11+$0x70] =	vst v1  }
0x3ca: {  	v1 =	vld [tilespmem:s2+$0x7620];
	_ =	sdelay $0x4  }
0x3cb: {  	[tilespmem:$0xA220] =	vst v1  }
0x3cc: {  	v1 =	vld [tilespmem:s2+$0x7630];
	_ =	sdelay $0x4  }
0x3cd: {  	[tilespmem:$0xA230] =	vst v1  }
0x3ce: {  	v1 =	vld [tilespmem:s2+$0x7640];
	_ =	sdelay $0x4  }
0x3cf: {  	[tilespmem:$0xA240] =	vst v1  }
0x3d0: {  	v1 =	vld [tilespmem:s2+$0x7650];
	_ =	sdelay $0x4  }
0x3d1: {  	[tilespmem:$0xA250] =	vst v1  }
0x3d2: {  	v1 =	vld [tilespmem:s2+$0x7660];
	_ =	sdelay $0x4  }
0x3d3: {  	[tilespmem:$0xA260] =	vst v1  }
0x3d4: {  	v1 =	vld [tilespmem:s2+$0x7670];
	_ =	sdelay $0x4  }
0x3d5: {  	[tilespmem:$0xA270] =	vst v1  }
0x3d6: {  	v1 =	vld [tilespmem:s2+$0x7680];
	_ =	sdelay $0x4  }
0x3d7: {  	[tilespmem:$0xA280] =	vst v1  }
0x3d8: {  	v1 =	vld [tilespmem:s2+$0x7690];
	_ =	sdelay $0x1  }
0x3d9: {  	s13 =	sld [smem:$0x7F8];
	_ =	sdelay $0x2  }
0x3da: {  	s12 =	simm.s32 $0xA220;
	p0 =	seq.s32 s13, $0x1;
	[tilespmem:$0xA290] =	vst v1  }
0x3db: {  	[spmem:s1] =	stream.indirect.scatter.add.f32 [tilespmem:s17], [sflag:$0x9], $0x40, s12, s29, $0xb8;
	[tilespmem:$0x1EAA0] =	vst v63  }
0x3dc: {  	s4 =	simm.s32 @p0 $0xA220;
	s8 =	simm.s32 @p0 $0xA4A0;
	s2 =	simm.s32 @p0 $0x80  }
0x3dd: {  	[spmem:s3] =	stream.indirect.scatter.add.f32 @p0 [tilespmem:s8], [sflag:$0xE], $0x1, s4, s2, $0xb8;
	[tilespmem:$0x1EAA0] =	vst v63  }
0x3de: {  	s2 =	simm.s32 $0xFFFFFFB4  }
0x3df: {  	s4 =	simm.s32 @!p1 $0x8;
	s2 =	simm.s32 @!p4 $0x4  }
0x3e0: {  	_ =	swait.ge @!p1 [sflag:s4], $0x2000;
	s2 =	sadd.s32 s2, s30  }
0x3e1: {  	[sflag:s4] =	ssyncset.done @!p1 $0x0;
	s8 =	sshll.u32 @!p1 s2, $0x9  }
0x3e2: {  	[sflag:s4] =	ssyncadd.s32 @!p1 $0xFFFFE000;
	s4 =	sshra.s32 @!p1 s8, $0x2  }
0x3e3: {  	v1 =	vld @!p1 [tilespmem:s4+$0x4FA0];
	_ =	sdelay $0x4  }
0x3e4: {  	[tilespmem:$0x9F20] =	vst @!p1 v1  }
0x3e5: {  	v1 =	vld @!p1 [tilespmem:s4+$0x4FB0];
	_ =	sdelay $0x4  }
0x3e6: {  	[tilespmem:$0x9F30] =	vst @!p1 v1  }
0x3e7: {  	v1 =	vld @!p1 [tilespmem:s4+$0x4FC0];
	_ =	sdelay $0x4  }
0x3e8: {  	[tilespmem:$0x9F40] =	vst @!p1 v1  }
0x3e9: {  	v1 =	vld @!p1 [tilespmem:s4+$0x4FD0];
	_ =	sdelay $0x4  }
0x3ea: {  	[tilespmem:$0x9F50] =	vst @!p1 v1  }
0x3eb: {  	v1 =	vld @!p1 [tilespmem:s4+$0x4FE0];
	_ =	sdelay $0x4  }
0x3ec: {  	[tilespmem:$0x9F60] =	vst @!p1 v1  }
0x3ed: {  	v1 =	vld @!p1 [tilespmem:s4+$0x4FF0];
	_ =	sdelay $0x4  }
0x3ee: {  	[tilespmem:$0x9F70] =	vst @!p1 v1  }
0x3ef: {  	v1 =	vld @!p1 [tilespmem:s4+$0x5000];
	_ =	sdelay $0x4  }
0x3f0: {  	[tilespmem:$0x9F80] =	vst @!p1 v1  }
0x3f1: {  	v1 =	vld @!p1 [tilespmem:s4+$0x5010];
	_ =	sdelay $0x4  }
0x3f2: {  	s9 =	simm.s32 @!p1 $0xE5A0;
	s8 =	simm.s32 @!p1 $0x9F20;
	s4 =	simm.s32 @!p1 $0x80;
	[tilespmem:$0x9F90] =	vst @!p1 v1  }
0x3f3: {  	[tilespmem:s9], [sflag:$0x3] =	stream.indirect.gather @!p1 [hbm4b:s14+s4], $0x40, s8, s4, $0xb8;
	[tilespmem:$0x1EAA0] =	vst v63  }
0x3f4: {  	s4 =	simm.s32 @p6 $0xF  }
0x3f5: {  	s2 =	sshll.u32 s2, $0x9;
	_ =	swait.ge @p6 [sflag:s4], $0x80  }
0x3f6: {  	s2 =	sshra.s32 s2, $0x2;
	[sflag:s4] =	ssyncset.done @p6 $0x0  }
0x3f7: {  	s15 =	sadd.s32 $0x4E30, s2;
	[sflag:s4] =	ssyncadd.s32 @p6 $0xFFFFFF80  }
0x3f8: {  	s16 =	sadd.s32 $0x7630, s2;
	v1 =	vld [tilespmem:s15+$0x0]  }
0x3f9: {  	v2 =	vld [tilespmem:s16+$0x0];
	_ =	sdelay $0x4  }
0x3fa: {  	v3 =	vld [tilespmem:s16+$0xFFFFFFF0]  }
0x3fb: {  	v4 =	vld [tilespmem:s15+$0xFFFFFFF0]  }
0x3fc: {  	v1 =	vld.idx.msk [tilespmem:v1+s5+$0x0], $0xffff  }
0x3fd: {  	v2 =	vld.idx.msk [tilespmem:v2+s10+$0x0], $0xffff  }
0x3fe: {  	s4 =	sadd.s32 $0x20, s15  }
0x3ff: {  	s8 =	sadd.s32 $0x20, s16;
	v5 =	vld [tilespmem:s4+$0x0]  }
0x400: {  	v6 =	vld [tilespmem:s8+$0x0];
	_ =	sdelay $0x1  }
0x401: {  	v1 =	vadd.f32 v2, v1;
	v2 =	vld.idx.msk [tilespmem:v3+s10+$0x0], $0xffff  }
0x402: {  	v3 =	vld [tilespmem:s8+$0xFFFFFFF0]  }
0x403: {  	v4 =	vld.idx.msk [tilespmem:v4+s5+$0x0], $0xffff  }
0x404: {  	v7 =	vmul.f32 $2.000000030e-01, v1  }
0x405: {  	v8 =	vld [tilespmem:s4+$0xFFFFFFF0];
	vm0 =	vgt.f32 v1, $0.0e+00  }
0x406: {  	v5 =	vld.idx.msk [tilespmem:v5+s5+$0x0], $0xffff;
	v1 =	vsel vm0, v1, v7  }
0x407: {  	s11 =	sadd.s32 $0x20, s4;
	v6 =	vld.idx.msk [tilespmem:v6+s10+$0x0], $0xffff;
	v1 =	vmul.f32 $1.442695020e+00, v1  }
0x408: {  	s13 =	sadd.s32 $0x20, s8;
	v7 =	vld [tilespmem:s11+$0x0];
	v2 =	vadd.f32 v2, v4  }
0x409: {  	(erf) = vpow2.f32 v1;
	v1 =	vld [tilespmem:s13+$0x0]  }
0x40a: {  	v62 =	vld.idx.msk [tilespmem:v3+s10+$0x0], $0xffff;
	v3 =	vmul.f32 $2.000000030e-01, v2  }
0x40b: {  	v61 =	vld [tilespmem:s13+$0xFFFFFFF0];
	vm14 =	vgt.f32 v2, $0.0e+00  }
0x40c: {  	v3 =	vsel vm14, v2, v3  }
0x40d: {  	v4 =	vadd.f32 v6, v5;
	v5 =	vmul.f32 $1.442695020e+00, v3  }
0x40e: {  	v8 =	vld.idx.msk [tilespmem:v8+s5+$0x0], $0xffff  }
0x40f: {  	v6 =	vmul.f32 $2.000000030e-01, v4;
	(erf) = vpow2.f32 v5  }
0x410: {  	s30 =	sadd.s32 $0xFFFFFFE0, s18;
	vm15 =	vgt.f32 v4, $0.0e+00;
	v2 =	vld [tilespmem:s11+$0xFFFFFFF0]  }
0x411: {  	s12 =	simm.s32 $0x0;
	s9 =	simm.s32 $0x40;
	s15 =	sadd.s32 $0x230, s30;
	v3 =	vld.idx.msk [tilespmem:v7+s5+$0x0], $0xffff;
	v5 =	vsel vm15, v4, v6  }
0x412: {  	s4 =	simm.s32 $0xA530;
	s16 =	sadd.s32 $0x220, s30;
	p6 =	slt.u32 s15, $0x4E200;
	v6 =	vmul.f32 $1.442695020e+00, v5;
	v4 =	vld.idx.msk [tilespmem:v1+s10+$0x0], $0xffff;
	v63 =	vpop (erf)  }
0x413: {  	p0 =	slt.u32 s16, $0x4E200;
	s15 =	sadd.s32 $0x20, s11;
	s8 =	simm.s32 $0x20;
	v7 =	vadd.f32 v62, v8;
	v1 =	vld.idx.msk [tilespmem:v61+s10+$0x0], $0xffff;
	v5 =	vpsel !p6, $0x0, v63  }
.LBB2_26:
0x414: {  	v8 =	vld [tilespmem:s15+$0x0];
	s13 =	sadd.s32 $0x20, s13;
	(erf) = vpow2.f32 v6;
	[tilespmem:s4+$0x0] =	vst v5;
	s11 =	smov.u32 s9  }
0x415: {  	s9 =	sadd.s32 $0x20, s9;
	v5 =	vld [tilespmem:s13+$0x0];
	vm0 =	vgt.f32 v7, $0.0e+00;
	v6 =	vmul.f32 $2.000000030e-01, v7  }
0x416: {  	p1 =	slt.u32 s9, $0x60;
	v9 =	vld [tilespmem:s13+$0xFFFFFFF0]  }
0x417: {  	v10 =	vld [tilespmem:s15+$0xFFFFFFF0];
	v6 =	vsel vm0, v7, v6  }
0x418: {  	v7 =	vld.idx.msk [tilespmem:v2+s5+$0x0], $0xffff;
	v2 =	vadd.f32 v4, v3;
	v3 =	vmul.f32 $1.442695020e+00, v6;
	v4 =	vpop (erf)  }
0x419: {  	v4 =	vpsel !p0, $0x0, v4  }
.Ltmp14:
0x41a: {  	v6 =	vmul.f32 $2.000000030e-01, v2;
	(erf) = vpow2.f32 v3;
	[tilespmem:s4+$0xFFFFFFF0] =	vst v4;
	(pc) =	sbr.rel @p1 .LBB2_26-.Ltmp14, $4  }
0x41b: {  	s16 =	sadd.s32 s12, s18;
	s12 =	smov.u32 s8;
	s8 =	smov.u32 s11;
	vm0 =	vgt.f32 v2, $0.0e+00  }
0x41c: {  	s11 =	sadd.s32 $0x220, s16;
	s16 =	sadd.s32 $0x230, s16;
	v3 =	vld.idx.msk [tilespmem:v8+s5+$0x0], $0xffff;
	v6 =	vsel vm0, v2, v6;
	v2 =	vmov v10  }
0x41d: {  	p2 =	slt.u32 s16, $0x4E200;
	p0 =	slt.u32 s11, $0x4E200;
	v4 =	vld.idx.msk [tilespmem:v5+s10+$0x0], $0xffff;
	v6 =	vmul.f32 $1.442695020e+00, v6;
	v5 =	vpop (erf)  }
0x41e: {  	s15 =	sadd.s32 $0x20, s15;
	s4 =	sadd.s32 $0x20, s4;
	v7 =	vadd.f32 v1, v7;
	v1 =	vld.idx.msk [tilespmem:v9+s10+$0x0], $0xffff;
	v5 =	vpsel !p2, $0x0, v5  }
0x41f: {  	_ =	sdelay $0x3  }
0x420: {  	v2 =	vld.idx.msk [tilespmem:v2+s5+$0x0], $0xffff;
	_ =	sdelay $0x3  }
0x421: {  	v3 =	vadd.f32 v4, v3  }
0x422: {  	v4 =	vmul.f32 $2.000000030e-01, v7;
	v1 =	vadd.f32 v1, v2  }
0x423: {  	vm0 =	vgt.f32 v7, $0.0e+00;
	v2 =	vmul.f32 $2.000000030e-01, v3  }
0x424: {  	v4 =	vsel vm0, v7, v4;
	vm14 =	vgt.f32 v3, $0.0e+00;
	v7 =	vmul.f32 $2.000000030e-01, v1  }
0x425: {  	v4 =	vmul.f32 $1.442695020e+00, v4;
	v2 =	vsel vm14, v3, v2;
	vm15 =	vgt.f32 v1, $0.0e+00  }
0x426: {  	(erf) = vpow2.f32 v6;
	v2 =	vmul.f32 $1.442695020e+00, v2;
	v1 =	vsel vm15, v1, v7  }
0x427: {  	(erf) = vpow2.f32 v4;
	v1 =	vmul.f32 $1.442695020e+00, v1  }
0x428: {  	(erf) = vpow2.f32 v2  }
0x429: {  	(erf) = vpow2.f32 v1;
	_ =	sdelay $0x3  }
0x42a: {  	s9 =	sadd.s32 s12, s18  }
0x42b: {  	s11 =	sadd.s32 $0x220, s9;
	s9 =	sadd.s32 $0x230, s9;
	v1 =	vpop (erf)  }
0x42c: {  	s8 =	sadd.s32 s8, s18;
	[tilespmem:s4+$0x0] =	vst v5;
	s18 =	sadd.s32 $0x20, s4;
	p2 =	slt.u32 s9, $0x4E200;
	v2 =	vpop (erf);
	v1 =	vpsel !p0, $0x0, v1  }
0x42d: {  	s30 =	sadd.s32 $0x220, s8;
	s8 =	sadd.s32 $0x230, s8;
	p1 =	slt.u32 s11, $0x4E200;
	[tilespmem:s4+$0xFFFFFFF0] =	vst v1;
	v1 =	vpsel !p2, $0x0, v2;
	v3 =	vpop (erf)  }
0x42e: {  	s13 =	simm.s32 $0x1;
	p6 =	slt.u32 s8, $0x4E200;
	s11 =	simm.s32 $0x0;
	[tilespmem:s18+$0x0] =	vst v1;
	v2 =	vpsel !p1, $0x0, v3;
	v4 =	vpop (erf)  }
0x42f: {  	s12 =	simm.s32 $0x3;
	v5 =	vmov s13;
	p4 =	slt.u32 s30, $0x4E200;
	s9 =	sadd.s32 $0x20, s18;
	[tilespmem:s18+$0xFFFFFFF0] =	vst v2;
	v1 =	vpsel !p6, $0x0, v4;
	v4 =	vmov s11;
	v3 =	vpop (erf)  }
0x430: {  	s15 =	simm.s32 $0x2;
	v2 =	vand.u32 $0xFFFFFFFC, v4;
	v4 =	vmov s12;
	[tilespmem:s9+$0x0] =	vst v1;
	v3 =	vpsel !p4, $0x0, v3  }
0x431: {  	v1 =	vand.u32 $0xFFFFFFFD, v5;
	v5 =	vmov s15;
	[tilespmem:s9+$0xFFFFFFF0] =	vst v3  }
0x432: {  	v2 =	vbroadcast v2, $0x0;
	v3 =	vbroadcast v1, $0x0;
	v1 =	vand.u32 $0xFFFFFFFE, v5;
	_ =	swait.ge [sflag:s23], $0x2000  }
0x433: {  	v5 =	vbroadcast v1, $0x0;
	[sflag:s23] =	ssyncset.done $0x0  }
0x434: {  	[sflag:s23] =	ssyncadd.s32 $0xFFFFE000  }
0x435: {  	s4 =	simm.s32 $0x12620;
	v1 =	vld.idx.msk [tilespmem:v4+s24+$0x0], $0xffff  }
0x436: {  	v4 =	vld [tilespmem:s4+$0x30]  }
0x437: {  	v6 =	vld [tilespmem:s4+$0xFFFFFF90]  }
0x438: {  	v8 =	vld.idx.msk [tilespmem:v2+s24+$0x0], $0xffff  }
0x439: {  	v2 =	vld.idx.msk [tilespmem:v5+s24+$0x0], $0xffff  }
0x43a: {  	v5 =	vld [tilespmem:s4+$0xFFFFFF80]  }
0x43b: {  	v7 =	vld [tilespmem:s4+$0xFFFFFFA0]  }
0x43c: {  	v9 =	vld [tilespmem:s4+$0xFFFFFFB0]  }
0x43d: {  	v10 =	vld [tilespmem:s4+$0xFFFFFFC0]  }
0x43e: {  	v3 =	vld.idx.msk [tilespmem:v3+s24+$0x0], $0xffff;
	v13 =	vmul.f32 v6, v8  }
0x43f: {  	v12 =	vmul.f32 v5, v8;
	v5 =	vld [tilespmem:s4+$0xFFFFFFD0]  }
0x440: {  	s16 =	simm.s32 $0x4;
	v11 =	vmul.f32 v4, v2;
	v4 =	vld [tilespmem:s4+$0xFFFFFFE0];
	[tilespmem:s4+$0xFFFFFF90] =	vst v13  }
0x441: {  	s18 =	simm.s32 $0x7;
	v6 =	vmov s16;
	[tilespmem:s4+$0xFFFFFF80] =	vst v12;
	v12 =	vmul.f32 v7, v8;
	v7 =	vld [tilespmem:s4+$0xFFFFFFF0]  }
0x442: {  	s30 =	simm.s32 $0x5;
	v14 =	vand.u32 $0xFFFFFFFC, v6;
	v6 =	vmov s18;
	[tilespmem:s4+$0x30] =	vst v11;
	v11 =	vmul.f32 v9, v8;
	v9 =	vld [tilespmem:s4+$0x0]  }
0x443: {  	s8 =	simm.s32 $0x12620;
	s12 =	simm.s32 $0x8;
	s9 =	simm.s32 $0x6;
	v13 =	vmov s30;
	v8 =	vbroadcast v14, $0x0;
	[tilespmem:s4+$0xFFFFFFA0] =	vst v12;
	v12 =	vmul.f32 v10, v3;
	v10 =	vld [tilespmem:s4+$0x10]  }
.LBB2_28:
0x444: {  	p0 =	slt.u32 s12, $0x7C;
	v13 =	vand.u32 $0xFFFFFFFD, v13;
	v14 =	vmov s9;
	[tilespmem:s4+$0xFFFFFFB0] =	vst v11;
	v5 =	vmul.f32 v5, v3;
	v11 =	vld [tilespmem:s4+$0x20]  }
0x445: {  	v13 =	vbroadcast v13, $0x0;
	v14 =	vand.u32 $0xFFFFFFFE, v14;
	[tilespmem:s4+$0xFFFFFFC0] =	vst v12;
	v4 =	vmul.f32 v4, v3;
	v12 =	vld [tilespmem:s4+$0x40]  }
0x446: {  	v14 =	vbroadcast v14, $0x0;
	[tilespmem:s4+$0xFFFFFFD0] =	vst v5;
	v3 =	vmul.f32 v7, v3;
	v5 =	vld [tilespmem:s4+$0x50]  }
0x447: {  	[tilespmem:s4+$0xFFFFFFE0] =	vst v4;
	v4 =	vmul.f32 v9, v2;
	v7 =	vld [tilespmem:s4+$0x60]  }
0x448: {  	[tilespmem:s4+$0xFFFFFFF0] =	vst v3;
	v3 =	vmul.f32 v10, v2;
	v9 =	vld [tilespmem:s4+$0x70]  }
0x449: {  	v6 =	vld.idx.msk [tilespmem:v6+s24+$0x0], $0xffff;
	[tilespmem:s4+$0x0] =	vst v4;
	v2 =	vmul.f32 v11, v2  }
0x44a: {  	v8 =	vld.idx.msk [tilespmem:v8+s24+$0x0], $0xffff;
	[tilespmem:s4+$0x10] =	vst v3;
	v4 =	vmul.f32 v12, v1  }
0x44b: {  	v3 =	vld.idx.msk [tilespmem:v13+s24+$0x0], $0xffff;
	[tilespmem:s4+$0x20] =	vst v2;
	v5 =	vmul.f32 v5, v1  }
0x44c: {  	s4 =	sadd.s32 $0x100, s4;
	v2 =	vld.idx.msk [tilespmem:v14+s24+$0x0], $0xffff;
	[tilespmem:s8+$0x40] =	vst v4;
	v4 =	vmul.f32 v7, v1  }
0x44d: {  	v7 =	vld [tilespmem:s4+$0x30];
	[tilespmem:s8+$0x50] =	vst v5;
	v9 =	vmul.f32 v9, v1  }
0x44e: {  	v5 =	vld [tilespmem:s4+$0xFFFFFF80];
	[tilespmem:s8+$0x60] =	vst v4  }
0x44f: {  	v1 =	vmov v6;
	v4 =	vld [tilespmem:s4+$0xFFFFFF90];
	[tilespmem:s8+$0x70] =	vst v9;
	s8 =	smov.u32 s4  }
0x450: {  	v6 =	vld [tilespmem:s4+$0xFFFFFFA0]  }
0x451: {  	v9 =	vld [tilespmem:s4+$0xFFFFFFB0]  }
0x452: {  	v10 =	vld [tilespmem:s4+$0xFFFFFFC0];
	v7 =	vmul.f32 v7, v2  }
.Ltmp15:
0x453: {  	v11 =	vmul.f32 v5, v8;
	v5 =	vld [tilespmem:s4+$0xFFFFFFD0];
	(pc) =	sbr.rel @p0 .LBB2_28-.Ltmp15, $4  }
0x454: {  	v12 =	vmul.f32 v4, v8;
	v4 =	vld [tilespmem:s4+$0xFFFFFFE0];
	[tilespmem:s4+$0x30] =	vst v7  }
0x455: {  	s9 =	sadd.s32 $0x3, s12;
	v13 =	vmov s12;
	[tilespmem:s4+$0xFFFFFF80] =	vst v11;
	v14 =	vmul.f32 v6, v8;
	v7 =	vld [tilespmem:s4+$0xFFFFFFF0]  }
0x456: {  	s11 =	sadd.s32 $0x1, s12;
	v13 =	vand.u32 $0xFFFFFFFC, v13;
	v6 =	vmov s9;
	[tilespmem:s4+$0xFFFFFF90] =	vst v12;
	v11 =	vmul.f32 v9, v8;
	v9 =	vld [tilespmem:s4+$0x0]  }
0x457: {  	s9 =	sadd.s32 $0x2, s12;
	s12 =	sadd.s32 $0x4, s12;
	v8 =	vbroadcast v13, $0x0;
	v13 =	vmov s11;
	[tilespmem:s4+$0xFFFFFFA0] =	vst v14;
	v12 =	vmul.f32 v10, v3;
	v10 =	vld [tilespmem:s4+$0x10]  }
0x458: {  	v15 =	vld [tilespmem:s4+$0x20]  }
0x459: {  	v16 =	vld [tilespmem:s4+$0x40]  }
0x45a: {  	v17 =	vld [tilespmem:s4+$0x50]  }
0x45b: {  	v13 =	vand.u32 $0xFFFFFFFD, v13;
	v18 =	vld [tilespmem:s4+$0x60]  }
0x45c: {  	v14 =	vmov s9;
	[tilespmem:s4+$0xFFFFFFB0] =	vst v11;
	v5 =	vmul.f32 v5, v3;
	v47 =	vld [tilespmem:s4+$0x70];
	v13 =	vbroadcast v13, $0x0  }
0x45d: {  	v6 =	vld.idx.msk [tilespmem:v6+s24+$0x0], $0xffff;
	v14 =	vand.u32 $0xFFFFFFFE, v14;
	[tilespmem:s4+$0xFFFFFFC0] =	vst v12;
	v4 =	vmul.f32 v4, v3;
	v3 =	vmul.f32 v7, v3  }
0x45e: {  	s16 =	sadd.s32 $0x100, s4;
	v48 =	vld.idx.msk [tilespmem:v8+s24+$0x0], $0xffff;
	v14 =	vbroadcast v14, $0x0;
	[tilespmem:s4+$0xFFFFFFD0] =	vst v5  }
0x45f: {  	v52 =	vld [tilespmem:s16+$0x30];
	[tilespmem:s4+$0xFFFFFFF0] =	vst v3;
	v3 =	vmul.f32 v10, v2  }
0x460: {  	v53 =	vld [tilespmem:s16+$0xFFFFFF80];
	[tilespmem:s4+$0xFFFFFFE0] =	vst v4;
	v49 =	vmul.f32 v9, v2;
	v2 =	vmul.f32 v15, v2  }
0x461: {  	v54 =	vld [tilespmem:s16+$0xFFFFFF90];
	[tilespmem:s4+$0x10] =	vst v3;
	v3 =	vmul.f32 v16, v1  }
0x462: {  	v55 =	vld [tilespmem:s16+$0xFFFFFFA0];
	[tilespmem:s4+$0x20] =	vst v2;
	v2 =	vmul.f32 v17, v1  }
0x463: {  	v50 =	vld.idx.msk [tilespmem:v13+s24+$0x0], $0xffff;
	[tilespmem:s8+$0x40] =	vst v3;
	v3 =	vmul.f32 v18, v1  }
0x464: {  	v51 =	vld.idx.msk [tilespmem:v14+s24+$0x0], $0xffff;
	v1 =	vmul.f32 v47, v1;
	[tilespmem:s8+$0x50] =	vst v2  }
0x465: {  	v2 =	vld [tilespmem:s16+$0xFFFFFFB0];
	[tilespmem:s8+$0x60] =	vst v3  }
0x466: {  	v3 =	vld [tilespmem:s16+$0xFFFFFFC0];
	[tilespmem:s8+$0x70] =	vst v1;
	v1 =	vmul.f32 v53, v48  }
0x467: {  	v56 =	vld [tilespmem:s16+$0xFFFFFFD0];
	[tilespmem:s4+$0x0] =	vst v49;
	v10 =	vmul.f32 v54, v48  }
0x468: {  	v57 =	vld [tilespmem:s16+$0xFFFFFFE0];
	[tilespmem:s16+$0xFFFFFF80] =	vst v1;
	v1 =	vmul.f32 v55, v48  }
0x469: {  	v58 =	vld [tilespmem:s16+$0xFFFFFFF0];
	[tilespmem:s16+$0xFFFFFF90] =	vst v10;
	v4 =	vmul.f32 v52, v51  }
0x46a: {  	v59 =	vld [tilespmem:s16+$0x0];
	v2 =	vmul.f32 v2, v48;
	[tilespmem:s16+$0xFFFFFFA0] =	vst v1  }
0x46b: {  	[tilespmem:s16+$0x30] =	vst v4;
	v1 =	vmul.f32 v3, v50;
	v3 =	vld [tilespmem:s16+$0x10]  }
0x46c: {  	v60 =	vld [tilespmem:s16+$0x20];
	[tilespmem:s16+$0xFFFFFFB0] =	vst v2;
	v2 =	vmul.f32 v56, v50  }
0x46d: {  	v61 =	vld [tilespmem:s16+$0x40];
	[tilespmem:s16+$0xFFFFFFC0] =	vst v1;
	v1 =	vmul.f32 v57, v50  }
0x46e: {  	v62 =	vld [tilespmem:s16+$0x50];
	[tilespmem:s16+$0xFFFFFFD0] =	vst v2;
	v2 =	vmul.f32 v58, v50  }
0x46f: {  	v63 =	vld [tilespmem:s16+$0x60];
	[tilespmem:s16+$0xFFFFFFE0] =	vst v1;
	v1 =	vmul.f32 v59, v51  }
0x470: {  	[tilespmem:s16+$0xFFFFFFF0] =	vst v2;
	v2 =	vmul.f32 v3, v51;
	v3 =	vld [tilespmem:s16+$0x70]  }
0x471: {  	[tilespmem:s16+$0x0] =	vst v1;
	v1 =	vmul.f32 v60, v51  }
0x472: {  	[tilespmem:s16+$0x10] =	vst v2;
	v2 =	vmul.f32 v61, v6  }
0x473: {  	[tilespmem:s16+$0x20] =	vst v1;
	v1 =	vmul.f32 v62, v6  }
0x474: {  	[tilespmem:s16+$0x40] =	vst v2;
	v2 =	vmul.f32 v63, v6  }
0x475: {  	[tilespmem:s16+$0x50] =	vst v1;
	v1 =	vmul.f32 v3, v6  }
0x476: {  	[tilespmem:s16+$0x60] =	vst v2  }
0x477: {  	[tilespmem:s16+$0x70] =	vst v1  }
0x478: {  	v1 =	vld [tilespmem:s2+$0x7620];
	_ =	sdelay $0x4  }
0x479: {  	[tilespmem:$0xA2A0] =	vst v1  }
0x47a: {  	v1 =	vld [tilespmem:s2+$0x7630];
	_ =	sdelay $0x4  }
0x47b: {  	[tilespmem:$0xA2B0] =	vst v1  }
0x47c: {  	v1 =	vld [tilespmem:s2+$0x7640];
	_ =	sdelay $0x4  }
0x47d: {  	[tilespmem:$0xA2C0] =	vst v1  }
0x47e: {  	v1 =	vld [tilespmem:s2+$0x7650];
	_ =	sdelay $0x4  }
0x47f: {  	[tilespmem:$0xA2D0] =	vst v1  }
0x480: {  	v1 =	vld [tilespmem:s2+$0x7660];
	_ =	sdelay $0x4  }
0x481: {  	[tilespmem:$0xA2E0] =	vst v1  }
0x482: {  	v1 =	vld [tilespmem:s2+$0x7670];
	_ =	sdelay $0x4  }
0x483: {  	[tilespmem:$0xA2F0] =	vst v1  }
0x484: {  	v1 =	vld [tilespmem:s2+$0x7680];
	_ =	sdelay $0x4  }
0x485: {  	[tilespmem:$0xA300] =	vst v1  }
0x486: {  	v1 =	vld [tilespmem:s2+$0x7690];
	_ =	sdelay $0x4  }
0x487: {  	s18 =	simm.s32 $0x125A0;
	s30 =	simm.s32 $0xA2A0;
	p0 =	sne.s32 s31, $0x20;
	[tilespmem:$0xA310] =	vst v1  }
0x488: {  	[spmem:s1] =	stream.indirect.scatter.add.f32 [tilespmem:s18], [sflag:$0xA], $0x40, s30, s29, $0xb8;
	[tilespmem:$0x1EAA0] =	vst v63  }
.Ltmp16:
0x489: {  	_ = 	snop;
	(pc) =	sbr.rel @p0 .LBB2_4-.Ltmp16, $4  }
.Ltmp17:
0x48a: {  	_ = 	snop;
	(pc) =	sbr.rel @!p0 .LBB2_30-.Ltmp17, $4  }
0x48b: {  	s4 =	simm.s32 @!p5 $0xA2A0;
	s8 =	simm.s32 @!p5 $0xA520;
	s2 =	simm.s32 @!p5 $0x80  }
0x48c: {  	[spmem:s3] =	stream.indirect.scatter.add.f32 @!p5 [tilespmem:s8], [sflag:$0xF], $0x1, s4, s2, $0xb8;
	[tilespmem:$0x1EAA0] =	vst v63  }
0x48d: {  	s4 =	smov.u32 s31  }
0x48e: {  	_ = 	snop  }
.LBB2_8:
.Ltmp18:
0x48f: {  	(pc) =	sbr.rel .LBB2_9-.Ltmp18, $2  }
0x490: {  	_ =	sdelay $0x2  }
0x491: {  	s30 =	simm.s32 $0x0;
	p6 =	por $0x0, $0x0  }
.LBB2_31:
0x492: {  	_ =	sfence.sel $0x180000  }
0x493: {  	[bflag:$0x0] =	sbarrier.arrive $0xFFFF  }
0x494: {  	_ =	strace $0x90000047  }
0x495: {  	s0 =	stileid.u32;
	[bflag:$0x2] =	sbarrier.arrive $0xFFFF  }
0x496: {  	p0 =	sne.s32 s0, $0x0;
	s0 =	rddreg [dreg:$0x4]  }
0x497: {  	s0 =	sadd.s32 @!p0 $0x100000, s0  }
0x498: {  	[sflag:s0] =	ssyncadd.tile.s32 @!p0 $0x1;
	_ =	shalt  }
.Lfunc_end2:
_tile_overlayer_lowered:
.L_overlay_start_2:
0x499: {  	(tag) =	ssettag $0x2  }
0x49a: {  	s0 =	rddreg [dreg:$0x0];
	s2 =	stileid.u32  }
0x49b: {  	s1 =	rddreg [dreg:$0x1];
	p0 =	sne.s32 s2, $0x0  }
0x49c: {  	s3 =	rddreg [dreg:$0x2];
	[bflag:$0x3] =	sbarrier.arrive $0xFFFF;
	s2 =	simm.s32 @!p0 $0x1C10  }
0x49d: {  	[timem:s3], [sflag:s2] =	dma.local @!p0 [hbm:s0], s1  }
0x49e: {  	s0 =	simm.s32 @!p0 $0x10  }
0x49f: {  	_ =	swait.ge @!p0 [sflag:s0], s1  }
0x4a0: {  	s1 =	ssub.s32 @!p0 $0x0, s1;
	[sflag:s0] =	ssyncset.done @!p0 $0x0  }
0x4a1: {  	[sflag:s0] =	ssyncadd.s32 @!p0 s1  }
0x4a2: {  	[bflag:$0x3] =	sbarrier.arrive $0xFFFF  }
0x4a3: {  	_ =	shalt  }

</sc_bundles>
